<compile_context>
chip_gen: v7x
topology: tpu7x:2x2x1
jax: 0.10.2.dev20260603
libtpu: 0.0.44.dev20260713+nightly
codegen_flags: <defaults>
</compile_context>

<pallas_src>
import jax
import jax.numpy as jnp
from jax import lax
from jax.experimental import pallas as pl
from jax.experimental.pallas import tpu as pltpu
from jax.experimental.pallas import tpu_sc as plsc

N_NODES = 10000
N_EDGES = 320000
D = 128

NC = 2
NS = 16
NW = NC * NS
EPW = N_EDGES // NW
CHUNK = 128
NCHUNK = EPW // CHUNK
TAIL = EPW - NCHUNK * CHUNK
N_PAD = 10240
ROWS_PT = N_PAD // NS
ZROWS = CHUNK
CNT_PAD = N_PAD
CNT_PT = CNT_PAD // NS


def _make_sc_agg(with_cnt: bool):
  mesh = plsc.VectorSubcoreMesh(
      core_axis_name="c", subcore_axis_name="s", num_cores=NC, num_subcores=NS)
  out_type = [jax.ShapeDtypeStruct((NC, N_PAD, D), jnp.float32)]
  scratch = [
      pltpu.VMEM((NCHUNK * CHUNK,), jnp.int32),
      pltpu.VMEM((3, CHUNK), jnp.int32),
      pltpu.VMEM((2, CHUNK, D), jnp.float32),
      pltpu.VMEM((TAIL,), jnp.int32),
      pltpu.VMEM((TAIL,), jnp.int32),
      pltpu.VMEM((TAIL, D), jnp.float32),
      pltpu.VMEM_SHARED((N_PAD, D), jnp.float32),
      pltpu.SemaphoreType.DMA,
      pltpu.SemaphoreType.DMA,
      pltpu.SemaphoreType.DMA,
      pltpu.SemaphoreType.DMA,
      pltpu.SemaphoreType.DMA,
      pltpu.SemaphoreType.DMA,
      pltpu.SemaphoreType.DMA,
      pltpu.SemaphoreType.DMA,
  ]
  if with_cnt:
    out_type.append(jax.ShapeDtypeStruct((NC * CNT_PAD,), jnp.float32))
    scratch += [
        pltpu.VMEM((CHUNK,), jnp.float32),
        pltpu.VMEM((TAIL,), jnp.float32),
        pltpu.VMEM((CNT_PT,), jnp.float32),
        pltpu.VMEM_SHARED((CNT_PAD,), jnp.float32),
        pltpu.SemaphoreType.DMA,
        pltpu.SemaphoreType.DMA,
    ]

  def body(x_hbm, ei_hbm, sum_hbm, *rest):
    src_hbm = ei_hbm.at[0, 0]
    dst_hbm = ei_hbm.at[1, 0]
    if with_cnt:
      (cnt_hbm, src_all, dstb, rows_v, srct, dstt, rowst, acc_s,
       isem, gsem0, gsem1, ssem0, ssem1, dsem0, dsem1, dsem2,
       ones_v, onest, zcnt_v, cnt_s, csem0, csem1) = rest
    else:
      (src_all, dstb, rows_v, srct, dstt, rowst, acc_s,
       isem, gsem0, gsem1, ssem0, ssem1, dsem0, dsem1, dsem2) = rest
    gsem = (gsem0, gsem1)
    ssem = (ssem0, ssem1)
    dsem = (dsem0, dsem1, dsem2)
    if with_cnt:
      csem = (csem0, csem1)
    zbuf_v = rows_v.at[0]
    cid = lax.axis_index("c")
    sid = lax.axis_index("s")
    wid = sid * NC + cid
    e0 = wid * EPW

    def pf_dst(i, j):
      pltpu.async_copy(dst_hbm.at[pl.ds(e0 + i * CHUNK, CHUNK)],
                       dstb.at[j], dsem[j])

    def wait_dst(i, j):
      pltpu.make_async_copy(dst_hbm.at[pl.ds(e0 + i * CHUNK, CHUNK)],
                            dstb.at[j], dsem[j]).wait()

    def issue_gather(i, b):
      pltpu.async_copy(
          x_hbm.at[src_all.at[pl.ds(i * CHUNK, CHUNK)]], rows_v.at[b], gsem[b])

    def wait_gather(i, b):
      pltpu.make_async_copy(
          x_hbm.at[src_all.at[pl.ds(i * CHUNK, CHUNK)]], rows_v.at[b],
          gsem[b]).wait()

    def issue_scatter(b, j):
      pltpu.async_copy(rows_v.at[b], acc_s.at[dstb.at[j]], ssem[b], add=True)
      if with_cnt:
        pltpu.async_copy(ones_v, cnt_s.at[dstb.at[j]], csem[b], add=True)

    def wait_scatter(b, j):
      pltpu.make_async_copy(rows_v.at[b], acc_s.at[dstb.at[j]], ssem[b]).wait()
      if with_cnt:
        pltpu.make_async_copy(ones_v, cnt_s.at[dstb.at[j]], csem[b]).wait()

    bulk = pltpu.async_copy(
        src_hbm.at[pl.ds(e0, NCHUNK * CHUNK)], src_all, isem)
    pf_dst(0, 0)
    pf_dst(1, 1)

    def zrow(i, _):
      for j in range(D // 16):
        zbuf_v[i, pl.ds(j * 16, 16)] = jnp.zeros((16,), jnp.float32)
      return 0
    lax.fori_loop(0, ZROWS, zrow, 0)

    def zacc(k, _):
      pltpu.sync_copy(zbuf_v, acc_s.at[pl.ds(sid * ROWS_PT + k * ZROWS, ZROWS)])
      return 0
    lax.fori_loop(0, ROWS_PT // ZROWS, zacc, 0)

    if with_cnt:
      def zone(i, _):
        ones_v[pl.ds(i * 16, 16)] = jnp.ones((16,), jnp.float32)
        return 0
      lax.fori_loop(0, CHUNK // 16, zone, 0)
      onest[pl.ds(0, 16)] = jnp.ones((16,), jnp.float32)

      def zcnt(i, _):
        zcnt_v[pl.ds(i * 16, 16)] = jnp.zeros((16,), jnp.float32)
        return 0
      lax.fori_loop(0, CNT_PT // 16, zcnt, 0)
      pltpu.sync_copy(zcnt_v, cnt_s.at[pl.ds(sid * CNT_PT, CNT_PT)])

    bulk.wait()
    plsc.subcore_barrier()

    issue_gather(0, 0)
    pf_dst(2, 2)
    issue_gather(1, 1)
    wait_gather(0, 0)
    wait_dst(0, 0)
    issue_scatter(0, 0)

    def sub_iter(i, b, j, jp, jm, prefetch):
      wait_scatter(b, jp)
      issue_gather(i, b)
      if prefetch:
        pf_dst(i + 1, jp)
      wait_gather(i - 1, 1 - b)
      wait_dst(i - 1, jm)
      issue_scatter(1 - b, jm)

    def steady(g, _):
      for u in range(6):
        i = 2 + 6 * g + u
        b = u % 2
        j = (2 + u) % 3
        sub_iter(i, b, j, (j + 1) % 3, (j + 2) % 3, True)
      return 0
    lax.fori_loop(0, 12, steady, 0)

    for i in range(74, NCHUNK):
      b = i % 2
      j = i % 3
      sub_iter(i, b, j, (j + 1) % 3, (j + 2) % 3, i + 1 < NCHUNK)

    i = NCHUNK
    b, jm = i % 2, (i - 1) % 3
    wait_scatter(b, (i % 3 + 1) % 3)
    wait_gather(i - 1, 1 - b)
    wait_dst(i - 1, jm)
    issue_scatter(1 - b, jm)

    pltpu.sync_copy(src_hbm.at[pl.ds(e0 + NCHUNK * CHUNK, TAIL)], srct)
    pltpu.sync_copy(dst_hbm.at[pl.ds(e0 + NCHUNK * CHUNK, TAIL)], dstt)
    pltpu.async_copy(x_hbm.at[srct], rowst, gsem[b]).wait()
    pltpu.sync_copy(rowst, acc_s.at[dstt], add=True)
    if with_cnt:
      pltpu.sync_copy(onest, cnt_s.at[dstt], add=True)
    wait_scatter(1 - b, jm)

    plsc.subcore_barrier()

    r0 = sid * ROWS_PT
    pltpu.sync_copy(acc_s.at[pl.ds(r0, ROWS_PT)],
                    sum_hbm.at[cid, pl.ds(r0, ROWS_PT)])
    if with_cnt:
      pltpu.sync_copy(
          cnt_s.at[pl.ds(sid * CNT_PT, CNT_PT)],
          cnt_hbm.at[pl.ds(cid * CNT_PAD + sid * CNT_PT, CNT_PT)])

  return pl.kernel(body, out_type=out_type, mesh=mesh, scratch_types=scratch)


_sc_agg_cnt = _make_sc_agg(True)
_sc_agg = _make_sc_agg(False)

BT = 1000


def _make_tc_dense(relu: bool):
  def body(sum_ref, cnt_ref, x_ref, wl_ref, bl_ref, wr_ref, o_ref):
    s = sum_ref[0] + sum_ref[1]
    c = cnt_ref[0] + cnt_ref[1]
    agg = s / jnp.maximum(c, 1.0)
    out = jnp.dot(agg, wl_ref[...], preferred_element_type=jnp.float32)
    out += bl_ref[...]
    out += jnp.dot(x_ref[...], wr_ref[...], preferred_element_type=jnp.float32)
    nrm = jnp.sqrt(jnp.sum(out * out, axis=1, keepdims=True))
    out = out / jnp.maximum(nrm, 1e-12)
    if relu:
      out = jnp.maximum(out, 0.0)
    o_ref[...] = out

  grid = N_NODES // BT
  return pl.pallas_call(
      body,
      grid=(grid,),
      in_specs=[
          pl.BlockSpec((NC, BT, D), lambda i: (0, i, 0)),
          pl.BlockSpec((NC, BT, 1), lambda i: (0, i, 0)),
          pl.BlockSpec((BT, D), lambda i: (i, 0)),
          pl.BlockSpec((D, D), lambda i: (0, 0)),
          pl.BlockSpec((1, D), lambda i: (0, 0)),
          pl.BlockSpec((D, D), lambda i: (0, 0)),
      ],
      out_specs=pl.BlockSpec((BT, D), lambda i: (i, 0)),
      out_shape=jax.ShapeDtypeStruct((N_NODES, D), jnp.float32),
  )


_tc_dense_relu = _make_tc_dense(True)
_tc_dense = _make_tc_dense(False)


def kernel(x, edge_index, edge_attr, W1l, b1, W1r, W2l, b2, W2r):
  del edge_attr
  ei = edge_index.astype(jnp.int32).reshape(2, 1, N_EDGES)

  psum1, pcnt = _sc_agg_cnt(x, ei)
  cnt = pcnt.reshape(NC, CNT_PAD, 1)
  h1 = _tc_dense_relu(psum1, cnt, x, W1l, b1.reshape(1, D), W1r)
  (psum2,) = _sc_agg(h1, ei)
  h2 = _tc_dense(psum2, cnt, h1, W2l, b2.reshape(1, D), W2r)
  return h2

# --- scband reference (transcript-rebuilt; emitter-appended) ---
"""Pipeline reference for scband-graph-sage-encoder-15985868275834 (READ-ONLY COPY).

The authoritative reference and input builder live on the scoring server;
editing this copy changes nothing except your own understanding.
"""

import jax, jax.numpy as jnp
import numpy as np

N_NODES = 10000
N_EDGES = 320000
D_IN = 128
D_HID = 128


def setup_inputs(seed: int = 0) -> dict:
    key = jax.random.key(seed)
    ks = jax.random.split(key, 10)
    x = jax.random.normal(ks[0], (N_NODES, D_IN), dtype=jnp.float32)
    edge_index = jax.random.randint(ks[1], (2, N_EDGES), 0, N_NODES, dtype=jnp.int64)
    edge_attr = jax.random.uniform(ks[2], (N_EDGES, 1), dtype=jnp.float32)
    # SAGEConv params: lin_l (applied to mean-aggregated neighbors, with bias),
    # lin_r (applied to root features, no bias). Two layers.
    s1 = 1.0 / np.sqrt(D_IN)
    s2 = 1.0 / np.sqrt(D_HID)
    W1l = jax.random.uniform(ks[3], (D_IN, D_HID), jnp.float32, -s1, s1)
    b1 = jax.random.uniform(ks[4], (D_HID,), jnp.float32, -s1, s1)
    W1r = jax.random.uniform(ks[5], (D_IN, D_HID), jnp.float32, -s1, s1)
    W2l = jax.random.uniform(ks[6], (D_HID, D_HID), jnp.float32, -s2, s2)
    b2 = jax.random.uniform(ks[7], (D_HID,), jnp.float32, -s2, s2)
    W2r = jax.random.uniform(ks[8], (D_HID, D_HID), jnp.float32, -s2, s2)
    return {"x": x, "edge_index": edge_index, "edge_attr": edge_attr,
            "W1l": W1l, "b1": b1, "W1r": W1r, "W2l": W2l, "b2": b2, "W2r": W2r}


def _sage_conv(x, src, dst, Wl, bl, Wr, n_nodes):
    # mean aggregation of source messages at destination nodes
    msgs = jnp.take(x, src, axis=0)
    summed = jax.ops.segment_sum(msgs, dst, num_segments=n_nodes)
    cnt = jax.ops.segment_sum(jnp.ones((src.shape[0], 1), x.dtype), dst, num_segments=n_nodes)
    agg = summed / jnp.maximum(cnt, 1.0)
    out = agg @ Wl + bl + x @ Wr
    # normalize=True -> L2 normalize (F.normalize, eps=1e-12)
    norm = jnp.linalg.norm(out, axis=-1, keepdims=True)
    return out / jnp.maximum(norm, 1e-12)


def reference(x, edge_index, edge_attr, W1l, b1, W1r, W2l, b2, W2r):
    # edge_attr is accepted by forward but not passed into SAGEConv -> unused
    src = edge_index[0]
    dst = edge_index[1]
    h = _sage_conv(x, src, dst, W1l, b1, W1r, N_NODES)
    h = jax.nn.relu(h)  # relu between layers; dropout=0.0
    h = _sage_conv(h, src, dst, W2l, b2, W2r, N_NODES)
    return h

if __name__ == "__main__":
    import jax
    _d = setup_inputs()
    print(jax.jit(kernel)(*tuple(_d.values())))

</pallas_src>

<mosaic_0001>
#map = affine_map<(d0, d1) -> (0, 0)>
#map1 = affine_map<(d0, d1) -> (0, 0, 0)>
module attributes {stable_mosaic.version = 14 : i64} {
  func.func @body(%arg0: i32, %arg1: i32, %arg2: memref<10000x128xf32, #tpu.memory_space<hbm>>, %arg3: memref<2x1x320000xi32, #tpu.memory_space<hbm>>, %arg4: memref<2x10240x128xf32, #tpu.memory_space<hbm>>, %arg5: memref<9984xi32, #tpu.memory_space<vmem>>, %arg6: memref<3x128xi32, #tpu.memory_space<vmem>>, %arg7: memref<2x128x128xf32, #tpu.memory_space<vmem>>, %arg8: memref<16xi32, #tpu.memory_space<vmem>>, %arg9: memref<16xi32, #tpu.memory_space<vmem>>, %arg10: memref<16x128xf32, #tpu.memory_space<vmem>>, %arg11: memref<10240x128xf32, #tpu.memory_space<vmem_shared>>, %arg12: memref<!tpu.dma_semaphore, #tpu.memory_space<semaphore_mem>>, %arg13: memref<!tpu.dma_semaphore, #tpu.memory_space<semaphore_mem>>, %arg14: memref<!tpu.dma_semaphore, #tpu.memory_space<semaphore_mem>>, %arg15: memref<!tpu.dma_semaphore, #tpu.memory_space<semaphore_mem>>, %arg16: memref<!tpu.dma_semaphore, #tpu.memory_space<semaphore_mem>>, %arg17: memref<!tpu.dma_semaphore, #tpu.memory_space<semaphore_mem>>, %arg18: memref<!tpu.dma_semaphore, #tpu.memory_space<semaphore_mem>>, %arg19: memref<!tpu.dma_semaphore, #tpu.memory_space<semaphore_mem>>) attributes {dimension_semantics = [#tpu.dimension_semantics<core_parallel>, #tpu.dimension_semantics<subcore_parallel>], iteration_bounds = array<i64: 2, 16>, scalar_prefetch = 0 : i64, scratch_operands = 15 : i64, tpu.core_type = #tpu.core_type<sc_vector_subcore>, window_params = [{transform_indices = #map}, {transform_indices = #map1}, {transform_indices = #map1}]} {
    %mul3A = arith.constant 2 : i32
    %mul3A_0 = arith.muli %arg1, %mul3A : i32
    %add3A = arith.addi %mul3A_0, %arg0 : i32
    %mul3A_1 = arith.constant 10000 : i32
    %mul3A_2 = arith.muli %add3A, %mul3A_1 : i32
    %dma_start3A = arith.constant 0 : i32
    %dma_start3A_3 = arith.constant 0 : i32
    %dma_start3A_4 = arith.constant 0 : i32
    %dma_start3A_5 = tpu.memref_slice %arg3[%dma_start3A, %dma_start3A_3, %dma_start3A_4] : memref<2x1x320000xi32, #tpu.memory_space<hbm>> -> memref<1x1x320000xi32, #tpu.memory_space<hbm>>
    %dma_start3A_6 = tpu.memref_squeeze %dma_start3A_5 : memref<1x1x320000xi32, #tpu.memory_space<hbm>> -> memref<320000xi32, #tpu.memory_space<hbm>>
    %dma_start3A_7 = tpu.memref_slice %dma_start3A_6[%mul3A_2] : memref<320000xi32, #tpu.memory_space<hbm>> -> memref<9984xi32, #tpu.memory_space<hbm>>
    %dma_start3A_8 = arith.constant 0 : i32
    %dma_start3A_9 = tpu.memref_slice %arg3[%dma_start3A, %dma_start3A_3, %dma_start3A_8] : memref<2x1x320000xi32, #tpu.memory_space<hbm>> -> memref<1x1x320000xi32, #tpu.memory_space<hbm>>
    %dma_start3A_10 = tpu.memref_squeeze %dma_start3A_9 : memref<1x1x320000xi32, #tpu.memory_space<hbm>> -> memref<320000xi32, #tpu.memory_space<hbm>>
    %dma_start3A_11 = tpu.memref_slice %dma_start3A_10[%mul3A_2] : memref<320000xi32, #tpu.memory_space<hbm>> -> memref<9984xi32, #tpu.memory_space<hbm>>
    tpu.enqueue_dma source(%dma_start3A_11 : memref<9984xi32, #tpu.memory_space<hbm>>) target(%arg5 : memref<9984xi32, #tpu.memory_space<vmem>>) target_semaphore(%arg12 : memref<!tpu.dma_semaphore, #tpu.memory_space<semaphore_mem>>)
    %add3A_12 = arith.constant 0 : i32
    %add3A_13 = arith.addi %mul3A_2, %add3A_12 : i32
    %dma_start3A_14 = arith.constant 1 : i32
    %dma_start3A_15 = arith.constant 0 : i32
    %dma_start3A_16 = arith.constant 0 : i32
    %dma_start3A_17 = arith.constant 0 : i32
    %dma_start3A_18 = tpu.memref_slice %arg6[%dma_start3A_16, %dma_start3A_17] : memref<3x128xi32, #tpu.memory_space<vmem>> -> memref<1x128xi32, #tpu.memory_space<vmem>>
    %dma_start3A_19 = tpu.memref_squeeze %dma_start3A_18 : memref<1x128xi32, #tpu.memory_space<vmem>> -> memref<128xi32, #tpu.memory_space<vmem>>
    %dma_start3A_20 = arith.constant 0 : i32
    %dma_start3A_21 = tpu.memref_slice %arg3[%dma_start3A_14, %dma_start3A_15, %dma_start3A_20] : memref<2x1x320000xi32, #tpu.memory_space<hbm>> -> memref<1x1x320000xi32, #tpu.memory_space<hbm>>
    %dma_start3A_22 = tpu.memref_squeeze %dma_start3A_21 : memref<1x1x320000xi32, #tpu.memory_space<hbm>> -> memref<320000xi32, #tpu.memory_space<hbm>>
    %dma_start3A_23 = tpu.memref_slice %dma_start3A_22[%add3A_13] : memref<320000xi32, #tpu.memory_space<hbm>> -> memref<128xi32, #tpu.memory_space<hbm>>
    %dma_start3A_24 = arith.constant 0 : i32
    %dma_start3A_25 = tpu.memref_slice %arg6[%dma_start3A_16, %dma_start3A_24] : memref<3x128xi32, #tpu.memory_space<vmem>> -> memref<1x128xi32, #tpu.memory_space<vmem>>
    %dma_start3A_26 = tpu.memref_squeeze %dma_start3A_25 : memref<1x128xi32, #tpu.memory_space<vmem>> -> memref<128xi32, #tpu.memory_space<vmem>>
    %dma_start3A_27 = arith.constant 0 : i32
    %dma_start3A_28 = tpu.memref_slice %arg3[%dma_start3A_14, %dma_start3A_15, %dma_start3A_27] : memref<2x1x320000xi32, #tpu.memory_space<hbm>> -> memref<1x1x320000xi32, #tpu.memory_space<hbm>>
    %dma_start3A_29 = tpu.memref_squeeze %dma_start3A_28 : memref<1x1x320000xi32, #tpu.memory_space<hbm>> -> memref<320000xi32, #tpu.memory_space<hbm>>
    %dma_start3A_30 = tpu.memref_slice %dma_start3A_29[%add3A_13] : memref<320000xi32, #tpu.memory_space<hbm>> -> memref<128xi32, #tpu.memory_space<hbm>>
    tpu.enqueue_dma source(%dma_start3A_30 : memref<128xi32, #tpu.memory_space<hbm>>) target(%dma_start3A_26 : memref<128xi32, #tpu.memory_space<vmem>>) target_semaphore(%arg17 : memref<!tpu.dma_semaphore, #tpu.memory_space<semaphore_mem>>)
    %add3A_31 = arith.constant 128 : i32
    %add3A_32 = arith.addi %mul3A_2, %add3A_31 : i32
    %dma_start3A_33 = arith.constant 1 : i32
    %dma_start3A_34 = arith.constant 0 : i32
    %dma_start3A_35 = arith.constant 1 : i32
    %dma_start3A_36 = arith.constant 0 : i32
    %dma_start3A_37 = tpu.memref_slice %arg6[%dma_start3A_35, %dma_start3A_36] : memref<3x128xi32, #tpu.memory_space<vmem>> -> memref<1x128xi32, #tpu.memory_space<vmem>>
    %dma_start3A_38 = tpu.memref_squeeze %dma_start3A_37 : memref<1x128xi32, #tpu.memory_space<vmem>> -> memref<128xi32, #tpu.memory_space<vmem>>
    %dma_start3A_39 = arith.constant 0 : i32
    %dma_start3A_40 = tpu.memref_slice %arg3[%dma_start3A_33, %dma_start3A_34, %dma_start3A_39] : memref<2x1x320000xi32, #tpu.memory_space<hbm>> -> memref<1x1x320000xi32, #tpu.memory_space<hbm>>
    %dma_start3A_41 = tpu.memref_squeeze %dma_start3A_40 : memref<1x1x320000xi32, #tpu.memory_space<hbm>> -> memref<320000xi32, #tpu.memory_space<hbm>>
    %dma_start3A_42 = tpu.memref_slice %dma_start3A_41[%add3A_32] : memref<320000xi32, #tpu.memory_space<hbm>> -> memref<128xi32, #tpu.memory_space<hbm>>
    %dma_start3A_43 = arith.constant 0 : i32
    %dma_start3A_44 = tpu.memref_slice %arg6[%dma_start3A_35, %dma_start3A_43] : memref<3x128xi32, #tpu.memory_space<vmem>> -> memref<1x128xi32, #tpu.memory_space<vmem>>
    %dma_start3A_45 = tpu.memref_squeeze %dma_start3A_44 : memref<1x128xi32, #tpu.memory_space<vmem>> -> memref<128xi32, #tpu.memory_space<vmem>>
    %dma_start3A_46 = arith.constant 0 : i32
    %dma_start3A_47 = tpu.memref_slice %arg3[%dma_start3A_33, %dma_start3A_34, %dma_start3A_46] : memref<2x1x320000xi32, #tpu.memory_space<hbm>> -> memref<1x1x320000xi32, #tpu.memory_space<hbm>>
    %dma_start3A_48 = tpu.memref_squeeze %dma_start3A_47 : memref<1x1x320000xi32, #tpu.memory_space<hbm>> -> memref<320000xi32, #tpu.memory_space<hbm>>
    %dma_start3A_49 = tpu.memref_slice %dma_start3A_48[%add3A_32] : memref<320000xi32, #tpu.memory_space<hbm>> -> memref<128xi32, #tpu.memory_space<hbm>>
    tpu.enqueue_dma source(%dma_start3A_49 : memref<128xi32, #tpu.memory_space<hbm>>) target(%dma_start3A_45 : memref<128xi32, #tpu.memory_space<vmem>>) target_semaphore(%arg18 : memref<!tpu.dma_semaphore, #tpu.memory_space<semaphore_mem>>)
    %scan3A = arith.constant 0 : i32
    %scan3A_50 = arith.constant 0 : i32
    %scan3A_51 = arith.constant 0 : i32
    %scan3A_52 = arith.constant 128 : i32
    %scan3A_53 = arith.addi %scan3A_51, %scan3A_52 : i32
    %scan3A_54 = arith.constant 1 : i32
    %scan3A_55 = scf.for %scan3A_553 = %scan3A_51 to %scan3A_53 step %scan3A_54 iter_args(%scan3A_554 = %scan3A_50) -> (i32)  : i32 {
      %broadcast_in_dim3A = arith.constant 0.000000e+00 : f32
      %broadcast_in_dim3A_555 = vector.broadcast %broadcast_in_dim3A : f32 to vector<16xf32>
      %swap3A = arith.constant 0 : i32
      %swap3A_556 = arith.constant 0 : i32
      %swap3A_557 = tpu.memref_slice %arg7[%scan3A, %swap3A, %swap3A_556] : memref<2x128x128xf32, #tpu.memory_space<vmem>> -> memref<1x128x128xf32, #tpu.memory_space<vmem>>
      %swap3A_558 = tpu.memref_squeeze %swap3A_557 : memref<1x128x128xf32, #tpu.memory_space<vmem>> -> memref<128x128xf32, #tpu.memory_space<vmem>>
      %swap3A_559 = arith.index_cast %scan3A_553 : i32 to index
      %swap3A_560 = arith.constant 0 : index
      %swap3A_561 = tpu.vector_load %swap3A_558[%swap3A_559, %swap3A_560] {strides = array<i32>} : memref<128x128xf32, #tpu.memory_space<vmem>>, vector<1x16xf32>,
      %swap3A_562 = vector.shape_cast %swap3A_561 : vector<1x16xf32> to vector<16xf32>
      %swap3A_563 = vector.shape_cast %broadcast_in_dim3A_555 : vector<16xf32> to vector<1x16xf32>
      tpu.vector_store %swap3A_558[%swap3A_559, %swap3A_560], %swap3A_563 {strides = array<i32>} : memref<128x128xf32, #tpu.memory_space<vmem>>, vector<1x16xf32>,
      %broadcast_in_dim3A_564 = arith.constant 0.000000e+00 : f32
      %broadcast_in_dim3A_565 = vector.broadcast %broadcast_in_dim3A_564 : f32 to vector<16xf32>
      %swap3A_566 = arith.constant 0 : i32
      %swap3A_567 = arith.constant 0 : i32
      %swap3A_568 = tpu.memref_slice %arg7[%scan3A, %swap3A_566, %swap3A_567] : memref<2x128x128xf32, #tpu.memory_space<vmem>> -> memref<1x128x128xf32, #tpu.memory_space<vmem>>
      %swap3A_569 = tpu.memref_squeeze %swap3A_568 : memref<1x128x128xf32, #tpu.memory_space<vmem>> -> memref<128x128xf32, #tpu.memory_space<vmem>>
      %swap3A_570 = arith.index_cast %scan3A_553 : i32 to index
      %swap3A_571 = arith.constant 16 : index
      %swap3A_572 = tpu.vector_load %swap3A_569[%swap3A_570, %swap3A_571] {strides = array<i32>} : memref<128x128xf32, #tpu.memory_space<vmem>>, vector<1x16xf32>,
      %swap3A_573 = vector.shape_cast %swap3A_572 : vector<1x16xf32> to vector<16xf32>
      %swap3A_574 = vector.shape_cast %broadcast_in_dim3A_565 : vector<16xf32> to vector<1x16xf32>
      tpu.vector_store %swap3A_569[%swap3A_570, %swap3A_571], %swap3A_574 {strides = array<i32>} : memref<128x128xf32, #tpu.memory_space<vmem>>, vector<1x16xf32>,
      %broadcast_in_dim3A_575 = arith.constant 0.000000e+00 : f32
      %broadcast_in_dim3A_576 = vector.broadcast %broadcast_in_dim3A_575 : f32 to vector<16xf32>
      %swap3A_577 = arith.constant 0 : i32
      %swap3A_578 = arith.constant 0 : i32
      %swap3A_579 = tpu.memref_slice %arg7[%scan3A, %swap3A_577, %swap3A_578] : memref<2x128x128xf32, #tpu.memory_space<vmem>> -> memref<1x128x128xf32, #tpu.memory_space<vmem>>
      %swap3A_580 = tpu.memref_squeeze %swap3A_579 : memref<1x128x128xf32, #tpu.memory_space<vmem>> -> memref<128x128xf32, #tpu.memory_space<vmem>>
      %swap3A_581 = arith.index_cast %scan3A_553 : i32 to index
      %swap3A_582 = arith.constant 32 : index
      %swap3A_583 = tpu.vector_load %swap3A_580[%swap3A_581, %swap3A_582] {strides = array<i32>} : memref<128x128xf32, #tpu.memory_space<vmem>>, vector<1x16xf32>,
      %swap3A_584 = vector.shape_cast %swap3A_583 : vector<1x16xf32> to vector<16xf32>
      %swap3A_585 = vector.shape_cast %broadcast_in_dim3A_576 : vector<16xf32> to vector<1x16xf32>
      tpu.vector_store %swap3A_580[%swap3A_581, %swap3A_582], %swap3A_585 {strides = array<i32>} : memref<128x128xf32, #tpu.memory_space<vmem>>, vector<1x16xf32>,
      %broadcast_in_dim3A_586 = arith.constant 0.000000e+00 : f32
      %broadcast_in_dim3A_587 = vector.broadcast %broadcast_in_dim3A_586 : f32 to vector<16xf32>
      %swap3A_588 = arith.constant 0 : i32
      %swap3A_589 = arith.constant 0 : i32
      %swap3A_590 = tpu.memref_slice %arg7[%scan3A, %swap3A_588, %swap3A_589] : memref<2x128x128xf32, #tpu.memory_space<vmem>> -> memref<1x128x128xf32, #tpu.memory_space<vmem>>
      %swap3A_591 = tpu.memref_squeeze %swap3A_590 : memref<1x128x128xf32, #tpu.memory_space<vmem>> -> memref<128x128xf32, #tpu.memory_space<vmem>>
      %swap3A_592 = arith.index_cast %scan3A_553 : i32 to index
      %swap3A_593 = arith.constant 48 : index
      %swap3A_594 = tpu.vector_load %swap3A_591[%swap3A_592, %swap3A_593] {strides = array<i32>} : memref<128x128xf32, #tpu.memory_space<vmem>>, vector<1x16xf32>,
      %swap3A_595 = vector.shape_cast %swap3A_594 : vector<1x16xf32> to vector<16xf32>
      %swap3A_596 = vector.shape_cast %broadcast_in_dim3A_587 : vector<16xf32> to vector<1x16xf32>
      tpu.vector_store %swap3A_591[%swap3A_592, %swap3A_593], %swap3A_596 {strides = array<i32>} : memref<128x128xf32, #tpu.memory_space<vmem>>, vector<1x16xf32>,
      %broadcast_in_dim3A_597 = arith.constant 0.000000e+00 : f32
      %broadcast_in_dim3A_598 = vector.broadcast %broadcast_in_dim3A_597 : f32 to vector<16xf32>
      %swap3A_599 = arith.constant 0 : i32
      %swap3A_600 = arith.constant 0 : i32
      %swap3A_601 = tpu.memref_slice %arg7[%scan3A, %swap3A_599, %swap3A_600] : memref<2x128x128xf32, #tpu.memory_space<vmem>> -> memref<1x128x128xf32, #tpu.memory_space<vmem>>
      %swap3A_602 = tpu.memref_squeeze %swap3A_601 : memref<1x128x128xf32, #tpu.memory_space<vmem>> -> memref<128x128xf32, #tpu.memory_space<vmem>>
      %swap3A_603 = arith.index_cast %scan3A_553 : i32 to index
      %swap3A_604 = arith.constant 64 : index
      %swap3A_605 = tpu.vector_load %swap3A_602[%swap3A_603, %swap3A_604] {strides = array<i32>} : memref<128x128xf32, #tpu.memory_space<vmem>>, vector<1x16xf32>,
      %swap3A_606 = vector.shape_cast %swap3A_605 : vector<1x16xf32> to vector<16xf32>
      %swap3A_607 = vector.shape_cast %broadcast_in_dim3A_598 : vector<16xf32> to vector<1x16xf32>
      tpu.vector_store %swap3A_602[%swap3A_603, %swap3A_604], %swap3A_607 {strides = array<i32>} : memref<128x128xf32, #tpu.memory_space<vmem>>, vector<1x16xf32>,
      %broadcast_in_dim3A_608 = arith.constant 0.000000e+00 : f32
      %broadcast_in_dim3A_609 = vector.broadcast %broadcast_in_dim3A_608 : f32 to vector<16xf32>
      %swap3A_610 = arith.constant 0 : i32
      %swap3A_611 = arith.constant 0 : i32
      %swap3A_612 = tpu.memref_slice %arg7[%scan3A, %swap3A_610, %swap3A_611] : memref<2x128x128xf32, #tpu.memory_space<vmem>> -> memref<1x128x128xf32, #tpu.memory_space<vmem>>
      %swap3A_613 = tpu.memref_squeeze %swap3A_612 : memref<1x128x128xf32, #tpu.memory_space<vmem>> -> memref<128x128xf32, #tpu.memory_space<vmem>>
      %swap3A_614 = arith.index_cast %scan3A_553 : i32 to index
      %swap3A_615 = arith.constant 80 : index
      %swap3A_616 = tpu.vector_load %swap3A_613[%swap3A_614, %swap3A_615] {strides = array<i32>} : memref<128x128xf32, #tpu.memory_space<vmem>>, vector<1x16xf32>,
      %swap3A_617 = vector.shape_cast %swap3A_616 : vector<1x16xf32> to vector<16xf32>
      %swap3A_618 = vector.shape_cast %broadcast_in_dim3A_609 : vector<16xf32> to vector<1x16xf32>
      tpu.vector_store %swap3A_613[%swap3A_614, %swap3A_615], %swap3A_618 {strides = array<i32>} : memref<128x128xf32, #tpu.memory_space<vmem>>, vector<1x16xf32>,
      %broadcast_in_dim3A_619 = arith.constant 0.000000e+00 : f32
      %broadcast_in_dim3A_620 = vector.broadcast %broadcast_in_dim3A_619 : f32 to vector<16xf32>
      %swap3A_621 = arith.constant 0 : i32
      %swap3A_622 = arith.constant 0 : i32
      %swap3A_623 = tpu.memref_slice %arg7[%scan3A, %swap3A_621, %swap3A_622] : memref<2x128x128xf32, #tpu.memory_space<vmem>> -> memref<1x128x128xf32, #tpu.memory_space<vmem>>
      %swap3A_624 = tpu.memref_squeeze %swap3A_623 : memref<1x128x128xf32, #tpu.memory_space<vmem>> -> memref<128x128xf32, #tpu.memory_space<vmem>>
      %swap3A_625 = arith.index_cast %scan3A_553 : i32 to index
      %swap3A_626 = arith.constant 96 : index
      %swap3A_627 = tpu.vector_load %swap3A_624[%swap3A_625, %swap3A_626] {strides = array<i32>} : memref<128x128xf32, #tpu.memory_space<vmem>>, vector<1x16xf32>,
      %swap3A_628 = vector.shape_cast %swap3A_627 : vector<1x16xf32> to vector<16xf32>
      %swap3A_629 = vector.shape_cast %broadcast_in_dim3A_620 : vector<16xf32> to vector<1x16xf32>
      tpu.vector_store %swap3A_624[%swap3A_625, %swap3A_626], %swap3A_629 {strides = array<i32>} : memref<128x128xf32, #tpu.memory_space<vmem>>, vector<1x16xf32>,
      %broadcast_in_dim3A_630 = arith.constant 0.000000e+00 : f32
      %broadcast_in_dim3A_631 = vector.broadcast %broadcast_in_dim3A_630 : f32 to vector<16xf32>
      %swap3A_632 = arith.constant 0 : i32
      %swap3A_633 = arith.constant 0 : i32
      %swap3A_634 = tpu.memref_slice %arg7[%scan3A, %swap3A_632, %swap3A_633] : memref<2x128x128xf32, #tpu.memory_space<vmem>> -> memref<1x128x128xf32, #tpu.memory_space<vmem>>
      %swap3A_635 = tpu.memref_squeeze %swap3A_634 : memref<1x128x128xf32, #tpu.memory_space<vmem>> -> memref<128x128xf32, #tpu.memory_space<vmem>>
      %swap3A_636 = arith.index_cast %scan3A_553 : i32 to index
      %swap3A_637 = arith.constant 112 : index
      %swap3A_638 = tpu.vector_load %swap3A_635[%swap3A_636, %swap3A_637] {strides = array<i32>} : memref<128x128xf32, #tpu.memory_space<vmem>>, vector<1x16xf32>,
      %swap3A_639 = vector.shape_cast %swap3A_638 : vector<1x16xf32> to vector<16xf32>
      %swap3A_640 = vector.shape_cast %broadcast_in_dim3A_631 : vector<16xf32> to vector<1x16xf32>
      tpu.vector_store %swap3A_635[%swap3A_636, %swap3A_637], %swap3A_640 {strides = array<i32>} : memref<128x128xf32, #tpu.memory_space<vmem>>, vector<1x16xf32>,
      %scan3A_641 = arith.constant 0 : i32
      scf.yield %scan3A_641 : i32
    }
    %scan3A_56 = arith.constant 128 : i32
    %scan3A_57 = arith.constant 0 : i32
    %scan3A_58 = arith.constant 0 : i32
    %scan3A_59 = arith.constant 0 : i32
    %scan3A_60 = arith.constant 5 : i32
    %scan3A_61 = arith.addi %scan3A_59, %scan3A_60 : i32
    %scan3A_62 = arith.constant 1 : i32
    %scan3A_63 = scf.for %scan3A_553 = %scan3A_59 to %scan3A_61 step %scan3A_62 iter_args(%scan3A_554 = %scan3A_58) -> (i32)  : i32 {
      %mul3A_555 = arith.constant 640 : i32
      %mul3A_556 = arith.muli %arg1, %mul3A_555 : i32
      %mul3A_557 = arith.constant 128 : i32
      %mul3A_558 = arith.muli %scan3A_553, %mul3A_557 : i32
      %add3A_559 = arith.addi %mul3A_556, %mul3A_558 : i32
      "tpu.region"() ({
        %run_scoped3A_561 = tpu.sem_alloc : memref<!tpu.dma_semaphore, #tpu.memory_space<semaphore_mem>>
        %dma_start3A_562 = arith.constant 0 : i32
        %dma_start3A_563 = arith.constant 0 : i32
        %dma_start3A_564 = tpu.memref_slice %arg7[%scan3A_57, %dma_start3A_562, %dma_start3A_563] : memref<2x128x128xf32, #tpu.memory_space<vmem>> -> memref<1x128x128xf32, #tpu.memory_space<vmem>>
        %dma_start3A_565 = tpu.memref_squeeze %dma_start3A_564 : memref<1x128x128xf32, #tpu.memory_space<vmem>> -> memref<128x128xf32, #tpu.memory_space<vmem>>
        %dma_start3A_566 = arith.constant 0 : i32
        %dma_start3A_567 = tpu.memref_slice %arg11[%add3A_559, %dma_start3A_566] : memref<10240x128xf32, #tpu.memory_space<vmem_shared>> -> memref<128x128xf32, #tpu.memory_space<vmem_shared>>
        %dma_start3A_568 = arith.constant 0 : i32
        %dma_start3A_569 = tpu.memref_slice %arg11[%add3A_559, %dma_start3A_568] : memref<10240x128xf32, #tpu.memory_space<vmem_shared>> -> memref<128x128xf32, #tpu.memory_space<vmem_shared>>
        %dma_start3A_570 = arith.constant 0 : i32
        %dma_start3A_571 = arith.constant 0 : i32
        %dma_start3A_572 = tpu.memref_slice %arg7[%scan3A_57, %dma_start3A_570, %dma_start3A_571] : memref<2x128x128xf32, #tpu.memory_space<vmem>> -> memref<1x128x128xf32, #tpu.memory_space<vmem>>
        %dma_start3A_573 = tpu.memref_squeeze %dma_start3A_572 : memref<1x128x128xf32, #tpu.memory_space<vmem>> -> memref<128x128xf32, #tpu.memory_space<vmem>>
        tpu.enqueue_dma source(%dma_start3A_573 : memref<128x128xf32, #tpu.memory_space<vmem>>) target(%dma_start3A_569 : memref<128x128xf32, #tpu.memory_space<vmem_shared>>) target_semaphore(%run_scoped3A_561 : memref<!tpu.dma_semaphore, #tpu.memory_space<semaphore_mem>>)
        %dma_wait3A_574 = arith.constant 0 : i32
        %dma_wait3A_575 = arith.constant 0 : i32
        %dma_wait3A_576 = tpu.memref_slice %arg7[%scan3A_57, %dma_wait3A_574, %dma_wait3A_575] : memref<2x128x128xf32, #tpu.memory_space<vmem>> -> memref<1x128x128xf32, #tpu.memory_space<vmem>>
        %dma_wait3A_577 = tpu.memref_squeeze %dma_wait3A_576 : memref<1x128x128xf32, #tpu.memory_space<vmem>> -> memref<128x128xf32, #tpu.memory_space<vmem>>
        %dma_wait3A_578 = arith.constant 0 : i32
        %dma_wait3A_579 = tpu.memref_slice %arg11[%add3A_559, %dma_wait3A_578] : memref<10240x128xf32, #tpu.memory_space<vmem_shared>> -> memref<128x128xf32, #tpu.memory_space<vmem_shared>>
        %dma_wait3A_580 = arith.constant 0 : i32
        %dma_wait3A_581 = tpu.memref_slice %arg11[%add3A_559, %dma_wait3A_580] : memref<10240x128xf32, #tpu.memory_space<vmem_shared>> -> memref<128x128xf32, #tpu.memory_space<vmem_shared>>
        %dma_wait3A_582 = arith.constant 0 : i32
        %dma_wait3A_583 = arith.constant 0 : i32
        %dma_wait3A_584 = tpu.memref_slice %arg7[%scan3A_57, %dma_wait3A_582, %dma_wait3A_583] : memref<2x128x128xf32, #tpu.memory_space<vmem>> -> memref<1x128x128xf32, #tpu.memory_space<vmem>>
        %dma_wait3A_585 = tpu.memref_squeeze %dma_wait3A_584 : memref<1x128x128xf32, #tpu.memory_space<vmem>> -> memref<128x128xf32, #tpu.memory_space<vmem>>
        tpu.wait_dma2 semaphore(%run_scoped3A_561 : memref<!tpu.dma_semaphore, #tpu.memory_space<semaphore_mem>>) src(%dma_wait3A_585 : memref<128x128xf32, #tpu.memory_space<vmem>>) dst(%dma_wait3A_581 : memref<128x128xf32, #tpu.memory_space<vmem_shared>>)
        tpu.yield
      }) : () -> ()
      %scan3A_560 = arith.constant 0 : i32
      scf.yield %scan3A_560 : i32
    }
    %scan3A_64 = arith.constant 5 : i32
    %dma_wait3A = arith.constant 0 : i32
    %dma_wait3A_65 = arith.constant 0 : i32
    %dma_wait3A_66 = arith.constant 0 : i32
    %dma_wait3A_67 = tpu.memref_slice %arg3[%dma_wait3A, %dma_wait3A_65, %dma_wait3A_66] : memref<2x1x320000xi32, #tpu.memory_space<hbm>> -> memref<1x1x320000xi32, #tpu.memory_space<hbm>>
    %dma_wait3A_68 = tpu.memref_squeeze %dma_wait3A_67 : memref<1x1x320000xi32, #tpu.memory_space<hbm>> -> memref<320000xi32, #tpu.memory_space<hbm>>
    %dma_wait3A_69 = tpu.memref_slice %dma_wait3A_68[%mul3A_2] : memref<320000xi32, #tpu.memory_space<hbm>> -> memref<9984xi32, #tpu.memory_space<hbm>>
    %dma_wait3A_70 = arith.constant 0 : i32
    %dma_wait3A_71 = tpu.memref_slice %arg3[%dma_wait3A, %dma_wait3A_65, %dma_wait3A_70] : memref<2x1x320000xi32, #tpu.memory_space<hbm>> -> memref<1x1x320000xi32, #tpu.memory_space<hbm>>
    %dma_wait3A_72 = tpu.memref_squeeze %dma_wait3A_71 : memref<1x1x320000xi32, #tpu.memory_space<hbm>> -> memref<320000xi32, #tpu.memory_space<hbm>>
    %dma_wait3A_73 = tpu.memref_slice %dma_wait3A_72[%mul3A_2] : memref<320000xi32, #tpu.memory_space<hbm>> -> memref<9984xi32, #tpu.memory_space<hbm>>
    tpu.wait_dma2 semaphore(%arg12 : memref<!tpu.dma_semaphore, #tpu.memory_space<semaphore_mem>>) src(%dma_wait3A_73 : memref<9984xi32, #tpu.memory_space<hbm>>) dst(%arg5 : memref<9984xi32, #tpu.memory_space<vmem>>)
    %barrier3A = arith.constant 0 : index
    tpu.barrier barrier_id(%barrier3A)
    %dma_start3A_74 = arith.constant 0 : i32
    %dma_start3A_75 = arith.constant 0 : i32
    %dma_start3A_76 = arith.constant 0 : i32
    %dma_start3A_77 = tpu.memref_slice %arg7[%dma_start3A_74, %dma_start3A_75, %dma_start3A_76] : memref<2x128x128xf32, #tpu.memory_space<vmem>> -> memref<1x128x128xf32, #tpu.memory_space<vmem>>
    %dma_start3A_78 = tpu.memref_squeeze %dma_start3A_77 : memref<1x128x128xf32, #tpu.memory_space<vmem>> -> memref<128x128xf32, #tpu.memory_space<vmem>>
    %dma_start3A_79 = arith.constant 0 : i32
    %dma_start3A_80 = tpu.memref_slice %arg5[%dma_start3A_79] : memref<9984xi32, #tpu.memory_space<vmem>> -> memref<128xi32, #tpu.memory_space<vmem>>
    %dma_start3A_81 = arith.constant 0 : i32
    %dma_start3A_82 = arith.constant 0 : i32
    %dma_start3A_83 = tpu.memref_slice %arg2[%dma_start3A_81, %dma_start3A_82] : memref<10000x128xf32, #tpu.memory_space<hbm>> -> memref<10000x128xf32, #tpu.memory_space<hbm>>
    tpu.enqueue_indirect_dma source(%dma_start3A_83 : memref<10000x128xf32, #tpu.memory_space<hbm>>) target(%dma_start3A_78 : memref<128x128xf32, #tpu.memory_space<vmem>>) offsets(%dma_start3A_80 : memref<128xi32, #tpu.memory_space<vmem>>) semaphore(%arg13 : memref<!tpu.dma_semaphore, #tpu.memory_space<semaphore_mem>>)
    %add3A_84 = arith.constant 256 : i32
    %add3A_85 = arith.addi %mul3A_2, %add3A_84 : i32
    %dma_start3A_86 = arith.constant 1 : i32
    %dma_start3A_87 = arith.constant 0 : i32
    %dma_start3A_88 = arith.constant 2 : i32
    %dma_start3A_89 = arith.constant 0 : i32
    %dma_start3A_90 = tpu.memref_slice %arg6[%dma_start3A_88, %dma_start3A_89] : memref<3x128xi32, #tpu.memory_space<vmem>> -> memref<1x128xi32, #tpu.memory_space<vmem>>
    %dma_start3A_91 = tpu.memref_squeeze %dma_start3A_90 : memref<1x128xi32, #tpu.memory_space<vmem>> -> memref<128xi32, #tpu.memory_space<vmem>>
    %dma_start3A_92 = arith.constant 0 : i32
    %dma_start3A_93 = tpu.memref_slice %arg3[%dma_start3A_86, %dma_start3A_87, %dma_start3A_92] : memref<2x1x320000xi32, #tpu.memory_space<hbm>> -> memref<1x1x320000xi32, #tpu.memory_space<hbm>>
    %dma_start3A_94 = tpu.memref_squeeze %dma_start3A_93 : memref<1x1x320000xi32, #tpu.memory_space<hbm>> -> memref<320000xi32, #tpu.memory_space<hbm>>
    %dma_start3A_95 = tpu.memref_slice %dma_start3A_94[%add3A_85] : memref<320000xi32, #tpu.memory_space<hbm>> -> memref<128xi32, #tpu.memory_space<hbm>>
    %dma_start3A_96 = arith.constant 0 : i32
    %dma_start3A_97 = tpu.memref_slice %arg6[%dma_start3A_88, %dma_start3A_96] : memref<3x128xi32, #tpu.memory_space<vmem>> -> memref<1x128xi32, #tpu.memory_space<vmem>>
    %dma_start3A_98 = tpu.memref_squeeze %dma_start3A_97 : memref<1x128xi32, #tpu.memory_space<vmem>> -> memref<128xi32, #tpu.memory_space<vmem>>
    %dma_start3A_99 = arith.constant 0 : i32
    %dma_start3A_100 = tpu.memref_slice %arg3[%dma_start3A_86, %dma_start3A_87, %dma_start3A_99] : memref<2x1x320000xi32, #tpu.memory_space<hbm>> -> memref<1x1x320000xi32, #tpu.memory_space<hbm>>
    %dma_start3A_101 = tpu.memref_squeeze %dma_start3A_100 : memref<1x1x320000xi32, #tpu.memory_space<hbm>> -> memref<320000xi32, #tpu.memory_space<hbm>>
    %dma_start3A_102 = tpu.memref_slice %dma_start3A_101[%add3A_85] : memref<320000xi32, #tpu.memory_space<hbm>> -> memref<128xi32, #tpu.memory_space<hbm>>
    tpu.enqueue_dma source(%dma_start3A_102 : memref<128xi32, #tpu.memory_space<hbm>>) target(%dma_start3A_98 : memref<128xi32, #tpu.memory_space<vmem>>) target_semaphore(%arg19 : memref<!tpu.dma_semaphore, #tpu.memory_space<semaphore_mem>>)
    %dma_start3A_103 = arith.constant 1 : i32
    %dma_start3A_104 = arith.constant 0 : i32
    %dma_start3A_105 = arith.constant 0 : i32
    %dma_start3A_106 = tpu.memref_slice %arg7[%dma_start3A_103, %dma_start3A_104, %dma_start3A_105] : memref<2x128x128xf32, #tpu.memory_space<vmem>> -> memref<1x128x128xf32, #tpu.memory_space<vmem>>
    %dma_start3A_107 = tpu.memref_squeeze %dma_start3A_106 : memref<1x128x128xf32, #tpu.memory_space<vmem>> -> memref<128x128xf32, #tpu.memory_space<vmem>>
    %dma_start3A_108 = arith.constant 128 : i32
    %dma_start3A_109 = tpu.memref_slice %arg5[%dma_start3A_108] : memref<9984xi32, #tpu.memory_space<vmem>> -> memref<128xi32, #tpu.memory_space<vmem>>
    %dma_start3A_110 = arith.constant 0 : i32
    %dma_start3A_111 = arith.constant 0 : i32
    %dma_start3A_112 = tpu.memref_slice %arg2[%dma_start3A_110, %dma_start3A_111] : memref<10000x128xf32, #tpu.memory_space<hbm>> -> memref<10000x128xf32, #tpu.memory_space<hbm>>
    tpu.enqueue_indirect_dma source(%dma_start3A_112 : memref<10000x128xf32, #tpu.memory_space<hbm>>) target(%dma_start3A_107 : memref<128x128xf32, #tpu.memory_space<vmem>>) offsets(%dma_start3A_109 : memref<128xi32, #tpu.memory_space<vmem>>) semaphore(%arg14 : memref<!tpu.dma_semaphore, #tpu.memory_space<semaphore_mem>>)
    %dma_wait3A_113 = arith.constant 0 : i32
    %dma_wait3A_114 = arith.constant 0 : i32
    %dma_wait3A_115 = arith.constant 0 : i32
    %dma_wait3A_116 = tpu.memref_slice %arg7[%dma_wait3A_113, %dma_wait3A_114, %dma_wait3A_115] : memref<2x128x128xf32, #tpu.memory_space<vmem>> -> memref<1x128x128xf32, #tpu.memory_space<vmem>>
    %dma_wait3A_117 = tpu.memref_squeeze %dma_wait3A_116 : memref<1x128x128xf32, #tpu.memory_space<vmem>> -> memref<128x128xf32, #tpu.memory_space<vmem>>
    %dma_wait3A_118 = arith.constant 0 : i32
    %dma_wait3A_119 = tpu.memref_slice %arg5[%dma_wait3A_118] : memref<9984xi32, #tpu.memory_space<vmem>> -> memref<128xi32, #tpu.memory_space<vmem>>
    %dma_wait3A_120 = arith.constant 0 : i32
    %dma_wait3A_121 = arith.constant 0 : i32
    %dma_wait3A_122 = tpu.memref_slice %arg2[%dma_wait3A_120, %dma_wait3A_121] : memref<10000x128xf32, #tpu.memory_space<hbm>> -> memref<10000x128xf32, #tpu.memory_space<hbm>>
    tpu.wait_indirect_dma semaphore(%arg13 : memref<!tpu.dma_semaphore, #tpu.memory_space<semaphore_mem>>) src(%dma_wait3A_122 : memref<10000x128xf32, #tpu.memory_space<hbm>>) dst(%dma_wait3A_117 : memref<128x128xf32, #tpu.memory_space<vmem>>)
    %add3A_123 = arith.constant 0 : i32
    %add3A_124 = arith.addi %mul3A_2, %add3A_123 : i32
    %dma_wait3A_125 = arith.constant 1 : i32
    %dma_wait3A_126 = arith.constant 0 : i32
    %dma_wait3A_127 = arith.constant 0 : i32
    %dma_wait3A_128 = arith.constant 0 : i32
    %dma_wait3A_129 = tpu.memref_slice %arg6[%dma_wait3A_127, %dma_wait3A_128] : memref<3x128xi32, #tpu.memory_space<vmem>> -> memref<1x128xi32, #tpu.memory_space<vmem>>
    %dma_wait3A_130 = tpu.memref_squeeze %dma_wait3A_129 : memref<1x128xi32, #tpu.memory_space<vmem>> -> memref<128xi32, #tpu.memory_space<vmem>>
    %dma_wait3A_131 = arith.constant 0 : i32
    %dma_wait3A_132 = tpu.memref_slice %arg3[%dma_wait3A_125, %dma_wait3A_126, %dma_wait3A_131] : memref<2x1x320000xi32, #tpu.memory_space<hbm>> -> memref<1x1x320000xi32, #tpu.memory_space<hbm>>
    %dma_wait3A_133 = tpu.memref_squeeze %dma_wait3A_132 : memref<1x1x320000xi32, #tpu.memory_space<hbm>> -> memref<320000xi32, #tpu.memory_space<hbm>>
    %dma_wait3A_134 = tpu.memref_slice %dma_wait3A_133[%add3A_124] : memref<320000xi32, #tpu.memory_space<hbm>> -> memref<128xi32, #tpu.memory_space<hbm>>
    %dma_wait3A_135 = arith.constant 0 : i32
    %dma_wait3A_136 = tpu.memref_slice %arg6[%dma_wait3A_127, %dma_wait3A_135] : memref<3x128xi32, #tpu.memory_space<vmem>> -> memref<1x128xi32, #tpu.memory_space<vmem>>
    %dma_wait3A_137 = tpu.memref_squeeze %dma_wait3A_136 : memref<1x128xi32, #tpu.memory_space<vmem>> -> memref<128xi32, #tpu.memory_space<vmem>>
    %dma_wait3A_138 = arith.constant 0 : i32
    %dma_wait3A_139 = tpu.memref_slice %arg3[%dma_wait3A_125, %dma_wait3A_126, %dma_wait3A_138] : memref<2x1x320000xi32, #tpu.memory_space<hbm>> -> memref<1x1x320000xi32, #tpu.memory_space<hbm>>
    %dma_wait3A_140 = tpu.memref_squeeze %dma_wait3A_139 : memref<1x1x320000xi32, #tpu.memory_space<hbm>> -> memref<320000xi32, #tpu.memory_space<hbm>>
    %dma_wait3A_141 = tpu.memref_slice %dma_wait3A_140[%add3A_124] : memref<320000xi32, #tpu.memory_space<hbm>> -> memref<128xi32, #tpu.memory_space<hbm>>
    tpu.wait_dma2 semaphore(%arg17 : memref<!tpu.dma_semaphore, #tpu.memory_space<semaphore_mem>>) src(%dma_wait3A_141 : memref<128xi32, #tpu.memory_space<hbm>>) dst(%dma_wait3A_137 : memref<128xi32, #tpu.memory_space<vmem>>)
    %dma_start3A_142 = arith.constant 0 : i32
    %dma_start3A_143 = arith.constant 0 : i32
    %dma_start3A_144 = arith.constant 0 : i32
    %dma_start3A_145 = arith.constant 0 : i32
    %dma_start3A_146 = tpu.memref_slice %arg7[%dma_start3A_142, %dma_start3A_144, %dma_start3A_145] : memref<2x128x128xf32, #tpu.memory_space<vmem>> -> memref<1x128x128xf32, #tpu.memory_space<vmem>>
    %dma_start3A_147 = tpu.memref_squeeze %dma_start3A_146 : memref<1x128x128xf32, #tpu.memory_space<vmem>> -> memref<128x128xf32, #tpu.memory_space<vmem>>
    %dma_start3A_148 = arith.constant 0 : i32
    %dma_start3A_149 = tpu.memref_slice %arg6[%dma_start3A_143, %dma_start3A_148] : memref<3x128xi32, #tpu.memory_space<vmem>> -> memref<1x128xi32, #tpu.memory_space<vmem>>
    %dma_start3A_150 = tpu.memref_squeeze %dma_start3A_149 : memref<1x128xi32, #tpu.memory_space<vmem>> -> memref<128xi32, #tpu.memory_space<vmem>>
    %dma_start3A_151 = arith.constant 0 : i32
    %dma_start3A_152 = arith.constant 0 : i32
    %dma_start3A_153 = tpu.memref_slice %arg11[%dma_start3A_151, %dma_start3A_152] : memref<10240x128xf32, #tpu.memory_space<vmem_shared>> -> memref<10240x128xf32, #tpu.memory_space<vmem_shared>>
    tpu.enqueue_indirect_dma source(%dma_start3A_147 : memref<128x128xf32, #tpu.memory_space<vmem>>) target(%dma_start3A_153 : memref<10240x128xf32, #tpu.memory_space<vmem_shared>>) offsets(%dma_start3A_150 : memref<128xi32, #tpu.memory_space<vmem>>) semaphore(%arg15 : memref<!tpu.dma_semaphore, #tpu.memory_space<semaphore_mem>>) {add = true}
    %scan3A_154 = arith.constant 1 : i32
    %scan3A_155 = arith.constant 0 : i32
    %scan3A_156 = arith.constant 0 : i32
    %scan3A_157 = arith.constant 0 : i32
    %scan3A_158 = arith.constant 12 : i32
    %scan3A_159 = arith.addi %scan3A_157, %scan3A_158 : i32
    %scan3A_160 = arith.constant 1 : i32
    %scan3A_161 = scf.for %scan3A_553 = %scan3A_157 to %scan3A_159 step %scan3A_160 iter_args(%scan3A_554 = %scan3A_156) -> (i32)  : i32 {
      %mul3A_555 = arith.constant 6 : i32
      %mul3A_556 = arith.muli %mul3A_555, %scan3A_553 : i32
      %add3A_557 = arith.constant 2 : i32
      %add3A_558 = arith.addi %add3A_557, %mul3A_556 : i32
      %add3A_559 = arith.constant 0 : i32
      %add3A_560 = arith.addi %add3A_558, %add3A_559 : i32
      %dma_wait3A_561 = arith.constant 0 : i32
      %dma_wait3A_562 = arith.constant 0 : i32
      %dma_wait3A_563 = arith.constant 0 : i32
      %dma_wait3A_564 = arith.constant 0 : i32
      %dma_wait3A_565 = tpu.memref_slice %arg7[%dma_wait3A_561, %dma_wait3A_563, %dma_wait3A_564] : memref<2x128x128xf32, #tpu.memory_space<vmem>> -> memref<1x128x128xf32, #tpu.memory_space<vmem>>
      %dma_wait3A_566 = tpu.memref_squeeze %dma_wait3A_565 : memref<1x128x128xf32, #tpu.memory_space<vmem>> -> memref<128x128xf32, #tpu.memory_space<vmem>>
      %dma_wait3A_567 = arith.constant 0 : i32
      %dma_wait3A_568 = tpu.memref_slice %arg6[%dma_wait3A_562, %dma_wait3A_567] : memref<3x128xi32, #tpu.memory_space<vmem>> -> memref<1x128xi32, #tpu.memory_space<vmem>>
      %dma_wait3A_569 = tpu.memref_squeeze %dma_wait3A_568 : memref<1x128xi32, #tpu.memory_space<vmem>> -> memref<128xi32, #tpu.memory_space<vmem>>
      %dma_wait3A_570 = arith.constant 0 : i32
      %dma_wait3A_571 = arith.constant 0 : i32
      %dma_wait3A_572 = tpu.memref_slice %arg11[%dma_wait3A_570, %dma_wait3A_571] : memref<10240x128xf32, #tpu.memory_space<vmem_shared>> -> memref<10240x128xf32, #tpu.memory_space<vmem_shared>>
      tpu.wait_indirect_dma semaphore(%arg15 : memref<!tpu.dma_semaphore, #tpu.memory_space<semaphore_mem>>) src(%dma_wait3A_566 : memref<128x128xf32, #tpu.memory_space<vmem>>) dst(%dma_wait3A_572 : memref<10240x128xf32, #tpu.memory_space<vmem_shared>>)
      %mul3A_573 = arith.constant 128 : i32
      %mul3A_574 = arith.muli %add3A_560, %mul3A_573 : i32
      %dma_start3A_575 = arith.constant 0 : i32
      %dma_start3A_576 = arith.constant 0 : i32
      %dma_start3A_577 = arith.constant 0 : i32
      %dma_start3A_578 = tpu.memref_slice %arg7[%dma_start3A_575, %dma_start3A_576, %dma_start3A_577] : memref<2x128x128xf32, #tpu.memory_space<vmem>> -> memref<1x128x128xf32, #tpu.memory_space<vmem>>
      %dma_start3A_579 = tpu.memref_squeeze %dma_start3A_578 : memref<1x128x128xf32, #tpu.memory_space<vmem>> -> memref<128x128xf32, #tpu.memory_space<vmem>>
      %dma_start3A_580 = tpu.memref_slice %arg5[%mul3A_574] : memref<9984xi32, #tpu.memory_space<vmem>> -> memref<128xi32, #tpu.memory_space<vmem>>
      %dma_start3A_581 = arith.constant 0 : i32
      %dma_start3A_582 = arith.constant 0 : i32
      %dma_start3A_583 = tpu.memref_slice %arg2[%dma_start3A_581, %dma_start3A_582] : memref<10000x128xf32, #tpu.memory_space<hbm>> -> memref<10000x128xf32, #tpu.memory_space<hbm>>
      tpu.enqueue_indirect_dma source(%dma_start3A_583 : memref<10000x128xf32, #tpu.memory_space<hbm>>) target(%dma_start3A_579 : memref<128x128xf32, #tpu.memory_space<vmem>>) offsets(%dma_start3A_580 : memref<128xi32, #tpu.memory_space<vmem>>) semaphore(%arg13 : memref<!tpu.dma_semaphore, #tpu.memory_space<semaphore_mem>>)
      %add3A_584 = arith.constant 1 : i32
      %add3A_585 = arith.addi %add3A_560, %add3A_584 : i32
      %mul3A_586 = arith.constant 128 : i32
      %mul3A_587 = arith.muli %add3A_585, %mul3A_586 : i32
      %add3A_588 = arith.addi %mul3A_2, %mul3A_587 : i32
      %dma_start3A_589 = arith.constant 0 : i32
      %dma_start3A_590 = arith.constant 0 : i32
      %dma_start3A_591 = tpu.memref_slice %arg6[%dma_start3A_589, %dma_start3A_590] : memref<3x128xi32, #tpu.memory_space<vmem>> -> memref<1x128xi32, #tpu.memory_space<vmem>>
      %dma_start3A_592 = tpu.memref_squeeze %dma_start3A_591 : memref<1x128xi32, #tpu.memory_space<vmem>> -> memref<128xi32, #tpu.memory_space<vmem>>
      %dma_start3A_593 = arith.constant 0 : i32
      %dma_start3A_594 = tpu.memref_slice %arg3[%scan3A_154, %scan3A_155, %dma_start3A_593] : memref<2x1x320000xi32, #tpu.memory_space<hbm>> -> memref<1x1x320000xi32, #tpu.memory_space<hbm>>
      %dma_start3A_595 = tpu.memref_squeeze %dma_start3A_594 : memref<1x1x320000xi32, #tpu.memory_space<hbm>> -> memref<320000xi32, #tpu.memory_space<hbm>>
      %dma_start3A_596 = tpu.memref_slice %dma_start3A_595[%add3A_588] : memref<320000xi32, #tpu.memory_space<hbm>> -> memref<128xi32, #tpu.memory_space<hbm>>
      %dma_start3A_597 = arith.constant 0 : i32
      %dma_start3A_598 = tpu.memref_slice %arg6[%dma_start3A_589, %dma_start3A_597] : memref<3x128xi32, #tpu.memory_space<vmem>> -> memref<1x128xi32, #tpu.memory_space<vmem>>
      %dma_start3A_599 = tpu.memref_squeeze %dma_start3A_598 : memref<1x128xi32, #tpu.memory_space<vmem>> -> memref<128xi32, #tpu.memory_space<vmem>>
      %dma_start3A_600 = arith.constant 0 : i32
      %dma_start3A_601 = tpu.memref_slice %arg3[%scan3A_154, %scan3A_155, %dma_start3A_600] : memref<2x1x320000xi32, #tpu.memory_space<hbm>> -> memref<1x1x320000xi32, #tpu.memory_space<hbm>>
      %dma_start3A_602 = tpu.memref_squeeze %dma_start3A_601 : memref<1x1x320000xi32, #tpu.memory_space<hbm>> -> memref<320000xi32, #tpu.memory_space<hbm>>
      %dma_start3A_603 = tpu.memref_slice %dma_start3A_602[%add3A_588] : memref<320000xi32, #tpu.memory_space<hbm>> -> memref<128xi32, #tpu.memory_space<hbm>>
      tpu.enqueue_dma source(%dma_start3A_603 : memref<128xi32, #tpu.memory_space<hbm>>) target(%dma_start3A_599 : memref<128xi32, #tpu.memory_space<vmem>>) target_semaphore(%arg17 : memref<!tpu.dma_semaphore, #tpu.memory_space<semaphore_mem>>)
      %sub3A = arith.constant 1 : i32
      %sub3A_604 = arith.subi %add3A_560, %sub3A : i32
      %mul3A_605 = arith.constant 128 : i32
      %mul3A_606 = arith.muli %sub3A_604, %mul3A_605 : i32
      %dma_wait3A_607 = arith.constant 1 : i32
      %dma_wait3A_608 = arith.constant 0 : i32
      %dma_wait3A_609 = arith.constant 0 : i32
      %dma_wait3A_610 = tpu.memref_slice %arg7[%dma_wait3A_607, %dma_wait3A_608, %dma_wait3A_609] : memref<2x128x128xf32, #tpu.memory_space<vmem>> -> memref<1x128x128xf32, #tpu.memory_space<vmem>>
      %dma_wait3A_611 = tpu.memref_squeeze %dma_wait3A_610 : memref<1x128x128xf32, #tpu.memory_space<vmem>> -> memref<128x128xf32, #tpu.memory_space<vmem>>
      %dma_wait3A_612 = tpu.memref_slice %arg5[%mul3A_606] : memref<9984xi32, #tpu.memory_space<vmem>> -> memref<128xi32, #tpu.memory_space<vmem>>
      %dma_wait3A_613 = arith.constant 0 : i32
      %dma_wait3A_614 = arith.constant 0 : i32
      %dma_wait3A_615 = tpu.memref_slice %arg2[%dma_wait3A_613, %dma_wait3A_614] : memref<10000x128xf32, #tpu.memory_space<hbm>> -> memref<10000x128xf32, #tpu.memory_space<hbm>>
      tpu.wait_indirect_dma semaphore(%arg14 : memref<!tpu.dma_semaphore, #tpu.memory_space<semaphore_mem>>) src(%dma_wait3A_615 : memref<10000x128xf32, #tpu.memory_space<hbm>>) dst(%dma_wait3A_611 : memref<128x128xf32, #tpu.memory_space<vmem>>)
      %sub3A_616 = arith.constant 1 : i32
      %sub3A_617 = arith.subi %add3A_560, %sub3A_616 : i32
      %mul3A_618 = arith.constant 128 : i32
      %mul3A_619 = arith.muli %sub3A_617, %mul3A_618 : i32
      %add3A_620 = arith.addi %mul3A_2, %mul3A_619 : i32
      %dma_wait3A_621 = arith.constant 1 : i32
      %dma_wait3A_622 = arith.constant 0 : i32
      %dma_wait3A_623 = tpu.memref_slice %arg6[%dma_wait3A_621, %dma_wait3A_622] : memref<3x128xi32, #tpu.memory_space<vmem>> -> memref<1x128xi32, #tpu.memory_space<vmem>>
      %dma_wait3A_624 = tpu.memref_squeeze %dma_wait3A_623 : memref<1x128xi32, #tpu.memory_space<vmem>> -> memref<128xi32, #tpu.memory_space<vmem>>
      %dma_wait3A_625 = arith.constant 0 : i32
      %dma_wait3A_626 = tpu.memref_slice %arg3[%scan3A_154, %scan3A_155, %dma_wait3A_625] : memref<2x1x320000xi32, #tpu.memory_space<hbm>> -> memref<1x1x320000xi32, #tpu.memory_space<hbm>>
      %dma_wait3A_627 = tpu.memref_squeeze %dma_wait3A_626 : memref<1x1x320000xi32, #tpu.memory_space<hbm>> -> memref<320000xi32, #tpu.memory_space<hbm>>
      %dma_wait3A_628 = tpu.memref_slice %dma_wait3A_627[%add3A_620] : memref<320000xi32, #tpu.memory_space<hbm>> -> memref<128xi32, #tpu.memory_space<hbm>>
      %dma_wait3A_629 = arith.constant 0 : i32
      %dma_wait3A_630 = tpu.memref_slice %arg6[%dma_wait3A_621, %dma_wait3A_629] : memref<3x128xi32, #tpu.memory_space<vmem>> -> memref<1x128xi32, #tpu.memory_space<vmem>>
      %dma_wait3A_631 = tpu.memref_squeeze %dma_wait3A_630 : memref<1x128xi32, #tpu.memory_space<vmem>> -> memref<128xi32, #tpu.memory_space<vmem>>
      %dma_wait3A_632 = arith.constant 0 : i32
      %dma_wait3A_633 = tpu.memref_slice %arg3[%scan3A_154, %scan3A_155, %dma_wait3A_632] : memref<2x1x320000xi32, #tpu.memory_space<hbm>> -> memref<1x1x320000xi32, #tpu.memory_space<hbm>>
      %dma_wait3A_634 = tpu.memref_squeeze %dma_wait3A_633 : memref<1x1x320000xi32, #tpu.memory_space<hbm>> -> memref<320000xi32, #tpu.memory_space<hbm>>
      %dma_wait3A_635 = tpu.memref_slice %dma_wait3A_634[%add3A_620] : memref<320000xi32, #tpu.memory_space<hbm>> -> memref<128xi32, #tpu.memory_space<hbm>>
      tpu.wait_dma2 semaphore(%arg18 : memref<!tpu.dma_semaphore, #tpu.memory_space<semaphore_mem>>) src(%dma_wait3A_635 : memref<128xi32, #tpu.memory_space<hbm>>) dst(%dma_wait3A_631 : memref<128xi32, #tpu.memory_space<vmem>>)
      %dma_start3A_636 = arith.constant 1 : i32
      %dma_start3A_637 = arith.constant 1 : i32
      %dma_start3A_638 = arith.constant 0 : i32
      %dma_start3A_639 = arith.constant 0 : i32
      %dma_start3A_640 = tpu.memref_slice %arg7[%dma_start3A_636, %dma_start3A_638, %dma_start3A_639] : memref<2x128x128xf32, #tpu.memory_space<vmem>> -> memref<1x128x128xf32, #tpu.memory_space<vmem>>
      %dma_start3A_641 = tpu.memref_squeeze %dma_start3A_640 : memref<1x128x128xf32, #tpu.memory_space<vmem>> -> memref<128x128xf32, #tpu.memory_space<vmem>>
      %dma_start3A_642 = arith.constant 0 : i32
      %dma_start3A_643 = tpu.memref_slice %arg6[%dma_start3A_637, %dma_start3A_642] : memref<3x128xi32, #tpu.memory_space<vmem>> -> memref<1x128xi32, #tpu.memory_space<vmem>>
      %dma_start3A_644 = tpu.memref_squeeze %dma_start3A_643 : memref<1x128xi32, #tpu.memory_space<vmem>> -> memref<128xi32, #tpu.memory_space<vmem>>
      %dma_start3A_645 = arith.constant 0 : i32
      %dma_start3A_646 = arith.constant 0 : i32
      %dma_start3A_647 = tpu.memref_slice %arg11[%dma_start3A_645, %dma_start3A_646] : memref<10240x128xf32, #tpu.memory_space<vmem_shared>> -> memref<10240x128xf32, #tpu.memory_space<vmem_shared>>
      tpu.enqueue_indirect_dma source(%dma_start3A_641 : memref<128x128xf32, #tpu.memory_space<vmem>>) target(%dma_start3A_647 : memref<10240x128xf32, #tpu.memory_space<vmem_shared>>) offsets(%dma_start3A_644 : memref<128xi32, #tpu.memory_space<vmem>>) semaphore(%arg16 : memref<!tpu.dma_semaphore, #tpu.memory_space<semaphore_mem>>) {add = true}
      %mul3A_648 = arith.constant 6 : i32
      %mul3A_649 = arith.muli %mul3A_648, %scan3A_553 : i32
      %add3A_650 = arith.constant 2 : i32
      %add3A_651 = arith.addi %add3A_650, %mul3A_649 : i32
      %add3A_652 = arith.constant 1 : i32
      %add3A_653 = arith.addi %add3A_651, %add3A_652 : i32
      %dma_wait3A_654 = arith.constant 1 : i32
      %dma_wait3A_655 = arith.constant 1 : i32
      %dma_wait3A_656 = arith.constant 0 : i32
      %dma_wait3A_657 = arith.constant 0 : i32
      %dma_wait3A_658 = tpu.memref_slice %arg7[%dma_wait3A_654, %dma_wait3A_656, %dma_wait3A_657] : memref<2x128x128xf32, #tpu.memory_space<vmem>> -> memref<1x128x128xf32, #tpu.memory_space<vmem>>
      %dma_wait3A_659 = tpu.memref_squeeze %dma_wait3A_658 : memref<1x128x128xf32, #tpu.memory_space<vmem>> -> memref<128x128xf32, #tpu.memory_space<vmem>>
      %dma_wait3A_660 = arith.constant 0 : i32
      %dma_wait3A_661 = tpu.memref_slice %arg6[%dma_wait3A_655, %dma_wait3A_660] : memref<3x128xi32, #tpu.memory_space<vmem>> -> memref<1x128xi32, #tpu.memory_space<vmem>>
      %dma_wait3A_662 = tpu.memref_squeeze %dma_wait3A_661 : memref<1x128xi32, #tpu.memory_space<vmem>> -> memref<128xi32, #tpu.memory_space<vmem>>
      %dma_wait3A_663 = arith.constant 0 : i32
      %dma_wait3A_664 = arith.constant 0 : i32
      %dma_wait3A_665 = tpu.memref_slice %arg11[%dma_wait3A_663, %dma_wait3A_664] : memref<10240x128xf32, #tpu.memory_space<vmem_shared>> -> memref<10240x128xf32, #tpu.memory_space<vmem_shared>>
      tpu.wait_indirect_dma semaphore(%arg16 : memref<!tpu.dma_semaphore, #tpu.memory_space<semaphore_mem>>) src(%dma_wait3A_659 : memref<128x128xf32, #tpu.memory_space<vmem>>) dst(%dma_wait3A_665 : memref<10240x128xf32, #tpu.memory_space<vmem_shared>>)
      %mul3A_666 = arith.constant 128 : i32
      %mul3A_667 = arith.muli %add3A_653, %mul3A_666 : i32
      %dma_start3A_668 = arith.constant 1 : i32
      %dma_start3A_669 = arith.constant 0 : i32
      %dma_start3A_670 = arith.constant 0 : i32
      %dma_start3A_671 = tpu.memref_slice %arg7[%dma_start3A_668, %dma_start3A_669, %dma_start3A_670] : memref<2x128x128xf32, #tpu.memory_space<vmem>> -> memref<1x128x128xf32, #tpu.memory_space<vmem>>
      %dma_start3A_672 = tpu.memref_squeeze %dma_start3A_671 : memref<1x128x128xf32, #tpu.memory_space<vmem>> -> memref<128x128xf32, #tpu.memory_space<vmem>>
      %dma_start3A_673 = tpu.memref_slice %arg5[%mul3A_667] : memref<9984xi32, #tpu.memory_space<vmem>> -> memref<128xi32, #tpu.memory_space<vmem>>
      %dma_start3A_674 = arith.constant 0 : i32
      %dma_start3A_675 = arith.constant 0 : i32
      %dma_start3A_676 = tpu.memref_slice %arg2[%dma_start3A_674, %dma_start3A_675] : memref<10000x128xf32, #tpu.memory_space<hbm>> -> memref<10000x128xf32, #tpu.memory_space<hbm>>
      tpu.enqueue_indirect_dma source(%dma_start3A_676 : memref<10000x128xf32, #tpu.memory_space<hbm>>) target(%dma_start3A_672 : memref<128x128xf32, #tpu.memory_space<vmem>>) offsets(%dma_start3A_673 : memref<128xi32, #tpu.memory_space<vmem>>) semaphore(%arg14 : memref<!tpu.dma_semaphore, #tpu.memory_space<semaphore_mem>>)
      %add3A_677 = arith.constant 1 : i32
      %add3A_678 = arith.addi %add3A_653, %add3A_677 : i32
      %mul3A_679 = arith.constant 128 : i32
      %mul3A_680 = arith.muli %add3A_678, %mul3A_679 : i32
      %add3A_681 = arith.addi %mul3A_2, %mul3A_680 : i32
      %dma_start3A_682 = arith.constant 1 : i32
      %dma_start3A_683 = arith.constant 0 : i32
      %dma_start3A_684 = tpu.memref_slice %arg6[%dma_start3A_682, %dma_start3A_683] : memref<3x128xi32, #tpu.memory_space<vmem>> -> memref<1x128xi32, #tpu.memory_space<vmem>>
      %dma_start3A_685 = tpu.memref_squeeze %dma_start3A_684 : memref<1x128xi32, #tpu.memory_space<vmem>> -> memref<128xi32, #tpu.memory_space<vmem>>
      %dma_start3A_686 = arith.constant 0 : i32
      %dma_start3A_687 = tpu.memref_slice %arg3[%scan3A_154, %scan3A_155, %dma_start3A_686] : memref<2x1x320000xi32, #tpu.memory_space<hbm>> -> memref<1x1x320000xi32, #tpu.memory_space<hbm>>
      %dma_start3A_688 = tpu.memref_squeeze %dma_start3A_687 : memref<1x1x320000xi32, #tpu.memory_space<hbm>> -> memref<320000xi32, #tpu.memory_space<hbm>>
      %dma_start3A_689 = tpu.memref_slice %dma_start3A_688[%add3A_681] : memref<320000xi32, #tpu.memory_space<hbm>> -> memref<128xi32, #tpu.memory_space<hbm>>
      %dma_start3A_690 = arith.constant 0 : i32
      %dma_start3A_691 = tpu.memref_slice %arg6[%dma_start3A_682, %dma_start3A_690] : memref<3x128xi32, #tpu.memory_space<vmem>> -> memref<1x128xi32, #tpu.memory_space<vmem>>
      %dma_start3A_692 = tpu.memref_squeeze %dma_start3A_691 : memref<1x128xi32, #tpu.memory_space<vmem>> -> memref<128xi32, #tpu.memory_space<vmem>>
      %dma_start3A_693 = arith.constant 0 : i32
      %dma_start3A_694 = tpu.memref_slice %arg3[%scan3A_154, %scan3A_155, %dma_start3A_693] : memref<2x1x320000xi32, #tpu.memory_space<hbm>> -> memref<1x1x320000xi32, #tpu.memory_space<hbm>>
      %dma_start3A_695 = tpu.memref_squeeze %dma_start3A_694 : memref<1x1x320000xi32, #tpu.memory_space<hbm>> -> memref<320000xi32, #tpu.memory_space<hbm>>
      %dma_start3A_696 = tpu.memref_slice %dma_start3A_695[%add3A_681] : memref<320000xi32, #tpu.memory_space<hbm>> -> memref<128xi32, #tpu.memory_space<hbm>>
      tpu.enqueue_dma source(%dma_start3A_696 : memref<128xi32, #tpu.memory_space<hbm>>) target(%dma_start3A_692 : memref<128xi32, #tpu.memory_space<vmem>>) target_semaphore(%arg18 : memref<!tpu.dma_semaphore, #tpu.memory_space<semaphore_mem>>)
      %sub3A_697 = arith.constant 1 : i32
      %sub3A_698 = arith.subi %add3A_653, %sub3A_697 : i32
      %mul3A_699 = arith.constant 128 : i32
      %mul3A_700 = arith.muli %sub3A_698, %mul3A_699 : i32
      %dma_wait3A_701 = arith.constant 0 : i32
      %dma_wait3A_702 = arith.constant 0 : i32
      %dma_wait3A_703 = arith.constant 0 : i32
      %dma_wait3A_704 = tpu.memref_slice %arg7[%dma_wait3A_701, %dma_wait3A_702, %dma_wait3A_703] : memref<2x128x128xf32, #tpu.memory_space<vmem>> -> memref<1x128x128xf32, #tpu.memory_space<vmem>>
      %dma_wait3A_705 = tpu.memref_squeeze %dma_wait3A_704 : memref<1x128x128xf32, #tpu.memory_space<vmem>> -> memref<128x128xf32, #tpu.memory_space<vmem>>
      %dma_wait3A_706 = tpu.memref_slice %arg5[%mul3A_700] : memref<9984xi32, #tpu.memory_space<vmem>> -> memref<128xi32, #tpu.memory_space<vmem>>
      %dma_wait3A_707 = arith.constant 0 : i32
      %dma_wait3A_708 = arith.constant 0 : i32
      %dma_wait3A_709 = tpu.memref_slice %arg2[%dma_wait3A_707, %dma_wait3A_708] : memref<10000x128xf32, #tpu.memory_space<hbm>> -> memref<10000x128xf32, #tpu.memory_space<hbm>>
      tpu.wait_indirect_dma semaphore(%arg13 : memref<!tpu.dma_semaphore, #tpu.memory_space<semaphore_mem>>) src(%dma_wait3A_709 : memref<10000x128xf32, #tpu.memory_space<hbm>>) dst(%dma_wait3A_705 : memref<128x128xf32, #tpu.memory_space<vmem>>)
      %sub3A_710 = arith.constant 1 : i32
      %sub3A_711 = arith.subi %add3A_653, %sub3A_710 : i32
      %mul3A_712 = arith.constant 128 : i32
      %mul3A_713 = arith.muli %sub3A_711, %mul3A_712 : i32
      %add3A_714 = arith.addi %mul3A_2, %mul3A_713 : i32
      %dma_wait3A_715 = arith.constant 2 : i32
      %dma_wait3A_716 = arith.constant 0 : i32
      %dma_wait3A_717 = tpu.memref_slice %arg6[%dma_wait3A_715, %dma_wait3A_716] : memref<3x128xi32, #tpu.memory_space<vmem>> -> memref<1x128xi32, #tpu.memory_space<vmem>>
      %dma_wait3A_718 = tpu.memref_squeeze %dma_wait3A_717 : memref<1x128xi32, #tpu.memory_space<vmem>> -> memref<128xi32, #tpu.memory_space<vmem>>
      %dma_wait3A_719 = arith.constant 0 : i32
      %dma_wait3A_720 = tpu.memref_slice %arg3[%scan3A_154, %scan3A_155, %dma_wait3A_719] : memref<2x1x320000xi32, #tpu.memory_space<hbm>> -> memref<1x1x320000xi32, #tpu.memory_space<hbm>>
      %dma_wait3A_721 = tpu.memref_squeeze %dma_wait3A_720 : memref<1x1x320000xi32, #tpu.memory_space<hbm>> -> memref<320000xi32, #tpu.memory_space<hbm>>
      %dma_wait3A_722 = tpu.memref_slice %dma_wait3A_721[%add3A_714] : memref<320000xi32, #tpu.memory_space<hbm>> -> memref<128xi32, #tpu.memory_space<hbm>>
      %dma_wait3A_723 = arith.constant 0 : i32
      %dma_wait3A_724 = tpu.memref_slice %arg6[%dma_wait3A_715, %dma_wait3A_723] : memref<3x128xi32, #tpu.memory_space<vmem>> -> memref<1x128xi32, #tpu.memory_space<vmem>>
      %dma_wait3A_725 = tpu.memref_squeeze %dma_wait3A_724 : memref<1x128xi32, #tpu.memory_space<vmem>> -> memref<128xi32, #tpu.memory_space<vmem>>
      %dma_wait3A_726 = arith.constant 0 : i32
      %dma_wait3A_727 = tpu.memref_slice %arg3[%scan3A_154, %scan3A_155, %dma_wait3A_726] : memref<2x1x320000xi32, #tpu.memory_space<hbm>> -> memref<1x1x320000xi32, #tpu.memory_space<hbm>>
      %dma_wait3A_728 = tpu.memref_squeeze %dma_wait3A_727 : memref<1x1x320000xi32, #tpu.memory_space<hbm>> -> memref<320000xi32, #tpu.memory_space<hbm>>
      %dma_wait3A_729 = tpu.memref_slice %dma_wait3A_728[%add3A_714] : memref<320000xi32, #tpu.memory_space<hbm>> -> memref<128xi32, #tpu.memory_space<hbm>>
      tpu.wait_dma2 semaphore(%arg19 : memref<!tpu.dma_semaphore, #tpu.memory_space<semaphore_mem>>) src(%dma_wait3A_729 : memref<128xi32, #tpu.memory_space<hbm>>) dst(%dma_wait3A_725 : memref<128xi32, #tpu.memory_space<vmem>>)
      %dma_start3A_730 = arith.constant 0 : i32
      %dma_start3A_731 = arith.constant 2 : i32
      %dma_start3A_732 = arith.constant 0 : i32
      %dma_start3A_733 = arith.constant 0 : i32
      %dma_start3A_734 = tpu.memref_slice %arg7[%dma_start3A_730, %dma_start3A_732, %dma_start3A_733] : memref<2x128x128xf32, #tpu.memory_space<vmem>> -> memref<1x128x128xf32, #tpu.memory_space<vmem>>
      %dma_start3A_735 = tpu.memref_squeeze %dma_start3A_734 : memref<1x128x128xf32, #tpu.memory_space<vmem>> -> memref<128x128xf32, #tpu.memory_space<vmem>>
      %dma_start3A_736 = arith.constant 0 : i32
      %dma_start3A_737 = tpu.memref_slice %arg6[%dma_start3A_731, %dma_start3A_736] : memref<3x128xi32, #tpu.memory_space<vmem>> -> memref<1x128xi32, #tpu.memory_space<vmem>>
      %dma_start3A_738 = tpu.memref_squeeze %dma_start3A_737 : memref<1x128xi32, #tpu.memory_space<vmem>> -> memref<128xi32, #tpu.memory_space<vmem>>
      %dma_start3A_739 = arith.constant 0 : i32
      %dma_start3A_740 = arith.constant 0 : i32
      %dma_start3A_741 = tpu.memref_slice %arg11[%dma_start3A_739, %dma_start3A_740] : memref<10240x128xf32, #tpu.memory_space<vmem_shared>> -> memref<10240x128xf32, #tpu.memory_space<vmem_shared>>
      tpu.enqueue_indirect_dma source(%dma_start3A_735 : memref<128x128xf32, #tpu.memory_space<vmem>>) target(%dma_start3A_741 : memref<10240x128xf32, #tpu.memory_space<vmem_shared>>) offsets(%dma_start3A_738 : memref<128xi32, #tpu.memory_space<vmem>>) semaphore(%arg15 : memref<!tpu.dma_semaphore, #tpu.memory_space<semaphore_mem>>) {add = true}
      %mul3A_742 = arith.constant 6 : i32
      %mul3A_743 = arith.muli %mul3A_742, %scan3A_553 : i32
      %add3A_744 = arith.constant 2 : i32
      %add3A_745 = arith.addi %add3A_744, %mul3A_743 : i32
      %add3A_746 = arith.constant 2 : i32
      %add3A_747 = arith.addi %add3A_745, %add3A_746 : i32
      %dma_wait3A_748 = arith.constant 0 : i32
      %dma_wait3A_749 = arith.constant 2 : i32
      %dma_wait3A_750 = arith.constant 0 : i32
      %dma_wait3A_751 = arith.constant 0 : i32
      %dma_wait3A_752 = tpu.memref_slice %arg7[%dma_wait3A_748, %dma_wait3A_750, %dma_wait3A_751] : memref<2x128x128xf32, #tpu.memory_space<vmem>> -> memref<1x128x128xf32, #tpu.memory_space<vmem>>
      %dma_wait3A_753 = tpu.memref_squeeze %dma_wait3A_752 : memref<1x128x128xf32, #tpu.memory_space<vmem>> -> memref<128x128xf32, #tpu.memory_space<vmem>>
      %dma_wait3A_754 = arith.constant 0 : i32
      %dma_wait3A_755 = tpu.memref_slice %arg6[%dma_wait3A_749, %dma_wait3A_754] : memref<3x128xi32, #tpu.memory_space<vmem>> -> memref<1x128xi32, #tpu.memory_space<vmem>>
      %dma_wait3A_756 = tpu.memref_squeeze %dma_wait3A_755 : memref<1x128xi32, #tpu.memory_space<vmem>> -> memref<128xi32, #tpu.memory_space<vmem>>
      %dma_wait3A_757 = arith.constant 0 : i32
      %dma_wait3A_758 = arith.constant 0 : i32
      %dma_wait3A_759 = tpu.memref_slice %arg11[%dma_wait3A_757, %dma_wait3A_758] : memref<10240x128xf32, #tpu.memory_space<vmem_shared>> -> memref<10240x128xf32, #tpu.memory_space<vmem_shared>>
      tpu.wait_indirect_dma semaphore(%arg15 : memref<!tpu.dma_semaphore, #tpu.memory_space<semaphore_mem>>) src(%dma_wait3A_753 : memref<128x128xf32, #tpu.memory_space<vmem>>) dst(%dma_wait3A_759 : memref<10240x128xf32, #tpu.memory_space<vmem_shared>>)
      %mul3A_760 = arith.constant 128 : i32
      %mul3A_761 = arith.muli %add3A_747, %mul3A_760 : i32
      %dma_start3A_762 = arith.constant 0 : i32
      %dma_start3A_763 = arith.constant 0 : i32
      %dma_start3A_764 = arith.constant 0 : i32
      %dma_start3A_765 = tpu.memref_slice %arg7[%dma_start3A_762, %dma_start3A_763, %dma_start3A_764] : memref<2x128x128xf32, #tpu.memory_space<vmem>> -> memref<1x128x128xf32, #tpu.memory_space<vmem>>
      %dma_start3A_766 = tpu.memref_squeeze %dma_start3A_765 : memref<1x128x128xf32, #tpu.memory_space<vmem>> -> memref<128x128xf32, #tpu.memory_space<vmem>>
      %dma_start3A_767 = tpu.memref_slice %arg5[%mul3A_761] : memref<9984xi32, #tpu.memory_space<vmem>> -> memref<128xi32, #tpu.memory_space<vmem>>
      %dma_start3A_768 = arith.constant 0 : i32
      %dma_start3A_769 = arith.constant 0 : i32
      %dma_start3A_770 = tpu.memref_slice %arg2[%dma_start3A_768, %dma_start3A_769] : memref<10000x128xf32, #tpu.memory_space<hbm>> -> memref<10000x128xf32, #tpu.memory_space<hbm>>
      tpu.enqueue_indirect_dma source(%dma_start3A_770 : memref<10000x128xf32, #tpu.memory_space<hbm>>) target(%dma_start3A_766 : memref<128x128xf32, #tpu.memory_space<vmem>>) offsets(%dma_start3A_767 : memref<128xi32, #tpu.memory_space<vmem>>) semaphore(%arg13 : memref<!tpu.dma_semaphore, #tpu.memory_space<semaphore_mem>>)
      %add3A_771 = arith.constant 1 : i32
      %add3A_772 = arith.addi %add3A_747, %add3A_771 : i32
      %mul3A_773 = arith.constant 128 : i32
      %mul3A_774 = arith.muli %add3A_772, %mul3A_773 : i32
      %add3A_775 = arith.addi %mul3A_2, %mul3A_774 : i32
      %dma_start3A_776 = arith.constant 2 : i32
      %dma_start3A_777 = arith.constant 0 : i32
      %dma_start3A_778 = tpu.memref_slice %arg6[%dma_start3A_776, %dma_start3A_777] : memref<3x128xi32, #tpu.memory_space<vmem>> -> memref<1x128xi32, #tpu.memory_space<vmem>>
      %dma_start3A_779 = tpu.memref_squeeze %dma_start3A_778 : memref<1x128xi32, #tpu.memory_space<vmem>> -> memref<128xi32, #tpu.memory_space<vmem>>
      %dma_start3A_780 = arith.constant 0 : i32
      %dma_start3A_781 = tpu.memref_slice %arg3[%scan3A_154, %scan3A_155, %dma_start3A_780] : memref<2x1x320000xi32, #tpu.memory_space<hbm>> -> memref<1x1x320000xi32, #tpu.memory_space<hbm>>
      %dma_start3A_782 = tpu.memref_squeeze %dma_start3A_781 : memref<1x1x320000xi32, #tpu.memory_space<hbm>> -> memref<320000xi32, #tpu.memory_space<hbm>>
      %dma_start3A_783 = tpu.memref_slice %dma_start3A_782[%add3A_775] : memref<320000xi32, #tpu.memory_space<hbm>> -> memref<128xi32, #tpu.memory_space<hbm>>
      %dma_start3A_784 = arith.constant 0 : i32
      %dma_start3A_785 = tpu.memref_slice %arg6[%dma_start3A_776, %dma_start3A_784] : memref<3x128xi32, #tpu.memory_space<vmem>> -> memref<1x128xi32, #tpu.memory_space<vmem>>
      %dma_start3A_786 = tpu.memref_squeeze %dma_start3A_785 : memref<1x128xi32, #tpu.memory_space<vmem>> -> memref<128xi32, #tpu.memory_space<vmem>>
      %dma_start3A_787 = arith.constant 0 : i32
      %dma_start3A_788 = tpu.memref_slice %arg3[%scan3A_154, %scan3A_155, %dma_start3A_787] : memref<2x1x320000xi32, #tpu.memory_space<hbm>> -> memref<1x1x320000xi32, #tpu.memory_space<hbm>>
      %dma_start3A_789 = tpu.memref_squeeze %dma_start3A_788 : memref<1x1x320000xi32, #tpu.memory_space<hbm>> -> memref<320000xi32, #tpu.memory_space<hbm>>
      %dma_start3A_790 = tpu.memref_slice %dma_start3A_789[%add3A_775] : memref<320000xi32, #tpu.memory_space<hbm>> -> memref<128xi32, #tpu.memory_space<hbm>>
      tpu.enqueue_dma source(%dma_start3A_790 : memref<128xi32, #tpu.memory_space<hbm>>) target(%dma_start3A_786 : memref<128xi32, #tpu.memory_space<vmem>>) target_semaphore(%arg19 : memref<!tpu.dma_semaphore, #tpu.memory_space<semaphore_mem>>)
      %sub3A_791 = arith.constant 1 : i32
      %sub3A_792 = arith.subi %add3A_747, %sub3A_791 : i32
      %mul3A_793 = arith.constant 128 : i32
      %mul3A_794 = arith.muli %sub3A_792, %mul3A_793 : i32
      %dma_wait3A_795 = arith.constant 1 : i32
      %dma_wait3A_796 = arith.constant 0 : i32
      %dma_wait3A_797 = arith.constant 0 : i32
      %dma_wait3A_798 = tpu.memref_slice %arg7[%dma_wait3A_795, %dma_wait3A_796, %dma_wait3A_797] : memref<2x128x128xf32, #tpu.memory_space<vmem>> -> memref<1x128x128xf32, #tpu.memory_space<vmem>>
      %dma_wait3A_799 = tpu.memref_squeeze %dma_wait3A_798 : memref<1x128x128xf32, #tpu.memory_space<vmem>> -> memref<128x128xf32, #tpu.memory_space<vmem>>
      %dma_wait3A_800 = tpu.memref_slice %arg5[%mul3A_794] : memref<9984xi32, #tpu.memory_space<vmem>> -> memref<128xi32, #tpu.memory_space<vmem>>
      %dma_wait3A_801 = arith.constant 0 : i32
      %dma_wait3A_802 = arith.constant 0 : i32
      %dma_wait3A_803 = tpu.memref_slice %arg2[%dma_wait3A_801, %dma_wait3A_802] : memref<10000x128xf32, #tpu.memory_space<hbm>> -> memref<10000x128xf32, #tpu.memory_space<hbm>>
      tpu.wait_indirect_dma semaphore(%arg14 : memref<!tpu.dma_semaphore, #tpu.memory_space<semaphore_mem>>) src(%dma_wait3A_803 : memref<10000x128xf32, #tpu.memory_space<hbm>>) dst(%dma_wait3A_799 : memref<128x128xf32, #tpu.memory_space<vmem>>)
      %sub3A_804 = arith.constant 1 : i32
      %sub3A_805 = arith.subi %add3A_747, %sub3A_804 : i32
      %mul3A_806 = arith.constant 128 : i32
      %mul3A_807 = arith.muli %sub3A_805, %mul3A_806 : i32
      %add3A_808 = arith.addi %mul3A_2, %mul3A_807 : i32
      %dma_wait3A_809 = arith.constant 0 : i32
      %dma_wait3A_810 = arith.constant 0 : i32
      %dma_wait3A_811 = tpu.memref_slice %arg6[%dma_wait3A_809, %dma_wait3A_810] : memref<3x128xi32, #tpu.memory_space<vmem>> -> memref<1x128xi32, #tpu.memory_space<vmem>>
      %dma_wait3A_812 = tpu.memref_squeeze %dma_wait3A_811 : memref<1x128xi32, #tpu.memory_space<vmem>> -> memref<128xi32, #tpu.memory_space<vmem>>
      %dma_wait3A_813 = arith.constant 0 : i32
      %dma_wait3A_814 = tpu.memref_slice %arg3[%scan3A_154, %scan3A_155, %dma_wait3A_813] : memref<2x1x320000xi32, #tpu.memory_space<hbm>> -> memref<1x1x320000xi32, #tpu.memory_space<hbm>>
      %dma_wait3A_815 = tpu.memref_squeeze %dma_wait3A_814 : memref<1x1x320000xi32, #tpu.memory_space<hbm>> -> memref<320000xi32, #tpu.memory_space<hbm>>
      %dma_wait3A_816 = tpu.memref_slice %dma_wait3A_815[%add3A_808] : memref<320000xi32, #tpu.memory_space<hbm>> -> memref<128xi32, #tpu.memory_space<hbm>>
      %dma_wait3A_817 = arith.constant 0 : i32
      %dma_wait3A_818 = tpu.memref_slice %arg6[%dma_wait3A_809, %dma_wait3A_817] : memref<3x128xi32, #tpu.memory_space<vmem>> -> memref<1x128xi32, #tpu.memory_space<vmem>>
      %dma_wait3A_819 = tpu.memref_squeeze %dma_wait3A_818 : memref<1x128xi32, #tpu.memory_space<vmem>> -> memref<128xi32, #tpu.memory_space<vmem>>
      %dma_wait3A_820 = arith.constant 0 : i32
      %dma_wait3A_821 = tpu.memref_slice %arg3[%scan3A_154, %scan3A_155, %dma_wait3A_820] : memref<2x1x320000xi32, #tpu.memory_space<hbm>> -> memref<1x1x320000xi32, #tpu.memory_space<hbm>>
      %dma_wait3A_822 = tpu.memref_squeeze %dma_wait3A_821 : memref<1x1x320000xi32, #tpu.memory_space<hbm>> -> memref<320000xi32, #tpu.memory_space<hbm>>
      %dma_wait3A_823 = tpu.memref_slice %dma_wait3A_822[%add3A_808] : memref<320000xi32, #tpu.memory_space<hbm>> -> memref<128xi32, #tpu.memory_space<hbm>>
      tpu.wait_dma2 semaphore(%arg17 : memref<!tpu.dma_semaphore, #tpu.memory_space<semaphore_mem>>) src(%dma_wait3A_823 : memref<128xi32, #tpu.memory_space<hbm>>) dst(%dma_wait3A_819 : memref<128xi32, #tpu.memory_space<vmem>>)
      %dma_start3A_824 = arith.constant 1 : i32
      %dma_start3A_825 = arith.constant 0 : i32
      %dma_start3A_826 = arith.constant 0 : i32
      %dma_start3A_827 = arith.constant 0 : i32
      %dma_start3A_828 = tpu.memref_slice %arg7[%dma_start3A_824, %dma_start3A_826, %dma_start3A_827] : memref<2x128x128xf32, #tpu.memory_space<vmem>> -> memref<1x128x128xf32, #tpu.memory_space<vmem>>
      %dma_start3A_829 = tpu.memref_squeeze %dma_start3A_828 : memref<1x128x128xf32, #tpu.memory_space<vmem>> -> memref<128x128xf32, #tpu.memory_space<vmem>>
      %dma_start3A_830 = arith.constant 0 : i32
      %dma_start3A_831 = tpu.memref_slice %arg6[%dma_start3A_825, %dma_start3A_830] : memref<3x128xi32, #tpu.memory_space<vmem>> -> memref<1x128xi32, #tpu.memory_space<vmem>>
      %dma_start3A_832 = tpu.memref_squeeze %dma_start3A_831 : memref<1x128xi32, #tpu.memory_space<vmem>> -> memref<128xi32, #tpu.memory_space<vmem>>
      %dma_start3A_833 = arith.constant 0 : i32
      %dma_start3A_834 = arith.constant 0 : i32
      %dma_start3A_835 = tpu.memref_slice %arg11[%dma_start3A_833, %dma_start3A_834] : memref<10240x128xf32, #tpu.memory_space<vmem_shared>> -> memref<10240x128xf32, #tpu.memory_space<vmem_shared>>
      tpu.enqueue_indirect_dma source(%dma_start3A_829 : memref<128x128xf32, #tpu.memory_space<vmem>>) target(%dma_start3A_835 : memref<10240x128xf32, #tpu.memory_space<vmem_shared>>) offsets(%dma_start3A_832 : memref<128xi32, #tpu.memory_space<vmem>>) semaphore(%arg16 : memref<!tpu.dma_semaphore, #tpu.memory_space<semaphore_mem>>) {add = true}
      %mul3A_836 = arith.constant 6 : i32
      %mul3A_837 = arith.muli %mul3A_836, %scan3A_553 : i32
      %add3A_838 = arith.constant 2 : i32
      %add3A_839 = arith.addi %add3A_838, %mul3A_837 : i32
      %add3A_840 = arith.constant 3 : i32
      %add3A_841 = arith.addi %add3A_839, %add3A_840 : i32
      %dma_wait3A_842 = arith.constant 1 : i32
      %dma_wait3A_843 = arith.constant 0 : i32
      %dma_wait3A_844 = arith.constant 0 : i32
      %dma_wait3A_845 = arith.constant 0 : i32
      %dma_wait3A_846 = tpu.memref_slice %arg7[%dma_wait3A_842, %dma_wait3A_844, %dma_wait3A_845] : memref<2x128x128xf32, #tpu.memory_space<vmem>> -> memref<1x128x128xf32, #tpu.memory_space<vmem>>
      %dma_wait3A_847 = tpu.memref_squeeze %dma_wait3A_846 : memref<1x128x128xf32, #tpu.memory_space<vmem>> -> memref<128x128xf32, #tpu.memory_space<vmem>>
      %dma_wait3A_848 = arith.constant 0 : i32
      %dma_wait3A_849 = tpu.memref_slice %arg6[%dma_wait3A_843, %dma_wait3A_848] : memref<3x128xi32, #tpu.memory_space<vmem>> -> memref<1x128xi32, #tpu.memory_space<vmem>>
      %dma_wait3A_850 = tpu.memref_squeeze %dma_wait3A_849 : memref<1x128xi32, #tpu.memory_space<vmem>> -> memref<128xi32, #tpu.memory_space<vmem>>
      %dma_wait3A_851 = arith.constant 0 : i32
      %dma_wait3A_852 = arith.constant 0 : i32
      %dma_wait3A_853 = tpu.memref_slice %arg11[%dma_wait3A_851, %dma_wait3A_852] : memref<10240x128xf32, #tpu.memory_space<vmem_shared>> -> memref<10240x128xf32, #tpu.memory_space<vmem_shared>>
      tpu.wait_indirect_dma semaphore(%arg16 : memref<!tpu.dma_semaphore, #tpu.memory_space<semaphore_mem>>) src(%dma_wait3A_847 : memref<128x128xf32, #tpu.memory_space<vmem>>) dst(%dma_wait3A_853 : memref<10240x128xf32, #tpu.memory_space<vmem_shared>>)
      %mul3A_854 = arith.constant 128 : i32
      %mul3A_855 = arith.muli %add3A_841, %mul3A_854 : i32
      %dma_start3A_856 = arith.constant 1 : i32
      %dma_start3A_857 = arith.constant 0 : i32
      %dma_start3A_858 = arith.constant 0 : i32
      %dma_start3A_859 = tpu.memref_slice %arg7[%dma_start3A_856, %dma_start3A_857, %dma_start3A_858] : memref<2x128x128xf32, #tpu.memory_space<vmem>> -> memref<1x128x128xf32, #tpu.memory_space<vmem>>
      %dma_start3A_860 = tpu.memref_squeeze %dma_start3A_859 : memref<1x128x128xf32, #tpu.memory_space<vmem>> -> memref<128x128xf32, #tpu.memory_space<vmem>>
      %dma_start3A_861 = tpu.memref_slice %arg5[%mul3A_855] : memref<9984xi32, #tpu.memory_space<vmem>> -> memref<128xi32, #tpu.memory_space<vmem>>
      %dma_start3A_862 = arith.constant 0 : i32
      %dma_start3A_863 = arith.constant 0 : i32
      %dma_start3A_864 = tpu.memref_slice %arg2[%dma_start3A_862, %dma_start3A_863] : memref<10000x128xf32, #tpu.memory_space<hbm>> -> memref<10000x128xf32, #tpu.memory_space<hbm>>
      tpu.enqueue_indirect_dma source(%dma_start3A_864 : memref<10000x128xf32, #tpu.memory_space<hbm>>) target(%dma_start3A_860 : memref<128x128xf32, #tpu.memory_space<vmem>>) offsets(%dma_start3A_861 : memref<128xi32, #tpu.memory_space<vmem>>) semaphore(%arg14 : memref<!tpu.dma_semaphore, #tpu.memory_space<semaphore_mem>>)
      %add3A_865 = arith.constant 1 : i32
      %add3A_866 = arith.addi %add3A_841, %add3A_865 : i32
      %mul3A_867 = arith.constant 128 : i32
      %mul3A_868 = arith.muli %add3A_866, %mul3A_867 : i32
      %add3A_869 = arith.addi %mul3A_2, %mul3A_868 : i32
      %dma_start3A_870 = arith.constant 0 : i32
      %dma_start3A_871 = arith.constant 0 : i32
      %dma_start3A_872 = tpu.memref_slice %arg6[%dma_start3A_870, %dma_start3A_871] : memref<3x128xi32, #tpu.memory_space<vmem>> -> memref<1x128xi32, #tpu.memory_space<vmem>>
      %dma_start3A_873 = tpu.memref_squeeze %dma_start3A_872 : memref<1x128xi32, #tpu.memory_space<vmem>> -> memref<128xi32, #tpu.memory_space<vmem>>
      %dma_start3A_874 = arith.constant 0 : i32
      %dma_start3A_875 = tpu.memref_slice %arg3[%scan3A_154, %scan3A_155, %dma_start3A_874] : memref<2x1x320000xi32, #tpu.memory_space<hbm>> -> memref<1x1x320000xi32, #tpu.memory_space<hbm>>
      %dma_start3A_876 = tpu.memref_squeeze %dma_start3A_875 : memref<1x1x320000xi32, #tpu.memory_space<hbm>> -> memref<320000xi32, #tpu.memory_space<hbm>>
      %dma_start3A_877 = tpu.memref_slice %dma_start3A_876[%add3A_869] : memref<320000xi32, #tpu.memory_space<hbm>> -> memref<128xi32, #tpu.memory_space<hbm>>
      %dma_start3A_878 = arith.constant 0 : i32
      %dma_start3A_879 = tpu.memref_slice %arg6[%dma_start3A_870, %dma_start3A_878] : memref<3x128xi32, #tpu.memory_space<vmem>> -> memref<1x128xi32, #tpu.memory_space<vmem>>
      %dma_start3A_880 = tpu.memref_squeeze %dma_start3A_879 : memref<1x128xi32, #tpu.memory_space<vmem>> -> memref<128xi32, #tpu.memory_space<vmem>>
      %dma_start3A_881 = arith.constant 0 : i32
      %dma_start3A_882 = tpu.memref_slice %arg3[%scan3A_154, %scan3A_155, %dma_start3A_881] : memref<2x1x320000xi32, #tpu.memory_space<hbm>> -> memref<1x1x320000xi32, #tpu.memory_space<hbm>>
      %dma_start3A_883 = tpu.memref_squeeze %dma_start3A_882 : memref<1x1x320000xi32, #tpu.memory_space<hbm>> -> memref<320000xi32, #tpu.memory_space<hbm>>
      %dma_start3A_884 = tpu.memref_slice %dma_start3A_883[%add3A_869] : memref<320000xi32, #tpu.memory_space<hbm>> -> memref<128xi32, #tpu.memory_space<hbm>>
      tpu.enqueue_dma source(%dma_start3A_884 : memref<128xi32, #tpu.memory_space<hbm>>) target(%dma_start3A_880 : memref<128xi32, #tpu.memory_space<vmem>>) target_semaphore(%arg17 : memref<!tpu.dma_semaphore, #tpu.memory_space<semaphore_mem>>)
      %sub3A_885 = arith.constant 1 : i32
      %sub3A_886 = arith.subi %add3A_841, %sub3A_885 : i32
      %mul3A_887 = arith.constant 128 : i32
      %mul3A_888 = arith.muli %sub3A_886, %mul3A_887 : i32
      %dma_wait3A_889 = arith.constant 0 : i32
      %dma_wait3A_890 = arith.constant 0 : i32
      %dma_wait3A_891 = arith.constant 0 : i32
      %dma_wait3A_892 = tpu.memref_slice %arg7[%dma_wait3A_889, %dma_wait3A_890, %dma_wait3A_891] : memref<2x128x128xf32, #tpu.memory_space<vmem>> -> memref<1x128x128xf32, #tpu.memory_space<vmem>>
      %dma_wait3A_893 = tpu.memref_squeeze %dma_wait3A_892 : memref<1x128x128xf32, #tpu.memory_space<vmem>> -> memref<128x128xf32, #tpu.memory_space<vmem>>
      %dma_wait3A_894 = tpu.memref_slice %arg5[%mul3A_888] : memref<9984xi32, #tpu.memory_space<vmem>> -> memref<128xi32, #tpu.memory_space<vmem>>
      %dma_wait3A_895 = arith.constant 0 : i32
      %dma_wait3A_896 = arith.constant 0 : i32
      %dma_wait3A_897 = tpu.memref_slice %arg2[%dma_wait3A_895, %dma_wait3A_896] : memref<10000x128xf32, #tpu.memory_space<hbm>> -> memref<10000x128xf32, #tpu.memory_space<hbm>>
      tpu.wait_indirect_dma semaphore(%arg13 : memref<!tpu.dma_semaphore, #tpu.memory_space<semaphore_mem>>) src(%dma_wait3A_897 : memref<10000x128xf32, #tpu.memory_space<hbm>>) dst(%dma_wait3A_893 : memref<128x128xf32, #tpu.memory_space<vmem>>)
      %sub3A_898 = arith.constant 1 : i32
      %sub3A_899 = arith.subi %add3A_841, %sub3A_898 : i32
      %mul3A_900 = arith.constant 128 : i32
      %mul3A_901 = arith.muli %sub3A_899, %mul3A_900 : i32
      %add3A_902 = arith.addi %mul3A_2, %mul3A_901 : i32
      %dma_wait3A_903 = arith.constant 1 : i32
      %dma_wait3A_904 = arith.constant 0 : i32
      %dma_wait3A_905 = tpu.memref_slice %arg6[%dma_wait3A_903, %dma_wait3A_904] : memref<3x128xi32, #tpu.memory_space<vmem>> -> memref<1x128xi32, #tpu.memory_space<vmem>>
      %dma_wait3A_906 = tpu.memref_squeeze %dma_wait3A_905 : memref<1x128xi32, #tpu.memory_space<vmem>> -> memref<128xi32, #tpu.memory_space<vmem>>
      %dma_wait3A_907 = arith.constant 0 : i32
      %dma_wait3A_908 = tpu.memref_slice %arg3[%scan3A_154, %scan3A_155, %dma_wait3A_907] : memref<2x1x320000xi32, #tpu.memory_space<hbm>> -> memref<1x1x320000xi32, #tpu.memory_space<hbm>>
      %dma_wait3A_909 = tpu.memref_squeeze %dma_wait3A_908 : memref<1x1x320000xi32, #tpu.memory_space<hbm>> -> memref<320000xi32, #tpu.memory_space<hbm>>
      %dma_wait3A_910 = tpu.memref_slice %dma_wait3A_909[%add3A_902] : memref<320000xi32, #tpu.memory_space<hbm>> -> memref<128xi32, #tpu.memory_space<hbm>>
      %dma_wait3A_911 = arith.constant 0 : i32
      %dma_wait3A_912 = tpu.memref_slice %arg6[%dma_wait3A_903, %dma_wait3A_911] : memref<3x128xi32, #tpu.memory_space<vmem>> -> memref<1x128xi32, #tpu.memory_space<vmem>>
      %dma_wait3A_913 = tpu.memref_squeeze %dma_wait3A_912 : memref<1x128xi32, #tpu.memory_space<vmem>> -> memref<128xi32, #tpu.memory_space<vmem>>
      %dma_wait3A_914 = arith.constant 0 : i32
      %dma_wait3A_915 = tpu.memref_slice %arg3[%scan3A_154, %scan3A_155, %dma_wait3A_914] : memref<2x1x320000xi32, #tpu.memory_space<hbm>> -> memref<1x1x320000xi32, #tpu.memory_space<hbm>>
      %dma_wait3A_916 = tpu.memref_squeeze %dma_wait3A_915 : memref<1x1x320000xi32, #tpu.memory_space<hbm>> -> memref<320000xi32, #tpu.memory_space<hbm>>
      %dma_wait3A_917 = tpu.memref_slice %dma_wait3A_916[%add3A_902] : memref<320000xi32, #tpu.memory_space<hbm>> -> memref<128xi32, #tpu.memory_space<hbm>>
      tpu.wait_dma2 semaphore(%arg18 : memref<!tpu.dma_semaphore, #tpu.memory_space<semaphore_mem>>) src(%dma_wait3A_917 : memref<128xi32, #tpu.memory_space<hbm>>) dst(%dma_wait3A_913 : memref<128xi32, #tpu.memory_space<vmem>>)
      %dma_start3A_918 = arith.constant 0 : i32
      %dma_start3A_919 = arith.constant 1 : i32
      %dma_start3A_920 = arith.constant 0 : i32
      %dma_start3A_921 = arith.constant 0 : i32
      %dma_start3A_922 = tpu.memref_slice %arg7[%dma_start3A_918, %dma_start3A_920, %dma_start3A_921] : memref<2x128x128xf32, #tpu.memory_space<vmem>> -> memref<1x128x128xf32, #tpu.memory_space<vmem>>
      %dma_start3A_923 = tpu.memref_squeeze %dma_start3A_922 : memref<1x128x128xf32, #tpu.memory_space<vmem>> -> memref<128x128xf32, #tpu.memory_space<vmem>>
      %dma_start3A_924 = arith.constant 0 : i32
      %dma_start3A_925 = tpu.memref_slice %arg6[%dma_start3A_919, %dma_start3A_924] : memref<3x128xi32, #tpu.memory_space<vmem>> -> memref<1x128xi32, #tpu.memory_space<vmem>>
      %dma_start3A_926 = tpu.memref_squeeze %dma_start3A_925 : memref<1x128xi32, #tpu.memory_space<vmem>> -> memref<128xi32, #tpu.memory_space<vmem>>
      %dma_start3A_927 = arith.constant 0 : i32
      %dma_start3A_928 = arith.constant 0 : i32
      %dma_start3A_929 = tpu.memref_slice %arg11[%dma_start3A_927, %dma_start3A_928] : memref<10240x128xf32, #tpu.memory_space<vmem_shared>> -> memref<10240x128xf32, #tpu.memory_space<vmem_shared>>
      tpu.enqueue_indirect_dma source(%dma_start3A_923 : memref<128x128xf32, #tpu.memory_space<vmem>>) target(%dma_start3A_929 : memref<10240x128xf32, #tpu.memory_space<vmem_shared>>) offsets(%dma_start3A_926 : memref<128xi32, #tpu.memory_space<vmem>>) semaphore(%arg15 : memref<!tpu.dma_semaphore, #tpu.memory_space<semaphore_mem>>) {add = true}
      %mul3A_930 = arith.constant 6 : i32
      %mul3A_931 = arith.muli %mul3A_930, %scan3A_553 : i32
      %add3A_932 = arith.constant 2 : i32
      %add3A_933 = arith.addi %add3A_932, %mul3A_931 : i32
      %add3A_934 = arith.constant 4 : i32
      %add3A_935 = arith.addi %add3A_933, %add3A_934 : i32
      %dma_wait3A_936 = arith.constant 0 : i32
      %dma_wait3A_937 = arith.constant 1 : i32
      %dma_wait3A_938 = arith.constant 0 : i32
      %dma_wait3A_939 = arith.constant 0 : i32
      %dma_wait3A_940 = tpu.memref_slice %arg7[%dma_wait3A_936, %dma_wait3A_938, %dma_wait3A_939] : memref<2x128x128xf32, #tpu.memory_space<vmem>> -> memref<1x128x128xf32, #tpu.memory_space<vmem>>
      %dma_wait3A_941 = tpu.memref_squeeze %dma_wait3A_940 : memref<1x128x128xf32, #tpu.memory_space<vmem>> -> memref<128x128xf32, #tpu.memory_space<vmem>>
      %dma_wait3A_942 = arith.constant 0 : i32
      %dma_wait3A_943 = tpu.memref_slice %arg6[%dma_wait3A_937, %dma_wait3A_942] : memref<3x128xi32, #tpu.memory_space<vmem>> -> memref<1x128xi32, #tpu.memory_space<vmem>>
      %dma_wait3A_944 = tpu.memref_squeeze %dma_wait3A_943 : memref<1x128xi32, #tpu.memory_space<vmem>> -> memref<128xi32, #tpu.memory_space<vmem>>
      %dma_wait3A_945 = arith.constant 0 : i32
      %dma_wait3A_946 = arith.constant 0 : i32
      %dma_wait3A_947 = tpu.memref_slice %arg11[%dma_wait3A_945, %dma_wait3A_946] : memref<10240x128xf32, #tpu.memory_space<vmem_shared>> -> memref<10240x128xf32, #tpu.memory_space<vmem_shared>>
      tpu.wait_indirect_dma semaphore(%arg15 : memref<!tpu.dma_semaphore, #tpu.memory_space<semaphore_mem>>) src(%dma_wait3A_941 : memref<128x128xf32, #tpu.memory_space<vmem>>) dst(%dma_wait3A_947 : memref<10240x128xf32, #tpu.memory_space<vmem_shared>>)
      %mul3A_948 = arith.constant 128 : i32
      %mul3A_949 = arith.muli %add3A_935, %mul3A_948 : i32
      %dma_start3A_950 = arith.constant 0 : i32
      %dma_start3A_951 = arith.constant 0 : i32
      %dma_start3A_952 = arith.constant 0 : i32
      %dma_start3A_953 = tpu.memref_slice %arg7[%dma_start3A_950, %dma_start3A_951, %dma_start3A_952] : memref<2x128x128xf32, #tpu.memory_space<vmem>> -> memref<1x128x128xf32, #tpu.memory_space<vmem>>
      %dma_start3A_954 = tpu.memref_squeeze %dma_start3A_953 : memref<1x128x128xf32, #tpu.memory_space<vmem>> -> memref<128x128xf32, #tpu.memory_space<vmem>>
      %dma_start3A_955 = tpu.memref_slice %arg5[%mul3A_949] : memref<9984xi32, #tpu.memory_space<vmem>> -> memref<128xi32, #tpu.memory_space<vmem>>
      %dma_start3A_956 = arith.constant 0 : i32
      %dma_start3A_957 = arith.constant 0 : i32
      %dma_start3A_958 = tpu.memref_slice %arg2[%dma_start3A_956, %dma_start3A_957] : memref<10000x128xf32, #tpu.memory_space<hbm>> -> memref<10000x128xf32, #tpu.memory_space<hbm>>
      tpu.enqueue_indirect_dma source(%dma_start3A_958 : memref<10000x128xf32, #tpu.memory_space<hbm>>) target(%dma_start3A_954 : memref<128x128xf32, #tpu.memory_space<vmem>>) offsets(%dma_start3A_955 : memref<128xi32, #tpu.memory_space<vmem>>) semaphore(%arg13 : memref<!tpu.dma_semaphore, #tpu.memory_space<semaphore_mem>>)
      %add3A_959 = arith.constant 1 : i32
      %add3A_960 = arith.addi %add3A_935, %add3A_959 : i32
      %mul3A_961 = arith.constant 128 : i32
      %mul3A_962 = arith.muli %add3A_960, %mul3A_961 : i32
      %add3A_963 = arith.addi %mul3A_2, %mul3A_962 : i32
      %dma_start3A_964 = arith.constant 1 : i32
      %dma_start3A_965 = arith.constant 0 : i32
      %dma_start3A_966 = tpu.memref_slice %arg6[%dma_start3A_964, %dma_start3A_965] : memref<3x128xi32, #tpu.memory_space<vmem>> -> memref<1x128xi32, #tpu.memory_space<vmem>>
      %dma_start3A_967 = tpu.memref_squeeze %dma_start3A_966 : memref<1x128xi32, #tpu.memory_space<vmem>> -> memref<128xi32, #tpu.memory_space<vmem>>
      %dma_start3A_968 = arith.constant 0 : i32
      %dma_start3A_969 = tpu.memref_slice %arg3[%scan3A_154, %scan3A_155, %dma_start3A_968] : memref<2x1x320000xi32, #tpu.memory_space<hbm>> -> memref<1x1x320000xi32, #tpu.memory_space<hbm>>
      %dma_start3A_970 = tpu.memref_squeeze %dma_start3A_969 : memref<1x1x320000xi32, #tpu.memory_space<hbm>> -> memref<320000xi32, #tpu.memory_space<hbm>>
      %dma_start3A_971 = tpu.memref_slice %dma_start3A_970[%add3A_963] : memref<320000xi32, #tpu.memory_space<hbm>> -> memref<128xi32, #tpu.memory_space<hbm>>
      %dma_start3A_972 = arith.constant 0 : i32
      %dma_start3A_973 = tpu.memref_slice %arg6[%dma_start3A_964, %dma_start3A_972] : memref<3x128xi32, #tpu.memory_space<vmem>> -> memref<1x128xi32, #tpu.memory_space<vmem>>
      %dma_start3A_974 = tpu.memref_squeeze %dma_start3A_973 : memref<1x128xi32, #tpu.memory_space<vmem>> -> memref<128xi32, #tpu.memory_space<vmem>>
      %dma_start3A_975 = arith.constant 0 : i32
      %dma_start3A_976 = tpu.memref_slice %arg3[%scan3A_154, %scan3A_155, %dma_start3A_975] : memref<2x1x320000xi32, #tpu.memory_space<hbm>> -> memref<1x1x320000xi32, #tpu.memory_space<hbm>>
      %dma_start3A_977 = tpu.memref_squeeze %dma_start3A_976 : memref<1x1x320000xi32, #tpu.memory_space<hbm>> -> memref<320000xi32, #tpu.memory_space<hbm>>
      %dma_start3A_978 = tpu.memref_slice %dma_start3A_977[%add3A_963] : memref<320000xi32, #tpu.memory_space<hbm>> -> memref<128xi32, #tpu.memory_space<hbm>>
      tpu.enqueue_dma source(%dma_start3A_978 : memref<128xi32, #tpu.memory_space<hbm>>) target(%dma_start3A_974 : memref<128xi32, #tpu.memory_space<vmem>>) target_semaphore(%arg18 : memref<!tpu.dma_semaphore, #tpu.memory_space<semaphore_mem>>)
      %sub3A_979 = arith.constant 1 : i32
      %sub3A_980 = arith.subi %add3A_935, %sub3A_979 : i32
      %mul3A_981 = arith.constant 128 : i32
      %mul3A_982 = arith.muli %sub3A_980, %mul3A_981 : i32
      %dma_wait3A_983 = arith.constant 1 : i32
      %dma_wait3A_984 = arith.constant 0 : i32
      %dma_wait3A_985 = arith.constant 0 : i32
      %dma_wait3A_986 = tpu.memref_slice %arg7[%dma_wait3A_983, %dma_wait3A_984, %dma_wait3A_985] : memref<2x128x128xf32, #tpu.memory_space<vmem>> -> memref<1x128x128xf32, #tpu.memory_space<vmem>>
      %dma_wait3A_987 = tpu.memref_squeeze %dma_wait3A_986 : memref<1x128x128xf32, #tpu.memory_space<vmem>> -> memref<128x128xf32, #tpu.memory_space<vmem>>
      %dma_wait3A_988 = tpu.memref_slice %arg5[%mul3A_982] : memref<9984xi32, #tpu.memory_space<vmem>> -> memref<128xi32, #tpu.memory_space<vmem>>
      %dma_wait3A_989 = arith.constant 0 : i32
      %dma_wait3A_990 = arith.constant 0 : i32
      %dma_wait3A_991 = tpu.memref_slice %arg2[%dma_wait3A_989, %dma_wait3A_990] : memref<10000x128xf32, #tpu.memory_space<hbm>> -> memref<10000x128xf32, #tpu.memory_space<hbm>>
      tpu.wait_indirect_dma semaphore(%arg14 : memref<!tpu.dma_semaphore, #tpu.memory_space<semaphore_mem>>) src(%dma_wait3A_991 : memref<10000x128xf32, #tpu.memory_space<hbm>>) dst(%dma_wait3A_987 : memref<128x128xf32, #tpu.memory_space<vmem>>)
      %sub3A_992 = arith.constant 1 : i32
      %sub3A_993 = arith.subi %add3A_935, %sub3A_992 : i32
      %mul3A_994 = arith.constant 128 : i32
      %mul3A_995 = arith.muli %sub3A_993, %mul3A_994 : i32
      %add3A_996 = arith.addi %mul3A_2, %mul3A_995 : i32
      %dma_wait3A_997 = arith.constant 2 : i32
      %dma_wait3A_998 = arith.constant 0 : i32
      %dma_wait3A_999 = tpu.memref_slice %arg6[%dma_wait3A_997, %dma_wait3A_998] : memref<3x128xi32, #tpu.memory_space<vmem>> -> memref<1x128xi32, #tpu.memory_space<vmem>>
      %dma_wait3A_1000 = tpu.memref_squeeze %dma_wait3A_999 : memref<1x128xi32, #tpu.memory_space<vmem>> -> memref<128xi32, #tpu.memory_space<vmem>>
      %dma_wait3A_1001 = arith.constant 0 : i32
      %dma_wait3A_1002 = tpu.memref_slice %arg3[%scan3A_154, %scan3A_155, %dma_wait3A_1001] : memref<2x1x320000xi32, #tpu.memory_space<hbm>> -> memref<1x1x320000xi32, #tpu.memory_space<hbm>>
      %dma_wait3A_1003 = tpu.memref_squeeze %dma_wait3A_1002 : memref<1x1x320000xi32, #tpu.memory_space<hbm>> -> memref<320000xi32, #tpu.memory_space<hbm>>
      %dma_wait3A_1004 = tpu.memref_slice %dma_wait3A_1003[%add3A_996] : memref<320000xi32, #tpu.memory_space<hbm>> -> memref<128xi32, #tpu.memory_space<hbm>>
      %dma_wait3A_1005 = arith.constant 0 : i32
      %dma_wait3A_1006 = tpu.memref_slice %arg6[%dma_wait3A_997, %dma_wait3A_1005] : memref<3x128xi32, #tpu.memory_space<vmem>> -> memref<1x128xi32, #tpu.memory_space<vmem>>
      %dma_wait3A_1007 = tpu.memref_squeeze %dma_wait3A_1006 : memref<1x128xi32, #tpu.memory_space<vmem>> -> memref<128xi32, #tpu.memory_space<vmem>>
      %dma_wait3A_1008 = arith.constant 0 : i32
      %dma_wait3A_1009 = tpu.memref_slice %arg3[%scan3A_154, %scan3A_155, %dma_wait3A_1008] : memref<2x1x320000xi32, #tpu.memory_space<hbm>> -> memref<1x1x320000xi32, #tpu.memory_space<hbm>>
      %dma_wait3A_1010 = tpu.memref_squeeze %dma_wait3A_1009 : memref<1x1x320000xi32, #tpu.memory_space<hbm>> -> memref<320000xi32, #tpu.memory_space<hbm>>
      %dma_wait3A_1011 = tpu.memref_slice %dma_wait3A_1010[%add3A_996] : memref<320000xi32, #tpu.memory_space<hbm>> -> memref<128xi32, #tpu.memory_space<hbm>>
      tpu.wait_dma2 semaphore(%arg19 : memref<!tpu.dma_semaphore, #tpu.memory_space<semaphore_mem>>) src(%dma_wait3A_1011 : memref<128xi32, #tpu.memory_space<hbm>>) dst(%dma_wait3A_1007 : memref<128xi32, #tpu.memory_space<vmem>>)
      %dma_start3A_1012 = arith.constant 1 : i32
      %dma_start3A_1013 = arith.constant 2 : i32
      %dma_start3A_1014 = arith.constant 0 : i32
      %dma_start3A_1015 = arith.constant 0 : i32
      %dma_start3A_1016 = tpu.memref_slice %arg7[%dma_start3A_1012, %dma_start3A_1014, %dma_start3A_1015] : memref<2x128x128xf32, #tpu.memory_space<vmem>> -> memref<1x128x128xf32, #tpu.memory_space<vmem>>
      %dma_start3A_1017 = tpu.memref_squeeze %dma_start3A_1016 : memref<1x128x128xf32, #tpu.memory_space<vmem>> -> memref<128x128xf32, #tpu.memory_space<vmem>>
      %dma_start3A_1018 = arith.constant 0 : i32
      %dma_start3A_1019 = tpu.memref_slice %arg6[%dma_start3A_1013, %dma_start3A_1018] : memref<3x128xi32, #tpu.memory_space<vmem>> -> memref<1x128xi32, #tpu.memory_space<vmem>>
      %dma_start3A_1020 = tpu.memref_squeeze %dma_start3A_1019 : memref<1x128xi32, #tpu.memory_space<vmem>> -> memref<128xi32, #tpu.memory_space<vmem>>
      %dma_start3A_1021 = arith.constant 0 : i32
      %dma_start3A_1022 = arith.constant 0 : i32
      %dma_start3A_1023 = tpu.memref_slice %arg11[%dma_start3A_1021, %dma_start3A_1022] : memref<10240x128xf32, #tpu.memory_space<vmem_shared>> -> memref<10240x128xf32, #tpu.memory_space<vmem_shared>>
      tpu.enqueue_indirect_dma source(%dma_start3A_1017 : memref<128x128xf32, #tpu.memory_space<vmem>>) target(%dma_start3A_1023 : memref<10240x128xf32, #tpu.memory_space<vmem_shared>>) offsets(%dma_start3A_1020 : memref<128xi32, #tpu.memory_space<vmem>>) semaphore(%arg16 : memref<!tpu.dma_semaphore, #tpu.memory_space<semaphore_mem>>) {add = true}
      %mul3A_1024 = arith.constant 6 : i32
      %mul3A_1025 = arith.muli %mul3A_1024, %scan3A_553 : i32
      %add3A_1026 = arith.constant 2 : i32
      %add3A_1027 = arith.addi %add3A_1026, %mul3A_1025 : i32
      %add3A_1028 = arith.constant 5 : i32
      %add3A_1029 = arith.addi %add3A_1027, %add3A_1028 : i32
      %dma_wait3A_1030 = arith.constant 1 : i32
      %dma_wait3A_1031 = arith.constant 2 : i32
      %dma_wait3A_1032 = arith.constant 0 : i32
      %dma_wait3A_1033 = arith.constant 0 : i32
      %dma_wait3A_1034 = tpu.memref_slice %arg7[%dma_wait3A_1030, %dma_wait3A_1032, %dma_wait3A_1033] : memref<2x128x128xf32, #tpu.memory_space<vmem>> -> memref<1x128x128xf32, #tpu.memory_space<vmem>>
      %dma_wait3A_1035 = tpu.memref_squeeze %dma_wait3A_1034 : memref<1x128x128xf32, #tpu.memory_space<vmem>> -> memref<128x128xf32, #tpu.memory_space<vmem>>
      %dma_wait3A_1036 = arith.constant 0 : i32
      %dma_wait3A_1037 = tpu.memref_slice %arg6[%dma_wait3A_1031, %dma_wait3A_1036] : memref<3x128xi32, #tpu.memory_space<vmem>> -> memref<1x128xi32, #tpu.memory_space<vmem>>
      %dma_wait3A_1038 = tpu.memref_squeeze %dma_wait3A_1037 : memref<1x128xi32, #tpu.memory_space<vmem>> -> memref<128xi32, #tpu.memory_space<vmem>>
      %dma_wait3A_1039 = arith.constant 0 : i32
      %dma_wait3A_1040 = arith.constant 0 : i32
      %dma_wait3A_1041 = tpu.memref_slice %arg11[%dma_wait3A_1039, %dma_wait3A_1040] : memref<10240x128xf32, #tpu.memory_space<vmem_shared>> -> memref<10240x128xf32, #tpu.memory_space<vmem_shared>>
      tpu.wait_indirect_dma semaphore(%arg16 : memref<!tpu.dma_semaphore, #tpu.memory_space<semaphore_mem>>) src(%dma_wait3A_1035 : memref<128x128xf32, #tpu.memory_space<vmem>>) dst(%dma_wait3A_1041 : memref<10240x128xf32, #tpu.memory_space<vmem_shared>>)
      %mul3A_1042 = arith.constant 128 : i32
      %mul3A_1043 = arith.muli %add3A_1029, %mul3A_1042 : i32
      %dma_start3A_1044 = arith.constant 1 : i32
      %dma_start3A_1045 = arith.constant 0 : i32
      %dma_start3A_1046 = arith.constant 0 : i32
      %dma_start3A_1047 = tpu.memref_slice %arg7[%dma_start3A_1044, %dma_start3A_1045, %dma_start3A_1046] : memref<2x128x128xf32, #tpu.memory_space<vmem>> -> memref<1x128x128xf32, #tpu.memory_space<vmem>>
      %dma_start3A_1048 = tpu.memref_squeeze %dma_start3A_1047 : memref<1x128x128xf32, #tpu.memory_space<vmem>> -> memref<128x128xf32, #tpu.memory_space<vmem>>
      %dma_start3A_1049 = tpu.memref_slice %arg5[%mul3A_1043] : memref<9984xi32, #tpu.memory_space<vmem>> -> memref<128xi32, #tpu.memory_space<vmem>>
      %dma_start3A_1050 = arith.constant 0 : i32
      %dma_start3A_1051 = arith.constant 0 : i32
      %dma_start3A_1052 = tpu.memref_slice %arg2[%dma_start3A_1050, %dma_start3A_1051] : memref<10000x128xf32, #tpu.memory_space<hbm>> -> memref<10000x128xf32, #tpu.memory_space<hbm>>
      tpu.enqueue_indirect_dma source(%dma_start3A_1052 : memref<10000x128xf32, #tpu.memory_space<hbm>>) target(%dma_start3A_1048 : memref<128x128xf32, #tpu.memory_space<vmem>>) offsets(%dma_start3A_1049 : memref<128xi32, #tpu.memory_space<vmem>>) semaphore(%arg14 : memref<!tpu.dma_semaphore, #tpu.memory_space<semaphore_mem>>)
      %add3A_1053 = arith.constant 1 : i32
      %add3A_1054 = arith.addi %add3A_1029, %add3A_1053 : i32
      %mul3A_1055 = arith.constant 128 : i32
      %mul3A_1056 = arith.muli %add3A_1054, %mul3A_1055 : i32
      %add3A_1057 = arith.addi %mul3A_2, %mul3A_1056 : i32
      %dma_start3A_1058 = arith.constant 2 : i32
      %dma_start3A_1059 = arith.constant 0 : i32
      %dma_start3A_1060 = tpu.memref_slice %arg6[%dma_start3A_1058, %dma_start3A_1059] : memref<3x128xi32, #tpu.memory_space<vmem>> -> memref<1x128xi32, #tpu.memory_space<vmem>>
      %dma_start3A_1061 = tpu.memref_squeeze %dma_start3A_1060 : memref<1x128xi32, #tpu.memory_space<vmem>> -> memref<128xi32, #tpu.memory_space<vmem>>
      %dma_start3A_1062 = arith.constant 0 : i32
      %dma_start3A_1063 = tpu.memref_slice %arg3[%scan3A_154, %scan3A_155, %dma_start3A_1062] : memref<2x1x320000xi32, #tpu.memory_space<hbm>> -> memref<1x1x320000xi32, #tpu.memory_space<hbm>>
      %dma_start3A_1064 = tpu.memref_squeeze %dma_start3A_1063 : memref<1x1x320000xi32, #tpu.memory_space<hbm>> -> memref<320000xi32, #tpu.memory_space<hbm>>
      %dma_start3A_1065 = tpu.memref_slice %dma_start3A_1064[%add3A_1057] : memref<320000xi32, #tpu.memory_space<hbm>> -> memref<128xi32, #tpu.memory_space<hbm>>
      %dma_start3A_1066 = arith.constant 0 : i32
      %dma_start3A_1067 = tpu.memref_slice %arg6[%dma_start3A_1058, %dma_start3A_1066] : memref<3x128xi32, #tpu.memory_space<vmem>> -> memref<1x128xi32, #tpu.memory_space<vmem>>
      %dma_start3A_1068 = tpu.memref_squeeze %dma_start3A_1067 : memref<1x128xi32, #tpu.memory_space<vmem>> -> memref<128xi32, #tpu.memory_space<vmem>>
      %dma_start3A_1069 = arith.constant 0 : i32
      %dma_start3A_1070 = tpu.memref_slice %arg3[%scan3A_154, %scan3A_155, %dma_start3A_1069] : memref<2x1x320000xi32, #tpu.memory_space<hbm>> -> memref<1x1x320000xi32, #tpu.memory_space<hbm>>
      %dma_start3A_1071 = tpu.memref_squeeze %dma_start3A_1070 : memref<1x1x320000xi32, #tpu.memory_space<hbm>> -> memref<320000xi32, #tpu.memory_space<hbm>>
      %dma_start3A_1072 = tpu.memref_slice %dma_start3A_1071[%add3A_1057] : memref<320000xi32, #tpu.memory_space<hbm>> -> memref<128xi32, #tpu.memory_space<hbm>>
      tpu.enqueue_dma source(%dma_start3A_1072 : memref<128xi32, #tpu.memory_space<hbm>>) target(%dma_start3A_1068 : memref<128xi32, #tpu.memory_space<vmem>>) target_semaphore(%arg19 : memref<!tpu.dma_semaphore, #tpu.memory_space<semaphore_mem>>)
      %sub3A_1073 = arith.constant 1 : i32
      %sub3A_1074 = arith.subi %add3A_1029, %sub3A_1073 : i32
      %mul3A_1075 = arith.constant 128 : i32
      %mul3A_1076 = arith.muli %sub3A_1074, %mul3A_1075 : i32
      %dma_wait3A_1077 = arith.constant 0 : i32
      %dma_wait3A_1078 = arith.constant 0 : i32
      %dma_wait3A_1079 = arith.constant 0 : i32
      %dma_wait3A_1080 = tpu.memref_slice %arg7[%dma_wait3A_1077, %dma_wait3A_1078, %dma_wait3A_1079] : memref<2x128x128xf32, #tpu.memory_space<vmem>> -> memref<1x128x128xf32, #tpu.memory_space<vmem>>
      %dma_wait3A_1081 = tpu.memref_squeeze %dma_wait3A_1080 : memref<1x128x128xf32, #tpu.memory_space<vmem>> -> memref<128x128xf32, #tpu.memory_space<vmem>>
      %dma_wait3A_1082 = tpu.memref_slice %arg5[%mul3A_1076] : memref<9984xi32, #tpu.memory_space<vmem>> -> memref<128xi32, #tpu.memory_space<vmem>>
      %dma_wait3A_1083 = arith.constant 0 : i32
      %dma_wait3A_1084 = arith.constant 0 : i32
      %dma_wait3A_1085 = tpu.memref_slice %arg2[%dma_wait3A_1083, %dma_wait3A_1084] : memref<10000x128xf32, #tpu.memory_space<hbm>> -> memref<10000x128xf32, #tpu.memory_space<hbm>>
      tpu.wait_indirect_dma semaphore(%arg13 : memref<!tpu.dma_semaphore, #tpu.memory_space<semaphore_mem>>) src(%dma_wait3A_1085 : memref<10000x128xf32, #tpu.memory_space<hbm>>) dst(%dma_wait3A_1081 : memref<128x128xf32, #tpu.memory_space<vmem>>)
      %sub3A_1086 = arith.constant 1 : i32
      %sub3A_1087 = arith.subi %add3A_1029, %sub3A_1086 : i32
      %mul3A_1088 = arith.constant 128 : i32
      %mul3A_1089 = arith.muli %sub3A_1087, %mul3A_1088 : i32
      %add3A_1090 = arith.addi %mul3A_2, %mul3A_1089 : i32
      %dma_wait3A_1091 = arith.constant 0 : i32
      %dma_wait3A_1092 = arith.constant 0 : i32
      %dma_wait3A_1093 = tpu.memref_slice %arg6[%dma_wait3A_1091, %dma_wait3A_1092] : memref<3x128xi32, #tpu.memory_space<vmem>> -> memref<1x128xi32, #tpu.memory_space<vmem>>
      %dma_wait3A_1094 = tpu.memref_squeeze %dma_wait3A_1093 : memref<1x128xi32, #tpu.memory_space<vmem>> -> memref<128xi32, #tpu.memory_space<vmem>>
      %dma_wait3A_1095 = arith.constant 0 : i32
      %dma_wait3A_1096 = tpu.memref_slice %arg3[%scan3A_154, %scan3A_155, %dma_wait3A_1095] : memref<2x1x320000xi32, #tpu.memory_space<hbm>> -> memref<1x1x320000xi32, #tpu.memory_space<hbm>>
      %dma_wait3A_1097 = tpu.memref_squeeze %dma_wait3A_1096 : memref<1x1x320000xi32, #tpu.memory_space<hbm>> -> memref<320000xi32, #tpu.memory_space<hbm>>
      %dma_wait3A_1098 = tpu.memref_slice %dma_wait3A_1097[%add3A_1090] : memref<320000xi32, #tpu.memory_space<hbm>> -> memref<128xi32, #tpu.memory_space<hbm>>
      %dma_wait3A_1099 = arith.constant 0 : i32
      %dma_wait3A_1100 = tpu.memref_slice %arg6[%dma_wait3A_1091, %dma_wait3A_1099] : memref<3x128xi32, #tpu.memory_space<vmem>> -> memref<1x128xi32, #tpu.memory_space<vmem>>
      %dma_wait3A_1101 = tpu.memref_squeeze %dma_wait3A_1100 : memref<1x128xi32, #tpu.memory_space<vmem>> -> memref<128xi32, #tpu.memory_space<vmem>>
      %dma_wait3A_1102 = arith.constant 0 : i32
      %dma_wait3A_1103 = tpu.memref_slice %arg3[%scan3A_154, %scan3A_155, %dma_wait3A_1102] : memref<2x1x320000xi32, #tpu.memory_space<hbm>> -> memref<1x1x320000xi32, #tpu.memory_space<hbm>>
      %dma_wait3A_1104 = tpu.memref_squeeze %dma_wait3A_1103 : memref<1x1x320000xi32, #tpu.memory_space<hbm>> -> memref<320000xi32, #tpu.memory_space<hbm>>
      %dma_wait3A_1105 = tpu.memref_slice %dma_wait3A_1104[%add3A_1090] : memref<320000xi32, #tpu.memory_space<hbm>> -> memref<128xi32, #tpu.memory_space<hbm>>
      tpu.wait_dma2 semaphore(%arg17 : memref<!tpu.dma_semaphore, #tpu.memory_space<semaphore_mem>>) src(%dma_wait3A_1105 : memref<128xi32, #tpu.memory_space<hbm>>) dst(%dma_wait3A_1101 : memref<128xi32, #tpu.memory_space<vmem>>)
      %dma_start3A_1106 = arith.constant 0 : i32
      %dma_start3A_1107 = arith.constant 0 : i32
      %dma_start3A_1108 = arith.constant 0 : i32
      %dma_start3A_1109 = arith.constant 0 : i32
      %dma_start3A_1110 = tpu.memref_slice %arg7[%dma_start3A_1106, %dma_start3A_1108, %dma_start3A_1109] : memref<2x128x128xf32, #tpu.memory_space<vmem>> -> memref<1x128x128xf32, #tpu.memory_space<vmem>>
      %dma_start3A_1111 = tpu.memref_squeeze %dma_start3A_1110 : memref<1x128x128xf32, #tpu.memory_space<vmem>> -> memref<128x128xf32, #tpu.memory_space<vmem>>
      %dma_start3A_1112 = arith.constant 0 : i32
      %dma_start3A_1113 = tpu.memref_slice %arg6[%dma_start3A_1107, %dma_start3A_1112] : memref<3x128xi32, #tpu.memory_space<vmem>> -> memref<1x128xi32, #tpu.memory_space<vmem>>
      %dma_start3A_1114 = tpu.memref_squeeze %dma_start3A_1113 : memref<1x128xi32, #tpu.memory_space<vmem>> -> memref<128xi32, #tpu.memory_space<vmem>>
      %dma_start3A_1115 = arith.constant 0 : i32
      %dma_start3A_1116 = arith.constant 0 : i32
      %dma_start3A_1117 = tpu.memref_slice %arg11[%dma_start3A_1115, %dma_start3A_1116] : memref<10240x128xf32, #tpu.memory_space<vmem_shared>> -> memref<10240x128xf32, #tpu.memory_space<vmem_shared>>
      tpu.enqueue_indirect_dma source(%dma_start3A_1111 : memref<128x128xf32, #tpu.memory_space<vmem>>) target(%dma_start3A_1117 : memref<10240x128xf32, #tpu.memory_space<vmem_shared>>) offsets(%dma_start3A_1114 : memref<128xi32, #tpu.memory_space<vmem>>) semaphore(%arg15 : memref<!tpu.dma_semaphore, #tpu.memory_space<semaphore_mem>>) {add = true}
      %scan3A_1118 = arith.constant 0 : i32
      scf.yield %scan3A_1118 : i32
    }
    %scan3A_162 = arith.constant 12 : i32
    %dma_wait3A_163 = arith.constant 0 : i32
    %dma_wait3A_164 = arith.constant 0 : i32
    %dma_wait3A_165 = arith.constant 0 : i32
    %dma_wait3A_166 = arith.constant 0 : i32
    %dma_wait3A_167 = tpu.memref_slice %arg7[%dma_wait3A_163, %dma_wait3A_165, %dma_wait3A_166] : memref<2x128x128xf32, #tpu.memory_space<vmem>> -> memref<1x128x128xf32, #tpu.memory_space<vmem>>
    %dma_wait3A_168 = tpu.memref_squeeze %dma_wait3A_167 : memref<1x128x128xf32, #tpu.memory_space<vmem>> -> memref<128x128xf32, #tpu.memory_space<vmem>>
    %dma_wait3A_169 = arith.constant 0 : i32
    %dma_wait3A_170 = tpu.memref_slice %arg6[%dma_wait3A_164, %dma_wait3A_169] : memref<3x128xi32, #tpu.memory_space<vmem>> -> memref<1x128xi32, #tpu.memory_space<vmem>>
    %dma_wait3A_171 = tpu.memref_squeeze %dma_wait3A_170 : memref<1x128xi32, #tpu.memory_space<vmem>> -> memref<128xi32, #tpu.memory_space<vmem>>
    %dma_wait3A_172 = arith.constant 0 : i32
    %dma_wait3A_173 = arith.constant 0 : i32
    %dma_wait3A_174 = tpu.memref_slice %arg11[%dma_wait3A_172, %dma_wait3A_173] : memref<10240x128xf32, #tpu.memory_space<vmem_shared>> -> memref<10240x128xf32, #tpu.memory_space<vmem_shared>>
    tpu.wait_indirect_dma semaphore(%arg15 : memref<!tpu.dma_semaphore, #tpu.memory_space<semaphore_mem>>) src(%dma_wait3A_168 : memref<128x128xf32, #tpu.memory_space<vmem>>) dst(%dma_wait3A_174 : memref<10240x128xf32, #tpu.memory_space<vmem_shared>>)
    %dma_start3A_175 = arith.constant 0 : i32
    %dma_start3A_176 = arith.constant 0 : i32
    %dma_start3A_177 = arith.constant 0 : i32
    %dma_start3A_178 = tpu.memref_slice %arg7[%dma_start3A_175, %dma_start3A_176, %dma_start3A_177] : memref<2x128x128xf32, #tpu.memory_space<vmem>> -> memref<1x128x128xf32, #tpu.memory_space<vmem>>
    %dma_start3A_179 = tpu.memref_squeeze %dma_start3A_178 : memref<1x128x128xf32, #tpu.memory_space<vmem>> -> memref<128x128xf32, #tpu.memory_space<vmem>>
    %dma_start3A_180 = arith.constant 9472 : i32
    %dma_start3A_181 = tpu.memref_slice %arg5[%dma_start3A_180] : memref<9984xi32, #tpu.memory_space<vmem>> -> memref<128xi32, #tpu.memory_space<vmem>>
    %dma_start3A_182 = arith.constant 0 : i32
    %dma_start3A_183 = arith.constant 0 : i32
    %dma_start3A_184 = tpu.memref_slice %arg2[%dma_start3A_182, %dma_start3A_183] : memref<10000x128xf32, #tpu.memory_space<hbm>> -> memref<10000x128xf32, #tpu.memory_space<hbm>>
    tpu.enqueue_indirect_dma source(%dma_start3A_184 : memref<10000x128xf32, #tpu.memory_space<hbm>>) target(%dma_start3A_179 : memref<128x128xf32, #tpu.memory_space<vmem>>) offsets(%dma_start3A_181 : memref<128xi32, #tpu.memory_space<vmem>>) semaphore(%arg13 : memref<!tpu.dma_semaphore, #tpu.memory_space<semaphore_mem>>)
    %add3A_185 = arith.constant 9600 : i32
    %add3A_186 = arith.addi %mul3A_2, %add3A_185 : i32
    %dma_start3A_187 = arith.constant 1 : i32
    %dma_start3A_188 = arith.constant 0 : i32
    %dma_start3A_189 = arith.constant 0 : i32
    %dma_start3A_190 = arith.constant 0 : i32
    %dma_start3A_191 = tpu.memref_slice %arg6[%dma_start3A_189, %dma_start3A_190] : memref<3x128xi32, #tpu.memory_space<vmem>> -> memref<1x128xi32, #tpu.memory_space<vmem>>
    %dma_start3A_192 = tpu.memref_squeeze %dma_start3A_191 : memref<1x128xi32, #tpu.memory_space<vmem>> -> memref<128xi32, #tpu.memory_space<vmem>>
    %dma_start3A_193 = arith.constant 0 : i32
    %dma_start3A_194 = tpu.memref_slice %arg3[%dma_start3A_187, %dma_start3A_188, %dma_start3A_193] : memref<2x1x320000xi32, #tpu.memory_space<hbm>> -> memref<1x1x320000xi32, #tpu.memory_space<hbm>>
    %dma_start3A_195 = tpu.memref_squeeze %dma_start3A_194 : memref<1x1x320000xi32, #tpu.memory_space<hbm>> -> memref<320000xi32, #tpu.memory_space<hbm>>
    %dma_start3A_196 = tpu.memref_slice %dma_start3A_195[%add3A_186] : memref<320000xi32, #tpu.memory_space<hbm>> -> memref<128xi32, #tpu.memory_space<hbm>>
    %dma_start3A_197 = arith.constant 0 : i32
    %dma_start3A_198 = tpu.memref_slice %arg6[%dma_start3A_189, %dma_start3A_197] : memref<3x128xi32, #tpu.memory_space<vmem>> -> memref<1x128xi32, #tpu.memory_space<vmem>>
    %dma_start3A_199 = tpu.memref_squeeze %dma_start3A_198 : memref<1x128xi32, #tpu.memory_space<vmem>> -> memref<128xi32, #tpu.memory_space<vmem>>
    %dma_start3A_200 = arith.constant 0 : i32
    %dma_start3A_201 = tpu.memref_slice %arg3[%dma_start3A_187, %dma_start3A_188, %dma_start3A_200] : memref<2x1x320000xi32, #tpu.memory_space<hbm>> -> memref<1x1x320000xi32, #tpu.memory_space<hbm>>
    %dma_start3A_202 = tpu.memref_squeeze %dma_start3A_201 : memref<1x1x320000xi32, #tpu.memory_space<hbm>> -> memref<320000xi32, #tpu.memory_space<hbm>>
    %dma_start3A_203 = tpu.memref_slice %dma_start3A_202[%add3A_186] : memref<320000xi32, #tpu.memory_space<hbm>> -> memref<128xi32, #tpu.memory_space<hbm>>
    tpu.enqueue_dma source(%dma_start3A_203 : memref<128xi32, #tpu.memory_space<hbm>>) target(%dma_start3A_199 : memref<128xi32, #tpu.memory_space<vmem>>) target_semaphore(%arg17 : memref<!tpu.dma_semaphore, #tpu.memory_space<semaphore_mem>>)
    %dma_wait3A_204 = arith.constant 1 : i32
    %dma_wait3A_205 = arith.constant 0 : i32
    %dma_wait3A_206 = arith.constant 0 : i32
    %dma_wait3A_207 = tpu.memref_slice %arg7[%dma_wait3A_204, %dma_wait3A_205, %dma_wait3A_206] : memref<2x128x128xf32, #tpu.memory_space<vmem>> -> memref<1x128x128xf32, #tpu.memory_space<vmem>>
    %dma_wait3A_208 = tpu.memref_squeeze %dma_wait3A_207 : memref<1x128x128xf32, #tpu.memory_space<vmem>> -> memref<128x128xf32, #tpu.memory_space<vmem>>
    %dma_wait3A_209 = arith.constant 9344 : i32
    %dma_wait3A_210 = tpu.memref_slice %arg5[%dma_wait3A_209] : memref<9984xi32, #tpu.memory_space<vmem>> -> memref<128xi32, #tpu.memory_space<vmem>>
    %dma_wait3A_211 = arith.constant 0 : i32
    %dma_wait3A_212 = arith.constant 0 : i32
    %dma_wait3A_213 = tpu.memref_slice %arg2[%dma_wait3A_211, %dma_wait3A_212] : memref<10000x128xf32, #tpu.memory_space<hbm>> -> memref<10000x128xf32, #tpu.memory_space<hbm>>
    tpu.wait_indirect_dma semaphore(%arg14 : memref<!tpu.dma_semaphore, #tpu.memory_space<semaphore_mem>>) src(%dma_wait3A_213 : memref<10000x128xf32, #tpu.memory_space<hbm>>) dst(%dma_wait3A_208 : memref<128x128xf32, #tpu.memory_space<vmem>>)
    %add3A_214 = arith.constant 9344 : i32
    %add3A_215 = arith.addi %mul3A_2, %add3A_214 : i32
    %dma_wait3A_216 = arith.constant 1 : i32
    %dma_wait3A_217 = arith.constant 0 : i32
    %dma_wait3A_218 = arith.constant 1 : i32
    %dma_wait3A_219 = arith.constant 0 : i32
    %dma_wait3A_220 = tpu.memref_slice %arg6[%dma_wait3A_218, %dma_wait3A_219] : memref<3x128xi32, #tpu.memory_space<vmem>> -> memref<1x128xi32, #tpu.memory_space<vmem>>
    %dma_wait3A_221 = tpu.memref_squeeze %dma_wait3A_220 : memref<1x128xi32, #tpu.memory_space<vmem>> -> memref<128xi32, #tpu.memory_space<vmem>>
    %dma_wait3A_222 = arith.constant 0 : i32
    %dma_wait3A_223 = tpu.memref_slice %arg3[%dma_wait3A_216, %dma_wait3A_217, %dma_wait3A_222] : memref<2x1x320000xi32, #tpu.memory_space<hbm>> -> memref<1x1x320000xi32, #tpu.memory_space<hbm>>
    %dma_wait3A_224 = tpu.memref_squeeze %dma_wait3A_223 : memref<1x1x320000xi32, #tpu.memory_space<hbm>> -> memref<320000xi32, #tpu.memory_space<hbm>>
    %dma_wait3A_225 = tpu.memref_slice %dma_wait3A_224[%add3A_215] : memref<320000xi32, #tpu.memory_space<hbm>> -> memref<128xi32, #tpu.memory_space<hbm>>
    %dma_wait3A_226 = arith.constant 0 : i32
    %dma_wait3A_227 = tpu.memref_slice %arg6[%dma_wait3A_218, %dma_wait3A_226] : memref<3x128xi32, #tpu.memory_space<vmem>> -> memref<1x128xi32, #tpu.memory_space<vmem>>
    %dma_wait3A_228 = tpu.memref_squeeze %dma_wait3A_227 : memref<1x128xi32, #tpu.memory_space<vmem>> -> memref<128xi32, #tpu.memory_space<vmem>>
    %dma_wait3A_229 = arith.constant 0 : i32
    %dma_wait3A_230 = tpu.memref_slice %arg3[%dma_wait3A_216, %dma_wait3A_217, %dma_wait3A_229] : memref<2x1x320000xi32, #tpu.memory_space<hbm>> -> memref<1x1x320000xi32, #tpu.memory_space<hbm>>
    %dma_wait3A_231 = tpu.memref_squeeze %dma_wait3A_230 : memref<1x1x320000xi32, #tpu.memory_space<hbm>> -> memref<320000xi32, #tpu.memory_space<hbm>>
    %dma_wait3A_232 = tpu.memref_slice %dma_wait3A_231[%add3A_215] : memref<320000xi32, #tpu.memory_space<hbm>> -> memref<128xi32, #tpu.memory_space<hbm>>
    tpu.wait_dma2 semaphore(%arg18 : memref<!tpu.dma_semaphore, #tpu.memory_space<semaphore_mem>>) src(%dma_wait3A_232 : memref<128xi32, #tpu.memory_space<hbm>>) dst(%dma_wait3A_228 : memref<128xi32, #tpu.memory_space<vmem>>)
    %dma_start3A_233 = arith.constant 1 : i32
    %dma_start3A_234 = arith.constant 1 : i32
    %dma_start3A_235 = arith.constant 0 : i32
    %dma_start3A_236 = arith.constant 0 : i32
    %dma_start3A_237 = tpu.memref_slice %arg7[%dma_start3A_233, %dma_start3A_235, %dma_start3A_236] : memref<2x128x128xf32, #tpu.memory_space<vmem>> -> memref<1x128x128xf32, #tpu.memory_space<vmem>>
    %dma_start3A_238 = tpu.memref_squeeze %dma_start3A_237 : memref<1x128x128xf32, #tpu.memory_space<vmem>> -> memref<128x128xf32, #tpu.memory_space<vmem>>
    %dma_start3A_239 = arith.constant 0 : i32
    %dma_start3A_240 = tpu.memref_slice %arg6[%dma_start3A_234, %dma_start3A_239] : memref<3x128xi32, #tpu.memory_space<vmem>> -> memref<1x128xi32, #tpu.memory_space<vmem>>
    %dma_start3A_241 = tpu.memref_squeeze %dma_start3A_240 : memref<1x128xi32, #tpu.memory_space<vmem>> -> memref<128xi32, #tpu.memory_space<vmem>>
    %dma_start3A_242 = arith.constant 0 : i32
    %dma_start3A_243 = arith.constant 0 : i32
    %dma_start3A_244 = tpu.memref_slice %arg11[%dma_start3A_242, %dma_start3A_243] : memref<10240x128xf32, #tpu.memory_space<vmem_shared>> -> memref<10240x128xf32, #tpu.memory_space<vmem_shared>>
    tpu.enqueue_indirect_dma source(%dma_start3A_238 : memref<128x128xf32, #tpu.memory_space<vmem>>) target(%dma_start3A_244 : memref<10240x128xf32, #tpu.memory_space<vmem_shared>>) offsets(%dma_start3A_241 : memref<128xi32, #tpu.memory_space<vmem>>) semaphore(%arg16 : memref<!tpu.dma_semaphore, #tpu.memory_space<semaphore_mem>>) {add = true}
    %dma_wait3A_245 = arith.constant 1 : i32
    %dma_wait3A_246 = arith.constant 1 : i32
    %dma_wait3A_247 = arith.constant 0 : i32
    %dma_wait3A_248 = arith.constant 0 : i32
    %dma_wait3A_249 = tpu.memref_slice %arg7[%dma_wait3A_245, %dma_wait3A_247, %dma_wait3A_248] : memref<2x128x128xf32, #tpu.memory_space<vmem>> -> memref<1x128x128xf32, #tpu.memory_space<vmem>>
    %dma_wait3A_250 = tpu.memref_squeeze %dma_wait3A_249 : memref<1x128x128xf32, #tpu.memory_space<vmem>> -> memref<128x128xf32, #tpu.memory_space<vmem>>
    %dma_wait3A_251 = arith.constant 0 : i32
    %dma_wait3A_252 = tpu.memref_slice %arg6[%dma_wait3A_246, %dma_wait3A_251] : memref<3x128xi32, #tpu.memory_space<vmem>> -> memref<1x128xi32, #tpu.memory_space<vmem>>
    %dma_wait3A_253 = tpu.memref_squeeze %dma_wait3A_252 : memref<1x128xi32, #tpu.memory_space<vmem>> -> memref<128xi32, #tpu.memory_space<vmem>>
    %dma_wait3A_254 = arith.constant 0 : i32
    %dma_wait3A_255 = arith.constant 0 : i32
    %dma_wait3A_256 = tpu.memref_slice %arg11[%dma_wait3A_254, %dma_wait3A_255] : memref<10240x128xf32, #tpu.memory_space<vmem_shared>> -> memref<10240x128xf32, #tpu.memory_space<vmem_shared>>
    tpu.wait_indirect_dma semaphore(%arg16 : memref<!tpu.dma_semaphore, #tpu.memory_space<semaphore_mem>>) src(%dma_wait3A_250 : memref<128x128xf32, #tpu.memory_space<vmem>>) dst(%dma_wait3A_256 : memref<10240x128xf32, #tpu.memory_space<vmem_shared>>)
    %dma_start3A_257 = arith.constant 1 : i32
    %dma_start3A_258 = arith.constant 0 : i32
    %dma_start3A_259 = arith.constant 0 : i32
    %dma_start3A_260 = tpu.memref_slice %arg7[%dma_start3A_257, %dma_start3A_258, %dma_start3A_259] : memref<2x128x128xf32, #tpu.memory_space<vmem>> -> memref<1x128x128xf32, #tpu.memory_space<vmem>>
    %dma_start3A_261 = tpu.memref_squeeze %dma_start3A_260 : memref<1x128x128xf32, #tpu.memory_space<vmem>> -> memref<128x128xf32, #tpu.memory_space<vmem>>
    %dma_start3A_262 = arith.constant 9600 : i32
    %dma_start3A_263 = tpu.memref_slice %arg5[%dma_start3A_262] : memref<9984xi32, #tpu.memory_space<vmem>> -> memref<128xi32, #tpu.memory_space<vmem>>
    %dma_start3A_264 = arith.constant 0 : i32
    %dma_start3A_265 = arith.constant 0 : i32
    %dma_start3A_266 = tpu.memref_slice %arg2[%dma_start3A_264, %dma_start3A_265] : memref<10000x128xf32, #tpu.memory_space<hbm>> -> memref<10000x128xf32, #tpu.memory_space<hbm>>
    tpu.enqueue_indirect_dma source(%dma_start3A_266 : memref<10000x128xf32, #tpu.memory_space<hbm>>) target(%dma_start3A_261 : memref<128x128xf32, #tpu.memory_space<vmem>>) offsets(%dma_start3A_263 : memref<128xi32, #tpu.memory_space<vmem>>) semaphore(%arg14 : memref<!tpu.dma_semaphore, #tpu.memory_space<semaphore_mem>>)
    %add3A_267 = arith.constant 9728 : i32
    %add3A_268 = arith.addi %mul3A_2, %add3A_267 : i32
    %dma_start3A_269 = arith.constant 1 : i32
    %dma_start3A_270 = arith.constant 0 : i32
    %dma_start3A_271 = arith.constant 1 : i32
    %dma_start3A_272 = arith.constant 0 : i32
    %dma_start3A_273 = tpu.memref_slice %arg6[%dma_start3A_271, %dma_start3A_272] : memref<3x128xi32, #tpu.memory_space<vmem>> -> memref<1x128xi32, #tpu.memory_space<vmem>>
    %dma_start3A_274 = tpu.memref_squeeze %dma_start3A_273 : memref<1x128xi32, #tpu.memory_space<vmem>> -> memref<128xi32, #tpu.memory_space<vmem>>
    %dma_start3A_275 = arith.constant 0 : i32
    %dma_start3A_276 = tpu.memref_slice %arg3[%dma_start3A_269, %dma_start3A_270, %dma_start3A_275] : memref<2x1x320000xi32, #tpu.memory_space<hbm>> -> memref<1x1x320000xi32, #tpu.memory_space<hbm>>
    %dma_start3A_277 = tpu.memref_squeeze %dma_start3A_276 : memref<1x1x320000xi32, #tpu.memory_space<hbm>> -> memref<320000xi32, #tpu.memory_space<hbm>>
    %dma_start3A_278 = tpu.memref_slice %dma_start3A_277[%add3A_268] : memref<320000xi32, #tpu.memory_space<hbm>> -> memref<128xi32, #tpu.memory_space<hbm>>
    %dma_start3A_279 = arith.constant 0 : i32
    %dma_start3A_280 = tpu.memref_slice %arg6[%dma_start3A_271, %dma_start3A_279] : memref<3x128xi32, #tpu.memory_space<vmem>> -> memref<1x128xi32, #tpu.memory_space<vmem>>
    %dma_start3A_281 = tpu.memref_squeeze %dma_start3A_280 : memref<1x128xi32, #tpu.memory_space<vmem>> -> memref<128xi32, #tpu.memory_space<vmem>>
    %dma_start3A_282 = arith.constant 0 : i32
    %dma_start3A_283 = tpu.memref_slice %arg3[%dma_start3A_269, %dma_start3A_270, %dma_start3A_282] : memref<2x1x320000xi32, #tpu.memory_space<hbm>> -> memref<1x1x320000xi32, #tpu.memory_space<hbm>>
    %dma_start3A_284 = tpu.memref_squeeze %dma_start3A_283 : memref<1x1x320000xi32, #tpu.memory_space<hbm>> -> memref<320000xi32, #tpu.memory_space<hbm>>
    %dma_start3A_285 = tpu.memref_slice %dma_start3A_284[%add3A_268] : memref<320000xi32, #tpu.memory_space<hbm>> -> memref<128xi32, #tpu.memory_space<hbm>>
    tpu.enqueue_dma source(%dma_start3A_285 : memref<128xi32, #tpu.memory_space<hbm>>) target(%dma_start3A_281 : memref<128xi32, #tpu.memory_space<vmem>>) target_semaphore(%arg18 : memref<!tpu.dma_semaphore, #tpu.memory_space<semaphore_mem>>)
    %dma_wait3A_286 = arith.constant 0 : i32
    %dma_wait3A_287 = arith.constant 0 : i32
    %dma_wait3A_288 = arith.constant 0 : i32
    %dma_wait3A_289 = tpu.memref_slice %arg7[%dma_wait3A_286, %dma_wait3A_287, %dma_wait3A_288] : memref<2x128x128xf32, #tpu.memory_space<vmem>> -> memref<1x128x128xf32, #tpu.memory_space<vmem>>
    %dma_wait3A_290 = tpu.memref_squeeze %dma_wait3A_289 : memref<1x128x128xf32, #tpu.memory_space<vmem>> -> memref<128x128xf32, #tpu.memory_space<vmem>>
    %dma_wait3A_291 = arith.constant 9472 : i32
    %dma_wait3A_292 = tpu.memref_slice %arg5[%dma_wait3A_291] : memref<9984xi32, #tpu.memory_space<vmem>> -> memref<128xi32, #tpu.memory_space<vmem>>
    %dma_wait3A_293 = arith.constant 0 : i32
    %dma_wait3A_294 = arith.constant 0 : i32
    %dma_wait3A_295 = tpu.memref_slice %arg2[%dma_wait3A_293, %dma_wait3A_294] : memref<10000x128xf32, #tpu.memory_space<hbm>> -> memref<10000x128xf32, #tpu.memory_space<hbm>>
    tpu.wait_indirect_dma semaphore(%arg13 : memref<!tpu.dma_semaphore, #tpu.memory_space<semaphore_mem>>) src(%dma_wait3A_295 : memref<10000x128xf32, #tpu.memory_space<hbm>>) dst(%dma_wait3A_290 : memref<128x128xf32, #tpu.memory_space<vmem>>)
    %add3A_296 = arith.constant 9472 : i32
    %add3A_297 = arith.addi %mul3A_2, %add3A_296 : i32
    %dma_wait3A_298 = arith.constant 1 : i32
    %dma_wait3A_299 = arith.constant 0 : i32
    %dma_wait3A_300 = arith.constant 2 : i32
    %dma_wait3A_301 = arith.constant 0 : i32
    %dma_wait3A_302 = tpu.memref_slice %arg6[%dma_wait3A_300, %dma_wait3A_301] : memref<3x128xi32, #tpu.memory_space<vmem>> -> memref<1x128xi32, #tpu.memory_space<vmem>>
    %dma_wait3A_303 = tpu.memref_squeeze %dma_wait3A_302 : memref<1x128xi32, #tpu.memory_space<vmem>> -> memref<128xi32, #tpu.memory_space<vmem>>
    %dma_wait3A_304 = arith.constant 0 : i32
    %dma_wait3A_305 = tpu.memref_slice %arg3[%dma_wait3A_298, %dma_wait3A_299, %dma_wait3A_304] : memref<2x1x320000xi32, #tpu.memory_space<hbm>> -> memref<1x1x320000xi32, #tpu.memory_space<hbm>>
    %dma_wait3A_306 = tpu.memref_squeeze %dma_wait3A_305 : memref<1x1x320000xi32, #tpu.memory_space<hbm>> -> memref<320000xi32, #tpu.memory_space<hbm>>
    %dma_wait3A_307 = tpu.memref_slice %dma_wait3A_306[%add3A_297] : memref<320000xi32, #tpu.memory_space<hbm>> -> memref<128xi32, #tpu.memory_space<hbm>>
    %dma_wait3A_308 = arith.constant 0 : i32
    %dma_wait3A_309 = tpu.memref_slice %arg6[%dma_wait3A_300, %dma_wait3A_308] : memref<3x128xi32, #tpu.memory_space<vmem>> -> memref<1x128xi32, #tpu.memory_space<vmem>>
    %dma_wait3A_310 = tpu.memref_squeeze %dma_wait3A_309 : memref<1x128xi32, #tpu.memory_space<vmem>> -> memref<128xi32, #tpu.memory_space<vmem>>
    %dma_wait3A_311 = arith.constant 0 : i32
    %dma_wait3A_312 = tpu.memref_slice %arg3[%dma_wait3A_298, %dma_wait3A_299, %dma_wait3A_311] : memref<2x1x320000xi32, #tpu.memory_space<hbm>> -> memref<1x1x320000xi32, #tpu.memory_space<hbm>>
    %dma_wait3A_313 = tpu.memref_squeeze %dma_wait3A_312 : memref<1x1x320000xi32, #tpu.memory_space<hbm>> -> memref<320000xi32, #tpu.memory_space<hbm>>
    %dma_wait3A_314 = tpu.memref_slice %dma_wait3A_313[%add3A_297] : memref<320000xi32, #tpu.memory_space<hbm>> -> memref<128xi32, #tpu.memory_space<hbm>>
    tpu.wait_dma2 semaphore(%arg19 : memref<!tpu.dma_semaphore, #tpu.memory_space<semaphore_mem>>) src(%dma_wait3A_314 : memref<128xi32, #tpu.memory_space<hbm>>) dst(%dma_wait3A_310 : memref<128xi32, #tpu.memory_space<vmem>>)
    %dma_start3A_315 = arith.constant 0 : i32
    %dma_start3A_316 = arith.constant 2 : i32
    %dma_start3A_317 = arith.constant 0 : i32
    %dma_start3A_318 = arith.constant 0 : i32
    %dma_start3A_319 = tpu.memref_slice %arg7[%dma_start3A_315, %dma_start3A_317, %dma_start3A_318] : memref<2x128x128xf32, #tpu.memory_space<vmem>> -> memref<1x128x128xf32, #tpu.memory_space<vmem>>
    %dma_start3A_320 = tpu.memref_squeeze %dma_start3A_319 : memref<1x128x128xf32, #tpu.memory_space<vmem>> -> memref<128x128xf32, #tpu.memory_space<vmem>>
    %dma_start3A_321 = arith.constant 0 : i32
    %dma_start3A_322 = tpu.memref_slice %arg6[%dma_start3A_316, %dma_start3A_321] : memref<3x128xi32, #tpu.memory_space<vmem>> -> memref<1x128xi32, #tpu.memory_space<vmem>>
    %dma_start3A_323 = tpu.memref_squeeze %dma_start3A_322 : memref<1x128xi32, #tpu.memory_space<vmem>> -> memref<128xi32, #tpu.memory_space<vmem>>
    %dma_start3A_324 = arith.constant 0 : i32
    %dma_start3A_325 = arith.constant 0 : i32
    %dma_start3A_326 = tpu.memref_slice %arg11[%dma_start3A_324, %dma_start3A_325] : memref<10240x128xf32, #tpu.memory_space<vmem_shared>> -> memref<10240x128xf32, #tpu.memory_space<vmem_shared>>
    tpu.enqueue_indirect_dma source(%dma_start3A_320 : memref<128x128xf32, #tpu.memory_space<vmem>>) target(%dma_start3A_326 : memref<10240x128xf32, #tpu.memory_space<vmem_shared>>) offsets(%dma_start3A_323 : memref<128xi32, #tpu.memory_space<vmem>>) semaphore(%arg15 : memref<!tpu.dma_semaphore, #tpu.memory_space<semaphore_mem>>) {add = true}
    %dma_wait3A_327 = arith.constant 0 : i32
    %dma_wait3A_328 = arith.constant 2 : i32
    %dma_wait3A_329 = arith.constant 0 : i32
    %dma_wait3A_330 = arith.constant 0 : i32
    %dma_wait3A_331 = tpu.memref_slice %arg7[%dma_wait3A_327, %dma_wait3A_329, %dma_wait3A_330] : memref<2x128x128xf32, #tpu.memory_space<vmem>> -> memref<1x128x128xf32, #tpu.memory_space<vmem>>
    %dma_wait3A_332 = tpu.memref_squeeze %dma_wait3A_331 : memref<1x128x128xf32, #tpu.memory_space<vmem>> -> memref<128x128xf32, #tpu.memory_space<vmem>>
    %dma_wait3A_333 = arith.constant 0 : i32
    %dma_wait3A_334 = tpu.memref_slice %arg6[%dma_wait3A_328, %dma_wait3A_333] : memref<3x128xi32, #tpu.memory_space<vmem>> -> memref<1x128xi32, #tpu.memory_space<vmem>>
    %dma_wait3A_335 = tpu.memref_squeeze %dma_wait3A_334 : memref<1x128xi32, #tpu.memory_space<vmem>> -> memref<128xi32, #tpu.memory_space<vmem>>
    %dma_wait3A_336 = arith.constant 0 : i32
    %dma_wait3A_337 = arith.constant 0 : i32
    %dma_wait3A_338 = tpu.memref_slice %arg11[%dma_wait3A_336, %dma_wait3A_337] : memref<10240x128xf32, #tpu.memory_space<vmem_shared>> -> memref<10240x128xf32, #tpu.memory_space<vmem_shared>>
    tpu.wait_indirect_dma semaphore(%arg15 : memref<!tpu.dma_semaphore, #tpu.memory_space<semaphore_mem>>) src(%dma_wait3A_332 : memref<128x128xf32, #tpu.memory_space<vmem>>) dst(%dma_wait3A_338 : memref<10240x128xf32, #tpu.memory_space<vmem_shared>>)
    %dma_start3A_339 = arith.constant 0 : i32
    %dma_start3A_340 = arith.constant 0 : i32
    %dma_start3A_341 = arith.constant 0 : i32
    %dma_start3A_342 = tpu.memref_slice %arg7[%dma_start3A_339, %dma_start3A_340, %dma_start3A_341] : memref<2x128x128xf32, #tpu.memory_space<vmem>> -> memref<1x128x128xf32, #tpu.memory_space<vmem>>
    %dma_start3A_343 = tpu.memref_squeeze %dma_start3A_342 : memref<1x128x128xf32, #tpu.memory_space<vmem>> -> memref<128x128xf32, #tpu.memory_space<vmem>>
    %dma_start3A_344 = arith.constant 9728 : i32
    %dma_start3A_345 = tpu.memref_slice %arg5[%dma_start3A_344] : memref<9984xi32, #tpu.memory_space<vmem>> -> memref<128xi32, #tpu.memory_space<vmem>>
    %dma_start3A_346 = arith.constant 0 : i32
    %dma_start3A_347 = arith.constant 0 : i32
    %dma_start3A_348 = tpu.memref_slice %arg2[%dma_start3A_346, %dma_start3A_347] : memref<10000x128xf32, #tpu.memory_space<hbm>> -> memref<10000x128xf32, #tpu.memory_space<hbm>>
    tpu.enqueue_indirect_dma source(%dma_start3A_348 : memref<10000x128xf32, #tpu.memory_space<hbm>>) target(%dma_start3A_343 : memref<128x128xf32, #tpu.memory_space<vmem>>) offsets(%dma_start3A_345 : memref<128xi32, #tpu.memory_space<vmem>>) semaphore(%arg13 : memref<!tpu.dma_semaphore, #tpu.memory_space<semaphore_mem>>)
    %add3A_349 = arith.constant 9856 : i32
    %add3A_350 = arith.addi %mul3A_2, %add3A_349 : i32
    %dma_start3A_351 = arith.constant 1 : i32
    %dma_start3A_352 = arith.constant 0 : i32
    %dma_start3A_353 = arith.constant 2 : i32
    %dma_start3A_354 = arith.constant 0 : i32
    %dma_start3A_355 = tpu.memref_slice %arg6[%dma_start3A_353, %dma_start3A_354] : memref<3x128xi32, #tpu.memory_space<vmem>> -> memref<1x128xi32, #tpu.memory_space<vmem>>
    %dma_start3A_356 = tpu.memref_squeeze %dma_start3A_355 : memref<1x128xi32, #tpu.memory_space<vmem>> -> memref<128xi32, #tpu.memory_space<vmem>>
    %dma_start3A_357 = arith.constant 0 : i32
    %dma_start3A_358 = tpu.memref_slice %arg3[%dma_start3A_351, %dma_start3A_352, %dma_start3A_357] : memref<2x1x320000xi32, #tpu.memory_space<hbm>> -> memref<1x1x320000xi32, #tpu.memory_space<hbm>>
    %dma_start3A_359 = tpu.memref_squeeze %dma_start3A_358 : memref<1x1x320000xi32, #tpu.memory_space<hbm>> -> memref<320000xi32, #tpu.memory_space<hbm>>
    %dma_start3A_360 = tpu.memref_slice %dma_start3A_359[%add3A_350] : memref<320000xi32, #tpu.memory_space<hbm>> -> memref<128xi32, #tpu.memory_space<hbm>>
    %dma_start3A_361 = arith.constant 0 : i32
    %dma_start3A_362 = tpu.memref_slice %arg6[%dma_start3A_353, %dma_start3A_361] : memref<3x128xi32, #tpu.memory_space<vmem>> -> memref<1x128xi32, #tpu.memory_space<vmem>>
    %dma_start3A_363 = tpu.memref_squeeze %dma_start3A_362 : memref<1x128xi32, #tpu.memory_space<vmem>> -> memref<128xi32, #tpu.memory_space<vmem>>
    %dma_start3A_364 = arith.constant 0 : i32
    %dma_start3A_365 = tpu.memref_slice %arg3[%dma_start3A_351, %dma_start3A_352, %dma_start3A_364] : memref<2x1x320000xi32, #tpu.memory_space<hbm>> -> memref<1x1x320000xi32, #tpu.memory_space<hbm>>
    %dma_start3A_366 = tpu.memref_squeeze %dma_start3A_365 : memref<1x1x320000xi32, #tpu.memory_space<hbm>> -> memref<320000xi32, #tpu.memory_space<hbm>>
    %dma_start3A_367 = tpu.memref_slice %dma_start3A_366[%add3A_350] : memref<320000xi32, #tpu.memory_space<hbm>> -> memref<128xi32, #tpu.memory_space<hbm>>
    tpu.enqueue_dma source(%dma_start3A_367 : memref<128xi32, #tpu.memory_space<hbm>>) target(%dma_start3A_363 : memref<128xi32, #tpu.memory_space<vmem>>) target_semaphore(%arg19 : memref<!tpu.dma_semaphore, #tpu.memory_space<semaphore_mem>>)
    %dma_wait3A_368 = arith.constant 1 : i32
    %dma_wait3A_369 = arith.constant 0 : i32
    %dma_wait3A_370 = arith.constant 0 : i32
    %dma_wait3A_371 = tpu.memref_slice %arg7[%dma_wait3A_368, %dma_wait3A_369, %dma_wait3A_370] : memref<2x128x128xf32, #tpu.memory_space<vmem>> -> memref<1x128x128xf32, #tpu.memory_space<vmem>>
    %dma_wait3A_372 = tpu.memref_squeeze %dma_wait3A_371 : memref<1x128x128xf32, #tpu.memory_space<vmem>> -> memref<128x128xf32, #tpu.memory_space<vmem>>
    %dma_wait3A_373 = arith.constant 9600 : i32
    %dma_wait3A_374 = tpu.memref_slice %arg5[%dma_wait3A_373] : memref<9984xi32, #tpu.memory_space<vmem>> -> memref<128xi32, #tpu.memory_space<vmem>>
    %dma_wait3A_375 = arith.constant 0 : i32
    %dma_wait3A_376 = arith.constant 0 : i32
    %dma_wait3A_377 = tpu.memref_slice %arg2[%dma_wait3A_375, %dma_wait3A_376] : memref<10000x128xf32, #tpu.memory_space<hbm>> -> memref<10000x128xf32, #tpu.memory_space<hbm>>
    tpu.wait_indirect_dma semaphore(%arg14 : memref<!tpu.dma_semaphore, #tpu.memory_space<semaphore_mem>>) src(%dma_wait3A_377 : memref<10000x128xf32, #tpu.memory_space<hbm>>) dst(%dma_wait3A_372 : memref<128x128xf32, #tpu.memory_space<vmem>>)
    %add3A_378 = arith.constant 9600 : i32
    %add3A_379 = arith.addi %mul3A_2, %add3A_378 : i32
    %dma_wait3A_380 = arith.constant 1 : i32
    %dma_wait3A_381 = arith.constant 0 : i32
    %dma_wait3A_382 = arith.constant 0 : i32
    %dma_wait3A_383 = arith.constant 0 : i32
    %dma_wait3A_384 = tpu.memref_slice %arg6[%dma_wait3A_382, %dma_wait3A_383] : memref<3x128xi32, #tpu.memory_space<vmem>> -> memref<1x128xi32, #tpu.memory_space<vmem>>
    %dma_wait3A_385 = tpu.memref_squeeze %dma_wait3A_384 : memref<1x128xi32, #tpu.memory_space<vmem>> -> memref<128xi32, #tpu.memory_space<vmem>>
    %dma_wait3A_386 = arith.constant 0 : i32
    %dma_wait3A_387 = tpu.memref_slice %arg3[%dma_wait3A_380, %dma_wait3A_381, %dma_wait3A_386] : memref<2x1x320000xi32, #tpu.memory_space<hbm>> -> memref<1x1x320000xi32, #tpu.memory_space<hbm>>
    %dma_wait3A_388 = tpu.memref_squeeze %dma_wait3A_387 : memref<1x1x320000xi32, #tpu.memory_space<hbm>> -> memref<320000xi32, #tpu.memory_space<hbm>>
    %dma_wait3A_389 = tpu.memref_slice %dma_wait3A_388[%add3A_379] : memref<320000xi32, #tpu.memory_space<hbm>> -> memref<128xi32, #tpu.memory_space<hbm>>
    %dma_wait3A_390 = arith.constant 0 : i32
    %dma_wait3A_391 = tpu.memref_slice %arg6[%dma_wait3A_382, %dma_wait3A_390] : memref<3x128xi32, #tpu.memory_space<vmem>> -> memref<1x128xi32, #tpu.memory_space<vmem>>
    %dma_wait3A_392 = tpu.memref_squeeze %dma_wait3A_391 : memref<1x128xi32, #tpu.memory_space<vmem>> -> memref<128xi32, #tpu.memory_space<vmem>>
    %dma_wait3A_393 = arith.constant 0 : i32
    %dma_wait3A_394 = tpu.memref_slice %arg3[%dma_wait3A_380, %dma_wait3A_381, %dma_wait3A_393] : memref<2x1x320000xi32, #tpu.memory_space<hbm>> -> memref<1x1x320000xi32, #tpu.memory_space<hbm>>
    %dma_wait3A_395 = tpu.memref_squeeze %dma_wait3A_394 : memref<1x1x320000xi32, #tpu.memory_space<hbm>> -> memref<320000xi32, #tpu.memory_space<hbm>>
    %dma_wait3A_396 = tpu.memref_slice %dma_wait3A_395[%add3A_379] : memref<320000xi32, #tpu.memory_space<hbm>> -> memref<128xi32, #tpu.memory_space<hbm>>
    tpu.wait_dma2 semaphore(%arg17 : memref<!tpu.dma_semaphore, #tpu.memory_space<semaphore_mem>>) src(%dma_wait3A_396 : memref<128xi32, #tpu.memory_space<hbm>>) dst(%dma_wait3A_392 : memref<128xi32, #tpu.memory_space<vmem>>)
    %dma_start3A_397 = arith.constant 1 : i32
    %dma_start3A_398 = arith.constant 0 : i32
    %dma_start3A_399 = arith.constant 0 : i32
    %dma_start3A_400 = arith.constant 0 : i32
    %dma_start3A_401 = tpu.memref_slice %arg7[%dma_start3A_397, %dma_start3A_399, %dma_start3A_400] : memref<2x128x128xf32, #tpu.memory_space<vmem>> -> memref<1x128x128xf32, #tpu.memory_space<vmem>>
    %dma_start3A_402 = tpu.memref_squeeze %dma_start3A_401 : memref<1x128x128xf32, #tpu.memory_space<vmem>> -> memref<128x128xf32, #tpu.memory_space<vmem>>
    %dma_start3A_403 = arith.constant 0 : i32
    %dma_start3A_404 = tpu.memref_slice %arg6[%dma_start3A_398, %dma_start3A_403] : memref<3x128xi32, #tpu.memory_space<vmem>> -> memref<1x128xi32, #tpu.memory_space<vmem>>
    %dma_start3A_405 = tpu.memref_squeeze %dma_start3A_404 : memref<1x128xi32, #tpu.memory_space<vmem>> -> memref<128xi32, #tpu.memory_space<vmem>>
    %dma_start3A_406 = arith.constant 0 : i32
    %dma_start3A_407 = arith.constant 0 : i32
    %dma_start3A_408 = tpu.memref_slice %arg11[%dma_start3A_406, %dma_start3A_407] : memref<10240x128xf32, #tpu.memory_space<vmem_shared>> -> memref<10240x128xf32, #tpu.memory_space<vmem_shared>>
    tpu.enqueue_indirect_dma source(%dma_start3A_402 : memref<128x128xf32, #tpu.memory_space<vmem>>) target(%dma_start3A_408 : memref<10240x128xf32, #tpu.memory_space<vmem_shared>>) offsets(%dma_start3A_405 : memref<128xi32, #tpu.memory_space<vmem>>) semaphore(%arg16 : memref<!tpu.dma_semaphore, #tpu.memory_space<semaphore_mem>>) {add = true}
    %dma_wait3A_409 = arith.constant 1 : i32
    %dma_wait3A_410 = arith.constant 0 : i32
    %dma_wait3A_411 = arith.constant 0 : i32
    %dma_wait3A_412 = arith.constant 0 : i32
    %dma_wait3A_413 = tpu.memref_slice %arg7[%dma_wait3A_409, %dma_wait3A_411, %dma_wait3A_412] : memref<2x128x128xf32, #tpu.memory_space<vmem>> -> memref<1x128x128xf32, #tpu.memory_space<vmem>>
    %dma_wait3A_414 = tpu.memref_squeeze %dma_wait3A_413 : memref<1x128x128xf32, #tpu.memory_space<vmem>> -> memref<128x128xf32, #tpu.memory_space<vmem>>
    %dma_wait3A_415 = arith.constant 0 : i32
    %dma_wait3A_416 = tpu.memref_slice %arg6[%dma_wait3A_410, %dma_wait3A_415] : memref<3x128xi32, #tpu.memory_space<vmem>> -> memref<1x128xi32, #tpu.memory_space<vmem>>
    %dma_wait3A_417 = tpu.memref_squeeze %dma_wait3A_416 : memref<1x128xi32, #tpu.memory_space<vmem>> -> memref<128xi32, #tpu.memory_space<vmem>>
    %dma_wait3A_418 = arith.constant 0 : i32
    %dma_wait3A_419 = arith.constant 0 : i32
    %dma_wait3A_420 = tpu.memref_slice %arg11[%dma_wait3A_418, %dma_wait3A_419] : memref<10240x128xf32, #tpu.memory_space<vmem_shared>> -> memref<10240x128xf32, #tpu.memory_space<vmem_shared>>
    tpu.wait_indirect_dma semaphore(%arg16 : memref<!tpu.dma_semaphore, #tpu.memory_space<semaphore_mem>>) src(%dma_wait3A_414 : memref<128x128xf32, #tpu.memory_space<vmem>>) dst(%dma_wait3A_420 : memref<10240x128xf32, #tpu.memory_space<vmem_shared>>)
    %dma_start3A_421 = arith.constant 1 : i32
    %dma_start3A_422 = arith.constant 0 : i32
    %dma_start3A_423 = arith.constant 0 : i32
    %dma_start3A_424 = tpu.memref_slice %arg7[%dma_start3A_421, %dma_start3A_422, %dma_start3A_423] : memref<2x128x128xf32, #tpu.memory_space<vmem>> -> memref<1x128x128xf32, #tpu.memory_space<vmem>>
    %dma_start3A_425 = tpu.memref_squeeze %dma_start3A_424 : memref<1x128x128xf32, #tpu.memory_space<vmem>> -> memref<128x128xf32, #tpu.memory_space<vmem>>
    %dma_start3A_426 = arith.constant 9856 : i32
    %dma_start3A_427 = tpu.memref_slice %arg5[%dma_start3A_426] : memref<9984xi32, #tpu.memory_space<vmem>> -> memref<128xi32, #tpu.memory_space<vmem>>
    %dma_start3A_428 = arith.constant 0 : i32
    %dma_start3A_429 = arith.constant 0 : i32
    %dma_start3A_430 = tpu.memref_slice %arg2[%dma_start3A_428, %dma_start3A_429] : memref<10000x128xf32, #tpu.memory_space<hbm>> -> memref<10000x128xf32, #tpu.memory_space<hbm>>
    tpu.enqueue_indirect_dma source(%dma_start3A_430 : memref<10000x128xf32, #tpu.memory_space<hbm>>) target(%dma_start3A_425 : memref<128x128xf32, #tpu.memory_space<vmem>>) offsets(%dma_start3A_427 : memref<128xi32, #tpu.memory_space<vmem>>) semaphore(%arg14 : memref<!tpu.dma_semaphore, #tpu.memory_space<semaphore_mem>>)
    %dma_wait3A_431 = arith.constant 0 : i32
    %dma_wait3A_432 = arith.constant 0 : i32
    %dma_wait3A_433 = arith.constant 0 : i32
    %dma_wait3A_434 = tpu.memref_slice %arg7[%dma_wait3A_431, %dma_wait3A_432, %dma_wait3A_433] : memref<2x128x128xf32, #tpu.memory_space<vmem>> -> memref<1x128x128xf32, #tpu.memory_space<vmem>>
    %dma_wait3A_435 = tpu.memref_squeeze %dma_wait3A_434 : memref<1x128x128xf32, #tpu.memory_space<vmem>> -> memref<128x128xf32, #tpu.memory_space<vmem>>
    %dma_wait3A_436 = arith.constant 9728 : i32
    %dma_wait3A_437 = tpu.memref_slice %arg5[%dma_wait3A_436] : memref<9984xi32, #tpu.memory_space<vmem>> -> memref<128xi32, #tpu.memory_space<vmem>>
    %dma_wait3A_438 = arith.constant 0 : i32
    %dma_wait3A_439 = arith.constant 0 : i32
    %dma_wait3A_440 = tpu.memref_slice %arg2[%dma_wait3A_438, %dma_wait3A_439] : memref<10000x128xf32, #tpu.memory_space<hbm>> -> memref<10000x128xf32, #tpu.memory_space<hbm>>
    tpu.wait_indirect_dma semaphore(%arg13 : memref<!tpu.dma_semaphore, #tpu.memory_space<semaphore_mem>>) src(%dma_wait3A_440 : memref<10000x128xf32, #tpu.memory_space<hbm>>) dst(%dma_wait3A_435 : memref<128x128xf32, #tpu.memory_space<vmem>>)
    %add3A_441 = arith.constant 9728 : i32
    %add3A_442 = arith.addi %mul3A_2, %add3A_441 : i32
    %dma_wait3A_443 = arith.constant 1 : i32
    %dma_wait3A_444 = arith.constant 0 : i32
    %dma_wait3A_445 = arith.constant 1 : i32
    %dma_wait3A_446 = arith.constant 0 : i32
    %dma_wait3A_447 = tpu.memref_slice %arg6[%dma_wait3A_445, %dma_wait3A_446] : memref<3x128xi32, #tpu.memory_space<vmem>> -> memref<1x128xi32, #tpu.memory_space<vmem>>
    %dma_wait3A_448 = tpu.memref_squeeze %dma_wait3A_447 : memref<1x128xi32, #tpu.memory_space<vmem>> -> memref<128xi32, #tpu.memory_space<vmem>>
    %dma_wait3A_449 = arith.constant 0 : i32
    %dma_wait3A_450 = tpu.memref_slice %arg3[%dma_wait3A_443, %dma_wait3A_444, %dma_wait3A_449] : memref<2x1x320000xi32, #tpu.memory_space<hbm>> -> memref<1x1x320000xi32, #tpu.memory_space<hbm>>
    %dma_wait3A_451 = tpu.memref_squeeze %dma_wait3A_450 : memref<1x1x320000xi32, #tpu.memory_space<hbm>> -> memref<320000xi32, #tpu.memory_space<hbm>>
    %dma_wait3A_452 = tpu.memref_slice %dma_wait3A_451[%add3A_442] : memref<320000xi32, #tpu.memory_space<hbm>> -> memref<128xi32, #tpu.memory_space<hbm>>
    %dma_wait3A_453 = arith.constant 0 : i32
    %dma_wait3A_454 = tpu.memref_slice %arg6[%dma_wait3A_445, %dma_wait3A_453] : memref<3x128xi32, #tpu.memory_space<vmem>> -> memref<1x128xi32, #tpu.memory_space<vmem>>
    %dma_wait3A_455 = tpu.memref_squeeze %dma_wait3A_454 : memref<1x128xi32, #tpu.memory_space<vmem>> -> memref<128xi32, #tpu.memory_space<vmem>>
    %dma_wait3A_456 = arith.constant 0 : i32
    %dma_wait3A_457 = tpu.memref_slice %arg3[%dma_wait3A_443, %dma_wait3A_444, %dma_wait3A_456] : memref<2x1x320000xi32, #tpu.memory_space<hbm>> -> memref<1x1x320000xi32, #tpu.memory_space<hbm>>
    %dma_wait3A_458 = tpu.memref_squeeze %dma_wait3A_457 : memref<1x1x320000xi32, #tpu.memory_space<hbm>> -> memref<320000xi32, #tpu.memory_space<hbm>>
    %dma_wait3A_459 = tpu.memref_slice %dma_wait3A_458[%add3A_442] : memref<320000xi32, #tpu.memory_space<hbm>> -> memref<128xi32, #tpu.memory_space<hbm>>
    tpu.wait_dma2 semaphore(%arg18 : memref<!tpu.dma_semaphore, #tpu.memory_space<semaphore_mem>>) src(%dma_wait3A_459 : memref<128xi32, #tpu.memory_space<hbm>>) dst(%dma_wait3A_455 : memref<128xi32, #tpu.memory_space<vmem>>)
    %dma_start3A_460 = arith.constant 0 : i32
    %dma_start3A_461 = arith.constant 1 : i32
    %dma_start3A_462 = arith.constant 0 : i32
    %dma_start3A_463 = arith.constant 0 : i32
    %dma_start3A_464 = tpu.memref_slice %arg7[%dma_start3A_460, %dma_start3A_462, %dma_start3A_463] : memref<2x128x128xf32, #tpu.memory_space<vmem>> -> memref<1x128x128xf32, #tpu.memory_space<vmem>>
    %dma_start3A_465 = tpu.memref_squeeze %dma_start3A_464 : memref<1x128x128xf32, #tpu.memory_space<vmem>> -> memref<128x128xf32, #tpu.memory_space<vmem>>
    %dma_start3A_466 = arith.constant 0 : i32
    %dma_start3A_467 = tpu.memref_slice %arg6[%dma_start3A_461, %dma_start3A_466] : memref<3x128xi32, #tpu.memory_space<vmem>> -> memref<1x128xi32, #tpu.memory_space<vmem>>
    %dma_start3A_468 = tpu.memref_squeeze %dma_start3A_467 : memref<1x128xi32, #tpu.memory_space<vmem>> -> memref<128xi32, #tpu.memory_space<vmem>>
    %dma_start3A_469 = arith.constant 0 : i32
    %dma_start3A_470 = arith.constant 0 : i32
    %dma_start3A_471 = tpu.memref_slice %arg11[%dma_start3A_469, %dma_start3A_470] : memref<10240x128xf32, #tpu.memory_space<vmem_shared>> -> memref<10240x128xf32, #tpu.memory_space<vmem_shared>>
    tpu.enqueue_indirect_dma source(%dma_start3A_465 : memref<128x128xf32, #tpu.memory_space<vmem>>) target(%dma_start3A_471 : memref<10240x128xf32, #tpu.memory_space<vmem_shared>>) offsets(%dma_start3A_468 : memref<128xi32, #tpu.memory_space<vmem>>) semaphore(%arg15 : memref<!tpu.dma_semaphore, #tpu.memory_space<semaphore_mem>>) {add = true}
    %dma_wait3A_472 = arith.constant 0 : i32
    %dma_wait3A_473 = arith.constant 1 : i32
    %dma_wait3A_474 = arith.constant 0 : i32
    %dma_wait3A_475 = arith.constant 0 : i32
    %dma_wait3A_476 = tpu.memref_slice %arg7[%dma_wait3A_472, %dma_wait3A_474, %dma_wait3A_475] : memref<2x128x128xf32, #tpu.memory_space<vmem>> -> memref<1x128x128xf32, #tpu.memory_space<vmem>>
    %dma_wait3A_477 = tpu.memref_squeeze %dma_wait3A_476 : memref<1x128x128xf32, #tpu.memory_space<vmem>> -> memref<128x128xf32, #tpu.memory_space<vmem>>
    %dma_wait3A_478 = arith.constant 0 : i32
    %dma_wait3A_479 = tpu.memref_slice %arg6[%dma_wait3A_473, %dma_wait3A_478] : memref<3x128xi32, #tpu.memory_space<vmem>> -> memref<1x128xi32, #tpu.memory_space<vmem>>
    %dma_wait3A_480 = tpu.memref_squeeze %dma_wait3A_479 : memref<1x128xi32, #tpu.memory_space<vmem>> -> memref<128xi32, #tpu.memory_space<vmem>>
    %dma_wait3A_481 = arith.constant 0 : i32
    %dma_wait3A_482 = arith.constant 0 : i32
    %dma_wait3A_483 = tpu.memref_slice %arg11[%dma_wait3A_481, %dma_wait3A_482] : memref<10240x128xf32, #tpu.memory_space<vmem_shared>> -> memref<10240x128xf32, #tpu.memory_space<vmem_shared>>
    tpu.wait_indirect_dma semaphore(%arg15 : memref<!tpu.dma_semaphore, #tpu.memory_space<semaphore_mem>>) src(%dma_wait3A_477 : memref<128x128xf32, #tpu.memory_space<vmem>>) dst(%dma_wait3A_483 : memref<10240x128xf32, #tpu.memory_space<vmem_shared>>)
    %dma_wait3A_484 = arith.constant 1 : i32
    %dma_wait3A_485 = arith.constant 0 : i32
    %dma_wait3A_486 = arith.constant 0 : i32
    %dma_wait3A_487 = tpu.memref_slice %arg7[%dma_wait3A_484, %dma_wait3A_485, %dma_wait3A_486] : memref<2x128x128xf32, #tpu.memory_space<vmem>> -> memref<1x128x128xf32, #tpu.memory_space<vmem>>
    %dma_wait3A_488 = tpu.memref_squeeze %dma_wait3A_487 : memref<1x128x128xf32, #tpu.memory_space<vmem>> -> memref<128x128xf32, #tpu.memory_space<vmem>>
    %dma_wait3A_489 = arith.constant 9856 : i32
    %dma_wait3A_490 = tpu.memref_slice %arg5[%dma_wait3A_489] : memref<9984xi32, #tpu.memory_space<vmem>> -> memref<128xi32, #tpu.memory_space<vmem>>
    %dma_wait3A_491 = arith.constant 0 : i32
    %dma_wait3A_492 = arith.constant 0 : i32
    %dma_wait3A_493 = tpu.memref_slice %arg2[%dma_wait3A_491, %dma_wait3A_492] : memref<10000x128xf32, #tpu.memory_space<hbm>> -> memref<10000x128xf32, #tpu.memory_space<hbm>>
    tpu.wait_indirect_dma semaphore(%arg14 : memref<!tpu.dma_semaphore, #tpu.memory_space<semaphore_mem>>) src(%dma_wait3A_493 : memref<10000x128xf32, #tpu.memory_space<hbm>>) dst(%dma_wait3A_488 : memref<128x128xf32, #tpu.memory_space<vmem>>)
    %add3A_494 = arith.constant 9856 : i32
    %add3A_495 = arith.addi %mul3A_2, %add3A_494 : i32
    %dma_wait3A_496 = arith.constant 1 : i32
    %dma_wait3A_497 = arith.constant 0 : i32
    %dma_wait3A_498 = arith.constant 2 : i32
    %dma_wait3A_499 = arith.constant 0 : i32
    %dma_wait3A_500 = tpu.memref_slice %arg6[%dma_wait3A_498, %dma_wait3A_499] : memref<3x128xi32, #tpu.memory_space<vmem>> -> memref<1x128xi32, #tpu.memory_space<vmem>>
    %dma_wait3A_501 = tpu.memref_squeeze %dma_wait3A_500 : memref<1x128xi32, #tpu.memory_space<vmem>> -> memref<128xi32, #tpu.memory_space<vmem>>
    %dma_wait3A_502 = arith.constant 0 : i32
    %dma_wait3A_503 = tpu.memref_slice %arg3[%dma_wait3A_496, %dma_wait3A_497, %dma_wait3A_502] : memref<2x1x320000xi32, #tpu.memory_space<hbm>> -> memref<1x1x320000xi32, #tpu.memory_space<hbm>>
    %dma_wait3A_504 = tpu.memref_squeeze %dma_wait3A_503 : memref<1x1x320000xi32, #tpu.memory_space<hbm>> -> memref<320000xi32, #tpu.memory_space<hbm>>
    %dma_wait3A_505 = tpu.memref_slice %dma_wait3A_504[%add3A_495] : memref<320000xi32, #tpu.memory_space<hbm>> -> memref<128xi32, #tpu.memory_space<hbm>>
    %dma_wait3A_506 = arith.constant 0 : i32
    %dma_wait3A_507 = tpu.memref_slice %arg6[%dma_wait3A_498, %dma_wait3A_506] : memref<3x128xi32, #tpu.memory_space<vmem>> -> memref<1x128xi32, #tpu.memory_space<vmem>>
    %dma_wait3A_508 = tpu.memref_squeeze %dma_wait3A_507 : memref<1x128xi32, #tpu.memory_space<vmem>> -> memref<128xi32, #tpu.memory_space<vmem>>
    %dma_wait3A_509 = arith.constant 0 : i32
    %dma_wait3A_510 = tpu.memref_slice %arg3[%dma_wait3A_496, %dma_wait3A_497, %dma_wait3A_509] : memref<2x1x320000xi32, #tpu.memory_space<hbm>> -> memref<1x1x320000xi32, #tpu.memory_space<hbm>>
    %dma_wait3A_511 = tpu.memref_squeeze %dma_wait3A_510 : memref<1x1x320000xi32, #tpu.memory_space<hbm>> -> memref<320000xi32, #tpu.memory_space<hbm>>
    %dma_wait3A_512 = tpu.memref_slice %dma_wait3A_511[%add3A_495] : memref<320000xi32, #tpu.memory_space<hbm>> -> memref<128xi32, #tpu.memory_space<hbm>>
    tpu.wait_dma2 semaphore(%arg19 : memref<!tpu.dma_semaphore, #tpu.memory_space<semaphore_mem>>) src(%dma_wait3A_512 : memref<128xi32, #tpu.memory_space<hbm>>) dst(%dma_wait3A_508 : memref<128xi32, #tpu.memory_space<vmem>>)
    %dma_start3A_513 = arith.constant 1 : i32
    %dma_start3A_514 = arith.constant 2 : i32
    %dma_start3A_515 = arith.constant 0 : i32
    %dma_start3A_516 = arith.constant 0 : i32
    %dma_start3A_517 = tpu.memref_slice %arg7[%dma_start3A_513, %dma_start3A_515, %dma_start3A_516] : memref<2x128x128xf32, #tpu.memory_space<vmem>> -> memref<1x128x128xf32, #tpu.memory_space<vmem>>
    %dma_start3A_518 = tpu.memref_squeeze %dma_start3A_517 : memref<1x128x128xf32, #tpu.memory_space<vmem>> -> memref<128x128xf32, #tpu.memory_space<vmem>>
    %dma_start3A_519 = arith.constant 0 : i32
    %dma_start3A_520 = tpu.memref_slice %arg6[%dma_start3A_514, %dma_start3A_519] : memref<3x128xi32, #tpu.memory_space<vmem>> -> memref<1x128xi32, #tpu.memory_space<vmem>>
    %dma_start3A_521 = tpu.memref_squeeze %dma_start3A_520 : memref<1x128xi32, #tpu.memory_space<vmem>> -> memref<128xi32, #tpu.memory_space<vmem>>
    %dma_start3A_522 = arith.constant 0 : i32
    %dma_start3A_523 = arith.constant 0 : i32
    %dma_start3A_524 = tpu.memref_slice %arg11[%dma_start3A_522, %dma_start3A_523] : memref<10240x128xf32, #tpu.memory_space<vmem_shared>> -> memref<10240x128xf32, #tpu.memory_space<vmem_shared>>
    tpu.enqueue_indirect_dma source(%dma_start3A_518 : memref<128x128xf32, #tpu.memory_space<vmem>>) target(%dma_start3A_524 : memref<10240x128xf32, #tpu.memory_space<vmem_shared>>) offsets(%dma_start3A_521 : memref<128xi32, #tpu.memory_space<vmem>>) semaphore(%arg16 : memref<!tpu.dma_semaphore, #tpu.memory_space<semaphore_mem>>) {add = true}
    %add3A_525 = arith.constant 9984 : i32
    %add3A_526 = arith.addi %mul3A_2, %add3A_525 : i32
    %run_scoped3A = arith.constant 0 : i32
    %run_scoped3A_527 = arith.constant 0 : i32
    "tpu.region"() ({
      %run_scoped3A_553 = tpu.sem_alloc : memref<!tpu.dma_semaphore, #tpu.memory_space<semaphore_mem>>
      %dma_start3A_554 = arith.constant 0 : i32
      %dma_start3A_555 = tpu.memref_slice %arg3[%run_scoped3A, %run_scoped3A_527, %dma_start3A_554] : memref<2x1x320000xi32, #tpu.memory_space<hbm>> -> memref<1x1x320000xi32, #tpu.memory_space<hbm>>
      %dma_start3A_556 = tpu.memref_squeeze %dma_start3A_555 : memref<1x1x320000xi32, #tpu.memory_space<hbm>> -> memref<320000xi32, #tpu.memory_space<hbm>>
      %dma_start3A_557 = tpu.memref_slice %dma_start3A_556[%add3A_526] : memref<320000xi32, #tpu.memory_space<hbm>> -> memref<16xi32, #tpu.memory_space<hbm>>
      %dma_start3A_558 = arith.constant 0 : i32
      %dma_start3A_559 = tpu.memref_slice %arg3[%run_scoped3A, %run_scoped3A_527, %dma_start3A_558] : memref<2x1x320000xi32, #tpu.memory_space<hbm>> -> memref<1x1x320000xi32, #tpu.memory_space<hbm>>
      %dma_start3A_560 = tpu.memref_squeeze %dma_start3A_559 : memref<1x1x320000xi32, #tpu.memory_space<hbm>> -> memref<320000xi32, #tpu.memory_space<hbm>>
      %dma_start3A_561 = tpu.memref_slice %dma_start3A_560[%add3A_526] : memref<320000xi32, #tpu.memory_space<hbm>> -> memref<16xi32, #tpu.memory_space<hbm>>
      tpu.enqueue_dma source(%dma_start3A_561 : memref<16xi32, #tpu.memory_space<hbm>>) target(%arg8 : memref<16xi32, #tpu.memory_space<vmem>>) target_semaphore(%run_scoped3A_553 : memref<!tpu.dma_semaphore, #tpu.memory_space<semaphore_mem>>)
      %dma_wait3A_562 = arith.constant 0 : i32
      %dma_wait3A_563 = tpu.memref_slice %arg3[%run_scoped3A, %run_scoped3A_527, %dma_wait3A_562] : memref<2x1x320000xi32, #tpu.memory_space<hbm>> -> memref<1x1x320000xi32, #tpu.memory_space<hbm>>
      %dma_wait3A_564 = tpu.memref_squeeze %dma_wait3A_563 : memref<1x1x320000xi32, #tpu.memory_space<hbm>> -> memref<320000xi32, #tpu.memory_space<hbm>>
      %dma_wait3A_565 = tpu.memref_slice %dma_wait3A_564[%add3A_526] : memref<320000xi32, #tpu.memory_space<hbm>> -> memref<16xi32, #tpu.memory_space<hbm>>
      %dma_wait3A_566 = arith.constant 0 : i32
      %dma_wait3A_567 = tpu.memref_slice %arg3[%run_scoped3A, %run_scoped3A_527, %dma_wait3A_566] : memref<2x1x320000xi32, #tpu.memory_space<hbm>> -> memref<1x1x320000xi32, #tpu.memory_space<hbm>>
      %dma_wait3A_568 = tpu.memref_squeeze %dma_wait3A_567 : memref<1x1x320000xi32, #tpu.memory_space<hbm>> -> memref<320000xi32, #tpu.memory_space<hbm>>
      %dma_wait3A_569 = tpu.memref_slice %dma_wait3A_568[%add3A_526] : memref<320000xi32, #tpu.memory_space<hbm>> -> memref<16xi32, #tpu.memory_space<hbm>>
      tpu.wait_dma2 semaphore(%run_scoped3A_553 : memref<!tpu.dma_semaphore, #tpu.memory_space<semaphore_mem>>) src(%dma_wait3A_569 : memref<16xi32, #tpu.memory_space<hbm>>) dst(%arg8 : memref<16xi32, #tpu.memory_space<vmem>>)
      tpu.yield
    }) : () -> ()
    %add3A_528 = arith.constant 9984 : i32
    %add3A_529 = arith.addi %mul3A_2, %add3A_528 : i32
    %run_scoped3A_530 = arith.constant 1 : i32
    %run_scoped3A_531 = arith.constant 0 : i32
    "tpu.region"() ({
      %run_scoped3A_553 = tpu.sem_alloc : memref<!tpu.dma_semaphore, #tpu.memory_space<semaphore_mem>>
      %dma_start3A_554 = arith.constant 0 : i32
      %dma_start3A_555 = tpu.memref_slice %arg3[%run_scoped3A_530, %run_scoped3A_531, %dma_start3A_554] : memref<2x1x320000xi32, #tpu.memory_space<hbm>> -> memref<1x1x320000xi32, #tpu.memory_space<hbm>>
      %dma_start3A_556 = tpu.memref_squeeze %dma_start3A_555 : memref<1x1x320000xi32, #tpu.memory_space<hbm>> -> memref<320000xi32, #tpu.memory_space<hbm>>
      %dma_start3A_557 = tpu.memref_slice %dma_start3A_556[%add3A_529] : memref<320000xi32, #tpu.memory_space<hbm>> -> memref<16xi32, #tpu.memory_space<hbm>>
      %dma_start3A_558 = arith.constant 0 : i32
      %dma_start3A_559 = tpu.memref_slice %arg3[%run_scoped3A_530, %run_scoped3A_531, %dma_start3A_558] : memref<2x1x320000xi32, #tpu.memory_space<hbm>> -> memref<1x1x320000xi32, #tpu.memory_space<hbm>>
      %dma_start3A_560 = tpu.memref_squeeze %dma_start3A_559 : memref<1x1x320000xi32, #tpu.memory_space<hbm>> -> memref<320000xi32, #tpu.memory_space<hbm>>
      %dma_start3A_561 = tpu.memref_slice %dma_start3A_560[%add3A_529] : memref<320000xi32, #tpu.memory_space<hbm>> -> memref<16xi32, #tpu.memory_space<hbm>>
      tpu.enqueue_dma source(%dma_start3A_561 : memref<16xi32, #tpu.memory_space<hbm>>) target(%arg9 : memref<16xi32, #tpu.memory_space<vmem>>) target_semaphore(%run_scoped3A_553 : memref<!tpu.dma_semaphore, #tpu.memory_space<semaphore_mem>>)
      %dma_wait3A_562 = arith.constant 0 : i32
      %dma_wait3A_563 = tpu.memref_slice %arg3[%run_scoped3A_530, %run_scoped3A_531, %dma_wait3A_562] : memref<2x1x320000xi32, #tpu.memory_space<hbm>> -> memref<1x1x320000xi32, #tpu.memory_space<hbm>>
      %dma_wait3A_564 = tpu.memref_squeeze %dma_wait3A_563 : memref<1x1x320000xi32, #tpu.memory_space<hbm>> -> memref<320000xi32, #tpu.memory_space<hbm>>
      %dma_wait3A_565 = tpu.memref_slice %dma_wait3A_564[%add3A_529] : memref<320000xi32, #tpu.memory_space<hbm>> -> memref<16xi32, #tpu.memory_space<hbm>>
      %dma_wait3A_566 = arith.constant 0 : i32
      %dma_wait3A_567 = tpu.memref_slice %arg3[%run_scoped3A_530, %run_scoped3A_531, %dma_wait3A_566] : memref<2x1x320000xi32, #tpu.memory_space<hbm>> -> memref<1x1x320000xi32, #tpu.memory_space<hbm>>
      %dma_wait3A_568 = tpu.memref_squeeze %dma_wait3A_567 : memref<1x1x320000xi32, #tpu.memory_space<hbm>> -> memref<320000xi32, #tpu.memory_space<hbm>>
      %dma_wait3A_569 = tpu.memref_slice %dma_wait3A_568[%add3A_529] : memref<320000xi32, #tpu.memory_space<hbm>> -> memref<16xi32, #tpu.memory_space<hbm>>
      tpu.wait_dma2 semaphore(%run_scoped3A_553 : memref<!tpu.dma_semaphore, #tpu.memory_space<semaphore_mem>>) src(%dma_wait3A_569 : memref<16xi32, #tpu.memory_space<hbm>>) dst(%arg9 : memref<16xi32, #tpu.memory_space<vmem>>)
      tpu.yield
    }) : () -> ()
    %dma_start3A_532 = arith.constant 0 : i32
    %dma_start3A_533 = arith.constant 0 : i32
    %dma_start3A_534 = tpu.memref_slice %arg2[%dma_start3A_532, %dma_start3A_533] : memref<10000x128xf32, #tpu.memory_space<hbm>> -> memref<10000x128xf32, #tpu.memory_space<hbm>>
    tpu.enqueue_indirect_dma source(%dma_start3A_534 : memref<10000x128xf32, #tpu.memory_space<hbm>>) target(%arg10 : memref<16x128xf32, #tpu.memory_space<vmem>>) offsets(%arg8 : memref<16xi32, #tpu.memory_space<vmem>>) semaphore(%arg13 : memref<!tpu.dma_semaphore, #tpu.memory_space<semaphore_mem>>)
    %dma_wait3A_535 = arith.constant 0 : i32
    %dma_wait3A_536 = arith.constant 0 : i32
    %dma_wait3A_537 = tpu.memref_slice %arg2[%dma_wait3A_535, %dma_wait3A_536] : memref<10000x128xf32, #tpu.memory_space<hbm>> -> memref<10000x128xf32, #tpu.memory_space<hbm>>
    tpu.wait_indirect_dma semaphore(%arg13 : memref<!tpu.dma_semaphore, #tpu.memory_space<semaphore_mem>>) src(%dma_wait3A_537 : memref<10000x128xf32, #tpu.memory_space<hbm>>) dst(%arg10 : memref<16x128xf32, #tpu.memory_space<vmem>>)
    "tpu.region"() ({
      %run_scoped3A_553 = tpu.sem_alloc : memref<!tpu.dma_semaphore, #tpu.memory_space<semaphore_mem>>
      %dma_start3A_554 = arith.constant 0 : i32
      %dma_start3A_555 = arith.constant 0 : i32
      %dma_start3A_556 = tpu.memref_slice %arg11[%dma_start3A_554, %dma_start3A_555] : memref<10240x128xf32, #tpu.memory_space<vmem_shared>> -> memref<10240x128xf32, #tpu.memory_space<vmem_shared>>
      tpu.enqueue_indirect_dma source(%arg10 : memref<16x128xf32, #tpu.memory_space<vmem>>) target(%dma_start3A_556 : memref<10240x128xf32, #tpu.memory_space<vmem_shared>>) offsets(%arg9 : memref<16xi32, #tpu.memory_space<vmem>>) semaphore(%run_scoped3A_553 : memref<!tpu.dma_semaphore, #tpu.memory_space<semaphore_mem>>) {add = true}
      %dma_wait3A_557 = arith.constant 0 : i32
      %dma_wait3A_558 = arith.constant 0 : i32
      %dma_wait3A_559 = tpu.memref_slice %arg11[%dma_wait3A_557, %dma_wait3A_558] : memref<10240x128xf32, #tpu.memory_space<vmem_shared>> -> memref<10240x128xf32, #tpu.memory_space<vmem_shared>>
      tpu.wait_indirect_dma semaphore(%run_scoped3A_553 : memref<!tpu.dma_semaphore, #tpu.memory_space<semaphore_mem>>) src(%arg10 : memref<16x128xf32, #tpu.memory_space<vmem>>) dst(%dma_wait3A_559 : memref<10240x128xf32, #tpu.memory_space<vmem_shared>>)
      tpu.yield
    }) : () -> ()
    %dma_wait3A_538 = arith.constant 1 : i32
    %dma_wait3A_539 = arith.constant 2 : i32
    %dma_wait3A_540 = arith.constant 0 : i32
    %dma_wait3A_541 = arith.constant 0 : i32
    %dma_wait3A_542 = tpu.memref_slice %arg7[%dma_wait3A_538, %dma_wait3A_540, %dma_wait3A_541] : memref<2x128x128xf32, #tpu.memory_space<vmem>> -> memref<1x128x128xf32, #tpu.memory_space<vmem>>
    %dma_wait3A_543 = tpu.memref_squeeze %dma_wait3A_542 : memref<1x128x128xf32, #tpu.memory_space<vmem>> -> memref<128x128xf32, #tpu.memory_space<vmem>>
    %dma_wait3A_544 = arith.constant 0 : i32
    %dma_wait3A_545 = tpu.memref_slice %arg6[%dma_wait3A_539, %dma_wait3A_544] : memref<3x128xi32, #tpu.memory_space<vmem>> -> memref<1x128xi32, #tpu.memory_space<vmem>>
    %dma_wait3A_546 = tpu.memref_squeeze %dma_wait3A_545 : memref<1x128xi32, #tpu.memory_space<vmem>> -> memref<128xi32, #tpu.memory_space<vmem>>
    %dma_wait3A_547 = arith.constant 0 : i32
    %dma_wait3A_548 = arith.constant 0 : i32
    %dma_wait3A_549 = tpu.memref_slice %arg11[%dma_wait3A_547, %dma_wait3A_548] : memref<10240x128xf32, #tpu.memory_space<vmem_shared>> -> memref<10240x128xf32, #tpu.memory_space<vmem_shared>>
    tpu.wait_indirect_dma semaphore(%arg16 : memref<!tpu.dma_semaphore, #tpu.memory_space<semaphore_mem>>) src(%dma_wait3A_543 : memref<128x128xf32, #tpu.memory_space<vmem>>) dst(%dma_wait3A_549 : memref<10240x128xf32, #tpu.memory_space<vmem_shared>>)
    %barrier3A_550 = arith.constant 0 : index
    tpu.barrier barrier_id(%barrier3A_550)
    %mul3A_551 = arith.constant 640 : i32
    %mul3A_552 = arith.muli %arg1, %mul3A_551 : i32
    "tpu.region"() ({
      %run_scoped3A_553 = tpu.sem_alloc : memref<!tpu.dma_semaphore, #tpu.memory_space<semaphore_mem>>
      %dma_start3A_554 = arith.constant 0 : i32
      %dma_start3A_555 = tpu.memref_slice %arg4[%arg0, %mul3A_552, %dma_start3A_554] : memref<2x10240x128xf32, #tpu.memory_space<hbm>> -> memref<1x640x128xf32, #tpu.memory_space<hbm>>
      %dma_start3A_556 = tpu.memref_squeeze %dma_start3A_555 : memref<1x640x128xf32, #tpu.memory_space<hbm>> -> memref<640x128xf32, #tpu.memory_space<hbm>>
      %dma_start3A_557 = arith.constant 0 : i32
      %dma_start3A_558 = tpu.memref_slice %arg11[%mul3A_552, %dma_start3A_557] : memref<10240x128xf32, #tpu.memory_space<vmem_shared>> -> memref<640x128xf32, #tpu.memory_space<vmem_shared>>
      tpu.enqueue_dma source(%dma_start3A_558 : memref<640x128xf32, #tpu.memory_space<vmem_shared>>) target(%dma_start3A_556 : memref<640x128xf32, #tpu.memory_space<hbm>>) target_semaphore(%run_scoped3A_553 : memref<!tpu.dma_semaphore, #tpu.memory_space<semaphore_mem>>)
      %dma_wait3A_559 = arith.constant 0 : i32
      %dma_wait3A_560 = tpu.memref_slice %arg4[%arg0, %mul3A_552, %dma_wait3A_559] : memref<2x10240x128xf32, #tpu.memory_space<hbm>> -> memref<1x640x128xf32, #tpu.memory_space<hbm>>
      %dma_wait3A_561 = tpu.memref_squeeze %dma_wait3A_560 : memref<1x640x128xf32, #tpu.memory_space<hbm>> -> memref<640x128xf32, #tpu.memory_space<hbm>>
      %dma_wait3A_562 = arith.constant 0 : i32
      %dma_wait3A_563 = tpu.memref_slice %arg11[%mul3A_552, %dma_wait3A_562] : memref<10240x128xf32, #tpu.memory_space<vmem_shared>> -> memref<640x128xf32, #tpu.memory_space<vmem_shared>>
      tpu.wait_dma2 semaphore(%run_scoped3A_553 : memref<!tpu.dma_semaphore, #tpu.memory_space<semaphore_mem>>) src(%dma_wait3A_563 : memref<640x128xf32, #tpu.memory_space<vmem_shared>>) dst(%dma_wait3A_561 : memref<640x128xf32, #tpu.memory_space<hbm>>)
      tpu.yield
    }) : () -> ()
    return
  }
}

#map = affine_map<(d0, d1) -> (0, 0)>
#map1 = affine_map<(d0, d1) -> (0, 0, 0)>
#map2 = affine_map<(d0, d1) -> (0)>
module attributes {stable_mosaic.version = 14 : i64} {
  func.func @body(%arg0: i32, %arg1: i32, %arg2: memref<10000x128xf32, #tpu.memory_space<hbm>>, %arg3: memref<2x1x320000xi32, #tpu.memory_space<hbm>>, %arg4: memref<2x10240x128xf32, #tpu.memory_space<hbm>>, %arg5: memref<20480xf32, #tpu.memory_space<hbm>>, %arg6: memref<9984xi32, #tpu.memory_space<vmem>>, %arg7: memref<3x128xi32, #tpu.memory_space<vmem>>, %arg8: memref<2x128x128xf32, #tpu.memory_space<vmem>>, %arg9: memref<16xi32, #tpu.memory_space<vmem>>, %arg10: memref<16xi32, #tpu.memory_space<vmem>>, %arg11: memref<16x128xf32, #tpu.memory_space<vmem>>, %arg12: memref<10240x128xf32, #tpu.memory_space<vmem_shared>>, %arg13: memref<!tpu.dma_semaphore, #tpu.memory_space<semaphore_mem>>, %arg14: memref<!tpu.dma_semaphore, #tpu.memory_space<semaphore_mem>>, %arg15: memref<!tpu.dma_semaphore, #tpu.memory_space<semaphore_mem>>, %arg16: memref<!tpu.dma_semaphore, #tpu.memory_space<semaphore_mem>>, %arg17: memref<!tpu.dma_semaphore, #tpu.memory_space<semaphore_mem>>, %arg18: memref<!tpu.dma_semaphore, #tpu.memory_space<semaphore_mem>>, %arg19: memref<!tpu.dma_semaphore, #tpu.memory_space<semaphore_mem>>, %arg20: memref<!tpu.dma_semaphore, #tpu.memory_space<semaphore_mem>>, %arg21: memref<128xf32, #tpu.memory_space<vmem>>, %arg22: memref<16xf32, #tpu.memory_space<vmem>>, %arg23: memref<640xf32, #tpu.memory_space<vmem>>, %arg24: memref<10240xf32, #tpu.memory_space<vmem_shared>>, %arg25: memref<!tpu.dma_semaphore, #tpu.memory_space<semaphore_mem>>, %arg26: memref<!tpu.dma_semaphore, #tpu.memory_space<semaphore_mem>>) attributes {dimension_semantics = [#tpu.dimension_semantics<core_parallel>, #tpu.dimension_semantics<subcore_parallel>], iteration_bounds = array<i64: 2, 16>, scalar_prefetch = 0 : i64, scratch_operands = 21 : i64, tpu.core_type = #tpu.core_type<sc_vector_subcore>, window_params = [{transform_indices = #map}, {transform_indices = #map1}, {transform_indices = #map1}, {transform_indices = #map2}]} {
    %mul3A = arith.constant 2 : i32
    %mul3A_0 = arith.muli %arg1, %mul3A : i32
    %add3A = arith.addi %mul3A_0, %arg0 : i32
    %mul3A_1 = arith.constant 10000 : i32
    %mul3A_2 = arith.muli %add3A, %mul3A_1 : i32
    %dma_start3A = arith.constant 0 : i32
    %dma_start3A_3 = arith.constant 0 : i32
    %dma_start3A_4 = arith.constant 0 : i32
    %dma_start3A_5 = tpu.memref_slice %arg3[%dma_start3A, %dma_start3A_3, %dma_start3A_4] : memref<2x1x320000xi32, #tpu.memory_space<hbm>> -> memref<1x1x320000xi32, #tpu.memory_space<hbm>>
    %dma_start3A_6 = tpu.memref_squeeze %dma_start3A_5 : memref<1x1x320000xi32, #tpu.memory_space<hbm>> -> memref<320000xi32, #tpu.memory_space<hbm>>
    %dma_start3A_7 = tpu.memref_slice %dma_start3A_6[%mul3A_2] : memref<320000xi32, #tpu.memory_space<hbm>> -> memref<9984xi32, #tpu.memory_space<hbm>>
    %dma_start3A_8 = arith.constant 0 : i32
    %dma_start3A_9 = tpu.memref_slice %arg3[%dma_start3A, %dma_start3A_3, %dma_start3A_8] : memref<2x1x320000xi32, #tpu.memory_space<hbm>> -> memref<1x1x320000xi32, #tpu.memory_space<hbm>>
    %dma_start3A_10 = tpu.memref_squeeze %dma_start3A_9 : memref<1x1x320000xi32, #tpu.memory_space<hbm>> -> memref<320000xi32, #tpu.memory_space<hbm>>
    %dma_start3A_11 = tpu.memref_slice %dma_start3A_10[%mul3A_2] : memref<320000xi32, #tpu.memory_space<hbm>> -> memref<9984xi32, #tpu.memory_space<hbm>>
    tpu.enqueue_dma source(%dma_start3A_11 : memref<9984xi32, #tpu.memory_space<hbm>>) target(%arg6 : memref<9984xi32, #tpu.memory_space<vmem>>) target_semaphore(%arg13 : memref<!tpu.dma_semaphore, #tpu.memory_space<semaphore_mem>>)
    %add3A_12 = arith.constant 0 : i32
    %add3A_13 = arith.addi %mul3A_2, %add3A_12 : i32
    %dma_start3A_14 = arith.constant 1 : i32
    %dma_start3A_15 = arith.constant 0 : i32
    %dma_start3A_16 = arith.constant 0 : i32
    %dma_start3A_17 = arith.constant 0 : i32
    %dma_start3A_18 = tpu.memref_slice %arg7[%dma_start3A_16, %dma_start3A_17] : memref<3x128xi32, #tpu.memory_space<vmem>> -> memref<1x128xi32, #tpu.memory_space<vmem>>
    %dma_start3A_19 = tpu.memref_squeeze %dma_start3A_18 : memref<1x128xi32, #tpu.memory_space<vmem>> -> memref<128xi32, #tpu.memory_space<vmem>>
    %dma_start3A_20 = arith.constant 0 : i32
    %dma_start3A_21 = tpu.memref_slice %arg3[%dma_start3A_14, %dma_start3A_15, %dma_start3A_20] : memref<2x1x320000xi32, #tpu.memory_space<hbm>> -> memref<1x1x320000xi32, #tpu.memory_space<hbm>>
    %dma_start3A_22 = tpu.memref_squeeze %dma_start3A_21 : memref<1x1x320000xi32, #tpu.memory_space<hbm>> -> memref<320000xi32, #tpu.memory_space<hbm>>
    %dma_start3A_23 = tpu.memref_slice %dma_start3A_22[%add3A_13] : memref<320000xi32, #tpu.memory_space<hbm>> -> memref<128xi32, #tpu.memory_space<hbm>>
    %dma_start3A_24 = arith.constant 0 : i32
    %dma_start3A_25 = tpu.memref_slice %arg7[%dma_start3A_16, %dma_start3A_24] : memref<3x128xi32, #tpu.memory_space<vmem>> -> memref<1x128xi32, #tpu.memory_space<vmem>>
    %dma_start3A_26 = tpu.memref_squeeze %dma_start3A_25 : memref<1x128xi32, #tpu.memory_space<vmem>> -> memref<128xi32, #tpu.memory_space<vmem>>
    %dma_start3A_27 = arith.constant 0 : i32
    %dma_start3A_28 = tpu.memref_slice %arg3[%dma_start3A_14, %dma_start3A_15, %dma_start3A_27] : memref<2x1x320000xi32, #tpu.memory_space<hbm>> -> memref<1x1x320000xi32, #tpu.memory_space<hbm>>
    %dma_start3A_29 = tpu.memref_squeeze %dma_start3A_28 : memref<1x1x320000xi32, #tpu.memory_space<hbm>> -> memref<320000xi32, #tpu.memory_space<hbm>>
    %dma_start3A_30 = tpu.memref_slice %dma_start3A_29[%add3A_13] : memref<320000xi32, #tpu.memory_space<hbm>> -> memref<128xi32, #tpu.memory_space<hbm>>
    tpu.enqueue_dma source(%dma_start3A_30 : memref<128xi32, #tpu.memory_space<hbm>>) target(%dma_start3A_26 : memref<128xi32, #tpu.memory_space<vmem>>) target_semaphore(%arg18 : memref<!tpu.dma_semaphore, #tpu.memory_space<semaphore_mem>>)
    %add3A_31 = arith.constant 128 : i32
    %add3A_32 = arith.addi %mul3A_2, %add3A_31 : i32
    %dma_start3A_33 = arith.constant 1 : i32
    %dma_start3A_34 = arith.constant 0 : i32
    %dma_start3A_35 = arith.constant 1 : i32
    %dma_start3A_36 = arith.constant 0 : i32
    %dma_start3A_37 = tpu.memref_slice %arg7[%dma_start3A_35, %dma_start3A_36] : memref<3x128xi32, #tpu.memory_space<vmem>> -> memref<1x128xi32, #tpu.memory_space<vmem>>
    %dma_start3A_38 = tpu.memref_squeeze %dma_start3A_37 : memref<1x128xi32, #tpu.memory_space<vmem>> -> memref<128xi32, #tpu.memory_space<vmem>>
    %dma_start3A_39 = arith.constant 0 : i32
    %dma_start3A_40 = tpu.memref_slice %arg3[%dma_start3A_33, %dma_start3A_34, %dma_start3A_39] : memref<2x1x320000xi32, #tpu.memory_space<hbm>> -> memref<1x1x320000xi32, #tpu.memory_space<hbm>>
    %dma_start3A_41 = tpu.memref_squeeze %dma_start3A_40 : memref<1x1x320000xi32, #tpu.memory_space<hbm>> -> memref<320000xi32, #tpu.memory_space<hbm>>
    %dma_start3A_42 = tpu.memref_slice %dma_start3A_41[%add3A_32] : memref<320000xi32, #tpu.memory_space<hbm>> -> memref<128xi32, #tpu.memory_space<hbm>>
    %dma_start3A_43 = arith.constant 0 : i32
    %dma_start3A_44 = tpu.memref_slice %arg7[%dma_start3A_35, %dma_start3A_43] : memref<3x128xi32, #tpu.memory_space<vmem>> -> memref<1x128xi32, #tpu.memory_space<vmem>>
    %dma_start3A_45 = tpu.memref_squeeze %dma_start3A_44 : memref<1x128xi32, #tpu.memory_space<vmem>> -> memref<128xi32, #tpu.memory_space<vmem>>
    %dma_start3A_46 = arith.constant 0 : i32
    %dma_start3A_47 = tpu.memref_slice %arg3[%dma_start3A_33, %dma_start3A_34, %dma_start3A_46] : memref<2x1x320000xi32, #tpu.memory_space<hbm>> -> memref<1x1x320000xi32, #tpu.memory_space<hbm>>
    %dma_start3A_48 = tpu.memref_squeeze %dma_start3A_47 : memref<1x1x320000xi32, #tpu.memory_space<hbm>> -> memref<320000xi32, #tpu.memory_space<hbm>>
    %dma_start3A_49 = tpu.memref_slice %dma_start3A_48[%add3A_32] : memref<320000xi32, #tpu.memory_space<hbm>> -> memref<128xi32, #tpu.memory_space<hbm>>
    tpu.enqueue_dma source(%dma_start3A_49 : memref<128xi32, #tpu.memory_space<hbm>>) target(%dma_start3A_45 : memref<128xi32, #tpu.memory_space<vmem>>) target_semaphore(%arg19 : memref<!tpu.dma_semaphore, #tpu.memory_space<semaphore_mem>>)
    %scan3A = arith.constant 0 : i32
    %scan3A_50 = arith.constant 0 : i32
    %scan3A_51 = arith.constant 0 : i32
    %scan3A_52 = arith.constant 128 : i32
    %scan3A_53 = arith.addi %scan3A_51, %scan3A_52 : i32
    %scan3A_54 = arith.constant 1 : i32
    %scan3A_55 = scf.for %scan3A_652 = %scan3A_51 to %scan3A_53 step %scan3A_54 iter_args(%scan3A_653 = %scan3A_50) -> (i32)  : i32 {
      %broadcast_in_dim3A_654 = arith.constant 0.000000e+00 : f32
      %broadcast_in_dim3A_655 = vector.broadcast %broadcast_in_dim3A_654 : f32 to vector<16xf32>
      %swap3A_656 = arith.constant 0 : i32
      %swap3A_657 = arith.constant 0 : i32
      %swap3A_658 = tpu.memref_slice %arg8[%scan3A, %swap3A_656, %swap3A_657] : memref<2x128x128xf32, #tpu.memory_space<vmem>> -> memref<1x128x128xf32, #tpu.memory_space<vmem>>
      %swap3A_659 = tpu.memref_squeeze %swap3A_658 : memref<1x128x128xf32, #tpu.memory_space<vmem>> -> memref<128x128xf32, #tpu.memory_space<vmem>>
      %swap3A_660 = arith.index_cast %scan3A_652 : i32 to index
      %swap3A_661 = arith.constant 0 : index
      %swap3A_662 = tpu.vector_load %swap3A_659[%swap3A_660, %swap3A_661] {strides = array<i32>} : memref<128x128xf32, #tpu.memory_space<vmem>>, vector<1x16xf32>,
      %swap3A_663 = vector.shape_cast %swap3A_662 : vector<1x16xf32> to vector<16xf32>
      %swap3A_664 = vector.shape_cast %broadcast_in_dim3A_655 : vector<16xf32> to vector<1x16xf32>
      tpu.vector_store %swap3A_659[%swap3A_660, %swap3A_661], %swap3A_664 {strides = array<i32>} : memref<128x128xf32, #tpu.memory_space<vmem>>, vector<1x16xf32>,
      %broadcast_in_dim3A_665 = arith.constant 0.000000e+00 : f32
      %broadcast_in_dim3A_666 = vector.broadcast %broadcast_in_dim3A_665 : f32 to vector<16xf32>
      %swap3A_667 = arith.constant 0 : i32
      %swap3A_668 = arith.constant 0 : i32
      %swap3A_669 = tpu.memref_slice %arg8[%scan3A, %swap3A_667, %swap3A_668] : memref<2x128x128xf32, #tpu.memory_space<vmem>> -> memref<1x128x128xf32, #tpu.memory_space<vmem>>
      %swap3A_670 = tpu.memref_squeeze %swap3A_669 : memref<1x128x128xf32, #tpu.memory_space<vmem>> -> memref<128x128xf32, #tpu.memory_space<vmem>>
      %swap3A_671 = arith.index_cast %scan3A_652 : i32 to index
      %swap3A_672 = arith.constant 16 : index
      %swap3A_673 = tpu.vector_load %swap3A_670[%swap3A_671, %swap3A_672] {strides = array<i32>} : memref<128x128xf32, #tpu.memory_space<vmem>>, vector<1x16xf32>,
      %swap3A_674 = vector.shape_cast %swap3A_673 : vector<1x16xf32> to vector<16xf32>
      %swap3A_675 = vector.shape_cast %broadcast_in_dim3A_666 : vector<16xf32> to vector<1x16xf32>
      tpu.vector_store %swap3A_670[%swap3A_671, %swap3A_672], %swap3A_675 {strides = array<i32>} : memref<128x128xf32, #tpu.memory_space<vmem>>, vector<1x16xf32>,
      %broadcast_in_dim3A_676 = arith.constant 0.000000e+00 : f32
      %broadcast_in_dim3A_677 = vector.broadcast %broadcast_in_dim3A_676 : f32 to vector<16xf32>
      %swap3A_678 = arith.constant 0 : i32
      %swap3A_679 = arith.constant 0 : i32
      %swap3A_680 = tpu.memref_slice %arg8[%scan3A, %swap3A_678, %swap3A_679] : memref<2x128x128xf32, #tpu.memory_space<vmem>> -> memref<1x128x128xf32, #tpu.memory_space<vmem>>
      %swap3A_681 = tpu.memref_squeeze %swap3A_680 : memref<1x128x128xf32, #tpu.memory_space<vmem>> -> memref<128x128xf32, #tpu.memory_space<vmem>>
      %swap3A_682 = arith.index_cast %scan3A_652 : i32 to index
      %swap3A_683 = arith.constant 32 : index
      %swap3A_684 = tpu.vector_load %swap3A_681[%swap3A_682, %swap3A_683] {strides = array<i32>} : memref<128x128xf32, #tpu.memory_space<vmem>>, vector<1x16xf32>,
      %swap3A_685 = vector.shape_cast %swap3A_684 : vector<1x16xf32> to vector<16xf32>
      %swap3A_686 = vector.shape_cast %broadcast_in_dim3A_677 : vector<16xf32> to vector<1x16xf32>
      tpu.vector_store %swap3A_681[%swap3A_682, %swap3A_683], %swap3A_686 {strides = array<i32>} : memref<128x128xf32, #tpu.memory_space<vmem>>, vector<1x16xf32>,
      %broadcast_in_dim3A_687 = arith.constant 0.000000e+00 : f32
      %broadcast_in_dim3A_688 = vector.broadcast %broadcast_in_dim3A_687 : f32 to vector<16xf32>
      %swap3A_689 = arith.constant 0 : i32
      %swap3A_690 = arith.constant 0 : i32
      %swap3A_691 = tpu.memref_slice %arg8[%scan3A, %swap3A_689, %swap3A_690] : memref<2x128x128xf32, #tpu.memory_space<vmem>> -> memref<1x128x128xf32, #tpu.memory_space<vmem>>
      %swap3A_692 = tpu.memref_squeeze %swap3A_691 : memref<1x128x128xf32, #tpu.memory_space<vmem>> -> memref<128x128xf32, #tpu.memory_space<vmem>>
      %swap3A_693 = arith.index_cast %scan3A_652 : i32 to index
      %swap3A_694 = arith.constant 48 : index
      %swap3A_695 = tpu.vector_load %swap3A_692[%swap3A_693, %swap3A_694] {strides = array<i32>} : memref<128x128xf32, #tpu.memory_space<vmem>>, vector<1x16xf32>,
      %swap3A_696 = vector.shape_cast %swap3A_695 : vector<1x16xf32> to vector<16xf32>
      %swap3A_697 = vector.shape_cast %broadcast_in_dim3A_688 : vector<16xf32> to vector<1x16xf32>
      tpu.vector_store %swap3A_692[%swap3A_693, %swap3A_694], %swap3A_697 {strides = array<i32>} : memref<128x128xf32, #tpu.memory_space<vmem>>, vector<1x16xf32>,
      %broadcast_in_dim3A_698 = arith.constant 0.000000e+00 : f32
      %broadcast_in_dim3A_699 = vector.broadcast %broadcast_in_dim3A_698 : f32 to vector<16xf32>
      %swap3A_700 = arith.constant 0 : i32
      %swap3A_701 = arith.constant 0 : i32
      %swap3A_702 = tpu.memref_slice %arg8[%scan3A, %swap3A_700, %swap3A_701] : memref<2x128x128xf32, #tpu.memory_space<vmem>> -> memref<1x128x128xf32, #tpu.memory_space<vmem>>
      %swap3A_703 = tpu.memref_squeeze %swap3A_702 : memref<1x128x128xf32, #tpu.memory_space<vmem>> -> memref<128x128xf32, #tpu.memory_space<vmem>>
      %swap3A_704 = arith.index_cast %scan3A_652 : i32 to index
      %swap3A_705 = arith.constant 64 : index
      %swap3A_706 = tpu.vector_load %swap3A_703[%swap3A_704, %swap3A_705] {strides = array<i32>} : memref<128x128xf32, #tpu.memory_space<vmem>>, vector<1x16xf32>,
      %swap3A_707 = vector.shape_cast %swap3A_706 : vector<1x16xf32> to vector<16xf32>
      %swap3A_708 = vector.shape_cast %broadcast_in_dim3A_699 : vector<16xf32> to vector<1x16xf32>
      tpu.vector_store %swap3A_703[%swap3A_704, %swap3A_705], %swap3A_708 {strides = array<i32>} : memref<128x128xf32, #tpu.memory_space<vmem>>, vector<1x16xf32>,
      %broadcast_in_dim3A_709 = arith.constant 0.000000e+00 : f32
      %broadcast_in_dim3A_710 = vector.broadcast %broadcast_in_dim3A_709 : f32 to vector<16xf32>
      %swap3A_711 = arith.constant 0 : i32
      %swap3A_712 = arith.constant 0 : i32
      %swap3A_713 = tpu.memref_slice %arg8[%scan3A, %swap3A_711, %swap3A_712] : memref<2x128x128xf32, #tpu.memory_space<vmem>> -> memref<1x128x128xf32, #tpu.memory_space<vmem>>
      %swap3A_714 = tpu.memref_squeeze %swap3A_713 : memref<1x128x128xf32, #tpu.memory_space<vmem>> -> memref<128x128xf32, #tpu.memory_space<vmem>>
      %swap3A_715 = arith.index_cast %scan3A_652 : i32 to index
      %swap3A_716 = arith.constant 80 : index
      %swap3A_717 = tpu.vector_load %swap3A_714[%swap3A_715, %swap3A_716] {strides = array<i32>} : memref<128x128xf32, #tpu.memory_space<vmem>>, vector<1x16xf32>,
      %swap3A_718 = vector.shape_cast %swap3A_717 : vector<1x16xf32> to vector<16xf32>
      %swap3A_719 = vector.shape_cast %broadcast_in_dim3A_710 : vector<16xf32> to vector<1x16xf32>
      tpu.vector_store %swap3A_714[%swap3A_715, %swap3A_716], %swap3A_719 {strides = array<i32>} : memref<128x128xf32, #tpu.memory_space<vmem>>, vector<1x16xf32>,
      %broadcast_in_dim3A_720 = arith.constant 0.000000e+00 : f32
      %broadcast_in_dim3A_721 = vector.broadcast %broadcast_in_dim3A_720 : f32 to vector<16xf32>
      %swap3A_722 = arith.constant 0 : i32
      %swap3A_723 = arith.constant 0 : i32
      %swap3A_724 = tpu.memref_slice %arg8[%scan3A, %swap3A_722, %swap3A_723] : memref<2x128x128xf32, #tpu.memory_space<vmem>> -> memref<1x128x128xf32, #tpu.memory_space<vmem>>
      %swap3A_725 = tpu.memref_squeeze %swap3A_724 : memref<1x128x128xf32, #tpu.memory_space<vmem>> -> memref<128x128xf32, #tpu.memory_space<vmem>>
      %swap3A_726 = arith.index_cast %scan3A_652 : i32 to index
      %swap3A_727 = arith.constant 96 : index
      %swap3A_728 = tpu.vector_load %swap3A_725[%swap3A_726, %swap3A_727] {strides = array<i32>} : memref<128x128xf32, #tpu.memory_space<vmem>>, vector<1x16xf32>,
      %swap3A_729 = vector.shape_cast %swap3A_728 : vector<1x16xf32> to vector<16xf32>
      %swap3A_730 = vector.shape_cast %broadcast_in_dim3A_721 : vector<16xf32> to vector<1x16xf32>
      tpu.vector_store %swap3A_725[%swap3A_726, %swap3A_727], %swap3A_730 {strides = array<i32>} : memref<128x128xf32, #tpu.memory_space<vmem>>, vector<1x16xf32>,
      %broadcast_in_dim3A_731 = arith.constant 0.000000e+00 : f32
      %broadcast_in_dim3A_732 = vector.broadcast %broadcast_in_dim3A_731 : f32 to vector<16xf32>
      %swap3A_733 = arith.constant 0 : i32
      %swap3A_734 = arith.constant 0 : i32
      %swap3A_735 = tpu.memref_slice %arg8[%scan3A, %swap3A_733, %swap3A_734] : memref<2x128x128xf32, #tpu.memory_space<vmem>> -> memref<1x128x128xf32, #tpu.memory_space<vmem>>
      %swap3A_736 = tpu.memref_squeeze %swap3A_735 : memref<1x128x128xf32, #tpu.memory_space<vmem>> -> memref<128x128xf32, #tpu.memory_space<vmem>>
      %swap3A_737 = arith.index_cast %scan3A_652 : i32 to index
      %swap3A_738 = arith.constant 112 : index
      %swap3A_739 = tpu.vector_load %swap3A_736[%swap3A_737, %swap3A_738] {strides = array<i32>} : memref<128x128xf32, #tpu.memory_space<vmem>>, vector<1x16xf32>,
      %swap3A_740 = vector.shape_cast %swap3A_739 : vector<1x16xf32> to vector<16xf32>
      %swap3A_741 = vector.shape_cast %broadcast_in_dim3A_732 : vector<16xf32> to vector<1x16xf32>
      tpu.vector_store %swap3A_736[%swap3A_737, %swap3A_738], %swap3A_741 {strides = array<i32>} : memref<128x128xf32, #tpu.memory_space<vmem>>, vector<1x16xf32>,
      %scan3A_742 = arith.constant 0 : i32
      scf.yield %scan3A_742 : i32
    }
    %scan3A_56 = arith.constant 128 : i32
    %scan3A_57 = arith.constant 0 : i32
    %scan3A_58 = arith.constant 0 : i32
    %scan3A_59 = arith.constant 0 : i32
    %scan3A_60 = arith.constant 5 : i32
    %scan3A_61 = arith.addi %scan3A_59, %scan3A_60 : i32
    %scan3A_62 = arith.constant 1 : i32
    %scan3A_63 = scf.for %scan3A_652 = %scan3A_59 to %scan3A_61 step %scan3A_62 iter_args(%scan3A_653 = %scan3A_58) -> (i32)  : i32 {
      %mul3A_654 = arith.constant 640 : i32
      %mul3A_655 = arith.muli %arg1, %mul3A_654 : i32
      %mul3A_656 = arith.constant 128 : i32
      %mul3A_657 = arith.muli %scan3A_652, %mul3A_656 : i32
      %add3A_658 = arith.addi %mul3A_655, %mul3A_657 : i32
      "tpu.region"() ({
        %run_scoped3A_660 = tpu.sem_alloc : memref<!tpu.dma_semaphore, #tpu.memory_space<semaphore_mem>>
        %dma_start3A_661 = arith.constant 0 : i32
        %dma_start3A_662 = arith.constant 0 : i32
        %dma_start3A_663 = tpu.memref_slice %arg8[%scan3A_57, %dma_start3A_661, %dma_start3A_662] : memref<2x128x128xf32, #tpu.memory_space<vmem>> -> memref<1x128x128xf32, #tpu.memory_space<vmem>>
        %dma_start3A_664 = tpu.memref_squeeze %dma_start3A_663 : memref<1x128x128xf32, #tpu.memory_space<vmem>> -> memref<128x128xf32, #tpu.memory_space<vmem>>
        %dma_start3A_665 = arith.constant 0 : i32
        %dma_start3A_666 = tpu.memref_slice %arg12[%add3A_658, %dma_start3A_665] : memref<10240x128xf32, #tpu.memory_space<vmem_shared>> -> memref<128x128xf32, #tpu.memory_space<vmem_shared>>
        %dma_start3A_667 = arith.constant 0 : i32
        %dma_start3A_668 = tpu.memref_slice %arg12[%add3A_658, %dma_start3A_667] : memref<10240x128xf32, #tpu.memory_space<vmem_shared>> -> memref<128x128xf32, #tpu.memory_space<vmem_shared>>
        %dma_start3A_669 = arith.constant 0 : i32
        %dma_start3A_670 = arith.constant 0 : i32
        %dma_start3A_671 = tpu.memref_slice %arg8[%scan3A_57, %dma_start3A_669, %dma_start3A_670] : memref<2x128x128xf32, #tpu.memory_space<vmem>> -> memref<1x128x128xf32, #tpu.memory_space<vmem>>
        %dma_start3A_672 = tpu.memref_squeeze %dma_start3A_671 : memref<1x128x128xf32, #tpu.memory_space<vmem>> -> memref<128x128xf32, #tpu.memory_space<vmem>>
        tpu.enqueue_dma source(%dma_start3A_672 : memref<128x128xf32, #tpu.memory_space<vmem>>) target(%dma_start3A_668 : memref<128x128xf32, #tpu.memory_space<vmem_shared>>) target_semaphore(%run_scoped3A_660 : memref<!tpu.dma_semaphore, #tpu.memory_space<semaphore_mem>>)
        %dma_wait3A_673 = arith.constant 0 : i32
        %dma_wait3A_674 = arith.constant 0 : i32
        %dma_wait3A_675 = tpu.memref_slice %arg8[%scan3A_57, %dma_wait3A_673, %dma_wait3A_674] : memref<2x128x128xf32, #tpu.memory_space<vmem>> -> memref<1x128x128xf32, #tpu.memory_space<vmem>>
        %dma_wait3A_676 = tpu.memref_squeeze %dma_wait3A_675 : memref<1x128x128xf32, #tpu.memory_space<vmem>> -> memref<128x128xf32, #tpu.memory_space<vmem>>
        %dma_wait3A_677 = arith.constant 0 : i32
        %dma_wait3A_678 = tpu.memref_slice %arg12[%add3A_658, %dma_wait3A_677] : memref<10240x128xf32, #tpu.memory_space<vmem_shared>> -> memref<128x128xf32, #tpu.memory_space<vmem_shared>>
        %dma_wait3A_679 = arith.constant 0 : i32
        %dma_wait3A_680 = tpu.memref_slice %arg12[%add3A_658, %dma_wait3A_679] : memref<10240x128xf32, #tpu.memory_space<vmem_shared>> -> memref<128x128xf32, #tpu.memory_space<vmem_shared>>
        %dma_wait3A_681 = arith.constant 0 : i32
        %dma_wait3A_682 = arith.constant 0 : i32
        %dma_wait3A_683 = tpu.memref_slice %arg8[%scan3A_57, %dma_wait3A_681, %dma_wait3A_682] : memref<2x128x128xf32, #tpu.memory_space<vmem>> -> memref<1x128x128xf32, #tpu.memory_space<vmem>>
        %dma_wait3A_684 = tpu.memref_squeeze %dma_wait3A_683 : memref<1x128x128xf32, #tpu.memory_space<vmem>> -> memref<128x128xf32, #tpu.memory_space<vmem>>
        tpu.wait_dma2 semaphore(%run_scoped3A_660 : memref<!tpu.dma_semaphore, #tpu.memory_space<semaphore_mem>>) src(%dma_wait3A_684 : memref<128x128xf32, #tpu.memory_space<vmem>>) dst(%dma_wait3A_680 : memref<128x128xf32, #tpu.memory_space<vmem_shared>>)
        tpu.yield
      }) : () -> ()
      %scan3A_659 = arith.constant 0 : i32
      scf.yield %scan3A_659 : i32
    }
    %scan3A_64 = arith.constant 5 : i32
    %scan3A_65 = arith.constant 0 : i32
    %scan3A_66 = arith.constant 0 : i32
    %scan3A_67 = arith.constant 8 : i32
    %scan3A_68 = arith.addi %scan3A_66, %scan3A_67 : i32
    %scan3A_69 = arith.constant 1 : i32
    %scan3A_70 = scf.for %scan3A_652 = %scan3A_66 to %scan3A_68 step %scan3A_69 iter_args(%scan3A_653 = %scan3A_65) -> (i32)  : i32 {
      %broadcast_in_dim3A_654 = arith.constant 1.000000e+00 : f32
      %broadcast_in_dim3A_655 = vector.broadcast %broadcast_in_dim3A_654 : f32 to vector<16xf32>
      %mul3A_656 = arith.constant 16 : i32
      %mul3A_657 = arith.muli %scan3A_652, %mul3A_656 : i32
      %swap3A_658 = arith.index_cast %mul3A_657 : i32 to index
      %swap3A_659 = tpu.vector_load %arg21[%swap3A_658] {strides = array<i32>} : memref<128xf32, #tpu.memory_space<vmem>>, vector<16xf32>,
      %swap3A_660 = vector.shape_cast %swap3A_659 : vector<16xf32> to vector<16xf32>
      %swap3A_661 = vector.shape_cast %broadcast_in_dim3A_655 : vector<16xf32> to vector<16xf32>
      tpu.vector_store %arg21[%swap3A_658], %swap3A_661 {strides = array<i32>} : memref<128xf32, #tpu.memory_space<vmem>>, vector<16xf32>,
      %scan3A_662 = arith.constant 0 : i32
      scf.yield %scan3A_662 : i32
    }
    %scan3A_71 = arith.constant 8 : i32
    %broadcast_in_dim3A = arith.constant 1.000000e+00 : f32
    %broadcast_in_dim3A_72 = vector.broadcast %broadcast_in_dim3A : f32 to vector<16xf32>
    %swap3A = arith.constant 0 : index
    %swap3A_73 = tpu.vector_load %arg22[%swap3A] {strides = array<i32>} : memref<16xf32, #tpu.memory_space<vmem>>, vector<16xf32>,
    %swap3A_74 = vector.shape_cast %swap3A_73 : vector<16xf32> to vector<16xf32>
    %swap3A_75 = vector.shape_cast %broadcast_in_dim3A_72 : vector<16xf32> to vector<16xf32>
    tpu.vector_store %arg22[%swap3A], %swap3A_75 {strides = array<i32>} : memref<16xf32, #tpu.memory_space<vmem>>, vector<16xf32>,
    %scan3A_76 = arith.constant 0 : i32
    %scan3A_77 = arith.constant 0 : i32
    %scan3A_78 = arith.constant 40 : i32
    %scan3A_79 = arith.addi %scan3A_77, %scan3A_78 : i32
    %scan3A_80 = arith.constant 1 : i32
    %scan3A_81 = scf.for %scan3A_652 = %scan3A_77 to %scan3A_79 step %scan3A_80 iter_args(%scan3A_653 = %scan3A_76) -> (i32)  : i32 {
      %broadcast_in_dim3A_654 = arith.constant 0.000000e+00 : f32
      %broadcast_in_dim3A_655 = vector.broadcast %broadcast_in_dim3A_654 : f32 to vector<16xf32>
      %mul3A_656 = arith.constant 16 : i32
      %mul3A_657 = arith.muli %scan3A_652, %mul3A_656 : i32
      %swap3A_658 = arith.index_cast %mul3A_657 : i32 to index
      %swap3A_659 = tpu.vector_load %arg23[%swap3A_658] {strides = array<i32>} : memref<640xf32, #tpu.memory_space<vmem>>, vector<16xf32>,
      %swap3A_660 = vector.shape_cast %swap3A_659 : vector<16xf32> to vector<16xf32>
      %swap3A_661 = vector.shape_cast %broadcast_in_dim3A_655 : vector<16xf32> to vector<16xf32>
      tpu.vector_store %arg23[%swap3A_658], %swap3A_661 {strides = array<i32>} : memref<640xf32, #tpu.memory_space<vmem>>, vector<16xf32>,
      %scan3A_662 = arith.constant 0 : i32
      scf.yield %scan3A_662 : i32
    }
    %scan3A_82 = arith.constant 40 : i32
    %mul3A_83 = arith.constant 640 : i32
    %mul3A_84 = arith.muli %arg1, %mul3A_83 : i32
    "tpu.region"() ({
      %run_scoped3A_652 = tpu.sem_alloc : memref<!tpu.dma_semaphore, #tpu.memory_space<semaphore_mem>>
      %dma_start3A_653 = tpu.memref_slice %arg24[%mul3A_84] : memref<10240xf32, #tpu.memory_space<vmem_shared>> -> memref<640xf32, #tpu.memory_space<vmem_shared>>
      %dma_start3A_654 = tpu.memref_slice %arg24[%mul3A_84] : memref<10240xf32, #tpu.memory_space<vmem_shared>> -> memref<640xf32, #tpu.memory_space<vmem_shared>>
      tpu.enqueue_dma source(%arg23 : memref<640xf32, #tpu.memory_space<vmem>>) target(%dma_start3A_654 : memref<640xf32, #tpu.memory_space<vmem_shared>>) target_semaphore(%run_scoped3A_652 : memref<!tpu.dma_semaphore, #tpu.memory_space<semaphore_mem>>)
      %dma_wait3A_655 = tpu.memref_slice %arg24[%mul3A_84] : memref<10240xf32, #tpu.memory_space<vmem_shared>> -> memref<640xf32, #tpu.memory_space<vmem_shared>>
      %dma_wait3A_656 = tpu.memref_slice %arg24[%mul3A_84] : memref<10240xf32, #tpu.memory_space<vmem_shared>> -> memref<640xf32, #tpu.memory_space<vmem_shared>>
      tpu.wait_dma2 semaphore(%run_scoped3A_652 : memref<!tpu.dma_semaphore, #tpu.memory_space<semaphore_mem>>) src(%arg23 : memref<640xf32, #tpu.memory_space<vmem>>) dst(%dma_wait3A_656 : memref<640xf32, #tpu.memory_space<vmem_shared>>)
      tpu.yield
    }) : () -> ()
    %dma_wait3A = arith.constant 0 : i32
    %dma_wait3A_85 = arith.constant 0 : i32
    %dma_wait3A_86 = arith.constant 0 : i32
    %dma_wait3A_87 = tpu.memref_slice %arg3[%dma_wait3A, %dma_wait3A_85, %dma_wait3A_86] : memref<2x1x320000xi32, #tpu.memory_space<hbm>> -> memref<1x1x320000xi32, #tpu.memory_space<hbm>>
    %dma_wait3A_88 = tpu.memref_squeeze %dma_wait3A_87 : memref<1x1x320000xi32, #tpu.memory_space<hbm>> -> memref<320000xi32, #tpu.memory_space<hbm>>
    %dma_wait3A_89 = tpu.memref_slice %dma_wait3A_88[%mul3A_2] : memref<320000xi32, #tpu.memory_space<hbm>> -> memref<9984xi32, #tpu.memory_space<hbm>>
    %dma_wait3A_90 = arith.constant 0 : i32
    %dma_wait3A_91 = tpu.memref_slice %arg3[%dma_wait3A, %dma_wait3A_85, %dma_wait3A_90] : memref<2x1x320000xi32, #tpu.memory_space<hbm>> -> memref<1x1x320000xi32, #tpu.memory_space<hbm>>
    %dma_wait3A_92 = tpu.memref_squeeze %dma_wait3A_91 : memref<1x1x320000xi32, #tpu.memory_space<hbm>> -> memref<320000xi32, #tpu.memory_space<hbm>>
    %dma_wait3A_93 = tpu.memref_slice %dma_wait3A_92[%mul3A_2] : memref<320000xi32, #tpu.memory_space<hbm>> -> memref<9984xi32, #tpu.memory_space<hbm>>
    tpu.wait_dma2 semaphore(%arg13 : memref<!tpu.dma_semaphore, #tpu.memory_space<semaphore_mem>>) src(%dma_wait3A_93 : memref<9984xi32, #tpu.memory_space<hbm>>) dst(%arg6 : memref<9984xi32, #tpu.memory_space<vmem>>)
    %barrier3A = arith.constant 0 : index
    tpu.barrier barrier_id(%barrier3A)
    %dma_start3A_94 = arith.constant 0 : i32
    %dma_start3A_95 = arith.constant 0 : i32
    %dma_start3A_96 = arith.constant 0 : i32
    %dma_start3A_97 = tpu.memref_slice %arg8[%dma_start3A_94, %dma_start3A_95, %dma_start3A_96] : memref<2x128x128xf32, #tpu.memory_space<vmem>> -> memref<1x128x128xf32, #tpu.memory_space<vmem>>
    %dma_start3A_98 = tpu.memref_squeeze %dma_start3A_97 : memref<1x128x128xf32, #tpu.memory_space<vmem>> -> memref<128x128xf32, #tpu.memory_space<vmem>>
    %dma_start3A_99 = arith.constant 0 : i32
    %dma_start3A_100 = tpu.memref_slice %arg6[%dma_start3A_99] : memref<9984xi32, #tpu.memory_space<vmem>> -> memref<128xi32, #tpu.memory_space<vmem>>
    %dma_start3A_101 = arith.constant 0 : i32
    %dma_start3A_102 = arith.constant 0 : i32
    %dma_start3A_103 = tpu.memref_slice %arg2[%dma_start3A_101, %dma_start3A_102] : memref<10000x128xf32, #tpu.memory_space<hbm>> -> memref<10000x128xf32, #tpu.memory_space<hbm>>
    tpu.enqueue_indirect_dma source(%dma_start3A_103 : memref<10000x128xf32, #tpu.memory_space<hbm>>) target(%dma_start3A_98 : memref<128x128xf32, #tpu.memory_space<vmem>>) offsets(%dma_start3A_100 : memref<128xi32, #tpu.memory_space<vmem>>) semaphore(%arg14 : memref<!tpu.dma_semaphore, #tpu.memory_space<semaphore_mem>>)
    %add3A_104 = arith.constant 256 : i32
    %add3A_105 = arith.addi %mul3A_2, %add3A_104 : i32
    %dma_start3A_106 = arith.constant 1 : i32
    %dma_start3A_107 = arith.constant 0 : i32
    %dma_start3A_108 = arith.constant 2 : i32
    %dma_start3A_109 = arith.constant 0 : i32
    %dma_start3A_110 = tpu.memref_slice %arg7[%dma_start3A_108, %dma_start3A_109] : memref<3x128xi32, #tpu.memory_space<vmem>> -> memref<1x128xi32, #tpu.memory_space<vmem>>
    %dma_start3A_111 = tpu.memref_squeeze %dma_start3A_110 : memref<1x128xi32, #tpu.memory_space<vmem>> -> memref<128xi32, #tpu.memory_space<vmem>>
    %dma_start3A_112 = arith.constant 0 : i32
    %dma_start3A_113 = tpu.memref_slice %arg3[%dma_start3A_106, %dma_start3A_107, %dma_start3A_112] : memref<2x1x320000xi32, #tpu.memory_space<hbm>> -> memref<1x1x320000xi32, #tpu.memory_space<hbm>>
    %dma_start3A_114 = tpu.memref_squeeze %dma_start3A_113 : memref<1x1x320000xi32, #tpu.memory_space<hbm>> -> memref<320000xi32, #tpu.memory_space<hbm>>
    %dma_start3A_115 = tpu.memref_slice %dma_start3A_114[%add3A_105] : memref<320000xi32, #tpu.memory_space<hbm>> -> memref<128xi32, #tpu.memory_space<hbm>>
    %dma_start3A_116 = arith.constant 0 : i32
    %dma_start3A_117 = tpu.memref_slice %arg7[%dma_start3A_108, %dma_start3A_116] : memref<3x128xi32, #tpu.memory_space<vmem>> -> memref<1x128xi32, #tpu.memory_space<vmem>>
    %dma_start3A_118 = tpu.memref_squeeze %dma_start3A_117 : memref<1x128xi32, #tpu.memory_space<vmem>> -> memref<128xi32, #tpu.memory_space<vmem>>
    %dma_start3A_119 = arith.constant 0 : i32
    %dma_start3A_120 = tpu.memref_slice %arg3[%dma_start3A_106, %dma_start3A_107, %dma_start3A_119] : memref<2x1x320000xi32, #tpu.memory_space<hbm>> -> memref<1x1x320000xi32, #tpu.memory_space<hbm>>
    %dma_start3A_121 = tpu.memref_squeeze %dma_start3A_120 : memref<1x1x320000xi32, #tpu.memory_space<hbm>> -> memref<320000xi32, #tpu.memory_space<hbm>>
    %dma_start3A_122 = tpu.memref_slice %dma_start3A_121[%add3A_105] : memref<320000xi32, #tpu.memory_space<hbm>> -> memref<128xi32, #tpu.memory_space<hbm>>
    tpu.enqueue_dma source(%dma_start3A_122 : memref<128xi32, #tpu.memory_space<hbm>>) target(%dma_start3A_118 : memref<128xi32, #tpu.memory_space<vmem>>) target_semaphore(%arg20 : memref<!tpu.dma_semaphore, #tpu.memory_space<semaphore_mem>>)
    %dma_start3A_123 = arith.constant 1 : i32
    %dma_start3A_124 = arith.constant 0 : i32
    %dma_start3A_125 = arith.constant 0 : i32
    %dma_start3A_126 = tpu.memref_slice %arg8[%dma_start3A_123, %dma_start3A_124, %dma_start3A_125] : memref<2x128x128xf32, #tpu.memory_space<vmem>> -> memref<1x128x128xf32, #tpu.memory_space<vmem>>
    %dma_start3A_127 = tpu.memref_squeeze %dma_start3A_126 : memref<1x128x128xf32, #tpu.memory_space<vmem>> -> memref<128x128xf32, #tpu.memory_space<vmem>>
    %dma_start3A_128 = arith.constant 128 : i32
    %dma_start3A_129 = tpu.memref_slice %arg6[%dma_start3A_128] : memref<9984xi32, #tpu.memory_space<vmem>> -> memref<128xi32, #tpu.memory_space<vmem>>
    %dma_start3A_130 = arith.constant 0 : i32
    %dma_start3A_131 = arith.constant 0 : i32
    %dma_start3A_132 = tpu.memref_slice %arg2[%dma_start3A_130, %dma_start3A_131] : memref<10000x128xf32, #tpu.memory_space<hbm>> -> memref<10000x128xf32, #tpu.memory_space<hbm>>
    tpu.enqueue_indirect_dma source(%dma_start3A_132 : memref<10000x128xf32, #tpu.memory_space<hbm>>) target(%dma_start3A_127 : memref<128x128xf32, #tpu.memory_space<vmem>>) offsets(%dma_start3A_129 : memref<128xi32, #tpu.memory_space<vmem>>) semaphore(%arg15 : memref<!tpu.dma_semaphore, #tpu.memory_space<semaphore_mem>>)
    %dma_wait3A_133 = arith.constant 0 : i32
    %dma_wait3A_134 = arith.constant 0 : i32
    %dma_wait3A_135 = arith.constant 0 : i32
    %dma_wait3A_136 = tpu.memref_slice %arg8[%dma_wait3A_133, %dma_wait3A_134, %dma_wait3A_135] : memref<2x128x128xf32, #tpu.memory_space<vmem>> -> memref<1x128x128xf32, #tpu.memory_space<vmem>>
    %dma_wait3A_137 = tpu.memref_squeeze %dma_wait3A_136 : memref<1x128x128xf32, #tpu.memory_space<vmem>> -> memref<128x128xf32, #tpu.memory_space<vmem>>
    %dma_wait3A_138 = arith.constant 0 : i32
    %dma_wait3A_139 = tpu.memref_slice %arg6[%dma_wait3A_138] : memref<9984xi32, #tpu.memory_space<vmem>> -> memref<128xi32, #tpu.memory_space<vmem>>
    %dma_wait3A_140 = arith.constant 0 : i32
    %dma_wait3A_141 = arith.constant 0 : i32
    %dma_wait3A_142 = tpu.memref_slice %arg2[%dma_wait3A_140, %dma_wait3A_141] : memref<10000x128xf32, #tpu.memory_space<hbm>> -> memref<10000x128xf32, #tpu.memory_space<hbm>>
    tpu.wait_indirect_dma semaphore(%arg14 : memref<!tpu.dma_semaphore, #tpu.memory_space<semaphore_mem>>) src(%dma_wait3A_142 : memref<10000x128xf32, #tpu.memory_space<hbm>>) dst(%dma_wait3A_137 : memref<128x128xf32, #tpu.memory_space<vmem>>)
    %add3A_143 = arith.constant 0 : i32
    %add3A_144 = arith.addi %mul3A_2, %add3A_143 : i32
    %dma_wait3A_145 = arith.constant 1 : i32
    %dma_wait3A_146 = arith.constant 0 : i32
    %dma_wait3A_147 = arith.constant 0 : i32
    %dma_wait3A_148 = arith.constant 0 : i32
    %dma_wait3A_149 = tpu.memref_slice %arg7[%dma_wait3A_147, %dma_wait3A_148] : memref<3x128xi32, #tpu.memory_space<vmem>> -> memref<1x128xi32, #tpu.memory_space<vmem>>
    %dma_wait3A_150 = tpu.memref_squeeze %dma_wait3A_149 : memref<1x128xi32, #tpu.memory_space<vmem>> -> memref<128xi32, #tpu.memory_space<vmem>>
    %dma_wait3A_151 = arith.constant 0 : i32
    %dma_wait3A_152 = tpu.memref_slice %arg3[%dma_wait3A_145, %dma_wait3A_146, %dma_wait3A_151] : memref<2x1x320000xi32, #tpu.memory_space<hbm>> -> memref<1x1x320000xi32, #tpu.memory_space<hbm>>
    %dma_wait3A_153 = tpu.memref_squeeze %dma_wait3A_152 : memref<1x1x320000xi32, #tpu.memory_space<hbm>> -> memref<320000xi32, #tpu.memory_space<hbm>>
    %dma_wait3A_154 = tpu.memref_slice %dma_wait3A_153[%add3A_144] : memref<320000xi32, #tpu.memory_space<hbm>> -> memref<128xi32, #tpu.memory_space<hbm>>
    %dma_wait3A_155 = arith.constant 0 : i32
    %dma_wait3A_156 = tpu.memref_slice %arg7[%dma_wait3A_147, %dma_wait3A_155] : memref<3x128xi32, #tpu.memory_space<vmem>> -> memref<1x128xi32, #tpu.memory_space<vmem>>
    %dma_wait3A_157 = tpu.memref_squeeze %dma_wait3A_156 : memref<1x128xi32, #tpu.memory_space<vmem>> -> memref<128xi32, #tpu.memory_space<vmem>>
    %dma_wait3A_158 = arith.constant 0 : i32
    %dma_wait3A_159 = tpu.memref_slice %arg3[%dma_wait3A_145, %dma_wait3A_146, %dma_wait3A_158] : memref<2x1x320000xi32, #tpu.memory_space<hbm>> -> memref<1x1x320000xi32, #tpu.memory_space<hbm>>
    %dma_wait3A_160 = tpu.memref_squeeze %dma_wait3A_159 : memref<1x1x320000xi32, #tpu.memory_space<hbm>> -> memref<320000xi32, #tpu.memory_space<hbm>>
    %dma_wait3A_161 = tpu.memref_slice %dma_wait3A_160[%add3A_144] : memref<320000xi32, #tpu.memory_space<hbm>> -> memref<128xi32, #tpu.memory_space<hbm>>
    tpu.wait_dma2 semaphore(%arg18 : memref<!tpu.dma_semaphore, #tpu.memory_space<semaphore_mem>>) src(%dma_wait3A_161 : memref<128xi32, #tpu.memory_space<hbm>>) dst(%dma_wait3A_157 : memref<128xi32, #tpu.memory_space<vmem>>)
    %dma_start3A_162 = arith.constant 0 : i32
    %dma_start3A_163 = arith.constant 0 : i32
    %dma_start3A_164 = arith.constant 0 : i32
    %dma_start3A_165 = arith.constant 0 : i32
    %dma_start3A_166 = tpu.memref_slice %arg8[%dma_start3A_162, %dma_start3A_164, %dma_start3A_165] : memref<2x128x128xf32, #tpu.memory_space<vmem>> -> memref<1x128x128xf32, #tpu.memory_space<vmem>>
    %dma_start3A_167 = tpu.memref_squeeze %dma_start3A_166 : memref<1x128x128xf32, #tpu.memory_space<vmem>> -> memref<128x128xf32, #tpu.memory_space<vmem>>
    %dma_start3A_168 = arith.constant 0 : i32
    %dma_start3A_169 = tpu.memref_slice %arg7[%dma_start3A_163, %dma_start3A_168] : memref<3x128xi32, #tpu.memory_space<vmem>> -> memref<1x128xi32, #tpu.memory_space<vmem>>
    %dma_start3A_170 = tpu.memref_squeeze %dma_start3A_169 : memref<1x128xi32, #tpu.memory_space<vmem>> -> memref<128xi32, #tpu.memory_space<vmem>>
    %dma_start3A_171 = arith.constant 0 : i32
    %dma_start3A_172 = arith.constant 0 : i32
    %dma_start3A_173 = tpu.memref_slice %arg12[%dma_start3A_171, %dma_start3A_172] : memref<10240x128xf32, #tpu.memory_space<vmem_shared>> -> memref<10240x128xf32, #tpu.memory_space<vmem_shared>>
    tpu.enqueue_indirect_dma source(%dma_start3A_167 : memref<128x128xf32, #tpu.memory_space<vmem>>) target(%dma_start3A_173 : memref<10240x128xf32, #tpu.memory_space<vmem_shared>>) offsets(%dma_start3A_170 : memref<128xi32, #tpu.memory_space<vmem>>) semaphore(%arg16 : memref<!tpu.dma_semaphore, #tpu.memory_space<semaphore_mem>>) {add = true}
    %dma_start3A_174 = arith.constant 0 : i32
    %dma_start3A_175 = arith.constant 0 : i32
    %dma_start3A_176 = tpu.memref_slice %arg7[%dma_start3A_174, %dma_start3A_175] : memref<3x128xi32, #tpu.memory_space<vmem>> -> memref<1x128xi32, #tpu.memory_space<vmem>>
    %dma_start3A_177 = tpu.memref_squeeze %dma_start3A_176 : memref<1x128xi32, #tpu.memory_space<vmem>> -> memref<128xi32, #tpu.memory_space<vmem>>
    %dma_start3A_178 = arith.constant 0 : i32
    %dma_start3A_179 = tpu.memref_slice %arg24[%dma_start3A_178] : memref<10240xf32, #tpu.memory_space<vmem_shared>> -> memref<10240xf32, #tpu.memory_space<vmem_shared>>
    tpu.enqueue_indirect_dma source(%arg21 : memref<128xf32, #tpu.memory_space<vmem>>) target(%dma_start3A_179 : memref<10240xf32, #tpu.memory_space<vmem_shared>>) offsets(%dma_start3A_177 : memref<128xi32, #tpu.memory_space<vmem>>) semaphore(%arg25 : memref<!tpu.dma_semaphore, #tpu.memory_space<semaphore_mem>>) {add = true}
    %scan3A_180 = arith.constant 1 : i32
    %scan3A_181 = arith.constant 0 : i32
    %scan3A_182 = arith.constant 0 : i32
    %scan3A_183 = arith.constant 0 : i32
    %scan3A_184 = arith.constant 12 : i32
    %scan3A_185 = arith.addi %scan3A_183, %scan3A_184 : i32
    %scan3A_186 = arith.constant 1 : i32
    %scan3A_187 = scf.for %scan3A_652 = %scan3A_183 to %scan3A_185 step %scan3A_186 iter_args(%scan3A_653 = %scan3A_182) -> (i32)  : i32 {
      %mul3A_654 = arith.constant 6 : i32
      %mul3A_655 = arith.muli %mul3A_654, %scan3A_652 : i32
      %add3A_656 = arith.constant 2 : i32
      %add3A_657 = arith.addi %add3A_656, %mul3A_655 : i32
      %add3A_658 = arith.constant 0 : i32
      %add3A_659 = arith.addi %add3A_657, %add3A_658 : i32
      %dma_wait3A_660 = arith.constant 0 : i32
      %dma_wait3A_661 = arith.constant 0 : i32
      %dma_wait3A_662 = arith.constant 0 : i32
      %dma_wait3A_663 = arith.constant 0 : i32
      %dma_wait3A_664 = tpu.memref_slice %arg8[%dma_wait3A_660, %dma_wait3A_662, %dma_wait3A_663] : memref<2x128x128xf32, #tpu.memory_space<vmem>> -> memref<1x128x128xf32, #tpu.memory_space<vmem>>
      %dma_wait3A_665 = tpu.memref_squeeze %dma_wait3A_664 : memref<1x128x128xf32, #tpu.memory_space<vmem>> -> memref<128x128xf32, #tpu.memory_space<vmem>>
      %dma_wait3A_666 = arith.constant 0 : i32
      %dma_wait3A_667 = tpu.memref_slice %arg7[%dma_wait3A_661, %dma_wait3A_666] : memref<3x128xi32, #tpu.memory_space<vmem>> -> memref<1x128xi32, #tpu.memory_space<vmem>>
      %dma_wait3A_668 = tpu.memref_squeeze %dma_wait3A_667 : memref<1x128xi32, #tpu.memory_space<vmem>> -> memref<128xi32, #tpu.memory_space<vmem>>
      %dma_wait3A_669 = arith.constant 0 : i32
      %dma_wait3A_670 = arith.constant 0 : i32
      %dma_wait3A_671 = tpu.memref_slice %arg12[%dma_wait3A_669, %dma_wait3A_670] : memref<10240x128xf32, #tpu.memory_space<vmem_shared>> -> memref<10240x128xf32, #tpu.memory_space<vmem_shared>>
      tpu.wait_indirect_dma semaphore(%arg16 : memref<!tpu.dma_semaphore, #tpu.memory_space<semaphore_mem>>) src(%dma_wait3A_665 : memref<128x128xf32, #tpu.memory_space<vmem>>) dst(%dma_wait3A_671 : memref<10240x128xf32, #tpu.memory_space<vmem_shared>>)
      %dma_wait3A_672 = arith.constant 0 : i32
      %dma_wait3A_673 = arith.constant 0 : i32
      %dma_wait3A_674 = tpu.memref_slice %arg7[%dma_wait3A_672, %dma_wait3A_673] : memref<3x128xi32, #tpu.memory_space<vmem>> -> memref<1x128xi32, #tpu.memory_space<vmem>>
      %dma_wait3A_675 = tpu.memref_squeeze %dma_wait3A_674 : memref<1x128xi32, #tpu.memory_space<vmem>> -> memref<128xi32, #tpu.memory_space<vmem>>
      %dma_wait3A_676 = arith.constant 0 : i32
      %dma_wait3A_677 = tpu.memref_slice %arg24[%dma_wait3A_676] : memref<10240xf32, #tpu.memory_space<vmem_shared>> -> memref<10240xf32, #tpu.memory_space<vmem_shared>>
      tpu.wait_indirect_dma semaphore(%arg25 : memref<!tpu.dma_semaphore, #tpu.memory_space<semaphore_mem>>) src(%arg21 : memref<128xf32, #tpu.memory_space<vmem>>) dst(%dma_wait3A_677 : memref<10240xf32, #tpu.memory_space<vmem_shared>>)
      %mul3A_678 = arith.constant 128 : i32
      %mul3A_679 = arith.muli %add3A_659, %mul3A_678 : i32
      %dma_start3A_680 = arith.constant 0 : i32
      %dma_start3A_681 = arith.constant 0 : i32
      %dma_start3A_682 = arith.constant 0 : i32
      %dma_start3A_683 = tpu.memref_slice %arg8[%dma_start3A_680, %dma_start3A_681, %dma_start3A_682] : memref<2x128x128xf32, #tpu.memory_space<vmem>> -> memref<1x128x128xf32, #tpu.memory_space<vmem>>
      %dma_start3A_684 = tpu.memref_squeeze %dma_start3A_683 : memref<1x128x128xf32, #tpu.memory_space<vmem>> -> memref<128x128xf32, #tpu.memory_space<vmem>>
      %dma_start3A_685 = tpu.memref_slice %arg6[%mul3A_679] : memref<9984xi32, #tpu.memory_space<vmem>> -> memref<128xi32, #tpu.memory_space<vmem>>
      %dma_start3A_686 = arith.constant 0 : i32
      %dma_start3A_687 = arith.constant 0 : i32
      %dma_start3A_688 = tpu.memref_slice %arg2[%dma_start3A_686, %dma_start3A_687] : memref<10000x128xf32, #tpu.memory_space<hbm>> -> memref<10000x128xf32, #tpu.memory_space<hbm>>
      tpu.enqueue_indirect_dma source(%dma_start3A_688 : memref<10000x128xf32, #tpu.memory_space<hbm>>) target(%dma_start3A_684 : memref<128x128xf32, #tpu.memory_space<vmem>>) offsets(%dma_start3A_685 : memref<128xi32, #tpu.memory_space<vmem>>) semaphore(%arg14 : memref<!tpu.dma_semaphore, #tpu.memory_space<semaphore_mem>>)
      %add3A_689 = arith.constant 1 : i32
      %add3A_690 = arith.addi %add3A_659, %add3A_689 : i32
      %mul3A_691 = arith.constant 128 : i32
      %mul3A_692 = arith.muli %add3A_690, %mul3A_691 : i32
      %add3A_693 = arith.addi %mul3A_2, %mul3A_692 : i32
      %dma_start3A_694 = arith.constant 0 : i32
      %dma_start3A_695 = arith.constant 0 : i32
      %dma_start3A_696 = tpu.memref_slice %arg7[%dma_start3A_694, %dma_start3A_695] : memref<3x128xi32, #tpu.memory_space<vmem>> -> memref<1x128xi32, #tpu.memory_space<vmem>>
      %dma_start3A_697 = tpu.memref_squeeze %dma_start3A_696 : memref<1x128xi32, #tpu.memory_space<vmem>> -> memref<128xi32, #tpu.memory_space<vmem>>
      %dma_start3A_698 = arith.constant 0 : i32
      %dma_start3A_699 = tpu.memref_slice %arg3[%scan3A_180, %scan3A_181, %dma_start3A_698] : memref<2x1x320000xi32, #tpu.memory_space<hbm>> -> memref<1x1x320000xi32, #tpu.memory_space<hbm>>
      %dma_start3A_700 = tpu.memref_squeeze %dma_start3A_699 : memref<1x1x320000xi32, #tpu.memory_space<hbm>> -> memref<320000xi32, #tpu.memory_space<hbm>>
      %dma_start3A_701 = tpu.memref_slice %dma_start3A_700[%add3A_693] : memref<320000xi32, #tpu.memory_space<hbm>> -> memref<128xi32, #tpu.memory_space<hbm>>
      %dma_start3A_702 = arith.constant 0 : i32
      %dma_start3A_703 = tpu.memref_slice %arg7[%dma_start3A_694, %dma_start3A_702] : memref<3x128xi32, #tpu.memory_space<vmem>> -> memref<1x128xi32, #tpu.memory_space<vmem>>
      %dma_start3A_704 = tpu.memref_squeeze %dma_start3A_703 : memref<1x128xi32, #tpu.memory_space<vmem>> -> memref<128xi32, #tpu.memory_space<vmem>>
      %dma_start3A_705 = arith.constant 0 : i32
      %dma_start3A_706 = tpu.memref_slice %arg3[%scan3A_180, %scan3A_181, %dma_start3A_705] : memref<2x1x320000xi32, #tpu.memory_space<hbm>> -> memref<1x1x320000xi32, #tpu.memory_space<hbm>>
      %dma_start3A_707 = tpu.memref_squeeze %dma_start3A_706 : memref<1x1x320000xi32, #tpu.memory_space<hbm>> -> memref<320000xi32, #tpu.memory_space<hbm>>
      %dma_start3A_708 = tpu.memref_slice %dma_start3A_707[%add3A_693] : memref<320000xi32, #tpu.memory_space<hbm>> -> memref<128xi32, #tpu.memory_space<hbm>>
      tpu.enqueue_dma source(%dma_start3A_708 : memref<128xi32, #tpu.memory_space<hbm>>) target(%dma_start3A_704 : memref<128xi32, #tpu.memory_space<vmem>>) target_semaphore(%arg18 : memref<!tpu.dma_semaphore, #tpu.memory_space<semaphore_mem>>)
      %sub3A = arith.constant 1 : i32
      %sub3A_709 = arith.subi %add3A_659, %sub3A : i32
      %mul3A_710 = arith.constant 128 : i32
      %mul3A_711 = arith.muli %sub3A_709, %mul3A_710 : i32
      %dma_wait3A_712 = arith.constant 1 : i32
      %dma_wait3A_713 = arith.constant 0 : i32
      %dma_wait3A_714 = arith.constant 0 : i32
      %dma_wait3A_715 = tpu.memref_slice %arg8[%dma_wait3A_712, %dma_wait3A_713, %dma_wait3A_714] : memref<2x128x128xf32, #tpu.memory_space<vmem>> -> memref<1x128x128xf32, #tpu.memory_space<vmem>>
      %dma_wait3A_716 = tpu.memref_squeeze %dma_wait3A_715 : memref<1x128x128xf32, #tpu.memory_space<vmem>> -> memref<128x128xf32, #tpu.memory_space<vmem>>
      %dma_wait3A_717 = tpu.memref_slice %arg6[%mul3A_711] : memref<9984xi32, #tpu.memory_space<vmem>> -> memref<128xi32, #tpu.memory_space<vmem>>
      %dma_wait3A_718 = arith.constant 0 : i32
      %dma_wait3A_719 = arith.constant 0 : i32
      %dma_wait3A_720 = tpu.memref_slice %arg2[%dma_wait3A_718, %dma_wait3A_719] : memref<10000x128xf32, #tpu.memory_space<hbm>> -> memref<10000x128xf32, #tpu.memory_space<hbm>>
      tpu.wait_indirect_dma semaphore(%arg15 : memref<!tpu.dma_semaphore, #tpu.memory_space<semaphore_mem>>) src(%dma_wait3A_720 : memref<10000x128xf32, #tpu.memory_space<hbm>>) dst(%dma_wait3A_716 : memref<128x128xf32, #tpu.memory_space<vmem>>)
      %sub3A_721 = arith.constant 1 : i32
      %sub3A_722 = arith.subi %add3A_659, %sub3A_721 : i32
      %mul3A_723 = arith.constant 128 : i32
      %mul3A_724 = arith.muli %sub3A_722, %mul3A_723 : i32
      %add3A_725 = arith.addi %mul3A_2, %mul3A_724 : i32
      %dma_wait3A_726 = arith.constant 1 : i32
      %dma_wait3A_727 = arith.constant 0 : i32
      %dma_wait3A_728 = tpu.memref_slice %arg7[%dma_wait3A_726, %dma_wait3A_727] : memref<3x128xi32, #tpu.memory_space<vmem>> -> memref<1x128xi32, #tpu.memory_space<vmem>>
      %dma_wait3A_729 = tpu.memref_squeeze %dma_wait3A_728 : memref<1x128xi32, #tpu.memory_space<vmem>> -> memref<128xi32, #tpu.memory_space<vmem>>
      %dma_wait3A_730 = arith.constant 0 : i32
      %dma_wait3A_731 = tpu.memref_slice %arg3[%scan3A_180, %scan3A_181, %dma_wait3A_730] : memref<2x1x320000xi32, #tpu.memory_space<hbm>> -> memref<1x1x320000xi32, #tpu.memory_space<hbm>>
      %dma_wait3A_732 = tpu.memref_squeeze %dma_wait3A_731 : memref<1x1x320000xi32, #tpu.memory_space<hbm>> -> memref<320000xi32, #tpu.memory_space<hbm>>
      %dma_wait3A_733 = tpu.memref_slice %dma_wait3A_732[%add3A_725] : memref<320000xi32, #tpu.memory_space<hbm>> -> memref<128xi32, #tpu.memory_space<hbm>>
      %dma_wait3A_734 = arith.constant 0 : i32
      %dma_wait3A_735 = tpu.memref_slice %arg7[%dma_wait3A_726, %dma_wait3A_734] : memref<3x128xi32, #tpu.memory_space<vmem>> -> memref<1x128xi32, #tpu.memory_space<vmem>>
      %dma_wait3A_736 = tpu.memref_squeeze %dma_wait3A_735 : memref<1x128xi32, #tpu.memory_space<vmem>> -> memref<128xi32, #tpu.memory_space<vmem>>
      %dma_wait3A_737 = arith.constant 0 : i32
      %dma_wait3A_738 = tpu.memref_slice %arg3[%scan3A_180, %scan3A_181, %dma_wait3A_737] : memref<2x1x320000xi32, #tpu.memory_space<hbm>> -> memref<1x1x320000xi32, #tpu.memory_space<hbm>>
      %dma_wait3A_739 = tpu.memref_squeeze %dma_wait3A_738 : memref<1x1x320000xi32, #tpu.memory_space<hbm>> -> memref<320000xi32, #tpu.memory_space<hbm>>
      %dma_wait3A_740 = tpu.memref_slice %dma_wait3A_739[%add3A_725] : memref<320000xi32, #tpu.memory_space<hbm>> -> memref<128xi32, #tpu.memory_space<hbm>>
      tpu.wait_dma2 semaphore(%arg19 : memref<!tpu.dma_semaphore, #tpu.memory_space<semaphore_mem>>) src(%dma_wait3A_740 : memref<128xi32, #tpu.memory_space<hbm>>) dst(%dma_wait3A_736 : memref<128xi32, #tpu.memory_space<vmem>>)
      %dma_start3A_741 = arith.constant 1 : i32
      %dma_start3A_742 = arith.constant 1 : i32
      %dma_start3A_743 = arith.constant 0 : i32
      %dma_start3A_744 = arith.constant 0 : i32
      %dma_start3A_745 = tpu.memref_slice %arg8[%dma_start3A_741, %dma_start3A_743, %dma_start3A_744] : memref<2x128x128xf32, #tpu.memory_space<vmem>> -> memref<1x128x128xf32, #tpu.memory_space<vmem>>
      %dma_start3A_746 = tpu.memref_squeeze %dma_start3A_745 : memref<1x128x128xf32, #tpu.memory_space<vmem>> -> memref<128x128xf32, #tpu.memory_space<vmem>>
      %dma_start3A_747 = arith.constant 0 : i32
      %dma_start3A_748 = tpu.memref_slice %arg7[%dma_start3A_742, %dma_start3A_747] : memref<3x128xi32, #tpu.memory_space<vmem>> -> memref<1x128xi32, #tpu.memory_space<vmem>>
      %dma_start3A_749 = tpu.memref_squeeze %dma_start3A_748 : memref<1x128xi32, #tpu.memory_space<vmem>> -> memref<128xi32, #tpu.memory_space<vmem>>
      %dma_start3A_750 = arith.constant 0 : i32
      %dma_start3A_751 = arith.constant 0 : i32
      %dma_start3A_752 = tpu.memref_slice %arg12[%dma_start3A_750, %dma_start3A_751] : memref<10240x128xf32, #tpu.memory_space<vmem_shared>> -> memref<10240x128xf32, #tpu.memory_space<vmem_shared>>
      tpu.enqueue_indirect_dma source(%dma_start3A_746 : memref<128x128xf32, #tpu.memory_space<vmem>>) target(%dma_start3A_752 : memref<10240x128xf32, #tpu.memory_space<vmem_shared>>) offsets(%dma_start3A_749 : memref<128xi32, #tpu.memory_space<vmem>>) semaphore(%arg17 : memref<!tpu.dma_semaphore, #tpu.memory_space<semaphore_mem>>) {add = true}
      %dma_start3A_753 = arith.constant 1 : i32
      %dma_start3A_754 = arith.constant 0 : i32
      %dma_start3A_755 = tpu.memref_slice %arg7[%dma_start3A_753, %dma_start3A_754] : memref<3x128xi32, #tpu.memory_space<vmem>> -> memref<1x128xi32, #tpu.memory_space<vmem>>
      %dma_start3A_756 = tpu.memref_squeeze %dma_start3A_755 : memref<1x128xi32, #tpu.memory_space<vmem>> -> memref<128xi32, #tpu.memory_space<vmem>>
      %dma_start3A_757 = arith.constant 0 : i32
      %dma_start3A_758 = tpu.memref_slice %arg24[%dma_start3A_757] : memref<10240xf32, #tpu.memory_space<vmem_shared>> -> memref<10240xf32, #tpu.memory_space<vmem_shared>>
      tpu.enqueue_indirect_dma source(%arg21 : memref<128xf32, #tpu.memory_space<vmem>>) target(%dma_start3A_758 : memref<10240xf32, #tpu.memory_space<vmem_shared>>) offsets(%dma_start3A_756 : memref<128xi32, #tpu.memory_space<vmem>>) semaphore(%arg26 : memref<!tpu.dma_semaphore, #tpu.memory_space<semaphore_mem>>) {add = true}
      %mul3A_759 = arith.constant 6 : i32
      %mul3A_760 = arith.muli %mul3A_759, %scan3A_652 : i32
      %add3A_761 = arith.constant 2 : i32
      %add3A_762 = arith.addi %add3A_761, %mul3A_760 : i32
      %add3A_763 = arith.constant 1 : i32
      %add3A_764 = arith.addi %add3A_762, %add3A_763 : i32
      %dma_wait3A_765 = arith.constant 1 : i32
      %dma_wait3A_766 = arith.constant 1 : i32
      %dma_wait3A_767 = arith.constant 0 : i32
      %dma_wait3A_768 = arith.constant 0 : i32
      %dma_wait3A_769 = tpu.memref_slice %arg8[%dma_wait3A_765, %dma_wait3A_767, %dma_wait3A_768] : memref<2x128x128xf32, #tpu.memory_space<vmem>> -> memref<1x128x128xf32, #tpu.memory_space<vmem>>
      %dma_wait3A_770 = tpu.memref_squeeze %dma_wait3A_769 : memref<1x128x128xf32, #tpu.memory_space<vmem>> -> memref<128x128xf32, #tpu.memory_space<vmem>>
      %dma_wait3A_771 = arith.constant 0 : i32
      %dma_wait3A_772 = tpu.memref_slice %arg7[%dma_wait3A_766, %dma_wait3A_771] : memref<3x128xi32, #tpu.memory_space<vmem>> -> memref<1x128xi32, #tpu.memory_space<vmem>>
      %dma_wait3A_773 = tpu.memref_squeeze %dma_wait3A_772 : memref<1x128xi32, #tpu.memory_space<vmem>> -> memref<128xi32, #tpu.memory_space<vmem>>
      %dma_wait3A_774 = arith.constant 0 : i32
      %dma_wait3A_775 = arith.constant 0 : i32
      %dma_wait3A_776 = tpu.memref_slice %arg12[%dma_wait3A_774, %dma_wait3A_775] : memref<10240x128xf32, #tpu.memory_space<vmem_shared>> -> memref<10240x128xf32, #tpu.memory_space<vmem_shared>>
      tpu.wait_indirect_dma semaphore(%arg17 : memref<!tpu.dma_semaphore, #tpu.memory_space<semaphore_mem>>) src(%dma_wait3A_770 : memref<128x128xf32, #tpu.memory_space<vmem>>) dst(%dma_wait3A_776 : memref<10240x128xf32, #tpu.memory_space<vmem_shared>>)
      %dma_wait3A_777 = arith.constant 1 : i32
      %dma_wait3A_778 = arith.constant 0 : i32
      %dma_wait3A_779 = tpu.memref_slice %arg7[%dma_wait3A_777, %dma_wait3A_778] : memref<3x128xi32, #tpu.memory_space<vmem>> -> memref<1x128xi32, #tpu.memory_space<vmem>>
      %dma_wait3A_780 = tpu.memref_squeeze %dma_wait3A_779 : memref<1x128xi32, #tpu.memory_space<vmem>> -> memref<128xi32, #tpu.memory_space<vmem>>
      %dma_wait3A_781 = arith.constant 0 : i32
      %dma_wait3A_782 = tpu.memref_slice %arg24[%dma_wait3A_781] : memref<10240xf32, #tpu.memory_space<vmem_shared>> -> memref<10240xf32, #tpu.memory_space<vmem_shared>>
      tpu.wait_indirect_dma semaphore(%arg26 : memref<!tpu.dma_semaphore, #tpu.memory_space<semaphore_mem>>) src(%arg21 : memref<128xf32, #tpu.memory_space<vmem>>) dst(%dma_wait3A_782 : memref<10240xf32, #tpu.memory_space<vmem_shared>>)
      %mul3A_783 = arith.constant 128 : i32
      %mul3A_784 = arith.muli %add3A_764, %mul3A_783 : i32
      %dma_start3A_785 = arith.constant 1 : i32
      %dma_start3A_786 = arith.constant 0 : i32
      %dma_start3A_787 = arith.constant 0 : i32
      %dma_start3A_788 = tpu.memref_slice %arg8[%dma_start3A_785, %dma_start3A_786, %dma_start3A_787] : memref<2x128x128xf32, #tpu.memory_space<vmem>> -> memref<1x128x128xf32, #tpu.memory_space<vmem>>
      %dma_start3A_789 = tpu.memref_squeeze %dma_start3A_788 : memref<1x128x128xf32, #tpu.memory_space<vmem>> -> memref<128x128xf32, #tpu.memory_space<vmem>>
      %dma_start3A_790 = tpu.memref_slice %arg6[%mul3A_784] : memref<9984xi32, #tpu.memory_space<vmem>> -> memref<128xi32, #tpu.memory_space<vmem>>
      %dma_start3A_791 = arith.constant 0 : i32
      %dma_start3A_792 = arith.constant 0 : i32
      %dma_start3A_793 = tpu.memref_slice %arg2[%dma_start3A_791, %dma_start3A_792] : memref<10000x128xf32, #tpu.memory_space<hbm>> -> memref<10000x128xf32, #tpu.memory_space<hbm>>
      tpu.enqueue_indirect_dma source(%dma_start3A_793 : memref<10000x128xf32, #tpu.memory_space<hbm>>) target(%dma_start3A_789 : memref<128x128xf32, #tpu.memory_space<vmem>>) offsets(%dma_start3A_790 : memref<128xi32, #tpu.memory_space<vmem>>) semaphore(%arg15 : memref<!tpu.dma_semaphore, #tpu.memory_space<semaphore_mem>>)
      %add3A_794 = arith.constant 1 : i32
      %add3A_795 = arith.addi %add3A_764, %add3A_794 : i32
      %mul3A_796 = arith.constant 128 : i32
      %mul3A_797 = arith.muli %add3A_795, %mul3A_796 : i32
      %add3A_798 = arith.addi %mul3A_2, %mul3A_797 : i32
      %dma_start3A_799 = arith.constant 1 : i32
      %dma_start3A_800 = arith.constant 0 : i32
      %dma_start3A_801 = tpu.memref_slice %arg7[%dma_start3A_799, %dma_start3A_800] : memref<3x128xi32, #tpu.memory_space<vmem>> -> memref<1x128xi32, #tpu.memory_space<vmem>>
      %dma_start3A_802 = tpu.memref_squeeze %dma_start3A_801 : memref<1x128xi32, #tpu.memory_space<vmem>> -> memref<128xi32, #tpu.memory_space<vmem>>
      %dma_start3A_803 = arith.constant 0 : i32
      %dma_start3A_804 = tpu.memref_slice %arg3[%scan3A_180, %scan3A_181, %dma_start3A_803] : memref<2x1x320000xi32, #tpu.memory_space<hbm>> -> memref<1x1x320000xi32, #tpu.memory_space<hbm>>
      %dma_start3A_805 = tpu.memref_squeeze %dma_start3A_804 : memref<1x1x320000xi32, #tpu.memory_space<hbm>> -> memref<320000xi32, #tpu.memory_space<hbm>>
      %dma_start3A_806 = tpu.memref_slice %dma_start3A_805[%add3A_798] : memref<320000xi32, #tpu.memory_space<hbm>> -> memref<128xi32, #tpu.memory_space<hbm>>
      %dma_start3A_807 = arith.constant 0 : i32
      %dma_start3A_808 = tpu.memref_slice %arg7[%dma_start3A_799, %dma_start3A_807] : memref<3x128xi32, #tpu.memory_space<vmem>> -> memref<1x128xi32, #tpu.memory_space<vmem>>
      %dma_start3A_809 = tpu.memref_squeeze %dma_start3A_808 : memref<1x128xi32, #tpu.memory_space<vmem>> -> memref<128xi32, #tpu.memory_space<vmem>>
      %dma_start3A_810 = arith.constant 0 : i32
      %dma_start3A_811 = tpu.memref_slice %arg3[%scan3A_180, %scan3A_181, %dma_start3A_810] : memref<2x1x320000xi32, #tpu.memory_space<hbm>> -> memref<1x1x320000xi32, #tpu.memory_space<hbm>>
      %dma_start3A_812 = tpu.memref_squeeze %dma_start3A_811 : memref<1x1x320000xi32, #tpu.memory_space<hbm>> -> memref<320000xi32, #tpu.memory_space<hbm>>
      %dma_start3A_813 = tpu.memref_slice %dma_start3A_812[%add3A_798] : memref<320000xi32, #tpu.memory_space<hbm>> -> memref<128xi32, #tpu.memory_space<hbm>>
      tpu.enqueue_dma source(%dma_start3A_813 : memref<128xi32, #tpu.memory_space<hbm>>) target(%dma_start3A_809 : memref<128xi32, #tpu.memory_space<vmem>>) target_semaphore(%arg19 : memref<!tpu.dma_semaphore, #tpu.memory_space<semaphore_mem>>)
      %sub3A_814 = arith.constant 1 : i32
      %sub3A_815 = arith.subi %add3A_764, %sub3A_814 : i32
      %mul3A_816 = arith.constant 128 : i32
      %mul3A_817 = arith.muli %sub3A_815, %mul3A_816 : i32
      %dma_wait3A_818 = arith.constant 0 : i32
      %dma_wait3A_819 = arith.constant 0 : i32
      %dma_wait3A_820 = arith.constant 0 : i32
      %dma_wait3A_821 = tpu.memref_slice %arg8[%dma_wait3A_818, %dma_wait3A_819, %dma_wait3A_820] : memref<2x128x128xf32, #tpu.memory_space<vmem>> -> memref<1x128x128xf32, #tpu.memory_space<vmem>>
      %dma_wait3A_822 = tpu.memref_squeeze %dma_wait3A_821 : memref<1x128x128xf32, #tpu.memory_space<vmem>> -> memref<128x128xf32, #tpu.memory_space<vmem>>
      %dma_wait3A_823 = tpu.memref_slice %arg6[%mul3A_817] : memref<9984xi32, #tpu.memory_space<vmem>> -> memref<128xi32, #tpu.memory_space<vmem>>
      %dma_wait3A_824 = arith.constant 0 : i32
      %dma_wait3A_825 = arith.constant 0 : i32
      %dma_wait3A_826 = tpu.memref_slice %arg2[%dma_wait3A_824, %dma_wait3A_825] : memref<10000x128xf32, #tpu.memory_space<hbm>> -> memref<10000x128xf32, #tpu.memory_space<hbm>>
      tpu.wait_indirect_dma semaphore(%arg14 : memref<!tpu.dma_semaphore, #tpu.memory_space<semaphore_mem>>) src(%dma_wait3A_826 : memref<10000x128xf32, #tpu.memory_space<hbm>>) dst(%dma_wait3A_822 : memref<128x128xf32, #tpu.memory_space<vmem>>)
      %sub3A_827 = arith.constant 1 : i32
      %sub3A_828 = arith.subi %add3A_764, %sub3A_827 : i32
      %mul3A_829 = arith.constant 128 : i32
      %mul3A_830 = arith.muli %sub3A_828, %mul3A_829 : i32
      %add3A_831 = arith.addi %mul3A_2, %mul3A_830 : i32
      %dma_wait3A_832 = arith.constant 2 : i32
      %dma_wait3A_833 = arith.constant 0 : i32
      %dma_wait3A_834 = tpu.memref_slice %arg7[%dma_wait3A_832, %dma_wait3A_833] : memref<3x128xi32, #tpu.memory_space<vmem>> -> memref<1x128xi32, #tpu.memory_space<vmem>>
      %dma_wait3A_835 = tpu.memref_squeeze %dma_wait3A_834 : memref<1x128xi32, #tpu.memory_space<vmem>> -> memref<128xi32, #tpu.memory_space<vmem>>
      %dma_wait3A_836 = arith.constant 0 : i32
      %dma_wait3A_837 = tpu.memref_slice %arg3[%scan3A_180, %scan3A_181, %dma_wait3A_836] : memref<2x1x320000xi32, #tpu.memory_space<hbm>> -> memref<1x1x320000xi32, #tpu.memory_space<hbm>>
      %dma_wait3A_838 = tpu.memref_squeeze %dma_wait3A_837 : memref<1x1x320000xi32, #tpu.memory_space<hbm>> -> memref<320000xi32, #tpu.memory_space<hbm>>
      %dma_wait3A_839 = tpu.memref_slice %dma_wait3A_838[%add3A_831] : memref<320000xi32, #tpu.memory_space<hbm>> -> memref<128xi32, #tpu.memory_space<hbm>>
      %dma_wait3A_840 = arith.constant 0 : i32
      %dma_wait3A_841 = tpu.memref_slice %arg7[%dma_wait3A_832, %dma_wait3A_840] : memref<3x128xi32, #tpu.memory_space<vmem>> -> memref<1x128xi32, #tpu.memory_space<vmem>>
      %dma_wait3A_842 = tpu.memref_squeeze %dma_wait3A_841 : memref<1x128xi32, #tpu.memory_space<vmem>> -> memref<128xi32, #tpu.memory_space<vmem>>
      %dma_wait3A_843 = arith.constant 0 : i32
      %dma_wait3A_844 = tpu.memref_slice %arg3[%scan3A_180, %scan3A_181, %dma_wait3A_843] : memref<2x1x320000xi32, #tpu.memory_space<hbm>> -> memref<1x1x320000xi32, #tpu.memory_space<hbm>>
      %dma_wait3A_845 = tpu.memref_squeeze %dma_wait3A_844 : memref<1x1x320000xi32, #tpu.memory_space<hbm>> -> memref<320000xi32, #tpu.memory_space<hbm>>
      %dma_wait3A_846 = tpu.memref_slice %dma_wait3A_845[%add3A_831] : memref<320000xi32, #tpu.memory_space<hbm>> -> memref<128xi32, #tpu.memory_space<hbm>>
      tpu.wait_dma2 semaphore(%arg20 : memref<!tpu.dma_semaphore, #tpu.memory_space<semaphore_mem>>) src(%dma_wait3A_846 : memref<128xi32, #tpu.memory_space<hbm>>) dst(%dma_wait3A_842 : memref<128xi32, #tpu.memory_space<vmem>>)
      %dma_start3A_847 = arith.constant 0 : i32
      %dma_start3A_848 = arith.constant 2 : i32
      %dma_start3A_849 = arith.constant 0 : i32
      %dma_start3A_850 = arith.constant 0 : i32
      %dma_start3A_851 = tpu.memref_slice %arg8[%dma_start3A_847, %dma_start3A_849, %dma_start3A_850] : memref<2x128x128xf32, #tpu.memory_space<vmem>> -> memref<1x128x128xf32, #tpu.memory_space<vmem>>
      %dma_start3A_852 = tpu.memref_squeeze %dma_start3A_851 : memref<1x128x128xf32, #tpu.memory_space<vmem>> -> memref<128x128xf32, #tpu.memory_space<vmem>>
      %dma_start3A_853 = arith.constant 0 : i32
      %dma_start3A_854 = tpu.memref_slice %arg7[%dma_start3A_848, %dma_start3A_853] : memref<3x128xi32, #tpu.memory_space<vmem>> -> memref<1x128xi32, #tpu.memory_space<vmem>>
      %dma_start3A_855 = tpu.memref_squeeze %dma_start3A_854 : memref<1x128xi32, #tpu.memory_space<vmem>> -> memref<128xi32, #tpu.memory_space<vmem>>
      %dma_start3A_856 = arith.constant 0 : i32
      %dma_start3A_857 = arith.constant 0 : i32
      %dma_start3A_858 = tpu.memref_slice %arg12[%dma_start3A_856, %dma_start3A_857] : memref<10240x128xf32, #tpu.memory_space<vmem_shared>> -> memref<10240x128xf32, #tpu.memory_space<vmem_shared>>
      tpu.enqueue_indirect_dma source(%dma_start3A_852 : memref<128x128xf32, #tpu.memory_space<vmem>>) target(%dma_start3A_858 : memref<10240x128xf32, #tpu.memory_space<vmem_shared>>) offsets(%dma_start3A_855 : memref<128xi32, #tpu.memory_space<vmem>>) semaphore(%arg16 : memref<!tpu.dma_semaphore, #tpu.memory_space<semaphore_mem>>) {add = true}
      %dma_start3A_859 = arith.constant 2 : i32
      %dma_start3A_860 = arith.constant 0 : i32
      %dma_start3A_861 = tpu.memref_slice %arg7[%dma_start3A_859, %dma_start3A_860] : memref<3x128xi32, #tpu.memory_space<vmem>> -> memref<1x128xi32, #tpu.memory_space<vmem>>
      %dma_start3A_862 = tpu.memref_squeeze %dma_start3A_861 : memref<1x128xi32, #tpu.memory_space<vmem>> -> memref<128xi32, #tpu.memory_space<vmem>>
      %dma_start3A_863 = arith.constant 0 : i32
      %dma_start3A_864 = tpu.memref_slice %arg24[%dma_start3A_863] : memref<10240xf32, #tpu.memory_space<vmem_shared>> -> memref<10240xf32, #tpu.memory_space<vmem_shared>>
      tpu.enqueue_indirect_dma source(%arg21 : memref<128xf32, #tpu.memory_space<vmem>>) target(%dma_start3A_864 : memref<10240xf32, #tpu.memory_space<vmem_shared>>) offsets(%dma_start3A_862 : memref<128xi32, #tpu.memory_space<vmem>>) semaphore(%arg25 : memref<!tpu.dma_semaphore, #tpu.memory_space<semaphore_mem>>) {add = true}
      %mul3A_865 = arith.constant 6 : i32
      %mul3A_866 = arith.muli %mul3A_865, %scan3A_652 : i32
      %add3A_867 = arith.constant 2 : i32
      %add3A_868 = arith.addi %add3A_867, %mul3A_866 : i32
      %add3A_869 = arith.constant 2 : i32
      %add3A_870 = arith.addi %add3A_868, %add3A_869 : i32
      %dma_wait3A_871 = arith.constant 0 : i32
      %dma_wait3A_872 = arith.constant 2 : i32
      %dma_wait3A_873 = arith.constant 0 : i32
      %dma_wait3A_874 = arith.constant 0 : i32
      %dma_wait3A_875 = tpu.memref_slice %arg8[%dma_wait3A_871, %dma_wait3A_873, %dma_wait3A_874] : memref<2x128x128xf32, #tpu.memory_space<vmem>> -> memref<1x128x128xf32, #tpu.memory_space<vmem>>
      %dma_wait3A_876 = tpu.memref_squeeze %dma_wait3A_875 : memref<1x128x128xf32, #tpu.memory_space<vmem>> -> memref<128x128xf32, #tpu.memory_space<vmem>>
      %dma_wait3A_877 = arith.constant 0 : i32
      %dma_wait3A_878 = tpu.memref_slice %arg7[%dma_wait3A_872, %dma_wait3A_877] : memref<3x128xi32, #tpu.memory_space<vmem>> -> memref<1x128xi32, #tpu.memory_space<vmem>>
      %dma_wait3A_879 = tpu.memref_squeeze %dma_wait3A_878 : memref<1x128xi32, #tpu.memory_space<vmem>> -> memref<128xi32, #tpu.memory_space<vmem>>
      %dma_wait3A_880 = arith.constant 0 : i32
      %dma_wait3A_881 = arith.constant 0 : i32
      %dma_wait3A_882 = tpu.memref_slice %arg12[%dma_wait3A_880, %dma_wait3A_881] : memref<10240x128xf32, #tpu.memory_space<vmem_shared>> -> memref<10240x128xf32, #tpu.memory_space<vmem_shared>>
      tpu.wait_indirect_dma semaphore(%arg16 : memref<!tpu.dma_semaphore, #tpu.memory_space<semaphore_mem>>) src(%dma_wait3A_876 : memref<128x128xf32, #tpu.memory_space<vmem>>) dst(%dma_wait3A_882 : memref<10240x128xf32, #tpu.memory_space<vmem_shared>>)
      %dma_wait3A_883 = arith.constant 2 : i32
      %dma_wait3A_884 = arith.constant 0 : i32
      %dma_wait3A_885 = tpu.memref_slice %arg7[%dma_wait3A_883, %dma_wait3A_884] : memref<3x128xi32, #tpu.memory_space<vmem>> -> memref<1x128xi32, #tpu.memory_space<vmem>>
      %dma_wait3A_886 = tpu.memref_squeeze %dma_wait3A_885 : memref<1x128xi32, #tpu.memory_space<vmem>> -> memref<128xi32, #tpu.memory_space<vmem>>
      %dma_wait3A_887 = arith.constant 0 : i32
      %dma_wait3A_888 = tpu.memref_slice %arg24[%dma_wait3A_887] : memref<10240xf32, #tpu.memory_space<vmem_shared>> -> memref<10240xf32, #tpu.memory_space<vmem_shared>>
      tpu.wait_indirect_dma semaphore(%arg25 : memref<!tpu.dma_semaphore, #tpu.memory_space<semaphore_mem>>) src(%arg21 : memref<128xf32, #tpu.memory_space<vmem>>) dst(%dma_wait3A_888 : memref<10240xf32, #tpu.memory_space<vmem_shared>>)
      %mul3A_889 = arith.constant 128 : i32
      %mul3A_890 = arith.muli %add3A_870, %mul3A_889 : i32
      %dma_start3A_891 = arith.constant 0 : i32
      %dma_start3A_892 = arith.constant 0 : i32
      %dma_start3A_893 = arith.constant 0 : i32
      %dma_start3A_894 = tpu.memref_slice %arg8[%dma_start3A_891, %dma_start3A_892, %dma_start3A_893] : memref<2x128x128xf32, #tpu.memory_space<vmem>> -> memref<1x128x128xf32, #tpu.memory_space<vmem>>
      %dma_start3A_895 = tpu.memref_squeeze %dma_start3A_894 : memref<1x128x128xf32, #tpu.memory_space<vmem>> -> memref<128x128xf32, #tpu.memory_space<vmem>>
      %dma_start3A_896 = tpu.memref_slice %arg6[%mul3A_890] : memref<9984xi32, #tpu.memory_space<vmem>> -> memref<128xi32, #tpu.memory_space<vmem>>
      %dma_start3A_897 = arith.constant 0 : i32
      %dma_start3A_898 = arith.constant 0 : i32
      %dma_start3A_899 = tpu.memref_slice %arg2[%dma_start3A_897, %dma_start3A_898] : memref<10000x128xf32, #tpu.memory_space<hbm>> -> memref<10000x128xf32, #tpu.memory_space<hbm>>
      tpu.enqueue_indirect_dma source(%dma_start3A_899 : memref<10000x128xf32, #tpu.memory_space<hbm>>) target(%dma_start3A_895 : memref<128x128xf32, #tpu.memory_space<vmem>>) offsets(%dma_start3A_896 : memref<128xi32, #tpu.memory_space<vmem>>) semaphore(%arg14 : memref<!tpu.dma_semaphore, #tpu.memory_space<semaphore_mem>>)
      %add3A_900 = arith.constant 1 : i32
      %add3A_901 = arith.addi %add3A_870, %add3A_900 : i32
      %mul3A_902 = arith.constant 128 : i32
      %mul3A_903 = arith.muli %add3A_901, %mul3A_902 : i32
      %add3A_904 = arith.addi %mul3A_2, %mul3A_903 : i32
      %dma_start3A_905 = arith.constant 2 : i32
      %dma_start3A_906 = arith.constant 0 : i32
      %dma_start3A_907 = tpu.memref_slice %arg7[%dma_start3A_905, %dma_start3A_906] : memref<3x128xi32, #tpu.memory_space<vmem>> -> memref<1x128xi32, #tpu.memory_space<vmem>>
      %dma_start3A_908 = tpu.memref_squeeze %dma_start3A_907 : memref<1x128xi32, #tpu.memory_space<vmem>> -> memref<128xi32, #tpu.memory_space<vmem>>
      %dma_start3A_909 = arith.constant 0 : i32
      %dma_start3A_910 = tpu.memref_slice %arg3[%scan3A_180, %scan3A_181, %dma_start3A_909] : memref<2x1x320000xi32, #tpu.memory_space<hbm>> -> memref<1x1x320000xi32, #tpu.memory_space<hbm>>
      %dma_start3A_911 = tpu.memref_squeeze %dma_start3A_910 : memref<1x1x320000xi32, #tpu.memory_space<hbm>> -> memref<320000xi32, #tpu.memory_space<hbm>>
      %dma_start3A_912 = tpu.memref_slice %dma_start3A_911[%add3A_904] : memref<320000xi32, #tpu.memory_space<hbm>> -> memref<128xi32, #tpu.memory_space<hbm>>
      %dma_start3A_913 = arith.constant 0 : i32
      %dma_start3A_914 = tpu.memref_slice %arg7[%dma_start3A_905, %dma_start3A_913] : memref<3x128xi32, #tpu.memory_space<vmem>> -> memref<1x128xi32, #tpu.memory_space<vmem>>
      %dma_start3A_915 = tpu.memref_squeeze %dma_start3A_914 : memref<1x128xi32, #tpu.memory_space<vmem>> -> memref<128xi32, #tpu.memory_space<vmem>>
      %dma_start3A_916 = arith.constant 0 : i32
      %dma_start3A_917 = tpu.memref_slice %arg3[%scan3A_180, %scan3A_181, %dma_start3A_916] : memref<2x1x320000xi32, #tpu.memory_space<hbm>> -> memref<1x1x320000xi32, #tpu.memory_space<hbm>>
      %dma_start3A_918 = tpu.memref_squeeze %dma_start3A_917 : memref<1x1x320000xi32, #tpu.memory_space<hbm>> -> memref<320000xi32, #tpu.memory_space<hbm>>
      %dma_start3A_919 = tpu.memref_slice %dma_start3A_918[%add3A_904] : memref<320000xi32, #tpu.memory_space<hbm>> -> memref<128xi32, #tpu.memory_space<hbm>>
      tpu.enqueue_dma source(%dma_start3A_919 : memref<128xi32, #tpu.memory_space<hbm>>) target(%dma_start3A_915 : memref<128xi32, #tpu.memory_space<vmem>>) target_semaphore(%arg20 : memref<!tpu.dma_semaphore, #tpu.memory_space<semaphore_mem>>)
      %sub3A_920 = arith.constant 1 : i32
      %sub3A_921 = arith.subi %add3A_870, %sub3A_920 : i32
      %mul3A_922 = arith.constant 128 : i32
      %mul3A_923 = arith.muli %sub3A_921, %mul3A_922 : i32
      %dma_wait3A_924 = arith.constant 1 : i32
      %dma_wait3A_925 = arith.constant 0 : i32
      %dma_wait3A_926 = arith.constant 0 : i32
      %dma_wait3A_927 = tpu.memref_slice %arg8[%dma_wait3A_924, %dma_wait3A_925, %dma_wait3A_926] : memref<2x128x128xf32, #tpu.memory_space<vmem>> -> memref<1x128x128xf32, #tpu.memory_space<vmem>>
      %dma_wait3A_928 = tpu.memref_squeeze %dma_wait3A_927 : memref<1x128x128xf32, #tpu.memory_space<vmem>> -> memref<128x128xf32, #tpu.memory_space<vmem>>
      %dma_wait3A_929 = tpu.memref_slice %arg6[%mul3A_923] : memref<9984xi32, #tpu.memory_space<vmem>> -> memref<128xi32, #tpu.memory_space<vmem>>
      %dma_wait3A_930 = arith.constant 0 : i32
      %dma_wait3A_931 = arith.constant 0 : i32
      %dma_wait3A_932 = tpu.memref_slice %arg2[%dma_wait3A_930, %dma_wait3A_931] : memref<10000x128xf32, #tpu.memory_space<hbm>> -> memref<10000x128xf32, #tpu.memory_space<hbm>>
      tpu.wait_indirect_dma semaphore(%arg15 : memref<!tpu.dma_semaphore, #tpu.memory_space<semaphore_mem>>) src(%dma_wait3A_932 : memref<10000x128xf32, #tpu.memory_space<hbm>>) dst(%dma_wait3A_928 : memref<128x128xf32, #tpu.memory_space<vmem>>)
      %sub3A_933 = arith.constant 1 : i32
      %sub3A_934 = arith.subi %add3A_870, %sub3A_933 : i32
      %mul3A_935 = arith.constant 128 : i32
      %mul3A_936 = arith.muli %sub3A_934, %mul3A_935 : i32
      %add3A_937 = arith.addi %mul3A_2, %mul3A_936 : i32
      %dma_wait3A_938 = arith.constant 0 : i32
      %dma_wait3A_939 = arith.constant 0 : i32
      %dma_wait3A_940 = tpu.memref_slice %arg7[%dma_wait3A_938, %dma_wait3A_939] : memref<3x128xi32, #tpu.memory_space<vmem>> -> memref<1x128xi32, #tpu.memory_space<vmem>>
      %dma_wait3A_941 = tpu.memref_squeeze %dma_wait3A_940 : memref<1x128xi32, #tpu.memory_space<vmem>> -> memref<128xi32, #tpu.memory_space<vmem>>
      %dma_wait3A_942 = arith.constant 0 : i32
      %dma_wait3A_943 = tpu.memref_slice %arg3[%scan3A_180, %scan3A_181, %dma_wait3A_942] : memref<2x1x320000xi32, #tpu.memory_space<hbm>> -> memref<1x1x320000xi32, #tpu.memory_space<hbm>>
      %dma_wait3A_944 = tpu.memref_squeeze %dma_wait3A_943 : memref<1x1x320000xi32, #tpu.memory_space<hbm>> -> memref<320000xi32, #tpu.memory_space<hbm>>
      %dma_wait3A_945 = tpu.memref_slice %dma_wait3A_944[%add3A_937] : memref<320000xi32, #tpu.memory_space<hbm>> -> memref<128xi32, #tpu.memory_space<hbm>>
      %dma_wait3A_946 = arith.constant 0 : i32
      %dma_wait3A_947 = tpu.memref_slice %arg7[%dma_wait3A_938, %dma_wait3A_946] : memref<3x128xi32, #tpu.memory_space<vmem>> -> memref<1x128xi32, #tpu.memory_space<vmem>>
      %dma_wait3A_948 = tpu.memref_squeeze %dma_wait3A_947 : memref<1x128xi32, #tpu.memory_space<vmem>> -> memref<128xi32, #tpu.memory_space<vmem>>
      %dma_wait3A_949 = arith.constant 0 : i32
      %dma_wait3A_950 = tpu.memref_slice %arg3[%scan3A_180, %scan3A_181, %dma_wait3A_949] : memref<2x1x320000xi32, #tpu.memory_space<hbm>> -> memref<1x1x320000xi32, #tpu.memory_space<hbm>>
      %dma_wait3A_951 = tpu.memref_squeeze %dma_wait3A_950 : memref<1x1x320000xi32, #tpu.memory_space<hbm>> -> memref<320000xi32, #tpu.memory_space<hbm>>
      %dma_wait3A_952 = tpu.memref_slice %dma_wait3A_951[%add3A_937] : memref<320000xi32, #tpu.memory_space<hbm>> -> memref<128xi32, #tpu.memory_space<hbm>>
      tpu.wait_dma2 semaphore(%arg18 : memref<!tpu.dma_semaphore, #tpu.memory_space<semaphore_mem>>) src(%dma_wait3A_952 : memref<128xi32, #tpu.memory_space<hbm>>) dst(%dma_wait3A_948 : memref<128xi32, #tpu.memory_space<vmem>>)
      %dma_start3A_953 = arith.constant 1 : i32
      %dma_start3A_954 = arith.constant 0 : i32
      %dma_start3A_955 = arith.constant 0 : i32
      %dma_start3A_956 = arith.constant 0 : i32
      %dma_start3A_957 = tpu.memref_slice %arg8[%dma_start3A_953, %dma_start3A_955, %dma_start3A_956] : memref<2x128x128xf32, #tpu.memory_space<vmem>> -> memref<1x128x128xf32, #tpu.memory_space<vmem>>
      %dma_start3A_958 = tpu.memref_squeeze %dma_start3A_957 : memref<1x128x128xf32, #tpu.memory_space<vmem>> -> memref<128x128xf32, #tpu.memory_space<vmem>>
      %dma_start3A_959 = arith.constant 0 : i32
      %dma_start3A_960 = tpu.memref_slice %arg7[%dma_start3A_954, %dma_start3A_959] : memref<3x128xi32, #tpu.memory_space<vmem>> -> memref<1x128xi32, #tpu.memory_space<vmem>>
      %dma_start3A_961 = tpu.memref_squeeze %dma_start3A_960 : memref<1x128xi32, #tpu.memory_space<vmem>> -> memref<128xi32, #tpu.memory_space<vmem>>
      %dma_start3A_962 = arith.constant 0 : i32
      %dma_start3A_963 = arith.constant 0 : i32
      %dma_start3A_964 = tpu.memref_slice %arg12[%dma_start3A_962, %dma_start3A_963] : memref<10240x128xf32, #tpu.memory_space<vmem_shared>> -> memref<10240x128xf32, #tpu.memory_space<vmem_shared>>
      tpu.enqueue_indirect_dma source(%dma_start3A_958 : memref<128x128xf32, #tpu.memory_space<vmem>>) target(%dma_start3A_964 : memref<10240x128xf32, #tpu.memory_space<vmem_shared>>) offsets(%dma_start3A_961 : memref<128xi32, #tpu.memory_space<vmem>>) semaphore(%arg17 : memref<!tpu.dma_semaphore, #tpu.memory_space<semaphore_mem>>) {add = true}
      %dma_start3A_965 = arith.constant 0 : i32
      %dma_start3A_966 = arith.constant 0 : i32
      %dma_start3A_967 = tpu.memref_slice %arg7[%dma_start3A_965, %dma_start3A_966] : memref<3x128xi32, #tpu.memory_space<vmem>> -> memref<1x128xi32, #tpu.memory_space<vmem>>
      %dma_start3A_968 = tpu.memref_squeeze %dma_start3A_967 : memref<1x128xi32, #tpu.memory_space<vmem>> -> memref<128xi32, #tpu.memory_space<vmem>>
      %dma_start3A_969 = arith.constant 0 : i32
      %dma_start3A_970 = tpu.memref_slice %arg24[%dma_start3A_969] : memref<10240xf32, #tpu.memory_space<vmem_shared>> -> memref<10240xf32, #tpu.memory_space<vmem_shared>>
      tpu.enqueue_indirect_dma source(%arg21 : memref<128xf32, #tpu.memory_space<vmem>>) target(%dma_start3A_970 : memref<10240xf32, #tpu.memory_space<vmem_shared>>) offsets(%dma_start3A_968 : memref<128xi32, #tpu.memory_space<vmem>>) semaphore(%arg26 : memref<!tpu.dma_semaphore, #tpu.memory_space<semaphore_mem>>) {add = true}
      %mul3A_971 = arith.constant 6 : i32
      %mul3A_972 = arith.muli %mul3A_971, %scan3A_652 : i32
      %add3A_973 = arith.constant 2 : i32
      %add3A_974 = arith.addi %add3A_973, %mul3A_972 : i32
      %add3A_975 = arith.constant 3 : i32
      %add3A_976 = arith.addi %add3A_974, %add3A_975 : i32
      %dma_wait3A_977 = arith.constant 1 : i32
      %dma_wait3A_978 = arith.constant 0 : i32
      %dma_wait3A_979 = arith.constant 0 : i32
      %dma_wait3A_980 = arith.constant 0 : i32
      %dma_wait3A_981 = tpu.memref_slice %arg8[%dma_wait3A_977, %dma_wait3A_979, %dma_wait3A_980] : memref<2x128x128xf32, #tpu.memory_space<vmem>> -> memref<1x128x128xf32, #tpu.memory_space<vmem>>
      %dma_wait3A_982 = tpu.memref_squeeze %dma_wait3A_981 : memref<1x128x128xf32, #tpu.memory_space<vmem>> -> memref<128x128xf32, #tpu.memory_space<vmem>>
      %dma_wait3A_983 = arith.constant 0 : i32
      %dma_wait3A_984 = tpu.memref_slice %arg7[%dma_wait3A_978, %dma_wait3A_983] : memref<3x128xi32, #tpu.memory_space<vmem>> -> memref<1x128xi32, #tpu.memory_space<vmem>>
      %dma_wait3A_985 = tpu.memref_squeeze %dma_wait3A_984 : memref<1x128xi32, #tpu.memory_space<vmem>> -> memref<128xi32, #tpu.memory_space<vmem>>
      %dma_wait3A_986 = arith.constant 0 : i32
      %dma_wait3A_987 = arith.constant 0 : i32
      %dma_wait3A_988 = tpu.memref_slice %arg12[%dma_wait3A_986, %dma_wait3A_987] : memref<10240x128xf32, #tpu.memory_space<vmem_shared>> -> memref<10240x128xf32, #tpu.memory_space<vmem_shared>>
      tpu.wait_indirect_dma semaphore(%arg17 : memref<!tpu.dma_semaphore, #tpu.memory_space<semaphore_mem>>) src(%dma_wait3A_982 : memref<128x128xf32, #tpu.memory_space<vmem>>) dst(%dma_wait3A_988 : memref<10240x128xf32, #tpu.memory_space<vmem_shared>>)
      %dma_wait3A_989 = arith.constant 0 : i32
      %dma_wait3A_990 = arith.constant 0 : i32
      %dma_wait3A_991 = tpu.memref_slice %arg7[%dma_wait3A_989, %dma_wait3A_990] : memref<3x128xi32, #tpu.memory_space<vmem>> -> memref<1x128xi32, #tpu.memory_space<vmem>>
      %dma_wait3A_992 = tpu.memref_squeeze %dma_wait3A_991 : memref<1x128xi32, #tpu.memory_space<vmem>> -> memref<128xi32, #tpu.memory_space<vmem>>
      %dma_wait3A_993 = arith.constant 0 : i32
      %dma_wait3A_994 = tpu.memref_slice %arg24[%dma_wait3A_993] : memref<10240xf32, #tpu.memory_space<vmem_shared>> -> memref<10240xf32, #tpu.memory_space<vmem_shared>>
      tpu.wait_indirect_dma semaphore(%arg26 : memref<!tpu.dma_semaphore, #tpu.memory_space<semaphore_mem>>) src(%arg21 : memref<128xf32, #tpu.memory_space<vmem>>) dst(%dma_wait3A_994 : memref<10240xf32, #tpu.memory_space<vmem_shared>>)
      %mul3A_995 = arith.constant 128 : i32
      %mul3A_996 = arith.muli %add3A_976, %mul3A_995 : i32
      %dma_start3A_997 = arith.constant 1 : i32
      %dma_start3A_998 = arith.constant 0 : i32
      %dma_start3A_999 = arith.constant 0 : i32
      %dma_start3A_1000 = tpu.memref_slice %arg8[%dma_start3A_997, %dma_start3A_998, %dma_start3A_999] : memref<2x128x128xf32, #tpu.memory_space<vmem>> -> memref<1x128x128xf32, #tpu.memory_space<vmem>>
      %dma_start3A_1001 = tpu.memref_squeeze %dma_start3A_1000 : memref<1x128x128xf32, #tpu.memory_space<vmem>> -> memref<128x128xf32, #tpu.memory_space<vmem>>
      %dma_start3A_1002 = tpu.memref_slice %arg6[%mul3A_996] : memref<9984xi32, #tpu.memory_space<vmem>> -> memref<128xi32, #tpu.memory_space<vmem>>
      %dma_start3A_1003 = arith.constant 0 : i32
      %dma_start3A_1004 = arith.constant 0 : i32
      %dma_start3A_1005 = tpu.memref_slice %arg2[%dma_start3A_1003, %dma_start3A_1004] : memref<10000x128xf32, #tpu.memory_space<hbm>> -> memref<10000x128xf32, #tpu.memory_space<hbm>>
      tpu.enqueue_indirect_dma source(%dma_start3A_1005 : memref<10000x128xf32, #tpu.memory_space<hbm>>) target(%dma_start3A_1001 : memref<128x128xf32, #tpu.memory_space<vmem>>) offsets(%dma_start3A_1002 : memref<128xi32, #tpu.memory_space<vmem>>) semaphore(%arg15 : memref<!tpu.dma_semaphore, #tpu.memory_space<semaphore_mem>>)
      %add3A_1006 = arith.constant 1 : i32
      %add3A_1007 = arith.addi %add3A_976, %add3A_1006 : i32
      %mul3A_1008 = arith.constant 128 : i32
      %mul3A_1009 = arith.muli %add3A_1007, %mul3A_1008 : i32
      %add3A_1010 = arith.addi %mul3A_2, %mul3A_1009 : i32
      %dma_start3A_1011 = arith.constant 0 : i32
      %dma_start3A_1012 = arith.constant 0 : i32
      %dma_start3A_1013 = tpu.memref_slice %arg7[%dma_start3A_1011, %dma_start3A_1012] : memref<3x128xi32, #tpu.memory_space<vmem>> -> memref<1x128xi32, #tpu.memory_space<vmem>>
      %dma_start3A_1014 = tpu.memref_squeeze %dma_start3A_1013 : memref<1x128xi32, #tpu.memory_space<vmem>> -> memref<128xi32, #tpu.memory_space<vmem>>
      %dma_start3A_1015 = arith.constant 0 : i32
      %dma_start3A_1016 = tpu.memref_slice %arg3[%scan3A_180, %scan3A_181, %dma_start3A_1015] : memref<2x1x320000xi32, #tpu.memory_space<hbm>> -> memref<1x1x320000xi32, #tpu.memory_space<hbm>>
      %dma_start3A_1017 = tpu.memref_squeeze %dma_start3A_1016 : memref<1x1x320000xi32, #tpu.memory_space<hbm>> -> memref<320000xi32, #tpu.memory_space<hbm>>
      %dma_start3A_1018 = tpu.memref_slice %dma_start3A_1017[%add3A_1010] : memref<320000xi32, #tpu.memory_space<hbm>> -> memref<128xi32, #tpu.memory_space<hbm>>
      %dma_start3A_1019 = arith.constant 0 : i32
      %dma_start3A_1020 = tpu.memref_slice %arg7[%dma_start3A_1011, %dma_start3A_1019] : memref<3x128xi32, #tpu.memory_space<vmem>> -> memref<1x128xi32, #tpu.memory_space<vmem>>
      %dma_start3A_1021 = tpu.memref_squeeze %dma_start3A_1020 : memref<1x128xi32, #tpu.memory_space<vmem>> -> memref<128xi32, #tpu.memory_space<vmem>>
      %dma_start3A_1022 = arith.constant 0 : i32
      %dma_start3A_1023 = tpu.memref_slice %arg3[%scan3A_180, %scan3A_181, %dma_start3A_1022] : memref<2x1x320000xi32, #tpu.memory_space<hbm>> -> memref<1x1x320000xi32, #tpu.memory_space<hbm>>
      %dma_start3A_1024 = tpu.memref_squeeze %dma_start3A_1023 : memref<1x1x320000xi32, #tpu.memory_space<hbm>> -> memref<320000xi32, #tpu.memory_space<hbm>>
      %dma_start3A_1025 = tpu.memref_slice %dma_start3A_1024[%add3A_1010] : memref<320000xi32, #tpu.memory_space<hbm>> -> memref<128xi32, #tpu.memory_space<hbm>>
      tpu.enqueue_dma source(%dma_start3A_1025 : memref<128xi32, #tpu.memory_space<hbm>>) target(%dma_start3A_1021 : memref<128xi32, #tpu.memory_space<vmem>>) target_semaphore(%arg18 : memref<!tpu.dma_semaphore, #tpu.memory_space<semaphore_mem>>)
      %sub3A_1026 = arith.constant 1 : i32
      %sub3A_1027 = arith.subi %add3A_976, %sub3A_1026 : i32
      %mul3A_1028 = arith.constant 128 : i32
      %mul3A_1029 = arith.muli %sub3A_1027, %mul3A_1028 : i32
      %dma_wait3A_1030 = arith.constant 0 : i32
      %dma_wait3A_1031 = arith.constant 0 : i32
      %dma_wait3A_1032 = arith.constant 0 : i32
      %dma_wait3A_1033 = tpu.memref_slice %arg8[%dma_wait3A_1030, %dma_wait3A_1031, %dma_wait3A_1032] : memref<2x128x128xf32, #tpu.memory_space<vmem>> -> memref<1x128x128xf32, #tpu.memory_space<vmem>>
      %dma_wait3A_1034 = tpu.memref_squeeze %dma_wait3A_1033 : memref<1x128x128xf32, #tpu.memory_space<vmem>> -> memref<128x128xf32, #tpu.memory_space<vmem>>
      %dma_wait3A_1035 = tpu.memref_slice %arg6[%mul3A_1029] : memref<9984xi32, #tpu.memory_space<vmem>> -> memref<128xi32, #tpu.memory_space<vmem>>
      %dma_wait3A_1036 = arith.constant 0 : i32
      %dma_wait3A_1037 = arith.constant 0 : i32
      %dma_wait3A_1038 = tpu.memref_slice %arg2[%dma_wait3A_1036, %dma_wait3A_1037] : memref<10000x128xf32, #tpu.memory_space<hbm>> -> memref<10000x128xf32, #tpu.memory_space<hbm>>
      tpu.wait_indirect_dma semaphore(%arg14 : memref<!tpu.dma_semaphore, #tpu.memory_space<semaphore_mem>>) src(%dma_wait3A_1038 : memref<10000x128xf32, #tpu.memory_space<hbm>>) dst(%dma_wait3A_1034 : memref<128x128xf32, #tpu.memory_space<vmem>>)
      %sub3A_1039 = arith.constant 1 : i32
      %sub3A_1040 = arith.subi %add3A_976, %sub3A_1039 : i32
      %mul3A_1041 = arith.constant 128 : i32
      %mul3A_1042 = arith.muli %sub3A_1040, %mul3A_1041 : i32
      %add3A_1043 = arith.addi %mul3A_2, %mul3A_1042 : i32
      %dma_wait3A_1044 = arith.constant 1 : i32
      %dma_wait3A_1045 = arith.constant 0 : i32
      %dma_wait3A_1046 = tpu.memref_slice %arg7[%dma_wait3A_1044, %dma_wait3A_1045] : memref<3x128xi32, #tpu.memory_space<vmem>> -> memref<1x128xi32, #tpu.memory_space<vmem>>
      %dma_wait3A_1047 = tpu.memref_squeeze %dma_wait3A_1046 : memref<1x128xi32, #tpu.memory_space<vmem>> -> memref<128xi32, #tpu.memory_space<vmem>>
      %dma_wait3A_1048 = arith.constant 0 : i32
      %dma_wait3A_1049 = tpu.memref_slice %arg3[%scan3A_180, %scan3A_181, %dma_wait3A_1048] : memref<2x1x320000xi32, #tpu.memory_space<hbm>> -> memref<1x1x320000xi32, #tpu.memory_space<hbm>>
      %dma_wait3A_1050 = tpu.memref_squeeze %dma_wait3A_1049 : memref<1x1x320000xi32, #tpu.memory_space<hbm>> -> memref<320000xi32, #tpu.memory_space<hbm>>
      %dma_wait3A_1051 = tpu.memref_slice %dma_wait3A_1050[%add3A_1043] : memref<320000xi32, #tpu.memory_space<hbm>> -> memref<128xi32, #tpu.memory_space<hbm>>
      %dma_wait3A_1052 = arith.constant 0 : i32
      %dma_wait3A_1053 = tpu.memref_slice %arg7[%dma_wait3A_1044, %dma_wait3A_1052] : memref<3x128xi32, #tpu.memory_space<vmem>> -> memref<1x128xi32, #tpu.memory_space<vmem>>
      %dma_wait3A_1054 = tpu.memref_squeeze %dma_wait3A_1053 : memref<1x128xi32, #tpu.memory_space<vmem>> -> memref<128xi32, #tpu.memory_space<vmem>>
      %dma_wait3A_1055 = arith.constant 0 : i32
      %dma_wait3A_1056 = tpu.memref_slice %arg3[%scan3A_180, %scan3A_181, %dma_wait3A_1055] : memref<2x1x320000xi32, #tpu.memory_space<hbm>> -> memref<1x1x320000xi32, #tpu.memory_space<hbm>>
      %dma_wait3A_1057 = tpu.memref_squeeze %dma_wait3A_1056 : memref<1x1x320000xi32, #tpu.memory_space<hbm>> -> memref<320000xi32, #tpu.memory_space<hbm>>
      %dma_wait3A_1058 = tpu.memref_slice %dma_wait3A_1057[%add3A_1043] : memref<320000xi32, #tpu.memory_space<hbm>> -> memref<128xi32, #tpu.memory_space<hbm>>
      tpu.wait_dma2 semaphore(%arg19 : memref<!tpu.dma_semaphore, #tpu.memory_space<semaphore_mem>>) src(%dma_wait3A_1058 : memref<128xi32, #tpu.memory_space<hbm>>) dst(%dma_wait3A_1054 : memref<128xi32, #tpu.memory_space<vmem>>)
      %dma_start3A_1059 = arith.constant 0 : i32
      %dma_start3A_1060 = arith.constant 1 : i32
      %dma_start3A_1061 = arith.constant 0 : i32
      %dma_start3A_1062 = arith.constant 0 : i32
      %dma_start3A_1063 = tpu.memref_slice %arg8[%dma_start3A_1059, %dma_start3A_1061, %dma_start3A_1062] : memref<2x128x128xf32, #tpu.memory_space<vmem>> -> memref<1x128x128xf32, #tpu.memory_space<vmem>>
      %dma_start3A_1064 = tpu.memref_squeeze %dma_start3A_1063 : memref<1x128x128xf32, #tpu.memory_space<vmem>> -> memref<128x128xf32, #tpu.memory_space<vmem>>
      %dma_start3A_1065 = arith.constant 0 : i32
      %dma_start3A_1066 = tpu.memref_slice %arg7[%dma_start3A_1060, %dma_start3A_1065] : memref<3x128xi32, #tpu.memory_space<vmem>> -> memref<1x128xi32, #tpu.memory_space<vmem>>
      %dma_start3A_1067 = tpu.memref_squeeze %dma_start3A_1066 : memref<1x128xi32, #tpu.memory_space<vmem>> -> memref<128xi32, #tpu.memory_space<vmem>>
      %dma_start3A_1068 = arith.constant 0 : i32
      %dma_start3A_1069 = arith.constant 0 : i32
      %dma_start3A_1070 = tpu.memref_slice %arg12[%dma_start3A_1068, %dma_start3A_1069] : memref<10240x128xf32, #tpu.memory_space<vmem_shared>> -> memref<10240x128xf32, #tpu.memory_space<vmem_shared>>
      tpu.enqueue_indirect_dma source(%dma_start3A_1064 : memref<128x128xf32, #tpu.memory_space<vmem>>) target(%dma_start3A_1070 : memref<10240x128xf32, #tpu.memory_space<vmem_shared>>) offsets(%dma_start3A_1067 : memref<128xi32, #tpu.memory_space<vmem>>) semaphore(%arg16 : memref<!tpu.dma_semaphore, #tpu.memory_space<semaphore_mem>>) {add = true}
      %dma_start3A_1071 = arith.constant 1 : i32
      %dma_start3A_1072 = arith.constant 0 : i32
      %dma_start3A_1073 = tpu.memref_slice %arg7[%dma_start3A_1071, %dma_start3A_1072] : memref<3x128xi32, #tpu.memory_space<vmem>> -> memref<1x128xi32, #tpu.memory_space<vmem>>
      %dma_start3A_1074 = tpu.memref_squeeze %dma_start3A_1073 : memref<1x128xi32, #tpu.memory_space<vmem>> -> memref<128xi32, #tpu.memory_space<vmem>>
      %dma_start3A_1075 = arith.constant 0 : i32
      %dma_start3A_1076 = tpu.memref_slice %arg24[%dma_start3A_1075] : memref<10240xf32, #tpu.memory_space<vmem_shared>> -> memref<10240xf32, #tpu.memory_space<vmem_shared>>
      tpu.enqueue_indirect_dma source(%arg21 : memref<128xf32, #tpu.memory_space<vmem>>) target(%dma_start3A_1076 : memref<10240xf32, #tpu.memory_space<vmem_shared>>) offsets(%dma_start3A_1074 : memref<128xi32, #tpu.memory_space<vmem>>) semaphore(%arg25 : memref<!tpu.dma_semaphore, #tpu.memory_space<semaphore_mem>>) {add = true}
      %mul3A_1077 = arith.constant 6 : i32
      %mul3A_1078 = arith.muli %mul3A_1077, %scan3A_652 : i32
      %add3A_1079 = arith.constant 2 : i32
      %add3A_1080 = arith.addi %add3A_1079, %mul3A_1078 : i32
      %add3A_1081 = arith.constant 4 : i32
      %add3A_1082 = arith.addi %add3A_1080, %add3A_1081 : i32
      %dma_wait3A_1083 = arith.constant 0 : i32
      %dma_wait3A_1084 = arith.constant 1 : i32
      %dma_wait3A_1085 = arith.constant 0 : i32
      %dma_wait3A_1086 = arith.constant 0 : i32
      %dma_wait3A_1087 = tpu.memref_slice %arg8[%dma_wait3A_1083, %dma_wait3A_1085, %dma_wait3A_1086] : memref<2x128x128xf32, #tpu.memory_space<vmem>> -> memref<1x128x128xf32, #tpu.memory_space<vmem>>
      %dma_wait3A_1088 = tpu.memref_squeeze %dma_wait3A_1087 : memref<1x128x128xf32, #tpu.memory_space<vmem>> -> memref<128x128xf32, #tpu.memory_space<vmem>>
      %dma_wait3A_1089 = arith.constant 0 : i32
      %dma_wait3A_1090 = tpu.memref_slice %arg7[%dma_wait3A_1084, %dma_wait3A_1089] : memref<3x128xi32, #tpu.memory_space<vmem>> -> memref<1x128xi32, #tpu.memory_space<vmem>>
      %dma_wait3A_1091 = tpu.memref_squeeze %dma_wait3A_1090 : memref<1x128xi32, #tpu.memory_space<vmem>> -> memref<128xi32, #tpu.memory_space<vmem>>
      %dma_wait3A_1092 = arith.constant 0 : i32
      %dma_wait3A_1093 = arith.constant 0 : i32
      %dma_wait3A_1094 = tpu.memref_slice %arg12[%dma_wait3A_1092, %dma_wait3A_1093] : memref<10240x128xf32, #tpu.memory_space<vmem_shared>> -> memref<10240x128xf32, #tpu.memory_space<vmem_shared>>
      tpu.wait_indirect_dma semaphore(%arg16 : memref<!tpu.dma_semaphore, #tpu.memory_space<semaphore_mem>>) src(%dma_wait3A_1088 : memref<128x128xf32, #tpu.memory_space<vmem>>) dst(%dma_wait3A_1094 : memref<10240x128xf32, #tpu.memory_space<vmem_shared>>)
      %dma_wait3A_1095 = arith.constant 1 : i32
      %dma_wait3A_1096 = arith.constant 0 : i32
      %dma_wait3A_1097 = tpu.memref_slice %arg7[%dma_wait3A_1095, %dma_wait3A_1096] : memref<3x128xi32, #tpu.memory_space<vmem>> -> memref<1x128xi32, #tpu.memory_space<vmem>>
      %dma_wait3A_1098 = tpu.memref_squeeze %dma_wait3A_1097 : memref<1x128xi32, #tpu.memory_space<vmem>> -> memref<128xi32, #tpu.memory_space<vmem>>
      %dma_wait3A_1099 = arith.constant 0 : i32
      %dma_wait3A_1100 = tpu.memref_slice %arg24[%dma_wait3A_1099] : memref<10240xf32, #tpu.memory_space<vmem_shared>> -> memref<10240xf32, #tpu.memory_space<vmem_shared>>
      tpu.wait_indirect_dma semaphore(%arg25 : memref<!tpu.dma_semaphore, #tpu.memory_space<semaphore_mem>>) src(%arg21 : memref<128xf32, #tpu.memory_space<vmem>>) dst(%dma_wait3A_1100 : memref<10240xf32, #tpu.memory_space<vmem_shared>>)
      %mul3A_1101 = arith.constant 128 : i32
      %mul3A_1102 = arith.muli %add3A_1082, %mul3A_1101 : i32
      %dma_start3A_1103 = arith.constant 0 : i32
      %dma_start3A_1104 = arith.constant 0 : i32
      %dma_start3A_1105 = arith.constant 0 : i32
      %dma_start3A_1106 = tpu.memref_slice %arg8[%dma_start3A_1103, %dma_start3A_1104, %dma_start3A_1105] : memref<2x128x128xf32, #tpu.memory_space<vmem>> -> memref<1x128x128xf32, #tpu.memory_space<vmem>>
      %dma_start3A_1107 = tpu.memref_squeeze %dma_start3A_1106 : memref<1x128x128xf32, #tpu.memory_space<vmem>> -> memref<128x128xf32, #tpu.memory_space<vmem>>
      %dma_start3A_1108 = tpu.memref_slice %arg6[%mul3A_1102] : memref<9984xi32, #tpu.memory_space<vmem>> -> memref<128xi32, #tpu.memory_space<vmem>>
      %dma_start3A_1109 = arith.constant 0 : i32
      %dma_start3A_1110 = arith.constant 0 : i32
      %dma_start3A_1111 = tpu.memref_slice %arg2[%dma_start3A_1109, %dma_start3A_1110] : memref<10000x128xf32, #tpu.memory_space<hbm>> -> memref<10000x128xf32, #tpu.memory_space<hbm>>
      tpu.enqueue_indirect_dma source(%dma_start3A_1111 : memref<10000x128xf32, #tpu.memory_space<hbm>>) target(%dma_start3A_1107 : memref<128x128xf32, #tpu.memory_space<vmem>>) offsets(%dma_start3A_1108 : memref<128xi32, #tpu.memory_space<vmem>>) semaphore(%arg14 : memref<!tpu.dma_semaphore, #tpu.memory_space<semaphore_mem>>)
      %add3A_1112 = arith.constant 1 : i32
      %add3A_1113 = arith.addi %add3A_1082, %add3A_1112 : i32
      %mul3A_1114 = arith.constant 128 : i32
      %mul3A_1115 = arith.muli %add3A_1113, %mul3A_1114 : i32
      %add3A_1116 = arith.addi %mul3A_2, %mul3A_1115 : i32
      %dma_start3A_1117 = arith.constant 1 : i32
      %dma_start3A_1118 = arith.constant 0 : i32
      %dma_start3A_1119 = tpu.memref_slice %arg7[%dma_start3A_1117, %dma_start3A_1118] : memref<3x128xi32, #tpu.memory_space<vmem>> -> memref<1x128xi32, #tpu.memory_space<vmem>>
      %dma_start3A_1120 = tpu.memref_squeeze %dma_start3A_1119 : memref<1x128xi32, #tpu.memory_space<vmem>> -> memref<128xi32, #tpu.memory_space<vmem>>
      %dma_start3A_1121 = arith.constant 0 : i32
      %dma_start3A_1122 = tpu.memref_slice %arg3[%scan3A_180, %scan3A_181, %dma_start3A_1121] : memref<2x1x320000xi32, #tpu.memory_space<hbm>> -> memref<1x1x320000xi32, #tpu.memory_space<hbm>>
      %dma_start3A_1123 = tpu.memref_squeeze %dma_start3A_1122 : memref<1x1x320000xi32, #tpu.memory_space<hbm>> -> memref<320000xi32, #tpu.memory_space<hbm>>
      %dma_start3A_1124 = tpu.memref_slice %dma_start3A_1123[%add3A_1116] : memref<320000xi32, #tpu.memory_space<hbm>> -> memref<128xi32, #tpu.memory_space<hbm>>
      %dma_start3A_1125 = arith.constant 0 : i32
      %dma_start3A_1126 = tpu.memref_slice %arg7[%dma_start3A_1117, %dma_start3A_1125] : memref<3x128xi32, #tpu.memory_space<vmem>> -> memref<1x128xi32, #tpu.memory_space<vmem>>
      %dma_start3A_1127 = tpu.memref_squeeze %dma_start3A_1126 : memref<1x128xi32, #tpu.memory_space<vmem>> -> memref<128xi32, #tpu.memory_space<vmem>>
      %dma_start3A_1128 = arith.constant 0 : i32
      %dma_start3A_1129 = tpu.memref_slice %arg3[%scan3A_180, %scan3A_181, %dma_start3A_1128] : memref<2x1x320000xi32, #tpu.memory_space<hbm>> -> memref<1x1x320000xi32, #tpu.memory_space<hbm>>
      %dma_start3A_1130 = tpu.memref_squeeze %dma_start3A_1129 : memref<1x1x320000xi32, #tpu.memory_space<hbm>> -> memref<320000xi32, #tpu.memory_space<hbm>>
      %dma_start3A_1131 = tpu.memref_slice %dma_start3A_1130[%add3A_1116] : memref<320000xi32, #tpu.memory_space<hbm>> -> memref<128xi32, #tpu.memory_space<hbm>>
      tpu.enqueue_dma source(%dma_start3A_1131 : memref<128xi32, #tpu.memory_space<hbm>>) target(%dma_start3A_1127 : memref<128xi32, #tpu.memory_space<vmem>>) target_semaphore(%arg19 : memref<!tpu.dma_semaphore, #tpu.memory_space<semaphore_mem>>)
      %sub3A_1132 = arith.constant 1 : i32
      %sub3A_1133 = arith.subi %add3A_1082, %sub3A_1132 : i32
      %mul3A_1134 = arith.constant 128 : i32
      %mul3A_1135 = arith.muli %sub3A_1133, %mul3A_1134 : i32
      %dma_wait3A_1136 = arith.constant 1 : i32
      %dma_wait3A_1137 = arith.constant 0 : i32
      %dma_wait3A_1138 = arith.constant 0 : i32
      %dma_wait3A_1139 = tpu.memref_slice %arg8[%dma_wait3A_1136, %dma_wait3A_1137, %dma_wait3A_1138] : memref<2x128x128xf32, #tpu.memory_space<vmem>> -> memref<1x128x128xf32, #tpu.memory_space<vmem>>
      %dma_wait3A_1140 = tpu.memref_squeeze %dma_wait3A_1139 : memref<1x128x128xf32, #tpu.memory_space<vmem>> -> memref<128x128xf32, #tpu.memory_space<vmem>>
      %dma_wait3A_1141 = tpu.memref_slice %arg6[%mul3A_1135] : memref<9984xi32, #tpu.memory_space<vmem>> -> memref<128xi32, #tpu.memory_space<vmem>>
      %dma_wait3A_1142 = arith.constant 0 : i32
      %dma_wait3A_1143 = arith.constant 0 : i32
      %dma_wait3A_1144 = tpu.memref_slice %arg2[%dma_wait3A_1142, %dma_wait3A_1143] : memref<10000x128xf32, #tpu.memory_space<hbm>> -> memref<10000x128xf32, #tpu.memory_space<hbm>>
      tpu.wait_indirect_dma semaphore(%arg15 : memref<!tpu.dma_semaphore, #tpu.memory_space<semaphore_mem>>) src(%dma_wait3A_1144 : memref<10000x128xf32, #tpu.memory_space<hbm>>) dst(%dma_wait3A_1140 : memref<128x128xf32, #tpu.memory_space<vmem>>)
      %sub3A_1145 = arith.constant 1 : i32
      %sub3A_1146 = arith.subi %add3A_1082, %sub3A_1145 : i32
      %mul3A_1147 = arith.constant 128 : i32
      %mul3A_1148 = arith.muli %sub3A_1146, %mul3A_1147 : i32
      %add3A_1149 = arith.addi %mul3A_2, %mul3A_1148 : i32
      %dma_wait3A_1150 = arith.constant 2 : i32
      %dma_wait3A_1151 = arith.constant 0 : i32
      %dma_wait3A_1152 = tpu.memref_slice %arg7[%dma_wait3A_1150, %dma_wait3A_1151] : memref<3x128xi32, #tpu.memory_space<vmem>> -> memref<1x128xi32, #tpu.memory_space<vmem>>
      %dma_wait3A_1153 = tpu.memref_squeeze %dma_wait3A_1152 : memref<1x128xi32, #tpu.memory_space<vmem>> -> memref<128xi32, #tpu.memory_space<vmem>>
      %dma_wait3A_1154 = arith.constant 0 : i32
      %dma_wait3A_1155 = tpu.memref_slice %arg3[%scan3A_180, %scan3A_181, %dma_wait3A_1154] : memref<2x1x320000xi32, #tpu.memory_space<hbm>> -> memref<1x1x320000xi32, #tpu.memory_space<hbm>>
      %dma_wait3A_1156 = tpu.memref_squeeze %dma_wait3A_1155 : memref<1x1x320000xi32, #tpu.memory_space<hbm>> -> memref<320000xi32, #tpu.memory_space<hbm>>
      %dma_wait3A_1157 = tpu.memref_slice %dma_wait3A_1156[%add3A_1149] : memref<320000xi32, #tpu.memory_space<hbm>> -> memref<128xi32, #tpu.memory_space<hbm>>
      %dma_wait3A_1158 = arith.constant 0 : i32
      %dma_wait3A_1159 = tpu.memref_slice %arg7[%dma_wait3A_1150, %dma_wait3A_1158] : memref<3x128xi32, #tpu.memory_space<vmem>> -> memref<1x128xi32, #tpu.memory_space<vmem>>
      %dma_wait3A_1160 = tpu.memref_squeeze %dma_wait3A_1159 : memref<1x128xi32, #tpu.memory_space<vmem>> -> memref<128xi32, #tpu.memory_space<vmem>>
      %dma_wait3A_1161 = arith.constant 0 : i32
      %dma_wait3A_1162 = tpu.memref_slice %arg3[%scan3A_180, %scan3A_181, %dma_wait3A_1161] : memref<2x1x320000xi32, #tpu.memory_space<hbm>> -> memref<1x1x320000xi32, #tpu.memory_space<hbm>>
      %dma_wait3A_1163 = tpu.memref_squeeze %dma_wait3A_1162 : memref<1x1x320000xi32, #tpu.memory_space<hbm>> -> memref<320000xi32, #tpu.memory_space<hbm>>
      %dma_wait3A_1164 = tpu.memref_slice %dma_wait3A_1163[%add3A_1149] : memref<320000xi32, #tpu.memory_space<hbm>> -> memref<128xi32, #tpu.memory_space<hbm>>
      tpu.wait_dma2 semaphore(%arg20 : memref<!tpu.dma_semaphore, #tpu.memory_space<semaphore_mem>>) src(%dma_wait3A_1164 : memref<128xi32, #tpu.memory_space<hbm>>) dst(%dma_wait3A_1160 : memref<128xi32, #tpu.memory_space<vmem>>)
      %dma_start3A_1165 = arith.constant 1 : i32
      %dma_start3A_1166 = arith.constant 2 : i32
      %dma_start3A_1167 = arith.constant 0 : i32
      %dma_start3A_1168 = arith.constant 0 : i32
      %dma_start3A_1169 = tpu.memref_slice %arg8[%dma_start3A_1165, %dma_start3A_1167, %dma_start3A_1168] : memref<2x128x128xf32, #tpu.memory_space<vmem>> -> memref<1x128x128xf32, #tpu.memory_space<vmem>>
      %dma_start3A_1170 = tpu.memref_squeeze %dma_start3A_1169 : memref<1x128x128xf32, #tpu.memory_space<vmem>> -> memref<128x128xf32, #tpu.memory_space<vmem>>
      %dma_start3A_1171 = arith.constant 0 : i32
      %dma_start3A_1172 = tpu.memref_slice %arg7[%dma_start3A_1166, %dma_start3A_1171] : memref<3x128xi32, #tpu.memory_space<vmem>> -> memref<1x128xi32, #tpu.memory_space<vmem>>
      %dma_start3A_1173 = tpu.memref_squeeze %dma_start3A_1172 : memref<1x128xi32, #tpu.memory_space<vmem>> -> memref<128xi32, #tpu.memory_space<vmem>>
      %dma_start3A_1174 = arith.constant 0 : i32
      %dma_start3A_1175 = arith.constant 0 : i32
      %dma_start3A_1176 = tpu.memref_slice %arg12[%dma_start3A_1174, %dma_start3A_1175] : memref<10240x128xf32, #tpu.memory_space<vmem_shared>> -> memref<10240x128xf32, #tpu.memory_space<vmem_shared>>
      tpu.enqueue_indirect_dma source(%dma_start3A_1170 : memref<128x128xf32, #tpu.memory_space<vmem>>) target(%dma_start3A_1176 : memref<10240x128xf32, #tpu.memory_space<vmem_shared>>) offsets(%dma_start3A_1173 : memref<128xi32, #tpu.memory_space<vmem>>) semaphore(%arg17 : memref<!tpu.dma_semaphore, #tpu.memory_space<semaphore_mem>>) {add = true}
      %dma_start3A_1177 = arith.constant 2 : i32
      %dma_start3A_1178 = arith.constant 0 : i32
      %dma_start3A_1179 = tpu.memref_slice %arg7[%dma_start3A_1177, %dma_start3A_1178] : memref<3x128xi32, #tpu.memory_space<vmem>> -> memref<1x128xi32, #tpu.memory_space<vmem>>
      %dma_start3A_1180 = tpu.memref_squeeze %dma_start3A_1179 : memref<1x128xi32, #tpu.memory_space<vmem>> -> memref<128xi32, #tpu.memory_space<vmem>>
      %dma_start3A_1181 = arith.constant 0 : i32
      %dma_start3A_1182 = tpu.memref_slice %arg24[%dma_start3A_1181] : memref<10240xf32, #tpu.memory_space<vmem_shared>> -> memref<10240xf32, #tpu.memory_space<vmem_shared>>
      tpu.enqueue_indirect_dma source(%arg21 : memref<128xf32, #tpu.memory_space<vmem>>) target(%dma_start3A_1182 : memref<10240xf32, #tpu.memory_space<vmem_shared>>) offsets(%dma_start3A_1180 : memref<128xi32, #tpu.memory_space<vmem>>) semaphore(%arg26 : memref<!tpu.dma_semaphore, #tpu.memory_space<semaphore_mem>>) {add = true}
      %mul3A_1183 = arith.constant 6 : i32
      %mul3A_1184 = arith.muli %mul3A_1183, %scan3A_652 : i32
      %add3A_1185 = arith.constant 2 : i32
      %add3A_1186 = arith.addi %add3A_1185, %mul3A_1184 : i32
      %add3A_1187 = arith.constant 5 : i32
      %add3A_1188 = arith.addi %add3A_1186, %add3A_1187 : i32
      %dma_wait3A_1189 = arith.constant 1 : i32
      %dma_wait3A_1190 = arith.constant 2 : i32
      %dma_wait3A_1191 = arith.constant 0 : i32
      %dma_wait3A_1192 = arith.constant 0 : i32
      %dma_wait3A_1193 = tpu.memref_slice %arg8[%dma_wait3A_1189, %dma_wait3A_1191, %dma_wait3A_1192] : memref<2x128x128xf32, #tpu.memory_space<vmem>> -> memref<1x128x128xf32, #tpu.memory_space<vmem>>
      %dma_wait3A_1194 = tpu.memref_squeeze %dma_wait3A_1193 : memref<1x128x128xf32, #tpu.memory_space<vmem>> -> memref<128x128xf32, #tpu.memory_space<vmem>>
      %dma_wait3A_1195 = arith.constant 0 : i32
      %dma_wait3A_1196 = tpu.memref_slice %arg7[%dma_wait3A_1190, %dma_wait3A_1195] : memref<3x128xi32, #tpu.memory_space<vmem>> -> memref<1x128xi32, #tpu.memory_space<vmem>>
      %dma_wait3A_1197 = tpu.memref_squeeze %dma_wait3A_1196 : memref<1x128xi32, #tpu.memory_space<vmem>> -> memref<128xi32, #tpu.memory_space<vmem>>
      %dma_wait3A_1198 = arith.constant 0 : i32
      %dma_wait3A_1199 = arith.constant 0 : i32
      %dma_wait3A_1200 = tpu.memref_slice %arg12[%dma_wait3A_1198, %dma_wait3A_1199] : memref<10240x128xf32, #tpu.memory_space<vmem_shared>> -> memref<10240x128xf32, #tpu.memory_space<vmem_shared>>
      tpu.wait_indirect_dma semaphore(%arg17 : memref<!tpu.dma_semaphore, #tpu.memory_space<semaphore_mem>>) src(%dma_wait3A_1194 : memref<128x128xf32, #tpu.memory_space<vmem>>) dst(%dma_wait3A_1200 : memref<10240x128xf32, #tpu.memory_space<vmem_shared>>)
      %dma_wait3A_1201 = arith.constant 2 : i32
      %dma_wait3A_1202 = arith.constant 0 : i32
      %dma_wait3A_1203 = tpu.memref_slice %arg7[%dma_wait3A_1201, %dma_wait3A_1202] : memref<3x128xi32, #tpu.memory_space<vmem>> -> memref<1x128xi32, #tpu.memory_space<vmem>>
      %dma_wait3A_1204 = tpu.memref_squeeze %dma_wait3A_1203 : memref<1x128xi32, #tpu.memory_space<vmem>> -> memref<128xi32, #tpu.memory_space<vmem>>
      %dma_wait3A_1205 = arith.constant 0 : i32
      %dma_wait3A_1206 = tpu.memref_slice %arg24[%dma_wait3A_1205] : memref<10240xf32, #tpu.memory_space<vmem_shared>> -> memref<10240xf32, #tpu.memory_space<vmem_shared>>
      tpu.wait_indirect_dma semaphore(%arg26 : memref<!tpu.dma_semaphore, #tpu.memory_space<semaphore_mem>>) src(%arg21 : memref<128xf32, #tpu.memory_space<vmem>>) dst(%dma_wait3A_1206 : memref<10240xf32, #tpu.memory_space<vmem_shared>>)
      %mul3A_1207 = arith.constant 128 : i32
      %mul3A_1208 = arith.muli %add3A_1188, %mul3A_1207 : i32
      %dma_start3A_1209 = arith.constant 1 : i32
      %dma_start3A_1210 = arith.constant 0 : i32
      %dma_start3A_1211 = arith.constant 0 : i32
      %dma_start3A_1212 = tpu.memref_slice %arg8[%dma_start3A_1209, %dma_start3A_1210, %dma_start3A_1211] : memref<2x128x128xf32, #tpu.memory_space<vmem>> -> memref<1x128x128xf32, #tpu.memory_space<vmem>>
      %dma_start3A_1213 = tpu.memref_squeeze %dma_start3A_1212 : memref<1x128x128xf32, #tpu.memory_space<vmem>> -> memref<128x128xf32, #tpu.memory_space<vmem>>
      %dma_start3A_1214 = tpu.memref_slice %arg6[%mul3A_1208] : memref<9984xi32, #tpu.memory_space<vmem>> -> memref<128xi32, #tpu.memory_space<vmem>>
      %dma_start3A_1215 = arith.constant 0 : i32
      %dma_start3A_1216 = arith.constant 0 : i32
      %dma_start3A_1217 = tpu.memref_slice %arg2[%dma_start3A_1215, %dma_start3A_1216] : memref<10000x128xf32, #tpu.memory_space<hbm>> -> memref<10000x128xf32, #tpu.memory_space<hbm>>
      tpu.enqueue_indirect_dma source(%dma_start3A_1217 : memref<10000x128xf32, #tpu.memory_space<hbm>>) target(%dma_start3A_1213 : memref<128x128xf32, #tpu.memory_space<vmem>>) offsets(%dma_start3A_1214 : memref<128xi32, #tpu.memory_space<vmem>>) semaphore(%arg15 : memref<!tpu.dma_semaphore, #tpu.memory_space<semaphore_mem>>)
      %add3A_1218 = arith.constant 1 : i32
      %add3A_1219 = arith.addi %add3A_1188, %add3A_1218 : i32
      %mul3A_1220 = arith.constant 128 : i32
      %mul3A_1221 = arith.muli %add3A_1219, %mul3A_1220 : i32
      %add3A_1222 = arith.addi %mul3A_2, %mul3A_1221 : i32
      %dma_start3A_1223 = arith.constant 2 : i32
      %dma_start3A_1224 = arith.constant 0 : i32
      %dma_start3A_1225 = tpu.memref_slice %arg7[%dma_start3A_1223, %dma_start3A_1224] : memref<3x128xi32, #tpu.memory_space<vmem>> -> memref<1x128xi32, #tpu.memory_space<vmem>>
      %dma_start3A_1226 = tpu.memref_squeeze %dma_start3A_1225 : memref<1x128xi32, #tpu.memory_space<vmem>> -> memref<128xi32, #tpu.memory_space<vmem>>
      %dma_start3A_1227 = arith.constant 0 : i32
      %dma_start3A_1228 = tpu.memref_slice %arg3[%scan3A_180, %scan3A_181, %dma_start3A_1227] : memref<2x1x320000xi32, #tpu.memory_space<hbm>> -> memref<1x1x320000xi32, #tpu.memory_space<hbm>>
      %dma_start3A_1229 = tpu.memref_squeeze %dma_start3A_1228 : memref<1x1x320000xi32, #tpu.memory_space<hbm>> -> memref<320000xi32, #tpu.memory_space<hbm>>
      %dma_start3A_1230 = tpu.memref_slice %dma_start3A_1229[%add3A_1222] : memref<320000xi32, #tpu.memory_space<hbm>> -> memref<128xi32, #tpu.memory_space<hbm>>
      %dma_start3A_1231 = arith.constant 0 : i32
      %dma_start3A_1232 = tpu.memref_slice %arg7[%dma_start3A_1223, %dma_start3A_1231] : memref<3x128xi32, #tpu.memory_space<vmem>> -> memref<1x128xi32, #tpu.memory_space<vmem>>
      %dma_start3A_1233 = tpu.memref_squeeze %dma_start3A_1232 : memref<1x128xi32, #tpu.memory_space<vmem>> -> memref<128xi32, #tpu.memory_space<vmem>>
      %dma_start3A_1234 = arith.constant 0 : i32
      %dma_start3A_1235 = tpu.memref_slice %arg3[%scan3A_180, %scan3A_181, %dma_start3A_1234] : memref<2x1x320000xi32, #tpu.memory_space<hbm>> -> memref<1x1x320000xi32, #tpu.memory_space<hbm>>
      %dma_start3A_1236 = tpu.memref_squeeze %dma_start3A_1235 : memref<1x1x320000xi32, #tpu.memory_space<hbm>> -> memref<320000xi32, #tpu.memory_space<hbm>>
      %dma_start3A_1237 = tpu.memref_slice %dma_start3A_1236[%add3A_1222] : memref<320000xi32, #tpu.memory_space<hbm>> -> memref<128xi32, #tpu.memory_space<hbm>>
      tpu.enqueue_dma source(%dma_start3A_1237 : memref<128xi32, #tpu.memory_space<hbm>>) target(%dma_start3A_1233 : memref<128xi32, #tpu.memory_space<vmem>>) target_semaphore(%arg20 : memref<!tpu.dma_semaphore, #tpu.memory_space<semaphore_mem>>)
      %sub3A_1238 = arith.constant 1 : i32
      %sub3A_1239 = arith.subi %add3A_1188, %sub3A_1238 : i32
      %mul3A_1240 = arith.constant 128 : i32
      %mul3A_1241 = arith.muli %sub3A_1239, %mul3A_1240 : i32
      %dma_wait3A_1242 = arith.constant 0 : i32
      %dma_wait3A_1243 = arith.constant 0 : i32
      %dma_wait3A_1244 = arith.constant 0 : i32
      %dma_wait3A_1245 = tpu.memref_slice %arg8[%dma_wait3A_1242, %dma_wait3A_1243, %dma_wait3A_1244] : memref<2x128x128xf32, #tpu.memory_space<vmem>> -> memref<1x128x128xf32, #tpu.memory_space<vmem>>
      %dma_wait3A_1246 = tpu.memref_squeeze %dma_wait3A_1245 : memref<1x128x128xf32, #tpu.memory_space<vmem>> -> memref<128x128xf32, #tpu.memory_space<vmem>>
      %dma_wait3A_1247 = tpu.memref_slice %arg6[%mul3A_1241] : memref<9984xi32, #tpu.memory_space<vmem>> -> memref<128xi32, #tpu.memory_space<vmem>>
      %dma_wait3A_1248 = arith.constant 0 : i32
      %dma_wait3A_1249 = arith.constant 0 : i32
      %dma_wait3A_1250 = tpu.memref_slice %arg2[%dma_wait3A_1248, %dma_wait3A_1249] : memref<10000x128xf32, #tpu.memory_space<hbm>> -> memref<10000x128xf32, #tpu.memory_space<hbm>>
      tpu.wait_indirect_dma semaphore(%arg14 : memref<!tpu.dma_semaphore, #tpu.memory_space<semaphore_mem>>) src(%dma_wait3A_1250 : memref<10000x128xf32, #tpu.memory_space<hbm>>) dst(%dma_wait3A_1246 : memref<128x128xf32, #tpu.memory_space<vmem>>)
      %sub3A_1251 = arith.constant 1 : i32
      %sub3A_1252 = arith.subi %add3A_1188, %sub3A_1251 : i32
      %mul3A_1253 = arith.constant 128 : i32
      %mul3A_1254 = arith.muli %sub3A_1252, %mul3A_1253 : i32
      %add3A_1255 = arith.addi %mul3A_2, %mul3A_1254 : i32
      %dma_wait3A_1256 = arith.constant 0 : i32
      %dma_wait3A_1257 = arith.constant 0 : i32
      %dma_wait3A_1258 = tpu.memref_slice %arg7[%dma_wait3A_1256, %dma_wait3A_1257] : memref<3x128xi32, #tpu.memory_space<vmem>> -> memref<1x128xi32, #tpu.memory_space<vmem>>
      %dma_wait3A_1259 = tpu.memref_squeeze %dma_wait3A_1258 : memref<1x128xi32, #tpu.memory_space<vmem>> -> memref<128xi32, #tpu.memory_space<vmem>>
      %dma_wait3A_1260 = arith.constant 0 : i32
      %dma_wait3A_1261 = tpu.memref_slice %arg3[%scan3A_180, %scan3A_181, %dma_wait3A_1260] : memref<2x1x320000xi32, #tpu.memory_space<hbm>> -> memref<1x1x320000xi32, #tpu.memory_space<hbm>>
      %dma_wait3A_1262 = tpu.memref_squeeze %dma_wait3A_1261 : memref<1x1x320000xi32, #tpu.memory_space<hbm>> -> memref<320000xi32, #tpu.memory_space<hbm>>
      %dma_wait3A_1263 = tpu.memref_slice %dma_wait3A_1262[%add3A_1255] : memref<320000xi32, #tpu.memory_space<hbm>> -> memref<128xi32, #tpu.memory_space<hbm>>
      %dma_wait3A_1264 = arith.constant 0 : i32
      %dma_wait3A_1265 = tpu.memref_slice %arg7[%dma_wait3A_1256, %dma_wait3A_1264] : memref<3x128xi32, #tpu.memory_space<vmem>> -> memref<1x128xi32, #tpu.memory_space<vmem>>
      %dma_wait3A_1266 = tpu.memref_squeeze %dma_wait3A_1265 : memref<1x128xi32, #tpu.memory_space<vmem>> -> memref<128xi32, #tpu.memory_space<vmem>>
      %dma_wait3A_1267 = arith.constant 0 : i32
      %dma_wait3A_1268 = tpu.memref_slice %arg3[%scan3A_180, %scan3A_181, %dma_wait3A_1267] : memref<2x1x320000xi32, #tpu.memory_space<hbm>> -> memref<1x1x320000xi32, #tpu.memory_space<hbm>>
      %dma_wait3A_1269 = tpu.memref_squeeze %dma_wait3A_1268 : memref<1x1x320000xi32, #tpu.memory_space<hbm>> -> memref<320000xi32, #tpu.memory_space<hbm>>
      %dma_wait3A_1270 = tpu.memref_slice %dma_wait3A_1269[%add3A_1255] : memref<320000xi32, #tpu.memory_space<hbm>> -> memref<128xi32, #tpu.memory_space<hbm>>
      tpu.wait_dma2 semaphore(%arg18 : memref<!tpu.dma_semaphore, #tpu.memory_space<semaphore_mem>>) src(%dma_wait3A_1270 : memref<128xi32, #tpu.memory_space<hbm>>) dst(%dma_wait3A_1266 : memref<128xi32, #tpu.memory_space<vmem>>)
      %dma_start3A_1271 = arith.constant 0 : i32
      %dma_start3A_1272 = arith.constant 0 : i32
      %dma_start3A_1273 = arith.constant 0 : i32
      %dma_start3A_1274 = arith.constant 0 : i32
      %dma_start3A_1275 = tpu.memref_slice %arg8[%dma_start3A_1271, %dma_start3A_1273, %dma_start3A_1274] : memref<2x128x128xf32, #tpu.memory_space<vmem>> -> memref<1x128x128xf32, #tpu.memory_space<vmem>>
      %dma_start3A_1276 = tpu.memref_squeeze %dma_start3A_1275 : memref<1x128x128xf32, #tpu.memory_space<vmem>> -> memref<128x128xf32, #tpu.memory_space<vmem>>
      %dma_start3A_1277 = arith.constant 0 : i32
      %dma_start3A_1278 = tpu.memref_slice %arg7[%dma_start3A_1272, %dma_start3A_1277] : memref<3x128xi32, #tpu.memory_space<vmem>> -> memref<1x128xi32, #tpu.memory_space<vmem>>
      %dma_start3A_1279 = tpu.memref_squeeze %dma_start3A_1278 : memref<1x128xi32, #tpu.memory_space<vmem>> -> memref<128xi32, #tpu.memory_space<vmem>>
      %dma_start3A_1280 = arith.constant 0 : i32
      %dma_start3A_1281 = arith.constant 0 : i32
      %dma_start3A_1282 = tpu.memref_slice %arg12[%dma_start3A_1280, %dma_start3A_1281] : memref<10240x128xf32, #tpu.memory_space<vmem_shared>> -> memref<10240x128xf32, #tpu.memory_space<vmem_shared>>
      tpu.enqueue_indirect_dma source(%dma_start3A_1276 : memref<128x128xf32, #tpu.memory_space<vmem>>) target(%dma_start3A_1282 : memref<10240x128xf32, #tpu.memory_space<vmem_shared>>) offsets(%dma_start3A_1279 : memref<128xi32, #tpu.memory_space<vmem>>) semaphore(%arg16 : memref<!tpu.dma_semaphore, #tpu.memory_space<semaphore_mem>>) {add = true}
      %dma_start3A_1283 = arith.constant 0 : i32
      %dma_start3A_1284 = arith.constant 0 : i32
      %dma_start3A_1285 = tpu.memref_slice %arg7[%dma_start3A_1283, %dma_start3A_1284] : memref<3x128xi32, #tpu.memory_space<vmem>> -> memref<1x128xi32, #tpu.memory_space<vmem>>
      %dma_start3A_1286 = tpu.memref_squeeze %dma_start3A_1285 : memref<1x128xi32, #tpu.memory_space<vmem>> -> memref<128xi32, #tpu.memory_space<vmem>>
      %dma_start3A_1287 = arith.constant 0 : i32
      %dma_start3A_1288 = tpu.memref_slice %arg24[%dma_start3A_1287] : memref<10240xf32, #tpu.memory_space<vmem_shared>> -> memref<10240xf32, #tpu.memory_space<vmem_shared>>
      tpu.enqueue_indirect_dma source(%arg21 : memref<128xf32, #tpu.memory_space<vmem>>) target(%dma_start3A_1288 : memref<10240xf32, #tpu.memory_space<vmem_shared>>) offsets(%dma_start3A_1286 : memref<128xi32, #tpu.memory_space<vmem>>) semaphore(%arg25 : memref<!tpu.dma_semaphore, #tpu.memory_space<semaphore_mem>>) {add = true}
      %scan3A_1289 = arith.constant 0 : i32
      scf.yield %scan3A_1289 : i32
    }
    %scan3A_188 = arith.constant 12 : i32
    %dma_wait3A_189 = arith.constant 0 : i32
    %dma_wait3A_190 = arith.constant 0 : i32
    %dma_wait3A_191 = arith.constant 0 : i32
    %dma_wait3A_192 = arith.constant 0 : i32
    %dma_wait3A_193 = tpu.memref_slice %arg8[%dma_wait3A_189, %dma_wait3A_191, %dma_wait3A_192] : memref<2x128x128xf32, #tpu.memory_space<vmem>> -> memref<1x128x128xf32, #tpu.memory_space<vmem>>
    %dma_wait3A_194 = tpu.memref_squeeze %dma_wait3A_193 : memref<1x128x128xf32, #tpu.memory_space<vmem>> -> memref<128x128xf32, #tpu.memory_space<vmem>>
    %dma_wait3A_195 = arith.constant 0 : i32
    %dma_wait3A_196 = tpu.memref_slice %arg7[%dma_wait3A_190, %dma_wait3A_195] : memref<3x128xi32, #tpu.memory_space<vmem>> -> memref<1x128xi32, #tpu.memory_space<vmem>>
    %dma_wait3A_197 = tpu.memref_squeeze %dma_wait3A_196 : memref<1x128xi32, #tpu.memory_space<vmem>> -> memref<128xi32, #tpu.memory_space<vmem>>
    %dma_wait3A_198 = arith.constant 0 : i32
    %dma_wait3A_199 = arith.constant 0 : i32
    %dma_wait3A_200 = tpu.memref_slice %arg12[%dma_wait3A_198, %dma_wait3A_199] : memref<10240x128xf32, #tpu.memory_space<vmem_shared>> -> memref<10240x128xf32, #tpu.memory_space<vmem_shared>>
    tpu.wait_indirect_dma semaphore(%arg16 : memref<!tpu.dma_semaphore, #tpu.memory_space<semaphore_mem>>) src(%dma_wait3A_194 : memref<128x128xf32, #tpu.memory_space<vmem>>) dst(%dma_wait3A_200 : memref<10240x128xf32, #tpu.memory_space<vmem_shared>>)
    %dma_wait3A_201 = arith.constant 0 : i32
    %dma_wait3A_202 = arith.constant 0 : i32
    %dma_wait3A_203 = tpu.memref_slice %arg7[%dma_wait3A_201, %dma_wait3A_202] : memref<3x128xi32, #tpu.memory_space<vmem>> -> memref<1x128xi32, #tpu.memory_space<vmem>>
    %dma_wait3A_204 = tpu.memref_squeeze %dma_wait3A_203 : memref<1x128xi32, #tpu.memory_space<vmem>> -> memref<128xi32, #tpu.memory_space<vmem>>
    %dma_wait3A_205 = arith.constant 0 : i32
    %dma_wait3A_206 = tpu.memref_slice %arg24[%dma_wait3A_205] : memref<10240xf32, #tpu.memory_space<vmem_shared>> -> memref<10240xf32, #tpu.memory_space<vmem_shared>>
    tpu.wait_indirect_dma semaphore(%arg25 : memref<!tpu.dma_semaphore, #tpu.memory_space<semaphore_mem>>) src(%arg21 : memref<128xf32, #tpu.memory_space<vmem>>) dst(%dma_wait3A_206 : memref<10240xf32, #tpu.memory_space<vmem_shared>>)
    %dma_start3A_207 = arith.constant 0 : i32
    %dma_start3A_208 = arith.constant 0 : i32
    %dma_start3A_209 = arith.constant 0 : i32
    %dma_start3A_210 = tpu.memref_slice %arg8[%dma_start3A_207, %dma_start3A_208, %dma_start3A_209] : memref<2x128x128xf32, #tpu.memory_space<vmem>> -> memref<1x128x128xf32, #tpu.memory_space<vmem>>
    %dma_start3A_211 = tpu.memref_squeeze %dma_start3A_210 : memref<1x128x128xf32, #tpu.memory_space<vmem>> -> memref<128x128xf32, #tpu.memory_space<vmem>>
    %dma_start3A_212 = arith.constant 9472 : i32
    %dma_start3A_213 = tpu.memref_slice %arg6[%dma_start3A_212] : memref<9984xi32, #tpu.memory_space<vmem>> -> memref<128xi32, #tpu.memory_space<vmem>>
    %dma_start3A_214 = arith.constant 0 : i32
    %dma_start3A_215 = arith.constant 0 : i32
    %dma_start3A_216 = tpu.memref_slice %arg2[%dma_start3A_214, %dma_start3A_215] : memref<10000x128xf32, #tpu.memory_space<hbm>> -> memref<10000x128xf32, #tpu.memory_space<hbm>>
    tpu.enqueue_indirect_dma source(%dma_start3A_216 : memref<10000x128xf32, #tpu.memory_space<hbm>>) target(%dma_start3A_211 : memref<128x128xf32, #tpu.memory_space<vmem>>) offsets(%dma_start3A_213 : memref<128xi32, #tpu.memory_space<vmem>>) semaphore(%arg14 : memref<!tpu.dma_semaphore, #tpu.memory_space<semaphore_mem>>)
    %add3A_217 = arith.constant 9600 : i32
    %add3A_218 = arith.addi %mul3A_2, %add3A_217 : i32
    %dma_start3A_219 = arith.constant 1 : i32
    %dma_start3A_220 = arith.constant 0 : i32
    %dma_start3A_221 = arith.constant 0 : i32
    %dma_start3A_222 = arith.constant 0 : i32
    %dma_start3A_223 = tpu.memref_slice %arg7[%dma_start3A_221, %dma_start3A_222] : memref<3x128xi32, #tpu.memory_space<vmem>> -> memref<1x128xi32, #tpu.memory_space<vmem>>
    %dma_start3A_224 = tpu.memref_squeeze %dma_start3A_223 : memref<1x128xi32, #tpu.memory_space<vmem>> -> memref<128xi32, #tpu.memory_space<vmem>>
    %dma_start3A_225 = arith.constant 0 : i32
    %dma_start3A_226 = tpu.memref_slice %arg3[%dma_start3A_219, %dma_start3A_220, %dma_start3A_225] : memref<2x1x320000xi32, #tpu.memory_space<hbm>> -> memref<1x1x320000xi32, #tpu.memory_space<hbm>>
    %dma_start3A_227 = tpu.memref_squeeze %dma_start3A_226 : memref<1x1x320000xi32, #tpu.memory_space<hbm>> -> memref<320000xi32, #tpu.memory_space<hbm>>
    %dma_start3A_228 = tpu.memref_slice %dma_start3A_227[%add3A_218] : memref<320000xi32, #tpu.memory_space<hbm>> -> memref<128xi32, #tpu.memory_space<hbm>>
    %dma_start3A_229 = arith.constant 0 : i32
    %dma_start3A_230 = tpu.memref_slice %arg7[%dma_start3A_221, %dma_start3A_229] : memref<3x128xi32, #tpu.memory_space<vmem>> -> memref<1x128xi32, #tpu.memory_space<vmem>>
    %dma_start3A_231 = tpu.memref_squeeze %dma_start3A_230 : memref<1x128xi32, #tpu.memory_space<vmem>> -> memref<128xi32, #tpu.memory_space<vmem>>
    %dma_start3A_232 = arith.constant 0 : i32
    %dma_start3A_233 = tpu.memref_slice %arg3[%dma_start3A_219, %dma_start3A_220, %dma_start3A_232] : memref<2x1x320000xi32, #tpu.memory_space<hbm>> -> memref<1x1x320000xi32, #tpu.memory_space<hbm>>
    %dma_start3A_234 = tpu.memref_squeeze %dma_start3A_233 : memref<1x1x320000xi32, #tpu.memory_space<hbm>> -> memref<320000xi32, #tpu.memory_space<hbm>>
    %dma_start3A_235 = tpu.memref_slice %dma_start3A_234[%add3A_218] : memref<320000xi32, #tpu.memory_space<hbm>> -> memref<128xi32, #tpu.memory_space<hbm>>
    tpu.enqueue_dma source(%dma_start3A_235 : memref<128xi32, #tpu.memory_space<hbm>>) target(%dma_start3A_231 : memref<128xi32, #tpu.memory_space<vmem>>) target_semaphore(%arg18 : memref<!tpu.dma_semaphore, #tpu.memory_space<semaphore_mem>>)
    %dma_wait3A_236 = arith.constant 1 : i32
    %dma_wait3A_237 = arith.constant 0 : i32
    %dma_wait3A_238 = arith.constant 0 : i32
    %dma_wait3A_239 = tpu.memref_slice %arg8[%dma_wait3A_236, %dma_wait3A_237, %dma_wait3A_238] : memref<2x128x128xf32, #tpu.memory_space<vmem>> -> memref<1x128x128xf32, #tpu.memory_space<vmem>>
    %dma_wait3A_240 = tpu.memref_squeeze %dma_wait3A_239 : memref<1x128x128xf32, #tpu.memory_space<vmem>> -> memref<128x128xf32, #tpu.memory_space<vmem>>
    %dma_wait3A_241 = arith.constant 9344 : i32
    %dma_wait3A_242 = tpu.memref_slice %arg6[%dma_wait3A_241] : memref<9984xi32, #tpu.memory_space<vmem>> -> memref<128xi32, #tpu.memory_space<vmem>>
    %dma_wait3A_243 = arith.constant 0 : i32
    %dma_wait3A_244 = arith.constant 0 : i32
    %dma_wait3A_245 = tpu.memref_slice %arg2[%dma_wait3A_243, %dma_wait3A_244] : memref<10000x128xf32, #tpu.memory_space<hbm>> -> memref<10000x128xf32, #tpu.memory_space<hbm>>
    tpu.wait_indirect_dma semaphore(%arg15 : memref<!tpu.dma_semaphore, #tpu.memory_space<semaphore_mem>>) src(%dma_wait3A_245 : memref<10000x128xf32, #tpu.memory_space<hbm>>) dst(%dma_wait3A_240 : memref<128x128xf32, #tpu.memory_space<vmem>>)
    %add3A_246 = arith.constant 9344 : i32
    %add3A_247 = arith.addi %mul3A_2, %add3A_246 : i32
    %dma_wait3A_248 = arith.constant 1 : i32
    %dma_wait3A_249 = arith.constant 0 : i32
    %dma_wait3A_250 = arith.constant 1 : i32
    %dma_wait3A_251 = arith.constant 0 : i32
    %dma_wait3A_252 = tpu.memref_slice %arg7[%dma_wait3A_250, %dma_wait3A_251] : memref<3x128xi32, #tpu.memory_space<vmem>> -> memref<1x128xi32, #tpu.memory_space<vmem>>
    %dma_wait3A_253 = tpu.memref_squeeze %dma_wait3A_252 : memref<1x128xi32, #tpu.memory_space<vmem>> -> memref<128xi32, #tpu.memory_space<vmem>>
    %dma_wait3A_254 = arith.constant 0 : i32
    %dma_wait3A_255 = tpu.memref_slice %arg3[%dma_wait3A_248, %dma_wait3A_249, %dma_wait3A_254] : memref<2x1x320000xi32, #tpu.memory_space<hbm>> -> memref<1x1x320000xi32, #tpu.memory_space<hbm>>
    %dma_wait3A_256 = tpu.memref_squeeze %dma_wait3A_255 : memref<1x1x320000xi32, #tpu.memory_space<hbm>> -> memref<320000xi32, #tpu.memory_space<hbm>>
    %dma_wait3A_257 = tpu.memref_slice %dma_wait3A_256[%add3A_247] : memref<320000xi32, #tpu.memory_space<hbm>> -> memref<128xi32, #tpu.memory_space<hbm>>
    %dma_wait3A_258 = arith.constant 0 : i32
    %dma_wait3A_259 = tpu.memref_slice %arg7[%dma_wait3A_250, %dma_wait3A_258] : memref<3x128xi32, #tpu.memory_space<vmem>> -> memref<1x128xi32, #tpu.memory_space<vmem>>
    %dma_wait3A_260 = tpu.memref_squeeze %dma_wait3A_259 : memref<1x128xi32, #tpu.memory_space<vmem>> -> memref<128xi32, #tpu.memory_space<vmem>>
    %dma_wait3A_261 = arith.constant 0 : i32
    %dma_wait3A_262 = tpu.memref_slice %arg3[%dma_wait3A_248, %dma_wait3A_249, %dma_wait3A_261] : memref<2x1x320000xi32, #tpu.memory_space<hbm>> -> memref<1x1x320000xi32, #tpu.memory_space<hbm>>
    %dma_wait3A_263 = tpu.memref_squeeze %dma_wait3A_262 : memref<1x1x320000xi32, #tpu.memory_space<hbm>> -> memref<320000xi32, #tpu.memory_space<hbm>>
    %dma_wait3A_264 = tpu.memref_slice %dma_wait3A_263[%add3A_247] : memref<320000xi32, #tpu.memory_space<hbm>> -> memref<128xi32, #tpu.memory_space<hbm>>
    tpu.wait_dma2 semaphore(%arg19 : memref<!tpu.dma_semaphore, #tpu.memory_space<semaphore_mem>>) src(%dma_wait3A_264 : memref<128xi32, #tpu.memory_space<hbm>>) dst(%dma_wait3A_260 : memref<128xi32, #tpu.memory_space<vmem>>)
    %dma_start3A_265 = arith.constant 1 : i32
    %dma_start3A_266 = arith.constant 1 : i32
    %dma_start3A_267 = arith.constant 0 : i32
    %dma_start3A_268 = arith.constant 0 : i32
    %dma_start3A_269 = tpu.memref_slice %arg8[%dma_start3A_265, %dma_start3A_267, %dma_start3A_268] : memref<2x128x128xf32, #tpu.memory_space<vmem>> -> memref<1x128x128xf32, #tpu.memory_space<vmem>>
    %dma_start3A_270 = tpu.memref_squeeze %dma_start3A_269 : memref<1x128x128xf32, #tpu.memory_space<vmem>> -> memref<128x128xf32, #tpu.memory_space<vmem>>
    %dma_start3A_271 = arith.constant 0 : i32
    %dma_start3A_272 = tpu.memref_slice %arg7[%dma_start3A_266, %dma_start3A_271] : memref<3x128xi32, #tpu.memory_space<vmem>> -> memref<1x128xi32, #tpu.memory_space<vmem>>
    %dma_start3A_273 = tpu.memref_squeeze %dma_start3A_272 : memref<1x128xi32, #tpu.memory_space<vmem>> -> memref<128xi32, #tpu.memory_space<vmem>>
    %dma_start3A_274 = arith.constant 0 : i32
    %dma_start3A_275 = arith.constant 0 : i32
    %dma_start3A_276 = tpu.memref_slice %arg12[%dma_start3A_274, %dma_start3A_275] : memref<10240x128xf32, #tpu.memory_space<vmem_shared>> -> memref<10240x128xf32, #tpu.memory_space<vmem_shared>>
    tpu.enqueue_indirect_dma source(%dma_start3A_270 : memref<128x128xf32, #tpu.memory_space<vmem>>) target(%dma_start3A_276 : memref<10240x128xf32, #tpu.memory_space<vmem_shared>>) offsets(%dma_start3A_273 : memref<128xi32, #tpu.memory_space<vmem>>) semaphore(%arg17 : memref<!tpu.dma_semaphore, #tpu.memory_space<semaphore_mem>>) {add = true}
    %dma_start3A_277 = arith.constant 1 : i32
    %dma_start3A_278 = arith.constant 0 : i32
    %dma_start3A_279 = tpu.memref_slice %arg7[%dma_start3A_277, %dma_start3A_278] : memref<3x128xi32, #tpu.memory_space<vmem>> -> memref<1x128xi32, #tpu.memory_space<vmem>>
    %dma_start3A_280 = tpu.memref_squeeze %dma_start3A_279 : memref<1x128xi32, #tpu.memory_space<vmem>> -> memref<128xi32, #tpu.memory_space<vmem>>
    %dma_start3A_281 = arith.constant 0 : i32
    %dma_start3A_282 = tpu.memref_slice %arg24[%dma_start3A_281] : memref<10240xf32, #tpu.memory_space<vmem_shared>> -> memref<10240xf32, #tpu.memory_space<vmem_shared>>
    tpu.enqueue_indirect_dma source(%arg21 : memref<128xf32, #tpu.memory_space<vmem>>) target(%dma_start3A_282 : memref<10240xf32, #tpu.memory_space<vmem_shared>>) offsets(%dma_start3A_280 : memref<128xi32, #tpu.memory_space<vmem>>) semaphore(%arg26 : memref<!tpu.dma_semaphore, #tpu.memory_space<semaphore_mem>>) {add = true}
    %dma_wait3A_283 = arith.constant 1 : i32
    %dma_wait3A_284 = arith.constant 1 : i32
    %dma_wait3A_285 = arith.constant 0 : i32
    %dma_wait3A_286 = arith.constant 0 : i32
    %dma_wait3A_287 = tpu.memref_slice %arg8[%dma_wait3A_283, %dma_wait3A_285, %dma_wait3A_286] : memref<2x128x128xf32, #tpu.memory_space<vmem>> -> memref<1x128x128xf32, #tpu.memory_space<vmem>>
    %dma_wait3A_288 = tpu.memref_squeeze %dma_wait3A_287 : memref<1x128x128xf32, #tpu.memory_space<vmem>> -> memref<128x128xf32, #tpu.memory_space<vmem>>
    %dma_wait3A_289 = arith.constant 0 : i32
    %dma_wait3A_290 = tpu.memref_slice %arg7[%dma_wait3A_284, %dma_wait3A_289] : memref<3x128xi32, #tpu.memory_space<vmem>> -> memref<1x128xi32, #tpu.memory_space<vmem>>
    %dma_wait3A_291 = tpu.memref_squeeze %dma_wait3A_290 : memref<1x128xi32, #tpu.memory_space<vmem>> -> memref<128xi32, #tpu.memory_space<vmem>>
    %dma_wait3A_292 = arith.constant 0 : i32
    %dma_wait3A_293 = arith.constant 0 : i32
    %dma_wait3A_294 = tpu.memref_slice %arg12[%dma_wait3A_292, %dma_wait3A_293] : memref<10240x128xf32, #tpu.memory_space<vmem_shared>> -> memref<10240x128xf32, #tpu.memory_space<vmem_shared>>
    tpu.wait_indirect_dma semaphore(%arg17 : memref<!tpu.dma_semaphore, #tpu.memory_space<semaphore_mem>>) src(%dma_wait3A_288 : memref<128x128xf32, #tpu.memory_space<vmem>>) dst(%dma_wait3A_294 : memref<10240x128xf32, #tpu.memory_space<vmem_shared>>)
    %dma_wait3A_295 = arith.constant 1 : i32
    %dma_wait3A_296 = arith.constant 0 : i32
    %dma_wait3A_297 = tpu.memref_slice %arg7[%dma_wait3A_295, %dma_wait3A_296] : memref<3x128xi32, #tpu.memory_space<vmem>> -> memref<1x128xi32, #tpu.memory_space<vmem>>
    %dma_wait3A_298 = tpu.memref_squeeze %dma_wait3A_297 : memref<1x128xi32, #tpu.memory_space<vmem>> -> memref<128xi32, #tpu.memory_space<vmem>>
    %dma_wait3A_299 = arith.constant 0 : i32
    %dma_wait3A_300 = tpu.memref_slice %arg24[%dma_wait3A_299] : memref<10240xf32, #tpu.memory_space<vmem_shared>> -> memref<10240xf32, #tpu.memory_space<vmem_shared>>
    tpu.wait_indirect_dma semaphore(%arg26 : memref<!tpu.dma_semaphore, #tpu.memory_space<semaphore_mem>>) src(%arg21 : memref<128xf32, #tpu.memory_space<vmem>>) dst(%dma_wait3A_300 : memref<10240xf32, #tpu.memory_space<vmem_shared>>)
    %dma_start3A_301 = arith.constant 1 : i32
    %dma_start3A_302 = arith.constant 0 : i32
    %dma_start3A_303 = arith.constant 0 : i32
    %dma_start3A_304 = tpu.memref_slice %arg8[%dma_start3A_301, %dma_start3A_302, %dma_start3A_303] : memref<2x128x128xf32, #tpu.memory_space<vmem>> -> memref<1x128x128xf32, #tpu.memory_space<vmem>>
    %dma_start3A_305 = tpu.memref_squeeze %dma_start3A_304 : memref<1x128x128xf32, #tpu.memory_space<vmem>> -> memref<128x128xf32, #tpu.memory_space<vmem>>
    %dma_start3A_306 = arith.constant 9600 : i32
    %dma_start3A_307 = tpu.memref_slice %arg6[%dma_start3A_306] : memref<9984xi32, #tpu.memory_space<vmem>> -> memref<128xi32, #tpu.memory_space<vmem>>
    %dma_start3A_308 = arith.constant 0 : i32
    %dma_start3A_309 = arith.constant 0 : i32
    %dma_start3A_310 = tpu.memref_slice %arg2[%dma_start3A_308, %dma_start3A_309] : memref<10000x128xf32, #tpu.memory_space<hbm>> -> memref<10000x128xf32, #tpu.memory_space<hbm>>
    tpu.enqueue_indirect_dma source(%dma_start3A_310 : memref<10000x128xf32, #tpu.memory_space<hbm>>) target(%dma_start3A_305 : memref<128x128xf32, #tpu.memory_space<vmem>>) offsets(%dma_start3A_307 : memref<128xi32, #tpu.memory_space<vmem>>) semaphore(%arg15 : memref<!tpu.dma_semaphore, #tpu.memory_space<semaphore_mem>>)
    %add3A_311 = arith.constant 9728 : i32
    %add3A_312 = arith.addi %mul3A_2, %add3A_311 : i32
    %dma_start3A_313 = arith.constant 1 : i32
    %dma_start3A_314 = arith.constant 0 : i32
    %dma_start3A_315 = arith.constant 1 : i32
    %dma_start3A_316 = arith.constant 0 : i32
    %dma_start3A_317 = tpu.memref_slice %arg7[%dma_start3A_315, %dma_start3A_316] : memref<3x128xi32, #tpu.memory_space<vmem>> -> memref<1x128xi32, #tpu.memory_space<vmem>>
    %dma_start3A_318 = tpu.memref_squeeze %dma_start3A_317 : memref<1x128xi32, #tpu.memory_space<vmem>> -> memref<128xi32, #tpu.memory_space<vmem>>
    %dma_start3A_319 = arith.constant 0 : i32
    %dma_start3A_320 = tpu.memref_slice %arg3[%dma_start3A_313, %dma_start3A_314, %dma_start3A_319] : memref<2x1x320000xi32, #tpu.memory_space<hbm>> -> memref<1x1x320000xi32, #tpu.memory_space<hbm>>
    %dma_start3A_321 = tpu.memref_squeeze %dma_start3A_320 : memref<1x1x320000xi32, #tpu.memory_space<hbm>> -> memref<320000xi32, #tpu.memory_space<hbm>>
    %dma_start3A_322 = tpu.memref_slice %dma_start3A_321[%add3A_312] : memref<320000xi32, #tpu.memory_space<hbm>> -> memref<128xi32, #tpu.memory_space<hbm>>
    %dma_start3A_323 = arith.constant 0 : i32
    %dma_start3A_324 = tpu.memref_slice %arg7[%dma_start3A_315, %dma_start3A_323] : memref<3x128xi32, #tpu.memory_space<vmem>> -> memref<1x128xi32, #tpu.memory_space<vmem>>
    %dma_start3A_325 = tpu.memref_squeeze %dma_start3A_324 : memref<1x128xi32, #tpu.memory_space<vmem>> -> memref<128xi32, #tpu.memory_space<vmem>>
    %dma_start3A_326 = arith.constant 0 : i32
    %dma_start3A_327 = tpu.memref_slice %arg3[%dma_start3A_313, %dma_start3A_314, %dma_start3A_326] : memref<2x1x320000xi32, #tpu.memory_space<hbm>> -> memref<1x1x320000xi32, #tpu.memory_space<hbm>>
    %dma_start3A_328 = tpu.memref_squeeze %dma_start3A_327 : memref<1x1x320000xi32, #tpu.memory_space<hbm>> -> memref<320000xi32, #tpu.memory_space<hbm>>
    %dma_start3A_329 = tpu.memref_slice %dma_start3A_328[%add3A_312] : memref<320000xi32, #tpu.memory_space<hbm>> -> memref<128xi32, #tpu.memory_space<hbm>>
    tpu.enqueue_dma source(%dma_start3A_329 : memref<128xi32, #tpu.memory_space<hbm>>) target(%dma_start3A_325 : memref<128xi32, #tpu.memory_space<vmem>>) target_semaphore(%arg19 : memref<!tpu.dma_semaphore, #tpu.memory_space<semaphore_mem>>)
    %dma_wait3A_330 = arith.constant 0 : i32
    %dma_wait3A_331 = arith.constant 0 : i32
    %dma_wait3A_332 = arith.constant 0 : i32
    %dma_wait3A_333 = tpu.memref_slice %arg8[%dma_wait3A_330, %dma_wait3A_331, %dma_wait3A_332] : memref<2x128x128xf32, #tpu.memory_space<vmem>> -> memref<1x128x128xf32, #tpu.memory_space<vmem>>
    %dma_wait3A_334 = tpu.memref_squeeze %dma_wait3A_333 : memref<1x128x128xf32, #tpu.memory_space<vmem>> -> memref<128x128xf32, #tpu.memory_space<vmem>>
    %dma_wait3A_335 = arith.constant 9472 : i32
    %dma_wait3A_336 = tpu.memref_slice %arg6[%dma_wait3A_335] : memref<9984xi32, #tpu.memory_space<vmem>> -> memref<128xi32, #tpu.memory_space<vmem>>
    %dma_wait3A_337 = arith.constant 0 : i32
    %dma_wait3A_338 = arith.constant 0 : i32
    %dma_wait3A_339 = tpu.memref_slice %arg2[%dma_wait3A_337, %dma_wait3A_338] : memref<10000x128xf32, #tpu.memory_space<hbm>> -> memref<10000x128xf32, #tpu.memory_space<hbm>>
    tpu.wait_indirect_dma semaphore(%arg14 : memref<!tpu.dma_semaphore, #tpu.memory_space<semaphore_mem>>) src(%dma_wait3A_339 : memref<10000x128xf32, #tpu.memory_space<hbm>>) dst(%dma_wait3A_334 : memref<128x128xf32, #tpu.memory_space<vmem>>)
    %add3A_340 = arith.constant 9472 : i32
    %add3A_341 = arith.addi %mul3A_2, %add3A_340 : i32
    %dma_wait3A_342 = arith.constant 1 : i32
    %dma_wait3A_343 = arith.constant 0 : i32
    %dma_wait3A_344 = arith.constant 2 : i32
    %dma_wait3A_345 = arith.constant 0 : i32
    %dma_wait3A_346 = tpu.memref_slice %arg7[%dma_wait3A_344, %dma_wait3A_345] : memref<3x128xi32, #tpu.memory_space<vmem>> -> memref<1x128xi32, #tpu.memory_space<vmem>>
    %dma_wait3A_347 = tpu.memref_squeeze %dma_wait3A_346 : memref<1x128xi32, #tpu.memory_space<vmem>> -> memref<128xi32, #tpu.memory_space<vmem>>
    %dma_wait3A_348 = arith.constant 0 : i32
    %dma_wait3A_349 = tpu.memref_slice %arg3[%dma_wait3A_342, %dma_wait3A_343, %dma_wait3A_348] : memref<2x1x320000xi32, #tpu.memory_space<hbm>> -> memref<1x1x320000xi32, #tpu.memory_space<hbm>>
    %dma_wait3A_350 = tpu.memref_squeeze %dma_wait3A_349 : memref<1x1x320000xi32, #tpu.memory_space<hbm>> -> memref<320000xi32, #tpu.memory_space<hbm>>
    %dma_wait3A_351 = tpu.memref_slice %dma_wait3A_350[%add3A_341] : memref<320000xi32, #tpu.memory_space<hbm>> -> memref<128xi32, #tpu.memory_space<hbm>>
    %dma_wait3A_352 = arith.constant 0 : i32
    %dma_wait3A_353 = tpu.memref_slice %arg7[%dma_wait3A_344, %dma_wait3A_352] : memref<3x128xi32, #tpu.memory_space<vmem>> -> memref<1x128xi32, #tpu.memory_space<vmem>>
    %dma_wait3A_354 = tpu.memref_squeeze %dma_wait3A_353 : memref<1x128xi32, #tpu.memory_space<vmem>> -> memref<128xi32, #tpu.memory_space<vmem>>
    %dma_wait3A_355 = arith.constant 0 : i32
    %dma_wait3A_356 = tpu.memref_slice %arg3[%dma_wait3A_342, %dma_wait3A_343, %dma_wait3A_355] : memref<2x1x320000xi32, #tpu.memory_space<hbm>> -> memref<1x1x320000xi32, #tpu.memory_space<hbm>>
    %dma_wait3A_357 = tpu.memref_squeeze %dma_wait3A_356 : memref<1x1x320000xi32, #tpu.memory_space<hbm>> -> memref<320000xi32, #tpu.memory_space<hbm>>
    %dma_wait3A_358 = tpu.memref_slice %dma_wait3A_357[%add3A_341] : memref<320000xi32, #tpu.memory_space<hbm>> -> memref<128xi32, #tpu.memory_space<hbm>>
    tpu.wait_dma2 semaphore(%arg20 : memref<!tpu.dma_semaphore, #tpu.memory_space<semaphore_mem>>) src(%dma_wait3A_358 : memref<128xi32, #tpu.memory_space<hbm>>) dst(%dma_wait3A_354 : memref<128xi32, #tpu.memory_space<vmem>>)
    %dma_start3A_359 = arith.constant 0 : i32
    %dma_start3A_360 = arith.constant 2 : i32
    %dma_start3A_361 = arith.constant 0 : i32
    %dma_start3A_362 = arith.constant 0 : i32
    %dma_start3A_363 = tpu.memref_slice %arg8[%dma_start3A_359, %dma_start3A_361, %dma_start3A_362] : memref<2x128x128xf32, #tpu.memory_space<vmem>> -> memref<1x128x128xf32, #tpu.memory_space<vmem>>
    %dma_start3A_364 = tpu.memref_squeeze %dma_start3A_363 : memref<1x128x128xf32, #tpu.memory_space<vmem>> -> memref<128x128xf32, #tpu.memory_space<vmem>>
    %dma_start3A_365 = arith.constant 0 : i32
    %dma_start3A_366 = tpu.memref_slice %arg7[%dma_start3A_360, %dma_start3A_365] : memref<3x128xi32, #tpu.memory_space<vmem>> -> memref<1x128xi32, #tpu.memory_space<vmem>>
    %dma_start3A_367 = tpu.memref_squeeze %dma_start3A_366 : memref<1x128xi32, #tpu.memory_space<vmem>> -> memref<128xi32, #tpu.memory_space<vmem>>
    %dma_start3A_368 = arith.constant 0 : i32
    %dma_start3A_369 = arith.constant 0 : i32
    %dma_start3A_370 = tpu.memref_slice %arg12[%dma_start3A_368, %dma_start3A_369] : memref<10240x128xf32, #tpu.memory_space<vmem_shared>> -> memref<10240x128xf32, #tpu.memory_space<vmem_shared>>
    tpu.enqueue_indirect_dma source(%dma_start3A_364 : memref<128x128xf32, #tpu.memory_space<vmem>>) target(%dma_start3A_370 : memref<10240x128xf32, #tpu.memory_space<vmem_shared>>) offsets(%dma_start3A_367 : memref<128xi32, #tpu.memory_space<vmem>>) semaphore(%arg16 : memref<!tpu.dma_semaphore, #tpu.memory_space<semaphore_mem>>) {add = true}
    %dma_start3A_371 = arith.constant 2 : i32
    %dma_start3A_372 = arith.constant 0 : i32
    %dma_start3A_373 = tpu.memref_slice %arg7[%dma_start3A_371, %dma_start3A_372] : memref<3x128xi32, #tpu.memory_space<vmem>> -> memref<1x128xi32, #tpu.memory_space<vmem>>
    %dma_start3A_374 = tpu.memref_squeeze %dma_start3A_373 : memref<1x128xi32, #tpu.memory_space<vmem>> -> memref<128xi32, #tpu.memory_space<vmem>>
    %dma_start3A_375 = arith.constant 0 : i32
    %dma_start3A_376 = tpu.memref_slice %arg24[%dma_start3A_375] : memref<10240xf32, #tpu.memory_space<vmem_shared>> -> memref<10240xf32, #tpu.memory_space<vmem_shared>>
    tpu.enqueue_indirect_dma source(%arg21 : memref<128xf32, #tpu.memory_space<vmem>>) target(%dma_start3A_376 : memref<10240xf32, #tpu.memory_space<vmem_shared>>) offsets(%dma_start3A_374 : memref<128xi32, #tpu.memory_space<vmem>>) semaphore(%arg25 : memref<!tpu.dma_semaphore, #tpu.memory_space<semaphore_mem>>) {add = true}
    %dma_wait3A_377 = arith.constant 0 : i32
    %dma_wait3A_378 = arith.constant 2 : i32
    %dma_wait3A_379 = arith.constant 0 : i32
    %dma_wait3A_380 = arith.constant 0 : i32
    %dma_wait3A_381 = tpu.memref_slice %arg8[%dma_wait3A_377, %dma_wait3A_379, %dma_wait3A_380] : memref<2x128x128xf32, #tpu.memory_space<vmem>> -> memref<1x128x128xf32, #tpu.memory_space<vmem>>
    %dma_wait3A_382 = tpu.memref_squeeze %dma_wait3A_381 : memref<1x128x128xf32, #tpu.memory_space<vmem>> -> memref<128x128xf32, #tpu.memory_space<vmem>>
    %dma_wait3A_383 = arith.constant 0 : i32
    %dma_wait3A_384 = tpu.memref_slice %arg7[%dma_wait3A_378, %dma_wait3A_383] : memref<3x128xi32, #tpu.memory_space<vmem>> -> memref<1x128xi32, #tpu.memory_space<vmem>>
    %dma_wait3A_385 = tpu.memref_squeeze %dma_wait3A_384 : memref<1x128xi32, #tpu.memory_space<vmem>> -> memref<128xi32, #tpu.memory_space<vmem>>
    %dma_wait3A_386 = arith.constant 0 : i32
    %dma_wait3A_387 = arith.constant 0 : i32
    %dma_wait3A_388 = tpu.memref_slice %arg12[%dma_wait3A_386, %dma_wait3A_387] : memref<10240x128xf32, #tpu.memory_space<vmem_shared>> -> memref<10240x128xf32, #tpu.memory_space<vmem_shared>>
    tpu.wait_indirect_dma semaphore(%arg16 : memref<!tpu.dma_semaphore, #tpu.memory_space<semaphore_mem>>) src(%dma_wait3A_382 : memref<128x128xf32, #tpu.memory_space<vmem>>) dst(%dma_wait3A_388 : memref<10240x128xf32, #tpu.memory_space<vmem_shared>>)
    %dma_wait3A_389 = arith.constant 2 : i32
    %dma_wait3A_390 = arith.constant 0 : i32
    %dma_wait3A_391 = tpu.memref_slice %arg7[%dma_wait3A_389, %dma_wait3A_390] : memref<3x128xi32, #tpu.memory_space<vmem>> -> memref<1x128xi32, #tpu.memory_space<vmem>>
    %dma_wait3A_392 = tpu.memref_squeeze %dma_wait3A_391 : memref<1x128xi32, #tpu.memory_space<vmem>> -> memref<128xi32, #tpu.memory_space<vmem>>
    %dma_wait3A_393 = arith.constant 0 : i32
    %dma_wait3A_394 = tpu.memref_slice %arg24[%dma_wait3A_393] : memref<10240xf32, #tpu.memory_space<vmem_shared>> -> memref<10240xf32, #tpu.memory_space<vmem_shared>>
    tpu.wait_indirect_dma semaphore(%arg25 : memref<!tpu.dma_semaphore, #tpu.memory_space<semaphore_mem>>) src(%arg21 : memref<128xf32, #tpu.memory_space<vmem>>) dst(%dma_wait3A_394 : memref<10240xf32, #tpu.memory_space<vmem_shared>>)
    %dma_start3A_395 = arith.constant 0 : i32
    %dma_start3A_396 = arith.constant 0 : i32
    %dma_start3A_397 = arith.constant 0 : i32
    %dma_start3A_398 = tpu.memref_slice %arg8[%dma_start3A_395, %dma_start3A_396, %dma_start3A_397] : memref<2x128x128xf32, #tpu.memory_space<vmem>> -> memref<1x128x128xf32, #tpu.memory_space<vmem>>
    %dma_start3A_399 = tpu.memref_squeeze %dma_start3A_398 : memref<1x128x128xf32, #tpu.memory_space<vmem>> -> memref<128x128xf32, #tpu.memory_space<vmem>>
    %dma_start3A_400 = arith.constant 9728 : i32
    %dma_start3A_401 = tpu.memref_slice %arg6[%dma_start3A_400] : memref<9984xi32, #tpu.memory_space<vmem>> -> memref<128xi32, #tpu.memory_space<vmem>>
    %dma_start3A_402 = arith.constant 0 : i32
    %dma_start3A_403 = arith.constant 0 : i32
    %dma_start3A_404 = tpu.memref_slice %arg2[%dma_start3A_402, %dma_start3A_403] : memref<10000x128xf32, #tpu.memory_space<hbm>> -> memref<10000x128xf32, #tpu.memory_space<hbm>>
    tpu.enqueue_indirect_dma source(%dma_start3A_404 : memref<10000x128xf32, #tpu.memory_space<hbm>>) target(%dma_start3A_399 : memref<128x128xf32, #tpu.memory_space<vmem>>) offsets(%dma_start3A_401 : memref<128xi32, #tpu.memory_space<vmem>>) semaphore(%arg14 : memref<!tpu.dma_semaphore, #tpu.memory_space<semaphore_mem>>)
    %add3A_405 = arith.constant 9856 : i32
    %add3A_406 = arith.addi %mul3A_2, %add3A_405 : i32
    %dma_start3A_407 = arith.constant 1 : i32
    %dma_start3A_408 = arith.constant 0 : i32
    %dma_start3A_409 = arith.constant 2 : i32
    %dma_start3A_410 = arith.constant 0 : i32
    %dma_start3A_411 = tpu.memref_slice %arg7[%dma_start3A_409, %dma_start3A_410] : memref<3x128xi32, #tpu.memory_space<vmem>> -> memref<1x128xi32, #tpu.memory_space<vmem>>
    %dma_start3A_412 = tpu.memref_squeeze %dma_start3A_411 : memref<1x128xi32, #tpu.memory_space<vmem>> -> memref<128xi32, #tpu.memory_space<vmem>>
    %dma_start3A_413 = arith.constant 0 : i32
    %dma_start3A_414 = tpu.memref_slice %arg3[%dma_start3A_407, %dma_start3A_408, %dma_start3A_413] : memref<2x1x320000xi32, #tpu.memory_space<hbm>> -> memref<1x1x320000xi32, #tpu.memory_space<hbm>>
    %dma_start3A_415 = tpu.memref_squeeze %dma_start3A_414 : memref<1x1x320000xi32, #tpu.memory_space<hbm>> -> memref<320000xi32, #tpu.memory_space<hbm>>
    %dma_start3A_416 = tpu.memref_slice %dma_start3A_415[%add3A_406] : memref<320000xi32, #tpu.memory_space<hbm>> -> memref<128xi32, #tpu.memory_space<hbm>>
    %dma_start3A_417 = arith.constant 0 : i32
    %dma_start3A_418 = tpu.memref_slice %arg7[%dma_start3A_409, %dma_start3A_417] : memref<3x128xi32, #tpu.memory_space<vmem>> -> memref<1x128xi32, #tpu.memory_space<vmem>>
    %dma_start3A_419 = tpu.memref_squeeze %dma_start3A_418 : memref<1x128xi32, #tpu.memory_space<vmem>> -> memref<128xi32, #tpu.memory_space<vmem>>
    %dma_start3A_420 = arith.constant 0 : i32
    %dma_start3A_421 = tpu.memref_slice %arg3[%dma_start3A_407, %dma_start3A_408, %dma_start3A_420] : memref<2x1x320000xi32, #tpu.memory_space<hbm>> -> memref<1x1x320000xi32, #tpu.memory_space<hbm>>
    %dma_start3A_422 = tpu.memref_squeeze %dma_start3A_421 : memref<1x1x320000xi32, #tpu.memory_space<hbm>> -> memref<320000xi32, #tpu.memory_space<hbm>>
    %dma_start3A_423 = tpu.memref_slice %dma_start3A_422[%add3A_406] : memref<320000xi32, #tpu.memory_space<hbm>> -> memref<128xi32, #tpu.memory_space<hbm>>
    tpu.enqueue_dma source(%dma_start3A_423 : memref<128xi32, #tpu.memory_space<hbm>>) target(%dma_start3A_419 : memref<128xi32, #tpu.memory_space<vmem>>) target_semaphore(%arg20 : memref<!tpu.dma_semaphore, #tpu.memory_space<semaphore_mem>>)
    %dma_wait3A_424 = arith.constant 1 : i32
    %dma_wait3A_425 = arith.constant 0 : i32
    %dma_wait3A_426 = arith.constant 0 : i32
    %dma_wait3A_427 = tpu.memref_slice %arg8[%dma_wait3A_424, %dma_wait3A_425, %dma_wait3A_426] : memref<2x128x128xf32, #tpu.memory_space<vmem>> -> memref<1x128x128xf32, #tpu.memory_space<vmem>>
    %dma_wait3A_428 = tpu.memref_squeeze %dma_wait3A_427 : memref<1x128x128xf32, #tpu.memory_space<vmem>> -> memref<128x128xf32, #tpu.memory_space<vmem>>
    %dma_wait3A_429 = arith.constant 9600 : i32
    %dma_wait3A_430 = tpu.memref_slice %arg6[%dma_wait3A_429] : memref<9984xi32, #tpu.memory_space<vmem>> -> memref<128xi32, #tpu.memory_space<vmem>>
    %dma_wait3A_431 = arith.constant 0 : i32
    %dma_wait3A_432 = arith.constant 0 : i32
    %dma_wait3A_433 = tpu.memref_slice %arg2[%dma_wait3A_431, %dma_wait3A_432] : memref<10000x128xf32, #tpu.memory_space<hbm>> -> memref<10000x128xf32, #tpu.memory_space<hbm>>
    tpu.wait_indirect_dma semaphore(%arg15 : memref<!tpu.dma_semaphore, #tpu.memory_space<semaphore_mem>>) src(%dma_wait3A_433 : memref<10000x128xf32, #tpu.memory_space<hbm>>) dst(%dma_wait3A_428 : memref<128x128xf32, #tpu.memory_space<vmem>>)
    %add3A_434 = arith.constant 9600 : i32
    %add3A_435 = arith.addi %mul3A_2, %add3A_434 : i32
    %dma_wait3A_436 = arith.constant 1 : i32
    %dma_wait3A_437 = arith.constant 0 : i32
    %dma_wait3A_438 = arith.constant 0 : i32
    %dma_wait3A_439 = arith.constant 0 : i32
    %dma_wait3A_440 = tpu.memref_slice %arg7[%dma_wait3A_438, %dma_wait3A_439] : memref<3x128xi32, #tpu.memory_space<vmem>> -> memref<1x128xi32, #tpu.memory_space<vmem>>
    %dma_wait3A_441 = tpu.memref_squeeze %dma_wait3A_440 : memref<1x128xi32, #tpu.memory_space<vmem>> -> memref<128xi32, #tpu.memory_space<vmem>>
    %dma_wait3A_442 = arith.constant 0 : i32
    %dma_wait3A_443 = tpu.memref_slice %arg3[%dma_wait3A_436, %dma_wait3A_437, %dma_wait3A_442] : memref<2x1x320000xi32, #tpu.memory_space<hbm>> -> memref<1x1x320000xi32, #tpu.memory_space<hbm>>
    %dma_wait3A_444 = tpu.memref_squeeze %dma_wait3A_443 : memref<1x1x320000xi32, #tpu.memory_space<hbm>> -> memref<320000xi32, #tpu.memory_space<hbm>>
    %dma_wait3A_445 = tpu.memref_slice %dma_wait3A_444[%add3A_435] : memref<320000xi32, #tpu.memory_space<hbm>> -> memref<128xi32, #tpu.memory_space<hbm>>
    %dma_wait3A_446 = arith.constant 0 : i32
    %dma_wait3A_447 = tpu.memref_slice %arg7[%dma_wait3A_438, %dma_wait3A_446] : memref<3x128xi32, #tpu.memory_space<vmem>> -> memref<1x128xi32, #tpu.memory_space<vmem>>
    %dma_wait3A_448 = tpu.memref_squeeze %dma_wait3A_447 : memref<1x128xi32, #tpu.memory_space<vmem>> -> memref<128xi32, #tpu.memory_space<vmem>>
    %dma_wait3A_449 = arith.constant 0 : i32
    %dma_wait3A_450 = tpu.memref_slice %arg3[%dma_wait3A_436, %dma_wait3A_437, %dma_wait3A_449] : memref<2x1x320000xi32, #tpu.memory_space<hbm>> -> memref<1x1x320000xi32, #tpu.memory_space<hbm>>
    %dma_wait3A_451 = tpu.memref_squeeze %dma_wait3A_450 : memref<1x1x320000xi32, #tpu.memory_space<hbm>> -> memref<320000xi32, #tpu.memory_space<hbm>>
    %dma_wait3A_452 = tpu.memref_slice %dma_wait3A_451[%add3A_435] : memref<320000xi32, #tpu.memory_space<hbm>> -> memref<128xi32, #tpu.memory_space<hbm>>
    tpu.wait_dma2 semaphore(%arg18 : memref<!tpu.dma_semaphore, #tpu.memory_space<semaphore_mem>>) src(%dma_wait3A_452 : memref<128xi32, #tpu.memory_space<hbm>>) dst(%dma_wait3A_448 : memref<128xi32, #tpu.memory_space<vmem>>)
    %dma_start3A_453 = arith.constant 1 : i32
    %dma_start3A_454 = arith.constant 0 : i32
    %dma_start3A_455 = arith.constant 0 : i32
    %dma_start3A_456 = arith.constant 0 : i32
    %dma_start3A_457 = tpu.memref_slice %arg8[%dma_start3A_453, %dma_start3A_455, %dma_start3A_456] : memref<2x128x128xf32, #tpu.memory_space<vmem>> -> memref<1x128x128xf32, #tpu.memory_space<vmem>>
    %dma_start3A_458 = tpu.memref_squeeze %dma_start3A_457 : memref<1x128x128xf32, #tpu.memory_space<vmem>> -> memref<128x128xf32, #tpu.memory_space<vmem>>
    %dma_start3A_459 = arith.constant 0 : i32
    %dma_start3A_460 = tpu.memref_slice %arg7[%dma_start3A_454, %dma_start3A_459] : memref<3x128xi32, #tpu.memory_space<vmem>> -> memref<1x128xi32, #tpu.memory_space<vmem>>
    %dma_start3A_461 = tpu.memref_squeeze %dma_start3A_460 : memref<1x128xi32, #tpu.memory_space<vmem>> -> memref<128xi32, #tpu.memory_space<vmem>>
    %dma_start3A_462 = arith.constant 0 : i32
    %dma_start3A_463 = arith.constant 0 : i32
    %dma_start3A_464 = tpu.memref_slice %arg12[%dma_start3A_462, %dma_start3A_463] : memref<10240x128xf32, #tpu.memory_space<vmem_shared>> -> memref<10240x128xf32, #tpu.memory_space<vmem_shared>>
    tpu.enqueue_indirect_dma source(%dma_start3A_458 : memref<128x128xf32, #tpu.memory_space<vmem>>) target(%dma_start3A_464 : memref<10240x128xf32, #tpu.memory_space<vmem_shared>>) offsets(%dma_start3A_461 : memref<128xi32, #tpu.memory_space<vmem>>) semaphore(%arg17 : memref<!tpu.dma_semaphore, #tpu.memory_space<semaphore_mem>>) {add = true}
    %dma_start3A_465 = arith.constant 0 : i32
    %dma_start3A_466 = arith.constant 0 : i32
    %dma_start3A_467 = tpu.memref_slice %arg7[%dma_start3A_465, %dma_start3A_466] : memref<3x128xi32, #tpu.memory_space<vmem>> -> memref<1x128xi32, #tpu.memory_space<vmem>>
    %dma_start3A_468 = tpu.memref_squeeze %dma_start3A_467 : memref<1x128xi32, #tpu.memory_space<vmem>> -> memref<128xi32, #tpu.memory_space<vmem>>
    %dma_start3A_469 = arith.constant 0 : i32
    %dma_start3A_470 = tpu.memref_slice %arg24[%dma_start3A_469] : memref<10240xf32, #tpu.memory_space<vmem_shared>> -> memref<10240xf32, #tpu.memory_space<vmem_shared>>
    tpu.enqueue_indirect_dma source(%arg21 : memref<128xf32, #tpu.memory_space<vmem>>) target(%dma_start3A_470 : memref<10240xf32, #tpu.memory_space<vmem_shared>>) offsets(%dma_start3A_468 : memref<128xi32, #tpu.memory_space<vmem>>) semaphore(%arg26 : memref<!tpu.dma_semaphore, #tpu.memory_space<semaphore_mem>>) {add = true}
    %dma_wait3A_471 = arith.constant 1 : i32
    %dma_wait3A_472 = arith.constant 0 : i32
    %dma_wait3A_473 = arith.constant 0 : i32
    %dma_wait3A_474 = arith.constant 0 : i32
    %dma_wait3A_475 = tpu.memref_slice %arg8[%dma_wait3A_471, %dma_wait3A_473, %dma_wait3A_474] : memref<2x128x128xf32, #tpu.memory_space<vmem>> -> memref<1x128x128xf32, #tpu.memory_space<vmem>>
    %dma_wait3A_476 = tpu.memref_squeeze %dma_wait3A_475 : memref<1x128x128xf32, #tpu.memory_space<vmem>> -> memref<128x128xf32, #tpu.memory_space<vmem>>
    %dma_wait3A_477 = arith.constant 0 : i32
    %dma_wait3A_478 = tpu.memref_slice %arg7[%dma_wait3A_472, %dma_wait3A_477] : memref<3x128xi32, #tpu.memory_space<vmem>> -> memref<1x128xi32, #tpu.memory_space<vmem>>
    %dma_wait3A_479 = tpu.memref_squeeze %dma_wait3A_478 : memref<1x128xi32, #tpu.memory_space<vmem>> -> memref<128xi32, #tpu.memory_space<vmem>>
    %dma_wait3A_480 = arith.constant 0 : i32
    %dma_wait3A_481 = arith.constant 0 : i32
    %dma_wait3A_482 = tpu.memref_slice %arg12[%dma_wait3A_480, %dma_wait3A_481] : memref<10240x128xf32, #tpu.memory_space<vmem_shared>> -> memref<10240x128xf32, #tpu.memory_space<vmem_shared>>
    tpu.wait_indirect_dma semaphore(%arg17 : memref<!tpu.dma_semaphore, #tpu.memory_space<semaphore_mem>>) src(%dma_wait3A_476 : memref<128x128xf32, #tpu.memory_space<vmem>>) dst(%dma_wait3A_482 : memref<10240x128xf32, #tpu.memory_space<vmem_shared>>)
    %dma_wait3A_483 = arith.constant 0 : i32
    %dma_wait3A_484 = arith.constant 0 : i32
    %dma_wait3A_485 = tpu.memref_slice %arg7[%dma_wait3A_483, %dma_wait3A_484] : memref<3x128xi32, #tpu.memory_space<vmem>> -> memref<1x128xi32, #tpu.memory_space<vmem>>
    %dma_wait3A_486 = tpu.memref_squeeze %dma_wait3A_485 : memref<1x128xi32, #tpu.memory_space<vmem>> -> memref<128xi32, #tpu.memory_space<vmem>>
    %dma_wait3A_487 = arith.constant 0 : i32
    %dma_wait3A_488 = tpu.memref_slice %arg24[%dma_wait3A_487] : memref<10240xf32, #tpu.memory_space<vmem_shared>> -> memref<10240xf32, #tpu.memory_space<vmem_shared>>
    tpu.wait_indirect_dma semaphore(%arg26 : memref<!tpu.dma_semaphore, #tpu.memory_space<semaphore_mem>>) src(%arg21 : memref<128xf32, #tpu.memory_space<vmem>>) dst(%dma_wait3A_488 : memref<10240xf32, #tpu.memory_space<vmem_shared>>)
    %dma_start3A_489 = arith.constant 1 : i32
    %dma_start3A_490 = arith.constant 0 : i32
    %dma_start3A_491 = arith.constant 0 : i32
    %dma_start3A_492 = tpu.memref_slice %arg8[%dma_start3A_489, %dma_start3A_490, %dma_start3A_491] : memref<2x128x128xf32, #tpu.memory_space<vmem>> -> memref<1x128x128xf32, #tpu.memory_space<vmem>>
    %dma_start3A_493 = tpu.memref_squeeze %dma_start3A_492 : memref<1x128x128xf32, #tpu.memory_space<vmem>> -> memref<128x128xf32, #tpu.memory_space<vmem>>
    %dma_start3A_494 = arith.constant 9856 : i32
    %dma_start3A_495 = tpu.memref_slice %arg6[%dma_start3A_494] : memref<9984xi32, #tpu.memory_space<vmem>> -> memref<128xi32, #tpu.memory_space<vmem>>
    %dma_start3A_496 = arith.constant 0 : i32
    %dma_start3A_497 = arith.constant 0 : i32
    %dma_start3A_498 = tpu.memref_slice %arg2[%dma_start3A_496, %dma_start3A_497] : memref<10000x128xf32, #tpu.memory_space<hbm>> -> memref<10000x128xf32, #tpu.memory_space<hbm>>
    tpu.enqueue_indirect_dma source(%dma_start3A_498 : memref<10000x128xf32, #tpu.memory_space<hbm>>) target(%dma_start3A_493 : memref<128x128xf32, #tpu.memory_space<vmem>>) offsets(%dma_start3A_495 : memref<128xi32, #tpu.memory_space<vmem>>) semaphore(%arg15 : memref<!tpu.dma_semaphore, #tpu.memory_space<semaphore_mem>>)
    %dma_wait3A_499 = arith.constant 0 : i32
    %dma_wait3A_500 = arith.constant 0 : i32
    %dma_wait3A_501 = arith.constant 0 : i32
    %dma_wait3A_502 = tpu.memref_slice %arg8[%dma_wait3A_499, %dma_wait3A_500, %dma_wait3A_501] : memref<2x128x128xf32, #tpu.memory_space<vmem>> -> memref<1x128x128xf32, #tpu.memory_space<vmem>>
    %dma_wait3A_503 = tpu.memref_squeeze %dma_wait3A_502 : memref<1x128x128xf32, #tpu.memory_space<vmem>> -> memref<128x128xf32, #tpu.memory_space<vmem>>
    %dma_wait3A_504 = arith.constant 9728 : i32
    %dma_wait3A_505 = tpu.memref_slice %arg6[%dma_wait3A_504] : memref<9984xi32, #tpu.memory_space<vmem>> -> memref<128xi32, #tpu.memory_space<vmem>>
    %dma_wait3A_506 = arith.constant 0 : i32
    %dma_wait3A_507 = arith.constant 0 : i32
    %dma_wait3A_508 = tpu.memref_slice %arg2[%dma_wait3A_506, %dma_wait3A_507] : memref<10000x128xf32, #tpu.memory_space<hbm>> -> memref<10000x128xf32, #tpu.memory_space<hbm>>
    tpu.wait_indirect_dma semaphore(%arg14 : memref<!tpu.dma_semaphore, #tpu.memory_space<semaphore_mem>>) src(%dma_wait3A_508 : memref<10000x128xf32, #tpu.memory_space<hbm>>) dst(%dma_wait3A_503 : memref<128x128xf32, #tpu.memory_space<vmem>>)
    %add3A_509 = arith.constant 9728 : i32
    %add3A_510 = arith.addi %mul3A_2, %add3A_509 : i32
    %dma_wait3A_511 = arith.constant 1 : i32
    %dma_wait3A_512 = arith.constant 0 : i32
    %dma_wait3A_513 = arith.constant 1 : i32
    %dma_wait3A_514 = arith.constant 0 : i32
    %dma_wait3A_515 = tpu.memref_slice %arg7[%dma_wait3A_513, %dma_wait3A_514] : memref<3x128xi32, #tpu.memory_space<vmem>> -> memref<1x128xi32, #tpu.memory_space<vmem>>
    %dma_wait3A_516 = tpu.memref_squeeze %dma_wait3A_515 : memref<1x128xi32, #tpu.memory_space<vmem>> -> memref<128xi32, #tpu.memory_space<vmem>>
    %dma_wait3A_517 = arith.constant 0 : i32
    %dma_wait3A_518 = tpu.memref_slice %arg3[%dma_wait3A_511, %dma_wait3A_512, %dma_wait3A_517] : memref<2x1x320000xi32, #tpu.memory_space<hbm>> -> memref<1x1x320000xi32, #tpu.memory_space<hbm>>
    %dma_wait3A_519 = tpu.memref_squeeze %dma_wait3A_518 : memref<1x1x320000xi32, #tpu.memory_space<hbm>> -> memref<320000xi32, #tpu.memory_space<hbm>>
    %dma_wait3A_520 = tpu.memref_slice %dma_wait3A_519[%add3A_510] : memref<320000xi32, #tpu.memory_space<hbm>> -> memref<128xi32, #tpu.memory_space<hbm>>
    %dma_wait3A_521 = arith.constant 0 : i32
    %dma_wait3A_522 = tpu.memref_slice %arg7[%dma_wait3A_513, %dma_wait3A_521] : memref<3x128xi32, #tpu.memory_space<vmem>> -> memref<1x128xi32, #tpu.memory_space<vmem>>
    %dma_wait3A_523 = tpu.memref_squeeze %dma_wait3A_522 : memref<1x128xi32, #tpu.memory_space<vmem>> -> memref<128xi32, #tpu.memory_space<vmem>>
    %dma_wait3A_524 = arith.constant 0 : i32
    %dma_wait3A_525 = tpu.memref_slice %arg3[%dma_wait3A_511, %dma_wait3A_512, %dma_wait3A_524] : memref<2x1x320000xi32, #tpu.memory_space<hbm>> -> memref<1x1x320000xi32, #tpu.memory_space<hbm>>
    %dma_wait3A_526 = tpu.memref_squeeze %dma_wait3A_525 : memref<1x1x320000xi32, #tpu.memory_space<hbm>> -> memref<320000xi32, #tpu.memory_space<hbm>>
    %dma_wait3A_527 = tpu.memref_slice %dma_wait3A_526[%add3A_510] : memref<320000xi32, #tpu.memory_space<hbm>> -> memref<128xi32, #tpu.memory_space<hbm>>
    tpu.wait_dma2 semaphore(%arg19 : memref<!tpu.dma_semaphore, #tpu.memory_space<semaphore_mem>>) src(%dma_wait3A_527 : memref<128xi32, #tpu.memory_space<hbm>>) dst(%dma_wait3A_523 : memref<128xi32, #tpu.memory_space<vmem>>)
    %dma_start3A_528 = arith.constant 0 : i32
    %dma_start3A_529 = arith.constant 1 : i32
    %dma_start3A_530 = arith.constant 0 : i32
    %dma_start3A_531 = arith.constant 0 : i32
    %dma_start3A_532 = tpu.memref_slice %arg8[%dma_start3A_528, %dma_start3A_530, %dma_start3A_531] : memref<2x128x128xf32, #tpu.memory_space<vmem>> -> memref<1x128x128xf32, #tpu.memory_space<vmem>>
    %dma_start3A_533 = tpu.memref_squeeze %dma_start3A_532 : memref<1x128x128xf32, #tpu.memory_space<vmem>> -> memref<128x128xf32, #tpu.memory_space<vmem>>
    %dma_start3A_534 = arith.constant 0 : i32
    %dma_start3A_535 = tpu.memref_slice %arg7[%dma_start3A_529, %dma_start3A_534] : memref<3x128xi32, #tpu.memory_space<vmem>> -> memref<1x128xi32, #tpu.memory_space<vmem>>
    %dma_start3A_536 = tpu.memref_squeeze %dma_start3A_535 : memref<1x128xi32, #tpu.memory_space<vmem>> -> memref<128xi32, #tpu.memory_space<vmem>>
    %dma_start3A_537 = arith.constant 0 : i32
    %dma_start3A_538 = arith.constant 0 : i32
    %dma_start3A_539 = tpu.memref_slice %arg12[%dma_start3A_537, %dma_start3A_538] : memref<10240x128xf32, #tpu.memory_space<vmem_shared>> -> memref<10240x128xf32, #tpu.memory_space<vmem_shared>>
    tpu.enqueue_indirect_dma source(%dma_start3A_533 : memref<128x128xf32, #tpu.memory_space<vmem>>) target(%dma_start3A_539 : memref<10240x128xf32, #tpu.memory_space<vmem_shared>>) offsets(%dma_start3A_536 : memref<128xi32, #tpu.memory_space<vmem>>) semaphore(%arg16 : memref<!tpu.dma_semaphore, #tpu.memory_space<semaphore_mem>>) {add = true}
    %dma_start3A_540 = arith.constant 1 : i32
    %dma_start3A_541 = arith.constant 0 : i32
    %dma_start3A_542 = tpu.memref_slice %arg7[%dma_start3A_540, %dma_start3A_541] : memref<3x128xi32, #tpu.memory_space<vmem>> -> memref<1x128xi32, #tpu.memory_space<vmem>>
    %dma_start3A_543 = tpu.memref_squeeze %dma_start3A_542 : memref<1x128xi32, #tpu.memory_space<vmem>> -> memref<128xi32, #tpu.memory_space<vmem>>
    %dma_start3A_544 = arith.constant 0 : i32
    %dma_start3A_545 = tpu.memref_slice %arg24[%dma_start3A_544] : memref<10240xf32, #tpu.memory_space<vmem_shared>> -> memref<10240xf32, #tpu.memory_space<vmem_shared>>
    tpu.enqueue_indirect_dma source(%arg21 : memref<128xf32, #tpu.memory_space<vmem>>) target(%dma_start3A_545 : memref<10240xf32, #tpu.memory_space<vmem_shared>>) offsets(%dma_start3A_543 : memref<128xi32, #tpu.memory_space<vmem>>) semaphore(%arg25 : memref<!tpu.dma_semaphore, #tpu.memory_space<semaphore_mem>>) {add = true}
    %dma_wait3A_546 = arith.constant 0 : i32
    %dma_wait3A_547 = arith.constant 1 : i32
    %dma_wait3A_548 = arith.constant 0 : i32
    %dma_wait3A_549 = arith.constant 0 : i32
    %dma_wait3A_550 = tpu.memref_slice %arg8[%dma_wait3A_546, %dma_wait3A_548, %dma_wait3A_549] : memref<2x128x128xf32, #tpu.memory_space<vmem>> -> memref<1x128x128xf32, #tpu.memory_space<vmem>>
    %dma_wait3A_551 = tpu.memref_squeeze %dma_wait3A_550 : memref<1x128x128xf32, #tpu.memory_space<vmem>> -> memref<128x128xf32, #tpu.memory_space<vmem>>
    %dma_wait3A_552 = arith.constant 0 : i32
    %dma_wait3A_553 = tpu.memref_slice %arg7[%dma_wait3A_547, %dma_wait3A_552] : memref<3x128xi32, #tpu.memory_space<vmem>> -> memref<1x128xi32, #tpu.memory_space<vmem>>
    %dma_wait3A_554 = tpu.memref_squeeze %dma_wait3A_553 : memref<1x128xi32, #tpu.memory_space<vmem>> -> memref<128xi32, #tpu.memory_space<vmem>>
    %dma_wait3A_555 = arith.constant 0 : i32
    %dma_wait3A_556 = arith.constant 0 : i32
    %dma_wait3A_557 = tpu.memref_slice %arg12[%dma_wait3A_555, %dma_wait3A_556] : memref<10240x128xf32, #tpu.memory_space<vmem_shared>> -> memref<10240x128xf32, #tpu.memory_space<vmem_shared>>
    tpu.wait_indirect_dma semaphore(%arg16 : memref<!tpu.dma_semaphore, #tpu.memory_space<semaphore_mem>>) src(%dma_wait3A_551 : memref<128x128xf32, #tpu.memory_space<vmem>>) dst(%dma_wait3A_557 : memref<10240x128xf32, #tpu.memory_space<vmem_shared>>)
    %dma_wait3A_558 = arith.constant 1 : i32
    %dma_wait3A_559 = arith.constant 0 : i32
    %dma_wait3A_560 = tpu.memref_slice %arg7[%dma_wait3A_558, %dma_wait3A_559] : memref<3x128xi32, #tpu.memory_space<vmem>> -> memref<1x128xi32, #tpu.memory_space<vmem>>
    %dma_wait3A_561 = tpu.memref_squeeze %dma_wait3A_560 : memref<1x128xi32, #tpu.memory_space<vmem>> -> memref<128xi32, #tpu.memory_space<vmem>>
    %dma_wait3A_562 = arith.constant 0 : i32
    %dma_wait3A_563 = tpu.memref_slice %arg24[%dma_wait3A_562] : memref<10240xf32, #tpu.memory_space<vmem_shared>> -> memref<10240xf32, #tpu.memory_space<vmem_shared>>
    tpu.wait_indirect_dma semaphore(%arg25 : memref<!tpu.dma_semaphore, #tpu.memory_space<semaphore_mem>>) src(%arg21 : memref<128xf32, #tpu.memory_space<vmem>>) dst(%dma_wait3A_563 : memref<10240xf32, #tpu.memory_space<vmem_shared>>)
    %dma_wait3A_564 = arith.constant 1 : i32
    %dma_wait3A_565 = arith.constant 0 : i32
    %dma_wait3A_566 = arith.constant 0 : i32
    %dma_wait3A_567 = tpu.memref_slice %arg8[%dma_wait3A_564, %dma_wait3A_565, %dma_wait3A_566] : memref<2x128x128xf32, #tpu.memory_space<vmem>> -> memref<1x128x128xf32, #tpu.memory_space<vmem>>
    %dma_wait3A_568 = tpu.memref_squeeze %dma_wait3A_567 : memref<1x128x128xf32, #tpu.memory_space<vmem>> -> memref<128x128xf32, #tpu.memory_space<vmem>>
    %dma_wait3A_569 = arith.constant 9856 : i32
    %dma_wait3A_570 = tpu.memref_slice %arg6[%dma_wait3A_569] : memref<9984xi32, #tpu.memory_space<vmem>> -> memref<128xi32, #tpu.memory_space<vmem>>
    %dma_wait3A_571 = arith.constant 0 : i32
    %dma_wait3A_572 = arith.constant 0 : i32
    %dma_wait3A_573 = tpu.memref_slice %arg2[%dma_wait3A_571, %dma_wait3A_572] : memref<10000x128xf32, #tpu.memory_space<hbm>> -> memref<10000x128xf32, #tpu.memory_space<hbm>>
    tpu.wait_indirect_dma semaphore(%arg15 : memref<!tpu.dma_semaphore, #tpu.memory_space<semaphore_mem>>) src(%dma_wait3A_573 : memref<10000x128xf32, #tpu.memory_space<hbm>>) dst(%dma_wait3A_568 : memref<128x128xf32, #tpu.memory_space<vmem>>)
    %add3A_574 = arith.constant 9856 : i32
    %add3A_575 = arith.addi %mul3A_2, %add3A_574 : i32
    %dma_wait3A_576 = arith.constant 1 : i32
    %dma_wait3A_577 = arith.constant 0 : i32
    %dma_wait3A_578 = arith.constant 2 : i32
    %dma_wait3A_579 = arith.constant 0 : i32
    %dma_wait3A_580 = tpu.memref_slice %arg7[%dma_wait3A_578, %dma_wait3A_579] : memref<3x128xi32, #tpu.memory_space<vmem>> -> memref<1x128xi32, #tpu.memory_space<vmem>>
    %dma_wait3A_581 = tpu.memref_squeeze %dma_wait3A_580 : memref<1x128xi32, #tpu.memory_space<vmem>> -> memref<128xi32, #tpu.memory_space<vmem>>
    %dma_wait3A_582 = arith.constant 0 : i32
    %dma_wait3A_583 = tpu.memref_slice %arg3[%dma_wait3A_576, %dma_wait3A_577, %dma_wait3A_582] : memref<2x1x320000xi32, #tpu.memory_space<hbm>> -> memref<1x1x320000xi32, #tpu.memory_space<hbm>>
    %dma_wait3A_584 = tpu.memref_squeeze %dma_wait3A_583 : memref<1x1x320000xi32, #tpu.memory_space<hbm>> -> memref<320000xi32, #tpu.memory_space<hbm>>
    %dma_wait3A_585 = tpu.memref_slice %dma_wait3A_584[%add3A_575] : memref<320000xi32, #tpu.memory_space<hbm>> -> memref<128xi32, #tpu.memory_space<hbm>>
    %dma_wait3A_586 = arith.constant 0 : i32
    %dma_wait3A_587 = tpu.memref_slice %arg7[%dma_wait3A_578, %dma_wait3A_586] : memref<3x128xi32, #tpu.memory_space<vmem>> -> memref<1x128xi32, #tpu.memory_space<vmem>>
    %dma_wait3A_588 = tpu.memref_squeeze %dma_wait3A_587 : memref<1x128xi32, #tpu.memory_space<vmem>> -> memref<128xi32, #tpu.memory_space<vmem>>
    %dma_wait3A_589 = arith.constant 0 : i32
    %dma_wait3A_590 = tpu.memref_slice %arg3[%dma_wait3A_576, %dma_wait3A_577, %dma_wait3A_589] : memref<2x1x320000xi32, #tpu.memory_space<hbm>> -> memref<1x1x320000xi32, #tpu.memory_space<hbm>>
    %dma_wait3A_591 = tpu.memref_squeeze %dma_wait3A_590 : memref<1x1x320000xi32, #tpu.memory_space<hbm>> -> memref<320000xi32, #tpu.memory_space<hbm>>
    %dma_wait3A_592 = tpu.memref_slice %dma_wait3A_591[%add3A_575] : memref<320000xi32, #tpu.memory_space<hbm>> -> memref<128xi32, #tpu.memory_space<hbm>>
    tpu.wait_dma2 semaphore(%arg20 : memref<!tpu.dma_semaphore, #tpu.memory_space<semaphore_mem>>) src(%dma_wait3A_592 : memref<128xi32, #tpu.memory_space<hbm>>) dst(%dma_wait3A_588 : memref<128xi32, #tpu.memory_space<vmem>>)
    %dma_start3A_593 = arith.constant 1 : i32
    %dma_start3A_594 = arith.constant 2 : i32
    %dma_start3A_595 = arith.constant 0 : i32
    %dma_start3A_596 = arith.constant 0 : i32
    %dma_start3A_597 = tpu.memref_slice %arg8[%dma_start3A_593, %dma_start3A_595, %dma_start3A_596] : memref<2x128x128xf32, #tpu.memory_space<vmem>> -> memref<1x128x128xf32, #tpu.memory_space<vmem>>
    %dma_start3A_598 = tpu.memref_squeeze %dma_start3A_597 : memref<1x128x128xf32, #tpu.memory_space<vmem>> -> memref<128x128xf32, #tpu.memory_space<vmem>>
    %dma_start3A_599 = arith.constant 0 : i32
    %dma_start3A_600 = tpu.memref_slice %arg7[%dma_start3A_594, %dma_start3A_599] : memref<3x128xi32, #tpu.memory_space<vmem>> -> memref<1x128xi32, #tpu.memory_space<vmem>>
    %dma_start3A_601 = tpu.memref_squeeze %dma_start3A_600 : memref<1x128xi32, #tpu.memory_space<vmem>> -> memref<128xi32, #tpu.memory_space<vmem>>
    %dma_start3A_602 = arith.constant 0 : i32
    %dma_start3A_603 = arith.constant 0 : i32
    %dma_start3A_604 = tpu.memref_slice %arg12[%dma_start3A_602, %dma_start3A_603] : memref<10240x128xf32, #tpu.memory_space<vmem_shared>> -> memref<10240x128xf32, #tpu.memory_space<vmem_shared>>
    tpu.enqueue_indirect_dma source(%dma_start3A_598 : memref<128x128xf32, #tpu.memory_space<vmem>>) target(%dma_start3A_604 : memref<10240x128xf32, #tpu.memory_space<vmem_shared>>) offsets(%dma_start3A_601 : memref<128xi32, #tpu.memory_space<vmem>>) semaphore(%arg17 : memref<!tpu.dma_semaphore, #tpu.memory_space<semaphore_mem>>) {add = true}
    %dma_start3A_605 = arith.constant 2 : i32
    %dma_start3A_606 = arith.constant 0 : i32
    %dma_start3A_607 = tpu.memref_slice %arg7[%dma_start3A_605, %dma_start3A_606] : memref<3x128xi32, #tpu.memory_space<vmem>> -> memref<1x128xi32, #tpu.memory_space<vmem>>
    %dma_start3A_608 = tpu.memref_squeeze %dma_start3A_607 : memref<1x128xi32, #tpu.memory_space<vmem>> -> memref<128xi32, #tpu.memory_space<vmem>>
    %dma_start3A_609 = arith.constant 0 : i32
    %dma_start3A_610 = tpu.memref_slice %arg24[%dma_start3A_609] : memref<10240xf32, #tpu.memory_space<vmem_shared>> -> memref<10240xf32, #tpu.memory_space<vmem_shared>>
    tpu.enqueue_indirect_dma source(%arg21 : memref<128xf32, #tpu.memory_space<vmem>>) target(%dma_start3A_610 : memref<10240xf32, #tpu.memory_space<vmem_shared>>) offsets(%dma_start3A_608 : memref<128xi32, #tpu.memory_space<vmem>>) semaphore(%arg26 : memref<!tpu.dma_semaphore, #tpu.memory_space<semaphore_mem>>) {add = true}
    %add3A_611 = arith.constant 9984 : i32
    %add3A_612 = arith.addi %mul3A_2, %add3A_611 : i32
    %run_scoped3A = arith.constant 0 : i32
    %run_scoped3A_613 = arith.constant 0 : i32
    "tpu.region"() ({
      %run_scoped3A_652 = tpu.sem_alloc : memref<!tpu.dma_semaphore, #tpu.memory_space<semaphore_mem>>
      %dma_start3A_653 = arith.constant 0 : i32
      %dma_start3A_654 = tpu.memref_slice %arg3[%run_scoped3A, %run_scoped3A_613, %dma_start3A_653] : memref<2x1x320000xi32, #tpu.memory_space<hbm>> -> memref<1x1x320000xi32, #tpu.memory_space<hbm>>
      %dma_start3A_655 = tpu.memref_squeeze %dma_start3A_654 : memref<1x1x320000xi32, #tpu.memory_space<hbm>> -> memref<320000xi32, #tpu.memory_space<hbm>>
      %dma_start3A_656 = tpu.memref_slice %dma_start3A_655[%add3A_612] : memref<320000xi32, #tpu.memory_space<hbm>> -> memref<16xi32, #tpu.memory_space<hbm>>
      %dma_start3A_657 = arith.constant 0 : i32
      %dma_start3A_658 = tpu.memref_slice %arg3[%run_scoped3A, %run_scoped3A_613, %dma_start3A_657] : memref<2x1x320000xi32, #tpu.memory_space<hbm>> -> memref<1x1x320000xi32, #tpu.memory_space<hbm>>
      %dma_start3A_659 = tpu.memref_squeeze %dma_start3A_658 : memref<1x1x320000xi32, #tpu.memory_space<hbm>> -> memref<320000xi32, #tpu.memory_space<hbm>>
      %dma_start3A_660 = tpu.memref_slice %dma_start3A_659[%add3A_612] : memref<320000xi32, #tpu.memory_space<hbm>> -> memref<16xi32, #tpu.memory_space<hbm>>
      tpu.enqueue_dma source(%dma_start3A_660 : memref<16xi32, #tpu.memory_space<hbm>>) target(%arg9 : memref<16xi32, #tpu.memory_space<vmem>>) target_semaphore(%run_scoped3A_652 : memref<!tpu.dma_semaphore, #tpu.memory_space<semaphore_mem>>)
      %dma_wait3A_661 = arith.constant 0 : i32
      %dma_wait3A_662 = tpu.memref_slice %arg3[%run_scoped3A, %run_scoped3A_613, %dma_wait3A_661] : memref<2x1x320000xi32, #tpu.memory_space<hbm>> -> memref<1x1x320000xi32, #tpu.memory_space<hbm>>
      %dma_wait3A_663 = tpu.memref_squeeze %dma_wait3A_662 : memref<1x1x320000xi32, #tpu.memory_space<hbm>> -> memref<320000xi32, #tpu.memory_space<hbm>>
      %dma_wait3A_664 = tpu.memref_slice %dma_wait3A_663[%add3A_612] : memref<320000xi32, #tpu.memory_space<hbm>> -> memref<16xi32, #tpu.memory_space<hbm>>
      %dma_wait3A_665 = arith.constant 0 : i32
      %dma_wait3A_666 = tpu.memref_slice %arg3[%run_scoped3A, %run_scoped3A_613, %dma_wait3A_665] : memref<2x1x320000xi32, #tpu.memory_space<hbm>> -> memref<1x1x320000xi32, #tpu.memory_space<hbm>>
      %dma_wait3A_667 = tpu.memref_squeeze %dma_wait3A_666 : memref<1x1x320000xi32, #tpu.memory_space<hbm>> -> memref<320000xi32, #tpu.memory_space<hbm>>
      %dma_wait3A_668 = tpu.memref_slice %dma_wait3A_667[%add3A_612] : memref<320000xi32, #tpu.memory_space<hbm>> -> memref<16xi32, #tpu.memory_space<hbm>>
      tpu.wait_dma2 semaphore(%run_scoped3A_652 : memref<!tpu.dma_semaphore, #tpu.memory_space<semaphore_mem>>) src(%dma_wait3A_668 : memref<16xi32, #tpu.memory_space<hbm>>) dst(%arg9 : memref<16xi32, #tpu.memory_space<vmem>>)
      tpu.yield
    }) : () -> ()
    %add3A_614 = arith.constant 9984 : i32
    %add3A_615 = arith.addi %mul3A_2, %add3A_614 : i32
    %run_scoped3A_616 = arith.constant 1 : i32
    %run_scoped3A_617 = arith.constant 0 : i32
    "tpu.region"() ({
      %run_scoped3A_652 = tpu.sem_alloc : memref<!tpu.dma_semaphore, #tpu.memory_space<semaphore_mem>>
      %dma_start3A_653 = arith.constant 0 : i32
      %dma_start3A_654 = tpu.memref_slice %arg3[%run_scoped3A_616, %run_scoped3A_617, %dma_start3A_653] : memref<2x1x320000xi32, #tpu.memory_space<hbm>> -> memref<1x1x320000xi32, #tpu.memory_space<hbm>>
      %dma_start3A_655 = tpu.memref_squeeze %dma_start3A_654 : memref<1x1x320000xi32, #tpu.memory_space<hbm>> -> memref<320000xi32, #tpu.memory_space<hbm>>
      %dma_start3A_656 = tpu.memref_slice %dma_start3A_655[%add3A_615] : memref<320000xi32, #tpu.memory_space<hbm>> -> memref<16xi32, #tpu.memory_space<hbm>>
      %dma_start3A_657 = arith.constant 0 : i32
      %dma_start3A_658 = tpu.memref_slice %arg3[%run_scoped3A_616, %run_scoped3A_617, %dma_start3A_657] : memref<2x1x320000xi32, #tpu.memory_space<hbm>> -> memref<1x1x320000xi32, #tpu.memory_space<hbm>>
      %dma_start3A_659 = tpu.memref_squeeze %dma_start3A_658 : memref<1x1x320000xi32, #tpu.memory_space<hbm>> -> memref<320000xi32, #tpu.memory_space<hbm>>
      %dma_start3A_660 = tpu.memref_slice %dma_start3A_659[%add3A_615] : memref<320000xi32, #tpu.memory_space<hbm>> -> memref<16xi32, #tpu.memory_space<hbm>>
      tpu.enqueue_dma source(%dma_start3A_660 : memref<16xi32, #tpu.memory_space<hbm>>) target(%arg10 : memref<16xi32, #tpu.memory_space<vmem>>) target_semaphore(%run_scoped3A_652 : memref<!tpu.dma_semaphore, #tpu.memory_space<semaphore_mem>>)
      %dma_wait3A_661 = arith.constant 0 : i32
      %dma_wait3A_662 = tpu.memref_slice %arg3[%run_scoped3A_616, %run_scoped3A_617, %dma_wait3A_661] : memref<2x1x320000xi32, #tpu.memory_space<hbm>> -> memref<1x1x320000xi32, #tpu.memory_space<hbm>>
      %dma_wait3A_663 = tpu.memref_squeeze %dma_wait3A_662 : memref<1x1x320000xi32, #tpu.memory_space<hbm>> -> memref<320000xi32, #tpu.memory_space<hbm>>
      %dma_wait3A_664 = tpu.memref_slice %dma_wait3A_663[%add3A_615] : memref<320000xi32, #tpu.memory_space<hbm>> -> memref<16xi32, #tpu.memory_space<hbm>>
      %dma_wait3A_665 = arith.constant 0 : i32
      %dma_wait3A_666 = tpu.memref_slice %arg3[%run_scoped3A_616, %run_scoped3A_617, %dma_wait3A_665] : memref<2x1x320000xi32, #tpu.memory_space<hbm>> -> memref<1x1x320000xi32, #tpu.memory_space<hbm>>
      %dma_wait3A_667 = tpu.memref_squeeze %dma_wait3A_666 : memref<1x1x320000xi32, #tpu.memory_space<hbm>> -> memref<320000xi32, #tpu.memory_space<hbm>>
      %dma_wait3A_668 = tpu.memref_slice %dma_wait3A_667[%add3A_615] : memref<320000xi32, #tpu.memory_space<hbm>> -> memref<16xi32, #tpu.memory_space<hbm>>
      tpu.wait_dma2 semaphore(%run_scoped3A_652 : memref<!tpu.dma_semaphore, #tpu.memory_space<semaphore_mem>>) src(%dma_wait3A_668 : memref<16xi32, #tpu.memory_space<hbm>>) dst(%arg10 : memref<16xi32, #tpu.memory_space<vmem>>)
      tpu.yield
    }) : () -> ()
    %dma_start3A_618 = arith.constant 0 : i32
    %dma_start3A_619 = arith.constant 0 : i32
    %dma_start3A_620 = tpu.memref_slice %arg2[%dma_start3A_618, %dma_start3A_619] : memref<10000x128xf32, #tpu.memory_space<hbm>> -> memref<10000x128xf32, #tpu.memory_space<hbm>>
    tpu.enqueue_indirect_dma source(%dma_start3A_620 : memref<10000x128xf32, #tpu.memory_space<hbm>>) target(%arg11 : memref<16x128xf32, #tpu.memory_space<vmem>>) offsets(%arg9 : memref<16xi32, #tpu.memory_space<vmem>>) semaphore(%arg14 : memref<!tpu.dma_semaphore, #tpu.memory_space<semaphore_mem>>)
    %dma_wait3A_621 = arith.constant 0 : i32
    %dma_wait3A_622 = arith.constant 0 : i32
    %dma_wait3A_623 = tpu.memref_slice %arg2[%dma_wait3A_621, %dma_wait3A_622] : memref<10000x128xf32, #tpu.memory_space<hbm>> -> memref<10000x128xf32, #tpu.memory_space<hbm>>
    tpu.wait_indirect_dma semaphore(%arg14 : memref<!tpu.dma_semaphore, #tpu.memory_space<semaphore_mem>>) src(%dma_wait3A_623 : memref<10000x128xf32, #tpu.memory_space<hbm>>) dst(%arg11 : memref<16x128xf32, #tpu.memory_space<vmem>>)
    "tpu.region"() ({
      %run_scoped3A_652 = tpu.sem_alloc : memref<!tpu.dma_semaphore, #tpu.memory_space<semaphore_mem>>
      %dma_start3A_653 = arith.constant 0 : i32
      %dma_start3A_654 = arith.constant 0 : i32
      %dma_start3A_655 = tpu.memref_slice %arg12[%dma_start3A_653, %dma_start3A_654] : memref<10240x128xf32, #tpu.memory_space<vmem_shared>> -> memref<10240x128xf32, #tpu.memory_space<vmem_shared>>
      tpu.enqueue_indirect_dma source(%arg11 : memref<16x128xf32, #tpu.memory_space<vmem>>) target(%dma_start3A_655 : memref<10240x128xf32, #tpu.memory_space<vmem_shared>>) offsets(%arg10 : memref<16xi32, #tpu.memory_space<vmem>>) semaphore(%run_scoped3A_652 : memref<!tpu.dma_semaphore, #tpu.memory_space<semaphore_mem>>) {add = true}
      %dma_wait3A_656 = arith.constant 0 : i32
      %dma_wait3A_657 = arith.constant 0 : i32
      %dma_wait3A_658 = tpu.memref_slice %arg12[%dma_wait3A_656, %dma_wait3A_657] : memref<10240x128xf32, #tpu.memory_space<vmem_shared>> -> memref<10240x128xf32, #tpu.memory_space<vmem_shared>>
      tpu.wait_indirect_dma semaphore(%run_scoped3A_652 : memref<!tpu.dma_semaphore, #tpu.memory_space<semaphore_mem>>) src(%arg11 : memref<16x128xf32, #tpu.memory_space<vmem>>) dst(%dma_wait3A_658 : memref<10240x128xf32, #tpu.memory_space<vmem_shared>>)
      tpu.yield
    }) : () -> ()
    "tpu.region"() ({
      %run_scoped3A_652 = tpu.sem_alloc : memref<!tpu.dma_semaphore, #tpu.memory_space<semaphore_mem>>
      %dma_start3A_653 = arith.constant 0 : i32
      %dma_start3A_654 = tpu.memref_slice %arg24[%dma_start3A_653] : memref<10240xf32, #tpu.memory_space<vmem_shared>> -> memref<10240xf32, #tpu.memory_space<vmem_shared>>
      tpu.enqueue_indirect_dma source(%arg22 : memref<16xf32, #tpu.memory_space<vmem>>) target(%dma_start3A_654 : memref<10240xf32, #tpu.memory_space<vmem_shared>>) offsets(%arg10 : memref<16xi32, #tpu.memory_space<vmem>>) semaphore(%run_scoped3A_652 : memref<!tpu.dma_semaphore, #tpu.memory_space<semaphore_mem>>) {add = true}
      %dma_wait3A_655 = arith.constant 0 : i32
      %dma_wait3A_656 = tpu.memref_slice %arg24[%dma_wait3A_655] : memref<10240xf32, #tpu.memory_space<vmem_shared>> -> memref<10240xf32, #tpu.memory_space<vmem_shared>>
      tpu.wait_indirect_dma semaphore(%run_scoped3A_652 : memref<!tpu.dma_semaphore, #tpu.memory_space<semaphore_mem>>) src(%arg22 : memref<16xf32, #tpu.memory_space<vmem>>) dst(%dma_wait3A_656 : memref<10240xf32, #tpu.memory_space<vmem_shared>>)
      tpu.yield
    }) : () -> ()
    %dma_wait3A_624 = arith.constant 1 : i32
    %dma_wait3A_625 = arith.constant 2 : i32
    %dma_wait3A_626 = arith.constant 0 : i32
    %dma_wait3A_627 = arith.constant 0 : i32
    %dma_wait3A_628 = tpu.memref_slice %arg8[%dma_wait3A_624, %dma_wait3A_626, %dma_wait3A_627] : memref<2x128x128xf32, #tpu.memory_space<vmem>> -> memref<1x128x128xf32, #tpu.memory_space<vmem>>
    %dma_wait3A_629 = tpu.memref_squeeze %dma_wait3A_628 : memref<1x128x128xf32, #tpu.memory_space<vmem>> -> memref<128x128xf32, #tpu.memory_space<vmem>>
    %dma_wait3A_630 = arith.constant 0 : i32
    %dma_wait3A_631 = tpu.memref_slice %arg7[%dma_wait3A_625, %dma_wait3A_630] : memref<3x128xi32, #tpu.memory_space<vmem>> -> memref<1x128xi32, #tpu.memory_space<vmem>>
    %dma_wait3A_632 = tpu.memref_squeeze %dma_wait3A_631 : memref<1x128xi32, #tpu.memory_space<vmem>> -> memref<128xi32, #tpu.memory_space<vmem>>
    %dma_wait3A_633 = arith.constant 0 : i32
    %dma_wait3A_634 = arith.constant 0 : i32
    %dma_wait3A_635 = tpu.memref_slice %arg12[%dma_wait3A_633, %dma_wait3A_634] : memref<10240x128xf32, #tpu.memory_space<vmem_shared>> -> memref<10240x128xf32, #tpu.memory_space<vmem_shared>>
    tpu.wait_indirect_dma semaphore(%arg17 : memref<!tpu.dma_semaphore, #tpu.memory_space<semaphore_mem>>) src(%dma_wait3A_629 : memref<128x128xf32, #tpu.memory_space<vmem>>) dst(%dma_wait3A_635 : memref<10240x128xf32, #tpu.memory_space<vmem_shared>>)
    %dma_wait3A_636 = arith.constant 2 : i32
    %dma_wait3A_637 = arith.constant 0 : i32
    %dma_wait3A_638 = tpu.memref_slice %arg7[%dma_wait3A_636, %dma_wait3A_637] : memref<3x128xi32, #tpu.memory_space<vmem>> -> memref<1x128xi32, #tpu.memory_space<vmem>>
    %dma_wait3A_639 = tpu.memref_squeeze %dma_wait3A_638 : memref<1x128xi32, #tpu.memory_space<vmem>> -> memref<128xi32, #tpu.memory_space<vmem>>
    %dma_wait3A_640 = arith.constant 0 : i32
    %dma_wait3A_641 = tpu.memref_slice %arg24[%dma_wait3A_640] : memref<10240xf32, #tpu.memory_space<vmem_shared>> -> memref<10240xf32, #tpu.memory_space<vmem_shared>>
    tpu.wait_indirect_dma semaphore(%arg26 : memref<!tpu.dma_semaphore, #tpu.memory_space<semaphore_mem>>) src(%arg21 : memref<128xf32, #tpu.memory_space<vmem>>) dst(%dma_wait3A_641 : memref<10240xf32, #tpu.memory_space<vmem_shared>>)
    %barrier3A_642 = arith.constant 0 : index
    tpu.barrier barrier_id(%barrier3A_642)
    %mul3A_643 = arith.constant 640 : i32
    %mul3A_644 = arith.muli %arg1, %mul3A_643 : i32
    "tpu.region"() ({
      %run_scoped3A_652 = tpu.sem_alloc : memref<!tpu.dma_semaphore, #tpu.memory_space<semaphore_mem>>
      %dma_start3A_653 = arith.constant 0 : i32
      %dma_start3A_654 = tpu.memref_slice %arg4[%arg0, %mul3A_644, %dma_start3A_653] : memref<2x10240x128xf32, #tpu.memory_space<hbm>> -> memref<1x640x128xf32, #tpu.memory_space<hbm>>
      %dma_start3A_655 = tpu.memref_squeeze %dma_start3A_654 : memref<1x640x128xf32, #tpu.memory_space<hbm>> -> memref<640x128xf32, #tpu.memory_space<hbm>>
      %dma_start3A_656 = arith.constant 0 : i32
      %dma_start3A_657 = tpu.memref_slice %arg12[%mul3A_644, %dma_start3A_656] : memref<10240x128xf32, #tpu.memory_space<vmem_shared>> -> memref<640x128xf32, #tpu.memory_space<vmem_shared>>
      tpu.enqueue_dma source(%dma_start3A_657 : memref<640x128xf32, #tpu.memory_space<vmem_shared>>) target(%dma_start3A_655 : memref<640x128xf32, #tpu.memory_space<hbm>>) target_semaphore(%run_scoped3A_652 : memref<!tpu.dma_semaphore, #tpu.memory_space<semaphore_mem>>)
      %dma_wait3A_658 = arith.constant 0 : i32
      %dma_wait3A_659 = tpu.memref_slice %arg4[%arg0, %mul3A_644, %dma_wait3A_658] : memref<2x10240x128xf32, #tpu.memory_space<hbm>> -> memref<1x640x128xf32, #tpu.memory_space<hbm>>
      %dma_wait3A_660 = tpu.memref_squeeze %dma_wait3A_659 : memref<1x640x128xf32, #tpu.memory_space<hbm>> -> memref<640x128xf32, #tpu.memory_space<hbm>>
      %dma_wait3A_661 = arith.constant 0 : i32
      %dma_wait3A_662 = tpu.memref_slice %arg12[%mul3A_644, %dma_wait3A_661] : memref<10240x128xf32, #tpu.memory_space<vmem_shared>> -> memref<640x128xf32, #tpu.memory_space<vmem_shared>>
      tpu.wait_dma2 semaphore(%run_scoped3A_652 : memref<!tpu.dma_semaphore, #tpu.memory_space<semaphore_mem>>) src(%dma_wait3A_662 : memref<640x128xf32, #tpu.memory_space<vmem_shared>>) dst(%dma_wait3A_660 : memref<640x128xf32, #tpu.memory_space<hbm>>)
      tpu.yield
    }) : () -> ()
    %mul3A_645 = arith.constant 640 : i32
    %mul3A_646 = arith.muli %arg1, %mul3A_645 : i32
    %mul3A_647 = arith.constant 10240 : i32
    %mul3A_648 = arith.muli %arg0, %mul3A_647 : i32
    %mul3A_649 = arith.constant 640 : i32
    %mul3A_650 = arith.muli %arg1, %mul3A_649 : i32
    %add3A_651 = arith.addi %mul3A_648, %mul3A_650 : i32
    "tpu.region"() ({
      %run_scoped3A_652 = tpu.sem_alloc : memref<!tpu.dma_semaphore, #tpu.memory_space<semaphore_mem>>
      %dma_start3A_653 = tpu.memref_slice %arg5[%add3A_651] : memref<20480xf32, #tpu.memory_space<hbm>> -> memref<640xf32, #tpu.memory_space<hbm>>
      %dma_start3A_654 = tpu.memref_slice %arg24[%mul3A_646] : memref<10240xf32, #tpu.memory_space<vmem_shared>> -> memref<640xf32, #tpu.memory_space<vmem_shared>>
      tpu.enqueue_dma source(%dma_start3A_654 : memref<640xf32, #tpu.memory_space<vmem_shared>>) target(%dma_start3A_653 : memref<640xf32, #tpu.memory_space<hbm>>) target_semaphore(%run_scoped3A_652 : memref<!tpu.dma_semaphore, #tpu.memory_space<semaphore_mem>>)
      %dma_wait3A_655 = tpu.memref_slice %arg5[%add3A_651] : memref<20480xf32, #tpu.memory_space<hbm>> -> memref<640xf32, #tpu.memory_space<hbm>>
      %dma_wait3A_656 = tpu.memref_slice %arg24[%mul3A_646] : memref<10240xf32, #tpu.memory_space<vmem_shared>> -> memref<640xf32, #tpu.memory_space<vmem_shared>>
      tpu.wait_dma2 semaphore(%run_scoped3A_652 : memref<!tpu.dma_semaphore, #tpu.memory_space<semaphore_mem>>) src(%dma_wait3A_656 : memref<640xf32, #tpu.memory_space<vmem_shared>>) dst(%dma_wait3A_655 : memref<640xf32, #tpu.memory_space<hbm>>)
      tpu.yield
    }) : () -> ()
    return
  }
}

module attributes {stable_mosaic.version = 14 : i64} {
  func.func @body(%arg0: i32, %arg1: memref<2x1000x128xf32, #tpu.memory_space<vmem>>, %arg2: memref<2x1000x1xf32, #tpu.memory_space<vmem>>, %arg3: memref<1000x128xf32, #tpu.memory_space<vmem>>, %arg4: memref<128x128xf32, #tpu.memory_space<vmem>>, %arg5: memref<1x128xf32, #tpu.memory_space<vmem>>, %arg6: memref<128x128xf32, #tpu.memory_space<vmem>>, %arg7: memref<1000x128xf32, #tpu.memory_space<vmem>>) attributes {dimension_semantics = [#tpu.dimension_semantics<arbitrary>], iteration_bounds = array<i64: 10>, scalar_prefetch = 0 : i64, scratch_operands = 0 : i64, tpu.core_type = #tpu.core_type<tc>, window_params = [{transform_indices = @transform_0, window_bounds = array<i64: 2, 1000, 128>}, {transform_indices = @transform_1, window_bounds = array<i64: 2, 1000, 1>}, {transform_indices = @transform_2, window_bounds = array<i64: 1000, 128>}, {pipeline_mode = #tpu.pipeline_mode<synchronous>, transform_indices = @transform_3, window_bounds = array<i64: 128, 128>}, {pipeline_mode = #tpu.pipeline_mode<synchronous>, transform_indices = @transform_4, window_bounds = array<i64: 1, 128>}, {pipeline_mode = #tpu.pipeline_mode<synchronous>, transform_indices = @transform_5, window_bounds = array<i64: 128, 128>}, {transform_indices = @transform_6, window_bounds = array<i64: 1000, 128>}]} {
    %get3A = arith.constant 0 : index
    %get3A_0 = arith.constant 0 : index
    %get3A_1 = arith.constant 0 : index
    %get3A_2 = vector.load %arg1[%get3A, %get3A_0, %get3A_1] : memref<2x1000x128xf32, #tpu.memory_space<vmem>>, vector<1x1000x128xf32>
    %get3A_3 = vector.shape_cast %get3A_2 : vector<1x1000x128xf32> to vector<1000x128xf32>
    %get3A_4 = arith.constant 1 : index
    %get3A_5 = arith.constant 0 : index
    %get3A_6 = arith.constant 0 : index
    %get3A_7 = vector.load %arg1[%get3A_4, %get3A_5, %get3A_6] : memref<2x1000x128xf32, #tpu.memory_space<vmem>>, vector<1x1000x128xf32>
    %get3A_8 = vector.shape_cast %get3A_7 : vector<1x1000x128xf32> to vector<1000x128xf32>
    %add3A = arith.addf %get3A_3, %get3A_8 : vector<1000x128xf32>
    %get3A_9 = arith.constant 0 : index
    %get3A_10 = arith.constant 0 : index
    %get3A_11 = arith.constant 0 : index
    %get3A_12 = vector.load %arg2[%get3A_9, %get3A_10, %get3A_11] : memref<2x1000x1xf32, #tpu.memory_space<vmem>>, vector<1x1000x1xf32>
    %get3A_13 = vector.shape_cast %get3A_12 : vector<1x1000x1xf32> to vector<1000x1xf32>
    %get3A_14 = arith.constant 1 : index
    %get3A_15 = arith.constant 0 : index
    %get3A_16 = arith.constant 0 : index
    %get3A_17 = vector.load %arg2[%get3A_14, %get3A_15, %get3A_16] : memref<2x1000x1xf32, #tpu.memory_space<vmem>>, vector<1x1000x1xf32>
    %get3A_18 = vector.shape_cast %get3A_17 : vector<1x1000x1xf32> to vector<1000x1xf32>
    %add3A_19 = arith.addf %get3A_13, %get3A_18 : vector<1000x1xf32>
    %max3A = arith.constant 1.000000e+00 : f32
    %max3A_20 = vector.broadcast %max3A : f32 to vector<1000x1xf32>
    %max3A_21 = arith.maximumf %add3A_19, %max3A_20 : vector<1000x1xf32>
    %div3A = vector.broadcast %max3A_21 : vector<1000x1xf32> to vector<1000x128xf32>
    %div3A_22 = arith.divf %add3A, %div3A : vector<1000x128xf32>
    %get3A_23 = arith.constant 0 : index
    %get3A_24 = arith.constant 0 : index
    %get3A_25 = vector.load %arg4[%get3A_23, %get3A_24] : memref<128x128xf32, #tpu.memory_space<vmem>>, vector<128x128xf32>
    %dot_general3A = arith.constant dense<0.000000e+00> : vector<1000x128xf32>
    %dot_general3A_26 = tpu.matmul %div3A_22, %get3A_25, %dot_general3A {dimension_numbers = #tpu.dot_dimension_numbers<[1], [0], [0], [1], [0, 0, 1, 1], [], []>, transpose_lhs_hint = false} : vector<1000x128xf32>, vector<128x128xf32>, vector<1000x128xf32> -> vector<1000x128xf32>
    %get3A_27 = arith.constant 0 : index
    %get3A_28 = arith.constant 0 : index
    %get3A_29 = vector.load %arg5[%get3A_27, %get3A_28] : memref<1x128xf32, #tpu.memory_space<vmem>>, vector<1x128xf32>
    %add3A_30 = vector.broadcast %get3A_29 : vector<1x128xf32> to vector<1000x128xf32>
    %add3A_31 = arith.addf %dot_general3A_26, %add3A_30 : vector<1000x128xf32>
    %get3A_32 = arith.constant 0 : index
    %get3A_33 = arith.constant 0 : index
    %get3A_34 = vector.load %arg3[%get3A_32, %get3A_33] : memref<1000x128xf32, #tpu.memory_space<vmem>>, vector<1000x128xf32>
    %get3A_35 = arith.constant 0 : index
    %get3A_36 = arith.constant 0 : index
    %get3A_37 = vector.load %arg6[%get3A_35, %get3A_36] : memref<128x128xf32, #tpu.memory_space<vmem>>, vector<128x128xf32>
    %dot_general3A_38 = arith.constant dense<0.000000e+00> : vector<1000x128xf32>
    %dot_general3A_39 = tpu.matmul %get3A_34, %get3A_37, %dot_general3A_38 {dimension_numbers = #tpu.dot_dimension_numbers<[1], [0], [0], [1], [0, 0, 1, 1], [], []>, transpose_lhs_hint = false} : vector<1000x128xf32>, vector<128x128xf32>, vector<1000x128xf32> -> vector<1000x128xf32>
    %add3A_40 = arith.addf %add3A_31, %dot_general3A_39 : vector<1000x128xf32>
    %mul3A = arith.mulf %add3A_40, %add3A_40 : vector<1000x128xf32>
    %reduce_sum3A = arith.constant dense<0.000000e+00> : vector<1000xf32>
    %reduce_sum3A_41 = vector.multi_reduction <add>, %mul3A, %reduce_sum3A [1] : vector<1000x128xf32> to vector<1000xf32>
    %broadcast_in_dim3A = vector.shape_cast %reduce_sum3A_41 : vector<1000xf32> to vector<1000x1xf32>
    %sqrt3A = math.sqrt %broadcast_in_dim3A : vector<1000x1xf32>
    %max3A_42 = arith.constant 9.99999996E-13 : f32
    %max3A_43 = vector.broadcast %max3A_42 : f32 to vector<1000x1xf32>
    %max3A_44 = arith.maximumf %sqrt3A, %max3A_43 : vector<1000x1xf32>
    %div3A_45 = vector.broadcast %max3A_44 : vector<1000x1xf32> to vector<1000x128xf32>
    %div3A_46 = arith.divf %add3A_40, %div3A_45 : vector<1000x128xf32>
    %max3A_47 = arith.constant 0.000000e+00 : f32
    %max3A_48 = vector.broadcast %max3A_47 : f32 to vector<1000x128xf32>
    %max3A_49 = arith.maximumf %div3A_46, %max3A_48 : vector<1000x128xf32>
    %swap3A = arith.constant 0 : index
    %swap3A_50 = arith.constant 0 : index
    %swap3A_51 = vector.load %arg7[%swap3A, %swap3A_50] : memref<1000x128xf32, #tpu.memory_space<vmem>>, vector<1000x128xf32>
    tpu.vector_store %arg7[%swap3A, %swap3A_50], %max3A_49 {strides = array<i32>} : memref<1000x128xf32, #tpu.memory_space<vmem>>, vector<1000x128xf32>,
    return
  }
  func.func @transform_0(%arg0: i32) -> (i32, i32, i32) {
    %c0_i32 = arith.constant 0 : i32
    %c0_i32_0 = arith.constant 0 : i32
    %c0_i32_1 = arith.constant 0 : i32
    return %c0_i32, %arg0, %c0_i32_0 : i32, i32, i32
  }
  func.func @transform_1(%arg0: i32) -> (i32, i32, i32) {
    %c0_i32 = arith.constant 0 : i32
    %c0_i32_0 = arith.constant 0 : i32
    %c0_i32_1 = arith.constant 0 : i32
    return %c0_i32, %arg0, %c0_i32_0 : i32, i32, i32
  }
  func.func @transform_2(%arg0: i32) -> (i32, i32) {
    %c0_i32 = arith.constant 0 : i32
    %c0_i32_0 = arith.constant 0 : i32
    return %arg0, %c0_i32 : i32, i32
  }
  func.func @transform_3(%arg0: i32) -> (i32, i32) {
    %c0_i32 = arith.constant 0 : i32
    %c0_i32_0 = arith.constant 0 : i32
    %c0_i32_1 = arith.constant 0 : i32
    return %c0_i32, %c0_i32_0 : i32, i32
  }
  func.func @transform_4(%arg0: i32) -> (i32, i32) {
    %c0_i32 = arith.constant 0 : i32
    %c0_i32_0 = arith.constant 0 : i32
    %c0_i32_1 = arith.constant 0 : i32
    return %c0_i32, %c0_i32_0 : i32, i32
  }
  func.func @transform_5(%arg0: i32) -> (i32, i32) {
    %c0_i32 = arith.constant 0 : i32
    %c0_i32_0 = arith.constant 0 : i32
    %c0_i32_1 = arith.constant 0 : i32
    return %c0_i32, %c0_i32_0 : i32, i32
  }
  func.func @transform_6(%arg0: i32) -> (i32, i32) {
    %c0_i32 = arith.constant 0 : i32
    %c0_i32_0 = arith.constant 0 : i32
    return %arg0, %c0_i32 : i32, i32
  }
}

module attributes {stable_mosaic.version = 14 : i64} {
  func.func @body(%arg0: i32, %arg1: memref<2x1000x128xf32, #tpu.memory_space<vmem>>, %arg2: memref<2x1000x1xf32, #tpu.memory_space<vmem>>, %arg3: memref<1000x128xf32, #tpu.memory_space<vmem>>, %arg4: memref<128x128xf32, #tpu.memory_space<vmem>>, %arg5: memref<1x128xf32, #tpu.memory_space<vmem>>, %arg6: memref<128x128xf32, #tpu.memory_space<vmem>>, %arg7: memref<1000x128xf32, #tpu.memory_space<vmem>>) attributes {dimension_semantics = [#tpu.dimension_semantics<arbitrary>], iteration_bounds = array<i64: 10>, scalar_prefetch = 0 : i64, scratch_operands = 0 : i64, tpu.core_type = #tpu.core_type<tc>, window_params = [{transform_indices = @transform_0, window_bounds = array<i64: 2, 1000, 128>}, {transform_indices = @transform_1, window_bounds = array<i64: 2, 1000, 1>}, {transform_indices = @transform_2, window_bounds = array<i64: 1000, 128>}, {pipeline_mode = #tpu.pipeline_mode<synchronous>, transform_indices = @transform_3, window_bounds = array<i64: 128, 128>}, {pipeline_mode = #tpu.pipeline_mode<synchronous>, transform_indices = @transform_4, window_bounds = array<i64: 1, 128>}, {pipeline_mode = #tpu.pipeline_mode<synchronous>, transform_indices = @transform_5, window_bounds = array<i64: 128, 128>}, {transform_indices = @transform_6, window_bounds = array<i64: 1000, 128>}]} {
    %get3A = arith.constant 0 : index
    %get3A_0 = arith.constant 0 : index
    %get3A_1 = arith.constant 0 : index
    %get3A_2 = vector.load %arg1[%get3A, %get3A_0, %get3A_1] : memref<2x1000x128xf32, #tpu.memory_space<vmem>>, vector<1x1000x128xf32>
    %get3A_3 = vector.shape_cast %get3A_2 : vector<1x1000x128xf32> to vector<1000x128xf32>
    %get3A_4 = arith.constant 1 : index
    %get3A_5 = arith.constant 0 : index
    %get3A_6 = arith.constant 0 : index
    %get3A_7 = vector.load %arg1[%get3A_4, %get3A_5, %get3A_6] : memref<2x1000x128xf32, #tpu.memory_space<vmem>>, vector<1x1000x128xf32>
    %get3A_8 = vector.shape_cast %get3A_7 : vector<1x1000x128xf32> to vector<1000x128xf32>
    %add3A = arith.addf %get3A_3, %get3A_8 : vector<1000x128xf32>
    %get3A_9 = arith.constant 0 : index
    %get3A_10 = arith.constant 0 : index
    %get3A_11 = arith.constant 0 : index
    %get3A_12 = vector.load %arg2[%get3A_9, %get3A_10, %get3A_11] : memref<2x1000x1xf32, #tpu.memory_space<vmem>>, vector<1x1000x1xf32>
    %get3A_13 = vector.shape_cast %get3A_12 : vector<1x1000x1xf32> to vector<1000x1xf32>
    %get3A_14 = arith.constant 1 : index
    %get3A_15 = arith.constant 0 : index
    %get3A_16 = arith.constant 0 : index
    %get3A_17 = vector.load %arg2[%get3A_14, %get3A_15, %get3A_16] : memref<2x1000x1xf32, #tpu.memory_space<vmem>>, vector<1x1000x1xf32>
    %get3A_18 = vector.shape_cast %get3A_17 : vector<1x1000x1xf32> to vector<1000x1xf32>
    %add3A_19 = arith.addf %get3A_13, %get3A_18 : vector<1000x1xf32>
    %max3A = arith.constant 1.000000e+00 : f32
    %max3A_20 = vector.broadcast %max3A : f32 to vector<1000x1xf32>
    %max3A_21 = arith.maximumf %add3A_19, %max3A_20 : vector<1000x1xf32>
    %div3A = vector.broadcast %max3A_21 : vector<1000x1xf32> to vector<1000x128xf32>
    %div3A_22 = arith.divf %add3A, %div3A : vector<1000x128xf32>
    %get3A_23 = arith.constant 0 : index
    %get3A_24 = arith.constant 0 : index
    %get3A_25 = vector.load %arg4[%get3A_23, %get3A_24] : memref<128x128xf32, #tpu.memory_space<vmem>>, vector<128x128xf32>
    %dot_general3A = arith.constant dense<0.000000e+00> : vector<1000x128xf32>
    %dot_general3A_26 = tpu.matmul %div3A_22, %get3A_25, %dot_general3A {dimension_numbers = #tpu.dot_dimension_numbers<[1], [0], [0], [1], [0, 0, 1, 1], [], []>, transpose_lhs_hint = false} : vector<1000x128xf32>, vector<128x128xf32>, vector<1000x128xf32> -> vector<1000x128xf32>
    %get3A_27 = arith.constant 0 : index
    %get3A_28 = arith.constant 0 : index
    %get3A_29 = vector.load %arg5[%get3A_27, %get3A_28] : memref<1x128xf32, #tpu.memory_space<vmem>>, vector<1x128xf32>
    %add3A_30 = vector.broadcast %get3A_29 : vector<1x128xf32> to vector<1000x128xf32>
    %add3A_31 = arith.addf %dot_general3A_26, %add3A_30 : vector<1000x128xf32>
    %get3A_32 = arith.constant 0 : index
    %get3A_33 = arith.constant 0 : index
    %get3A_34 = vector.load %arg3[%get3A_32, %get3A_33] : memref<1000x128xf32, #tpu.memory_space<vmem>>, vector<1000x128xf32>
    %get3A_35 = arith.constant 0 : index
    %get3A_36 = arith.constant 0 : index
    %get3A_37 = vector.load %arg6[%get3A_35, %get3A_36] : memref<128x128xf32, #tpu.memory_space<vmem>>, vector<128x128xf32>
    %dot_general3A_38 = arith.constant dense<0.000000e+00> : vector<1000x128xf32>
    %dot_general3A_39 = tpu.matmul %get3A_34, %get3A_37, %dot_general3A_38 {dimension_numbers = #tpu.dot_dimension_numbers<[1], [0], [0], [1], [0, 0, 1, 1], [], []>, transpose_lhs_hint = false} : vector<1000x128xf32>, vector<128x128xf32>, vector<1000x128xf32> -> vector<1000x128xf32>
    %add3A_40 = arith.addf %add3A_31, %dot_general3A_39 : vector<1000x128xf32>
    %mul3A = arith.mulf %add3A_40, %add3A_40 : vector<1000x128xf32>
    %reduce_sum3A = arith.constant dense<0.000000e+00> : vector<1000xf32>
    %reduce_sum3A_41 = vector.multi_reduction <add>, %mul3A, %reduce_sum3A [1] : vector<1000x128xf32> to vector<1000xf32>
    %broadcast_in_dim3A = vector.shape_cast %reduce_sum3A_41 : vector<1000xf32> to vector<1000x1xf32>
    %sqrt3A = math.sqrt %broadcast_in_dim3A : vector<1000x1xf32>
    %max3A_42 = arith.constant 9.99999996E-13 : f32
    %max3A_43 = vector.broadcast %max3A_42 : f32 to vector<1000x1xf32>
    %max3A_44 = arith.maximumf %sqrt3A, %max3A_43 : vector<1000x1xf32>
    %div3A_45 = vector.broadcast %max3A_44 : vector<1000x1xf32> to vector<1000x128xf32>
    %div3A_46 = arith.divf %add3A_40, %div3A_45 : vector<1000x128xf32>
    %swap3A = arith.constant 0 : index
    %swap3A_47 = arith.constant 0 : index
    %swap3A_48 = vector.load %arg7[%swap3A, %swap3A_47] : memref<1000x128xf32, #tpu.memory_space<vmem>>, vector<1000x128xf32>
    tpu.vector_store %arg7[%swap3A, %swap3A_47], %div3A_46 {strides = array<i32>} : memref<1000x128xf32, #tpu.memory_space<vmem>>, vector<1000x128xf32>,
    return
  }
  func.func @transform_0(%arg0: i32) -> (i32, i32, i32) {
    %c0_i32 = arith.constant 0 : i32
    %c0_i32_0 = arith.constant 0 : i32
    %c0_i32_1 = arith.constant 0 : i32
    return %c0_i32, %arg0, %c0_i32_0 : i32, i32, i32
  }
  func.func @transform_1(%arg0: i32) -> (i32, i32, i32) {
    %c0_i32 = arith.constant 0 : i32
    %c0_i32_0 = arith.constant 0 : i32
    %c0_i32_1 = arith.constant 0 : i32
    return %c0_i32, %arg0, %c0_i32_0 : i32, i32, i32
  }
  func.func @transform_2(%arg0: i32) -> (i32, i32) {
    %c0_i32 = arith.constant 0 : i32
    %c0_i32_0 = arith.constant 0 : i32
    return %arg0, %c0_i32 : i32, i32
  }
  func.func @transform_3(%arg0: i32) -> (i32, i32) {
    %c0_i32 = arith.constant 0 : i32
    %c0_i32_0 = arith.constant 0 : i32
    %c0_i32_1 = arith.constant 0 : i32
    return %c0_i32, %c0_i32_0 : i32, i32
  }
  func.func @transform_4(%arg0: i32) -> (i32, i32) {
    %c0_i32 = arith.constant 0 : i32
    %c0_i32_0 = arith.constant 0 : i32
    %c0_i32_1 = arith.constant 0 : i32
    return %c0_i32, %c0_i32_0 : i32, i32
  }
  func.func @transform_5(%arg0: i32) -> (i32, i32) {
    %c0_i32 = arith.constant 0 : i32
    %c0_i32_0 = arith.constant 0 : i32
    %c0_i32_1 = arith.constant 0 : i32
    return %c0_i32, %c0_i32_0 : i32, i32
  }
  func.func @transform_6(%arg0: i32) -> (i32, i32) {
    %c0_i32 = arith.constant 0 : i32
    %c0_i32_0 = arith.constant 0 : i32
    return %arg0, %c0_i32 : i32, i32
  }
}

</mosaic_0001>

<sc_bundles>
// kernel: kernel.6.cloned.1.call-start
scs
__scs_entry_jumppad:
0x0: {  	(pc) =	sbr.rel $0x88, $3  }
0x1: {  	(tag) =	ssettag $0x0;
	lr =	simm.s32 $0x1  }
0x2: {  	[smem:$0x3F99] =	sst lr;
	_ =	strace $0xD0000000  }
0x3: {  	_ = 	snop  }
0x4: {  	_ = 	snop  }
0x5: {  	_ = 	snop  }
0x6: {  	_ = 	snop  }
0x7: {  	_ = 	snop  }
__scs_overlays_trampoline_lowered:
0x8: {  	[smem:$0x3FA8] =	sst s0  }
0x9: {  	[smem:$0x3FA9] =	sst s1  }
0xa: {  	[smem:$0x3FAA] =	sst s2  }
0xb: {  	[smem:$0x3FAB] =	sst s3  }
0xc: {  	[smem:$0x3FAC] =	sst s4  }
0xd: {  	[smem:$0x3FAD] =	sst s5  }
0xe: {  	[smem:$0x3FAE] =	sst s6  }
0xf: {  	[smem:$0x3FAF] =	sst s7  }
0x10: {  	[smem:$0x3FB0] =	sst s8  }
0x11: {  	[smem:$0x3FB1] =	sst s9;
	s0 =	simm.s32 @!p0 $0x0  }
0x12: {  	s1 =	sld [smem:$0x3F97];
	s0 =	simm.s32 @p0 $0x1  }
0x13: {  	[smem:$0x3FB2] =	sst s0;
	s0 =	simm.s32 @!p1 $0x0  }
0x14: {  	s2 =	sld [smem:$0x3F96];
	s0 =	simm.s32 @p1 $0x1  }
0x15: {  	[smem:$0x3FB3] =	sst s0;
	s0 =	simm.s32 @!p2 $0x0  }
0x16: {  	s3 =	sld [smem:$0x3FDB];
	s0 =	simm.s32 @p2 $0x1  }
0x17: {  	s4 =	simm.s32 $0x1BF5;
	[smem:$0x3FB5] =	sst s0  }
0x18: {  	s0 =	sld [smem:$0x3F98];
	_ =	swait.ge [sflag:s4], $0x0  }
0x19: {  	s7 =	sld [smem:$0x3F99]  }
0x1a: {  	s8 =	sadd.s32 $0xFFFFE003, lr  }
0x1b: {  	s9 =	sadd.s32 $0xFFFFFEF7, lr;
	s5 =	simm.s32 $0xFFFFFFFF;
	p2 =	slt.u32 s8, $0xFFFFF086  }
0x1c: {  	p1 =	slt.u32 s9, $0xF7A;
	s5 =	simm.s32 @!p2 $0x0  }
0x1d: {  	s5 =	simm.s32 @p1 $0x1;
	p0 =	seq.s32 s7, s2  }
0x1e: {  	s7 =	smul.u32 @!p0 $0xF7A, s2;
	p2 =	seq.s32 @!p0 s5, $0x0  }
0x1f: {  	s9 =	smul.u32 $0xF7A, s1;
	s8 =	simm.s32 @!p0 $0x1BF5;
	p2 =	por !p2, p0  }
0x20: {  	[sflag:s8] =	ssyncset.s32 @!p0 $0xFFFFF086;
	s6 =	sadd.s32 @!p0 s3, s7;
	s7 =	simm.s32 @!p0 $0x108  }
0x21: {  	s3 =	sadd.s32 s3, s9;
	s6 =	sadd.s32 @!p0 $0x88, s6;
	s7 =	simm.s32 @p2 $0x1082  }
0x22: {  	[simem:s7], [sflag:s8] =	dma.local @!p0 [hbm:s6], $0xF7A  }
0x23: {  	s9 =	sor.u32 $0xD0000000, s2;
	s6 =	simm.s32 $0x108;
	_ =	swait.ge @!p0 [sflag:s8], $0x0  }
0x24: {  	s3 =	sadd.s32 $0x88, s3;
	s6 =	simm.s32 @!p1 $0x1082;
	[sflag:s4] =	ssyncset.s32 $0xFFFFF086  }
0x25: {  	[simem:s6], [sflag:s4] =	dma.local [hbm:s3], $0xF7A  }
0x26: {  	[smem:$0x3F99] =	sst s1;
	(tag) =	ssettag s2;
	_ =	strace s9  }
0x27: {  	s1 =	sld [smem:$0x3FA9]  }
0x28: {  	s2 =	sld [smem:$0x3FAA]  }
0x29: {  	s4 =	sld [smem:$0x3FAC]  }
0x2a: {  	p0 =	seq.s32 s5, $0x0;
	s5 =	sld [smem:$0x3FAD]  }
0x2b: {  	s6 =	sld [smem:$0x3FAE]  }
0x2c: {  	s7 =	sld [smem:$0x3FAF]  }
0x2d: {  	s3 =	simm.s32 $0x108;
	s8 =	sld [smem:$0x3FB0]  }
0x2e: {  	s3 =	simm.s32 @!p0 $0x1082;
	s9 =	sld [smem:$0x3FB1]  }
0x2f: {  	lr =	sadd.s32 s0, s3;
	s0 =	sld [smem:$0x3FA8]  }
0x30: {  	s3 =	sld [smem:$0x3FAB]  }
0x31: {  	[smem:$0x3FB4] =	sst s10  }
0x32: {  	s10 =	sld [smem:$0x3FB2];
	_ =	sdelay $0x3  }
0x33: {  	p0 =	seq.s32 s10, $0x1;
	s10 =	sld [smem:$0x3FB4];
	_ =	sdelay $0x3  }
0x34: {  	[smem:$0x3FB4] =	sst s10  }
0x35: {  	s10 =	sld [smem:$0x3FB3];
	_ =	sdelay $0x3  }
0x36: {  	p1 =	seq.s32 s10, $0x1;
	s10 =	sld [smem:$0x3FB4];
	_ =	sdelay $0x3  }
0x37: {  	[smem:$0x3FB4] =	sst s10  }
0x38: {  	s10 =	sld [smem:$0x3FB5]  }
0x39: {  	_ = 	snop;
	(pc) =	sbr.ind lr, $3  }
0x3a: {  	_ = 	snop  }
0x3b: {  	_ = 	snop  }
0x3c: {  	p2 =	seq.s32 s10, $0x1;
	s10 =	sld [smem:$0x3FB4]  }
0x3d: {  	_ =	shalt  }
0x3e: {  	_ =	shalt  }
0x3f: {  	_ =	shalt  }
0x40: {  	_ =	shalt  }
0x41: {  	_ =	shalt  }
0x42: {  	_ =	shalt  }
0x43: {  	_ =	shalt  }
0x44: {  	_ =	shalt  }
0x45: {  	_ =	shalt  }
0x46: {  	_ =	shalt  }
0x47: {  	_ =	shalt  }
0x48: {  	_ =	shalt  }
0x49: {  	_ =	shalt  }
0x4a: {  	_ =	shalt  }
0x4b: {  	_ =	shalt  }
0x4c: {  	_ =	shalt  }
0x4d: {  	_ =	shalt  }
0x4e: {  	_ =	shalt  }
0x4f: {  	_ =	shalt  }
0x50: {  	_ =	shalt  }
0x51: {  	_ =	shalt  }
0x52: {  	_ =	shalt  }
0x53: {  	_ =	shalt  }
0x54: {  	_ =	shalt  }
0x55: {  	_ =	shalt  }
0x56: {  	_ =	shalt  }
0x57: {  	_ =	shalt  }
0x58: {  	_ =	shalt  }
0x59: {  	_ =	shalt  }
0x5a: {  	_ =	shalt  }
0x5b: {  	_ =	shalt  }
0x5c: {  	_ =	shalt  }
0x5d: {  	_ =	shalt  }
0x5e: {  	_ =	shalt  }
0x5f: {  	_ =	shalt  }
0x60: {  	_ =	shalt  }
0x61: {  	_ =	shalt  }
0x62: {  	_ =	shalt  }
0x63: {  	_ =	shalt  }
0x64: {  	_ =	shalt  }
0x65: {  	_ =	shalt  }
0x66: {  	_ =	shalt  }
0x67: {  	_ =	shalt  }
0x68: {  	_ =	shalt  }
0x69: {  	_ =	shalt  }
0x6a: {  	_ =	shalt  }
0x6b: {  	_ =	shalt  }
0x6c: {  	_ =	shalt  }
0x6d: {  	_ =	shalt  }
0x6e: {  	_ =	shalt  }
0x6f: {  	_ =	shalt  }
0x70: {  	_ =	shalt  }
0x71: {  	_ =	shalt  }
0x72: {  	_ =	shalt  }
0x73: {  	_ =	shalt  }
0x74: {  	_ =	shalt  }
0x75: {  	_ =	shalt  }
0x76: {  	_ =	shalt  }
0x77: {  	_ =	shalt  }
0x78: {  	_ =	shalt  }
0x79: {  	_ =	shalt  }
0x7a: {  	_ =	shalt  }
0x7b: {  	_ =	shalt  }
0x7c: {  	_ =	shalt  }
0x7d: {  	_ =	shalt  }
0x7e: {  	_ =	shalt  }
0x7f: {  	_ =	shalt  }
0x80: {  	_ =	shalt  }
0x81: {  	_ =	shalt  }
0x82: {  	_ =	shalt  }
0x83: {  	_ =	shalt  }
0x84: {  	_ =	shalt  }
0x85: {  	_ =	shalt  }
0x86: {  	_ =	shalt  }
0x87: {  	_ =	shalt  }
.Lfunc_end0:
.L_simem_size_0:
called_computation_lowered:
.L_overlay_start_0:
0x88: {  	s2 =	sld [smem:$0x3FD9]  }
0x89: {  	s3 =	sld [smem:$0x3FFE];
	_ =	sdelay $0x1  }
0x8a: {  	s1 =	srdreg.scid  }
0x8b: {  	s0 =	sand.u32 $0x1, s1  }
0x8c: {  	s17 =	sshll.u32 s0, $0xA;
	s2 =	sadd.s32 s3, s2  }
0x8d: {  	s2 =	sadd.s32 s2, s17  }
0x8e: {  	[smem:$0x3FC0] =	sst s2  }
0x8f: {  	_ = 	snop  }
0x90: {  	s2 =	sld [smem:$0x3FC9]  }
0x91: {  	s18 =	sld [smem:$0x3FD0];
	(tm) =	ssettm $0x1  }
0x92: {  	s4 =	sld [smem:$0x3FFB];
	_ =	sdelay $0x3  }
0x93: {  	_ =	strace s4  }
0x94: {  	s4 =	sld [smem:$0x3FFC];
	_ =	sdelay $0x3  }
0x95: {  	_ =	strace s4  }
0x96: {  	s4 =	sld [smem:$0x3FFD];
	_ =	sdelay $0x3  }
0x97: {  	_ =	strace s4  }
0x98: {  	_ =	strace $0x8FFFFFFF  }
0x99: {  	s19 =	sld [smem:$0x3FDB];
	_ =	sdelay $0x1  }
0x9a: {  	s5 =	simm.s32 $_scs_section_size  }
0x9b: {  	s6 =	simm.s32 $_size__tile_overlayer_lowered;
	s7 =	simm.s32 $_tile_overlayer_lowered  }
0x9c: {  	s22 =	simm.s32 $0x1BFF;
	s21 =	sshll.u32 s7, $0x1;
	s4 =	sadd.s32 s5, s19  }
0x9d: {  	s8 =	simm.s32 $0x0;
	s20 =	sshll.u32 s6, $0x1;
	s6 =	sadd.s32 s21, s4  }
0x9e: {  	[timem:s8], [sflag:s22] =	dma.local [hbm:s6], s20  }
0x9f: {  	_ =	swait.ge [sflag:s22], s20  }
0xa0: {  	s5 =	ssub.s32 $0x0, s20;
	[sflag:s22] =	ssyncset.done $0x0  }
0xa1: {  	[sflag:s22] =	ssyncadd.s32 s5;
	_ =	sdelay $0x1  }
0xa2: {  	s23 =	simm.s32 $0x1B8B  }
0xa3: {  	_ =	swait.ge [sflag:s23], $0x1  }
0xa4: {  	[sflag:s23] =	ssyncset.done $0x0  }
0xa5: {  	s25 =	simm.s32 $0x1B8E;
	s24 =	sld [smem:$0x3FFE];
	[sflag:s23] =	ssyncadd.s32 $0xFFFFFFFF  }
0xa6: {  	s26 =	simm.s32 $execute0_lowered;
	[smem:$0x3FD2] =	sst s25  }
0xa7: {  	s6 =	sshll.u32 s26, $0x1;
	_ =	strace $0x80000046;
	[dreg:$0x1] =	wrdreg $0xFFFFFFFF  }
0xa8: {  	s28 =	simm.s32 $_size_execute0_lowered;
	s4 =	sadd.s32 s4, s6;
	[dreg:$0x0] =	wrdreg $0x0  }
0xa9: {  	s6 =	sshll.u32 s28, $0x1;
	[dreg:$0x2] =	wrdreg s4  }
0xaa: {  	[dreg:$0x3] =	wrdreg s6  }
0xab: {  	[dreg:$0x4] =	wrdreg $0xC0  }
0xac: {  	_ =	task [dreg:s8], $0x5FFFF  }
0xad: {  	[dreg:$0x1] =	wrdreg $0xFFFFFFFF  }
0xae: {  	[dreg:$0x0] =	wrdreg $0x60  }
0xaf: {  	[dreg:$0x2] =	wrdreg s2  }
0xb0: {  	[dreg:$0x3] =	wrdreg s24  }
0xb1: {  	[dreg:$0x4] =	wrdreg s18  }
0xb2: {  	[dreg:$0x5] =	wrdreg $0xB2000  }
0xb3: {  	[dreg:$0x6] =	wrdreg $0x1F5800  }
0xb4: {  	[dreg:$0x7] =	wrdreg $0x9  }
0xb5: {  	_ =	task.clear_ibuf [dreg:s8], $0x8FFFF;
	_ =	strace $0x90000046  }
0xb6: {  	s29 =	simm.s32 $0x9;
	_ =	strace $0x80000048  }
0xb7: {  	_ =	swait.ge [sflag:s29], $0x1  }
0xb8: {  	[sflag:s29] =	ssyncadd.s32 $0xFFFFFFFF  }
0xb9: {  	_ =	strace $0x90000048  }
0xba: {  	_ =	sfence  }
0xbb: {  	s30 =	sld [smem:$0x0];
	_ =	sdelay $0x2  }
0xbc: {  	s31 =	sshll.u32 s1, $0xD;
	s1 =	sshrl.u32 s1, $0x2  }
0xbd: {  	s3 =	sand.u32 $0x4000, s31;
	s1 =	sadd.s32 s1, s30  }
0xbe: {  	s0 =	sor.u32 s3, s0;
	s1 =	sshll.u32 s1, $0x11  }
0xbf: {  	s0 =	sor.u32 s1, s0  }
0xc0: {  	s0 =	sadd.s32 $0x8F2B, s0  }
0xc1: {  	[sflag:s0] =	ssyncadd.remote.s32 $0x1  }
0xc2: {  	_ =	sfence.sel $0xFFFF  }
0xc3: {  	[dreg:$0x0] =	wrdreg $0xFFFFFFFF;
	(pc) =	sbr.abs _section_cstart, $3  }
0xc4: {  	[dreg:$0x1] =	wrdreg $0xFFFFFFFF  }
0xc5: {  	_ =	task.clear_ibuf [dreg:s8], $0x2FFFF;
	_ =	strace $0x9FFFFFFF  }
0xc6: {  	(tm) =	ssettm $0x7FFFFFFF  }
0xc7: {  	_ =	shalt  }
tec
execute0_lowered:
.L_overlay_start_1:
0x0: {  	(tag) =	ssettag $0x1  }
0x1: {  	s1 =	rddreg [dreg:$0x0]  }
0x2: {  	s0 =	rddreg [dreg:$0x1]  }
0x3: {  	s4 =	rddreg [dreg:$0x2]  }
0x4: {  	s2 =	rddreg [dreg:$0x3]  }
0x5: {  	s3 =	rddreg [dreg:$0x4];
	s14 =	stileid.u32  }
0x6: {  	s5 =	srdreg.scid;
	s28 =	simm.s32 $0x3;
	s8 =	smul.u32 $0x14000, s14  }
0x7: {  	s29 =	simm.s32 $0x7;
	s30 =	simm.s32 $0x5;
	s26 =	smul.u32 $0x50000, s14  }
0x8: {  	s31 =	simm.s32 $0xA;
	s7 =	sand.u32 $0x1, s5;
	s17 =	smul.u32 $0x280, s14  }
0x9: {  	s5 =	simm.s32 $0x0;
	s9 =	sshll.u32 s14, $0x1;
	s19 =	smul.u32 $0x4E20, s14  }
0xa: {  	s11 =	sadd.s32 $0x2800, s0;
	s6 =	smul.u32 $0x140000, s7;
	[smem:$0x7FF] =	sst s5  }
0xb: {  	s25 =	ssub.s32 $0x2, s7;
	s9 =	sor.u32 s7, s9;
	s18 =	smul.u32 $0x2800, s7  }
0xc: {  	s7 =	smul.u32 $0x2710, s7;
	_ =	strace $0x80000047;
	s10 =	sshrl.u32 s25, $0x1  }
0xd: {  	s9 =	smul.u32 $0x2710, s9;
	s21 =	sadd.s32 s17, s3;
	s6 =	sadd.s32 s8, s6  }
0xe: {  	s8 =	ssub.s32 s25, s10;
	s25 =	sadd.s32 s17, s18;
	[dreg:$0xa] =	wrdreg s21  }
0xf: {  	s6 =	sshrl.u32 s6, $0x3;
	s9 =	sshrl.u32 s9, $0x3;
	s10 =	sshrl.u32 s25, $0x3  }
0x10: {  	s8 =	smax.u32 s8, $0x1;
	s12 =	sadd.s32 s6, s0;
	s6 =	sadd.s32 $0xC440, s0  }
0x11: {  	s16 =	sadd.s32 s11, s9;
	s0 =	sshrl.u32 s26, $0x2;
	[dreg:$0x12] =	wrdreg s8  }
0x12: {  	s4 =	sadd.s32 s4, s10;
	s8 =	simm.s32 $0x8;
	[dreg:$0x6] =	wrdreg s16  }
0x13: {  	s10 =	simm.s32 $0x0;
	s26 =	sadd.s32 $0x16200, s12;
	[dreg:$0x11] =	wrdreg s4  }
0x14: {  	s15 =	sadd.s32 s9, s6;
	s20 =	sadd.s32 s0, s2;
	[dreg:$0x10] =	wrdreg s26  }
0x15: {  	s9 =	sadd.s32 $0x4E0, s9;
	s0 =	sadd.s32 s7, s19;
	[dreg:$0x7] =	wrdreg s15  }
0x16: {  	s7 =	simm.s32 $0x2900;
	s13 =	sadd.s32 $0x10, s15;
	[dreg:$0x9] =	wrdreg s20  }
0x17: {  	s22 =	sadd.s32 $0x20, s15;
	s23 =	sadd.s32 $0x4B0, s15;
	[dreg:$0x8] =	wrdreg s13  }
0x18: {  	s24 =	sadd.s32 $0x4C0, s15;
	s11 =	sadd.s32 s11, s9;
	[dreg:$0xb] =	wrdreg s22  }
0x19: {  	s9 =	sadd.s32 s9, s6;
	s16 =	sadd.s32 $0x300, s0;
	[dreg:$0xc] =	wrdreg s23  }
0x1a: {  	s17 =	sadd.s32 $0x280, s0;
	s18 =	sadd.s32 $0x200, s0;
	[dreg:$0xd] =	wrdreg s24  }
0x1b: {  	s25 =	sadd.s32 $0xC000, s20;
	s26 =	sadd.s32 $0x10000, s20;
	[dreg:$0xe] =	wrdreg s11  }
0x1c: {  	[dreg:$0xf] =	wrdreg s9;
	s11 =	sadd.s32 $0x400, s0;
	s13 =	sadd.s32 $0x380, s0  }
0x1d: {  	[dreg:$0x15] =	wrdreg s16;
	s0 =	sadd.s32 $0x180, s0;
	s19 =	sshrl.u32 s18, $0x3  }
0x1e: {  	s22 =	sadd.s32 $0x4D0, s15;
	s23 =	sadd.s32 $0x4000, s20;
	[dreg:$0x1c] =	wrdreg s25  }
0x1f: {  	s24 =	sadd.s32 $0x8000, s20;
	[dreg:$0x1d] =	wrdreg s26;
	s15 =	simm.s32 $0x6900  }
0x20: {  	s16 =	simm.s32 $0x2;
	s18 =	simm.s32 $0x1F200;
	[dreg:$0x19] =	wrdreg s22  }
0x21: {  	s26 =	simm.s32 $0x9;
	s12 =	sshrl.u32 s11, $0x3;
	[dreg:$0x1a] =	wrdreg s23  }
0x22: {  	s0 =	sshrl.u32 s0, $0x3;
	[dreg:$0x1b] =	wrdreg s24;
	s4 =	sadd.s32 s12, s6  }
0x23: {  	s14 =	sshrl.u32 s13, $0x3;
	s0 =	sadd.s32 s0, s6;
	[dreg:$0x13] =	wrdreg s4  }
0x24: {  	s13 =	simm.s32 $0x80;
	s4 =	sadd.s32 s14, s6;
	[dreg:$0x18] =	wrdreg s0  }
0x25: {  	s12 =	simm.s32 $0xB;
	[dreg:$0x14] =	wrdreg s4;
	s4 =	sshrl.u32 s17, $0x3  }
0x26: {  	s0 =	simm.s32 $0x2700;
	s14 =	simm.s32 $0x2800;
	s4 =	sadd.s32 s4, s6  }
0x27: {  	s17 =	simm.s32 $0x6;
	[dreg:$0x16] =	wrdreg s4;
	s4 =	sadd.s32 s19, s6  }
0x28: {  	v0 =	vimm.f32 $0.0e+00;
	v1 =	vimm.f32 $1.000000000e+00;
	s19 =	simm.s32 $0x4;
	[dreg:$0x17] =	wrdreg s4;
	s4 =	simm.s32 $0x2780  }
.LBB2_1:
0x29: {  	[dreg:$0x1e] =	wrdreg s10  }
0x2a: {  	s9 =	rddreg [dreg:$0x6]  }
0x2b: {  	[tilespmem:s5], [sflag:$0x1] =	stream.linear.gather [hbm4b:s9+s5], $0x2700, $0x38;
	[tilespmem:$0x1F800] =	vst v63  }
0x2c: {  	s24 =	rddreg [dreg:$0x7]  }
0x2d: {  	[tilespmem:s0], [sflag:$0x6] =	stream.linear.gather [hbm4b:s24+s5], $0x80, $0x38;
	[tilespmem:$0x1F800] =	vst v63  }
0x2e: {  	s25 =	rddreg [dreg:$0x8];
	s10 =	simm.s32 $0x0;
	s11 =	simm.s32 $0x200  }
0x2f: {  	[tilespmem:s4], [sflag:$0x7] =	stream.linear.gather [hbm4b:s25+s5], $0x80, $0x38;
	[tilespmem:$0x1F800] =	vst v63  }
.LBB2_2:
0x30: {  	p0 =	sne.s32 s11, $0xFE00;
	[tilespmem:s10+$0x2970] =	vst v0  }
0x31: {  	[tilespmem:s10+$0x2900] =	vst v0  }
0x32: {  	[tilespmem:s10+$0x2910] =	vst v0  }
.Ltmp0:
0x33: {  	[tilespmem:s10+$0x2920] =	vst v0;
	(pc) =	sbr.rel @p0 .LBB2_2-.Ltmp0, $4  }
0x34: {  	[tilespmem:s10+$0x2930] =	vst v0  }
0x35: {  	[tilespmem:s10+$0x2940] =	vst v0  }
0x36: {  	[tilespmem:s10+$0x2950] =	vst v0  }
0x37: {  	[tilespmem:s10+$0x2960] =	vst v0;
	s10 =	sshra.s32 s11, $0x2;
	s11 =	sadd.s32 $0x200, s11  }
0x38: {  	[tilespmem:s10+$0x2970] =	vst v0  }
0x39: {  	[tilespmem:s10+$0x2900] =	vst v0  }
0x3a: {  	[tilespmem:s10+$0x2910] =	vst v0  }
0x3b: {  	[tilespmem:s10+$0x2920] =	vst v0  }
0x3c: {  	[tilespmem:s10+$0x2930] =	vst v0  }
0x3d: {  	[tilespmem:s10+$0x2940] =	vst v0  }
0x3e: {  	[tilespmem:s10+$0x2950] =	vst v0  }
0x3f: {  	[tilespmem:s10+$0x2960] =	vst v0  }
0x40: {  	[spmem:s20] =	stream.linear.scatter [tilespmem:s7], [sflag:$0xB], $0x4000, $0x38;
	[tilespmem:$0x1F800] =	vst v63  }
0x41: {  	_ =	swait.ge [sflag:s12], $0x4000  }
0x42: {  	[sflag:s12] =	ssyncset.done $0x0  }
0x43: {  	s9 =	rddreg [dreg:$0x1a];
	[sflag:s12] =	ssyncadd.s32 $0xFFFFC000  }
0x44: {  	[spmem:s9] =	stream.linear.scatter [tilespmem:s7], [sflag:$0xB], $0x4000, $0x38;
	[tilespmem:$0x1F800] =	vst v63  }
0x45: {  	_ =	swait.ge [sflag:s12], $0x4000  }
0x46: {  	[sflag:s12] =	ssyncset.done $0x0  }
0x47: {  	s24 =	rddreg [dreg:$0x1b];
	[sflag:s12] =	ssyncadd.s32 $0xFFFFC000  }
0x48: {  	[spmem:s24] =	stream.linear.scatter [tilespmem:s7], [sflag:$0xB], $0x4000, $0x38;
	[tilespmem:$0x1F800] =	vst v63  }
0x49: {  	_ =	swait.ge [sflag:s12], $0x4000  }
0x4a: {  	[sflag:s12] =	ssyncset.done $0x0  }
0x4b: {  	s25 =	rddreg [dreg:$0x1c];
	[sflag:s12] =	ssyncadd.s32 $0xFFFFC000  }
0x4c: {  	[spmem:s25] =	stream.linear.scatter [tilespmem:s7], [sflag:$0xB], $0x4000, $0x38;
	[tilespmem:$0x1F800] =	vst v63  }
0x4d: {  	_ =	swait.ge [sflag:s12], $0x4000  }
0x4e: {  	[sflag:s12] =	ssyncset.done $0x0  }
0x4f: {  	s10 =	rddreg [dreg:$0x1d];
	[sflag:s12] =	ssyncadd.s32 $0xFFFFC000  }
0x50: {  	[spmem:s10] =	stream.linear.scatter [tilespmem:s7], [sflag:$0xB], $0x4000, $0x38;
	[tilespmem:$0x1F800] =	vst v63  }
0x51: {  	_ =	swait.ge [sflag:s12], $0x4000  }
0x52: {  	[sflag:s12] =	ssyncset.done $0x0  }
0x53: {  	[sflag:s12] =	ssyncadd.s32 $0xFFFFC000  }
0x54: {  	[tilespmem:$0x1F200] =	vst v1  }
0x55: {  	[tilespmem:$0x1F210] =	vst v1  }
0x56: {  	[tilespmem:$0x1F220] =	vst v1  }
0x57: {  	[tilespmem:$0x1F230] =	vst v1  }
0x58: {  	[tilespmem:$0x1F240] =	vst v1  }
0x59: {  	[tilespmem:$0x1F250] =	vst v1  }
0x5a: {  	[tilespmem:$0x1F260] =	vst v1  }
0x5b: {  	[tilespmem:$0x1F270] =	vst v1  }
0x5c: {  	[tilespmem:$0x1F280] =	vst v1  }
0x5d: {  	[tilespmem:$0x1F300] =	vst v0  }
0x5e: {  	[tilespmem:$0x1F310] =	vst v0  }
0x5f: {  	[tilespmem:$0x1F320] =	vst v0  }
0x60: {  	[tilespmem:$0x1F330] =	vst v0  }
0x61: {  	[tilespmem:$0x1F340] =	vst v0  }
0x62: {  	[tilespmem:$0x1F350] =	vst v0  }
0x63: {  	[tilespmem:$0x1F360] =	vst v0  }
0x64: {  	[tilespmem:$0x1F370] =	vst v0  }
0x65: {  	[tilespmem:$0x1F380] =	vst v0  }
0x66: {  	[tilespmem:$0x1F390] =	vst v0  }
0x67: {  	[tilespmem:$0x1F3A0] =	vst v0  }
0x68: {  	[tilespmem:$0x1F3B0] =	vst v0  }
0x69: {  	[tilespmem:$0x1F3C0] =	vst v0  }
0x6a: {  	[tilespmem:$0x1F3D0] =	vst v0  }
0x6b: {  	[tilespmem:$0x1F3E0] =	vst v0  }
0x6c: {  	[tilespmem:$0x1F3F0] =	vst v0  }
0x6d: {  	[tilespmem:$0x1F400] =	vst v0  }
0x6e: {  	[tilespmem:$0x1F410] =	vst v0  }
0x6f: {  	[tilespmem:$0x1F420] =	vst v0  }
0x70: {  	[tilespmem:$0x1F430] =	vst v0  }
0x71: {  	[tilespmem:$0x1F440] =	vst v0  }
0x72: {  	[tilespmem:$0x1F450] =	vst v0  }
0x73: {  	[tilespmem:$0x1F460] =	vst v0  }
0x74: {  	[tilespmem:$0x1F470] =	vst v0  }
0x75: {  	[tilespmem:$0x1F480] =	vst v0  }
0x76: {  	[tilespmem:$0x1F490] =	vst v0  }
0x77: {  	[tilespmem:$0x1F4A0] =	vst v0  }
0x78: {  	[tilespmem:$0x1F4B0] =	vst v0  }
0x79: {  	[tilespmem:$0x1F4C0] =	vst v0  }
0x7a: {  	[tilespmem:$0x1F4D0] =	vst v0  }
0x7b: {  	[tilespmem:$0x1F4E0] =	vst v0  }
0x7c: {  	[tilespmem:$0x1F4F0] =	vst v0  }
0x7d: {  	[tilespmem:$0x1F500] =	vst v0  }
0x7e: {  	[tilespmem:$0x1F510] =	vst v0  }
0x7f: {  	[tilespmem:$0x1F520] =	vst v0  }
0x80: {  	[tilespmem:$0x1F530] =	vst v0  }
0x81: {  	[tilespmem:$0x1F540] =	vst v0  }
0x82: {  	[tilespmem:$0x1F550] =	vst v0  }
0x83: {  	[tilespmem:$0x1F560] =	vst v0  }
0x84: {  	s11 =	simm.s32 $0x1F300;
	[tilespmem:$0x1F570] =	vst v0  }
0x85: {  	[spmem:s21] =	stream.linear.scatter [tilespmem:s11], [sflag:$0xB], $0x280, $0x38;
	[tilespmem:$0x1F800] =	vst v63  }
0x86: {  	_ =	swait.ge [sflag:s12], $0x280  }
0x87: {  	[sflag:s12] =	ssyncset.done $0x0  }
0x88: {  	s20 =	simm.s32 $0x1;
	[sflag:s12] =	ssyncadd.s32 $0xFFFFFD80  }
0x89: {  	_ =	swait.ge [sflag:s20], $0x2700  }
0x8a: {  	[sflag:s20] =	ssyncset.done $0x0  }
0x8b: {  	[sflag:s20] =	ssyncadd.s32 $0xFFFFD900  }
0x8c: {  	s21 =	simm.s32 $0x0;
	[bflag:$0x0] =	sbarrier.arrive $0xFFFF  }
0x8d: {  	[tilespmem:s7], [sflag:$0x2] =	stream.indirect.gather [hbm4b:s1+s13], $0x80, s21, s13, $0xb8;
	[tilespmem:$0x1F800] =	vst v63  }
0x8e: {  	s22 =	rddreg [dreg:$0xb]  }
0x8f: {  	[tilespmem:s14], [sflag:$0x8] =	stream.linear.gather [hbm4b:s22+s21], $0x80, $0x38;
	[tilespmem:$0x1F800] =	vst v63  }
0x90: {  	_ = 	snop  }
0x91: {  	[tilespmem:s15], [sflag:$0x3] =	stream.indirect.gather [hbm4b:s1+s13], $0x80, s13, s13, $0xb8;
	[tilespmem:$0x1F800] =	vst v63  }
0x92: {  	_ =	swait.ge [sflag:s16], $0x4000  }
0x93: {  	[sflag:s16] =	ssyncset.done $0x0  }
0x94: {  	[sflag:s16] =	ssyncadd.s32 $0xFFFFC000  }
0x95: {  	_ =	swait.ge [sflag:s17], $0x80  }
0x96: {  	[sflag:s17] =	ssyncset.done $0x0  }
0x97: {  	[sflag:s17] =	ssyncadd.s32 $0xFFFFFF80  }
0x98: {  	[spmem:s2] =	stream.indirect.scatter.add.f32 [tilespmem:s7], [sflag:$0x4], $0x80, s0, s13, $0xb8;
	[tilespmem:$0x1F800] =	vst v63  }
0x99: {  	_ = 	snop  }
0x9a: {  	[spmem:s3] =	stream.indirect.scatter.add.f32 [tilespmem:s18], [sflag:$0x9], $0x1, s0, s13, $0xb8;
	[tilespmem:$0x1F800] =	vst v63  }
0x9b: {  	_ =	swait.ge [sflag:s19], $0x4000  }
0x9c: {  	[sflag:s19] =	ssyncset.done $0x0  }
0x9d: {  	[sflag:s19] =	ssyncadd.s32 $0xFFFFC000  }
0x9e: {  	_ =	swait.ge [sflag:s26], $0x80  }
0x9f: {  	[sflag:s26] =	ssyncset.done $0x0  }
0xa0: {  	s23 =	simm.s32 $0x100;
	[sflag:s26] =	ssyncadd.s32 $0xFFFFFF80  }
0xa1: {  	[tilespmem:s7], [sflag:$0x2] =	stream.indirect.gather [hbm4b:s1+s13], $0x80, s23, s13, $0xb8;
	[tilespmem:$0x1F800] =	vst v63  }
0xa2: {  	s20 =	rddreg [dreg:$0x18]  }
0xa3: {  	[tilespmem:s0], [sflag:$0x6] =	stream.linear.gather [hbm4b:s20+s5], $0x80, $0x38;
	[tilespmem:$0x1F800] =	vst v63  }
0xa4: {  	_ =	swait.ge [sflag:s28], $0x4000  }
0xa5: {  	[sflag:s28] =	ssyncset.done $0x0  }
0xa6: {  	[sflag:s28] =	ssyncadd.s32 $0xFFFFC000  }
0xa7: {  	_ =	swait.ge [sflag:s29], $0x80  }
0xa8: {  	[sflag:s29] =	ssyncset.done $0x0  }
0xa9: {  	[sflag:s29] =	ssyncadd.s32 $0xFFFFFF80  }
0xaa: {  	[spmem:s2] =	stream.indirect.scatter.add.f32 [tilespmem:s15], [sflag:$0x5], $0x80, s4, s13, $0xb8;
	[tilespmem:$0x1F800] =	vst v63  }
0xab: {  	_ = 	snop  }
0xac: {  	[spmem:s3] =	stream.indirect.scatter.add.f32 [tilespmem:s18], [sflag:$0xA], $0x1, s4, s13, $0xb8;
	[tilespmem:$0x1F800] =	vst v63  }
0xad: {  	_ =	swait.ge [sflag:s30], $0x4000  }
0xae: {  	[sflag:s30] =	ssyncset.done $0x0  }
0xaf: {  	[sflag:s30] =	ssyncadd.s32 $0xFFFFC000  }
0xb0: {  	_ =	swait.ge [sflag:s31], $0x80  }
0xb1: {  	[sflag:s31] =	ssyncset.done $0x0  }
0xb2: {  	s24 =	simm.s32 $0x180;
	[sflag:s31] =	ssyncadd.s32 $0xFFFFFF80  }
0xb3: {  	[tilespmem:s15], [sflag:$0x3] =	stream.indirect.gather [hbm4b:s1+s13], $0x80, s24, s13, $0xb8;
	[tilespmem:$0x1F800] =	vst v63  }
0xb4: {  	s22 =	rddreg [dreg:$0x17]  }
0xb5: {  	[tilespmem:s4], [sflag:$0x7] =	stream.linear.gather [hbm4b:s22+s5], $0x80, $0x38;
	[tilespmem:$0x1F800] =	vst v63  }
0xb6: {  	_ =	swait.ge [sflag:s16], $0x4000  }
0xb7: {  	[sflag:s16] =	ssyncset.done $0x0  }
0xb8: {  	[sflag:s16] =	ssyncadd.s32 $0xFFFFC000  }
0xb9: {  	_ =	swait.ge [sflag:s8], $0x80  }
0xba: {  	[sflag:s8] =	ssyncset.done $0x0  }
0xbb: {  	[sflag:s8] =	ssyncadd.s32 $0xFFFFFF80  }
0xbc: {  	[spmem:s2] =	stream.indirect.scatter.add.f32 [tilespmem:s7], [sflag:$0x4], $0x80, s14, s13, $0xb8;
	[tilespmem:$0x1F800] =	vst v63  }
0xbd: {  	_ = 	snop  }
0xbe: {  	[spmem:s3] =	stream.indirect.scatter.add.f32 [tilespmem:s18], [sflag:$0x9], $0x1, s14, s13, $0xb8;
	[tilespmem:$0x1F800] =	vst v63  }
0xbf: {  	_ =	swait.ge [sflag:s19], $0x4000  }
0xc0: {  	[sflag:s19] =	ssyncset.done $0x0  }
0xc1: {  	[sflag:s19] =	ssyncadd.s32 $0xFFFFC000  }
0xc2: {  	_ =	swait.ge [sflag:s26], $0x80  }
0xc3: {  	[sflag:s26] =	ssyncset.done $0x0  }
0xc4: {  	s25 =	simm.s32 $0x200;
	[sflag:s26] =	ssyncadd.s32 $0xFFFFFF80  }
0xc5: {  	[tilespmem:s7], [sflag:$0x2] =	stream.indirect.gather [hbm4b:s1+s13], $0x80, s25, s13, $0xb8;
	[tilespmem:$0x1F800] =	vst v63  }
0xc6: {  	s21 =	rddreg [dreg:$0x16]  }
0xc7: {  	[tilespmem:s14], [sflag:$0x8] =	stream.linear.gather [hbm4b:s21+s5], $0x80, $0x38;
	[tilespmem:$0x1F800] =	vst v63  }
0xc8: {  	_ =	swait.ge [sflag:s28], $0x4000  }
0xc9: {  	[sflag:s28] =	ssyncset.done $0x0  }
0xca: {  	[sflag:s28] =	ssyncadd.s32 $0xFFFFC000  }
0xcb: {  	_ =	swait.ge [sflag:s17], $0x80  }
0xcc: {  	[sflag:s17] =	ssyncset.done $0x0  }
0xcd: {  	[sflag:s17] =	ssyncadd.s32 $0xFFFFFF80  }
0xce: {  	[spmem:s2] =	stream.indirect.scatter.add.f32 [tilespmem:s15], [sflag:$0x5], $0x80, s0, s13, $0xb8;
	[tilespmem:$0x1F800] =	vst v63  }
0xcf: {  	_ = 	snop  }
0xd0: {  	[spmem:s3] =	stream.indirect.scatter.add.f32 [tilespmem:s18], [sflag:$0xA], $0x1, s0, s13, $0xb8;
	[tilespmem:$0x1F800] =	vst v63  }
0xd1: {  	_ =	swait.ge [sflag:s30], $0x4000  }
0xd2: {  	[sflag:s30] =	ssyncset.done $0x0  }
0xd3: {  	[sflag:s30] =	ssyncadd.s32 $0xFFFFC000  }
0xd4: {  	_ =	swait.ge [sflag:s31], $0x80  }
0xd5: {  	[sflag:s31] =	ssyncset.done $0x0;
	s25 =	rddreg [dreg:$0x15]  }
0xd6: {  	s9 =	simm.s32 $0x280;
	[sflag:s31] =	ssyncadd.s32 $0xFFFFFF80;
	s11 =	sshrl.u32 s25, $0x3  }
0xd7: {  	[tilespmem:s15], [sflag:$0x3] =	stream.indirect.gather [hbm4b:s1+s13], $0x80, s9, s13, $0xb8;
	[tilespmem:$0x1F800] =	vst v63  }
0xd8: {  	s11 =	sadd.s32 s6, s11  }
0xd9: {  	[tilespmem:s0], [sflag:$0x6] =	stream.linear.gather [hbm4b:s11+s5], $0x80, $0x38;
	[tilespmem:$0x1F800] =	vst v63  }
0xda: {  	_ =	swait.ge [sflag:s16], $0x4000  }
0xdb: {  	[sflag:s16] =	ssyncset.done $0x0  }
0xdc: {  	[sflag:s16] =	ssyncadd.s32 $0xFFFFC000  }
0xdd: {  	_ =	swait.ge [sflag:s29], $0x80  }
0xde: {  	[sflag:s29] =	ssyncset.done $0x0  }
0xdf: {  	[sflag:s29] =	ssyncadd.s32 $0xFFFFFF80  }
0xe0: {  	[spmem:s2] =	stream.indirect.scatter.add.f32 [tilespmem:s7], [sflag:$0x4], $0x80, s4, s13, $0xb8;
	[tilespmem:$0x1F800] =	vst v63  }
0xe1: {  	_ = 	snop  }
0xe2: {  	[spmem:s3] =	stream.indirect.scatter.add.f32 [tilespmem:s18], [sflag:$0x9], $0x1, s4, s13, $0xb8;
	[tilespmem:$0x1F800] =	vst v63  }
0xe3: {  	_ =	swait.ge [sflag:s19], $0x4000  }
0xe4: {  	[sflag:s19] =	ssyncset.done $0x0  }
0xe5: {  	[sflag:s19] =	ssyncadd.s32 $0xFFFFC000  }
0xe6: {  	_ =	swait.ge [sflag:s26], $0x80  }
0xe7: {  	[sflag:s26] =	ssyncset.done $0x0  }
0xe8: {  	s12 =	simm.s32 $0x300;
	[sflag:s26] =	ssyncadd.s32 $0xFFFFFF80  }
0xe9: {  	[tilespmem:s7], [sflag:$0x2] =	stream.indirect.gather [hbm4b:s1+s13], $0x80, s12, s13, $0xb8;
	[tilespmem:$0x1F800] =	vst v63  }
0xea: {  	s12 =	rddreg [dreg:$0x14]  }
0xeb: {  	[tilespmem:s4], [sflag:$0x7] =	stream.linear.gather [hbm4b:s12+s5], $0x80, $0x38;
	[tilespmem:$0x1F800] =	vst v63  }
0xec: {  	_ =	swait.ge [sflag:s28], $0x4000  }
0xed: {  	[sflag:s28] =	ssyncset.done $0x0  }
0xee: {  	[sflag:s28] =	ssyncadd.s32 $0xFFFFC000  }
0xef: {  	_ =	swait.ge [sflag:s8], $0x80  }
0xf0: {  	[sflag:s8] =	ssyncset.done $0x0  }
0xf1: {  	[sflag:s8] =	ssyncadd.s32 $0xFFFFFF80  }
0xf2: {  	[spmem:s2] =	stream.indirect.scatter.add.f32 [tilespmem:s15], [sflag:$0x5], $0x80, s14, s13, $0xb8;
	[tilespmem:$0x1F800] =	vst v63  }
0xf3: {  	_ = 	snop  }
0xf4: {  	[spmem:s3] =	stream.indirect.scatter.add.f32 [tilespmem:s18], [sflag:$0xA], $0x1, s14, s13, $0xb8;
	[tilespmem:$0x1F800] =	vst v63  }
0xf5: {  	_ =	swait.ge [sflag:s30], $0x4000  }
0xf6: {  	[sflag:s30] =	ssyncset.done $0x0  }
0xf7: {  	[sflag:s30] =	ssyncadd.s32 $0xFFFFC000  }
0xf8: {  	_ =	swait.ge [sflag:s31], $0x80  }
0xf9: {  	[sflag:s31] =	ssyncset.done $0x0  }
0xfa: {  	s23 =	simm.s32 $0x380;
	[sflag:s31] =	ssyncadd.s32 $0xFFFFFF80  }
0xfb: {  	[tilespmem:s15], [sflag:$0x3] =	stream.indirect.gather [hbm4b:s1+s13], $0x80, s23, s13, $0xb8;
	[tilespmem:$0x1F800] =	vst v63  }
0xfc: {  	s24 =	rddreg [dreg:$0x13]  }
0xfd: {  	[tilespmem:s14], [sflag:$0x8] =	stream.linear.gather [hbm4b:s24+s5], $0x80, $0x38;
	[tilespmem:$0x1F800] =	vst v63  }
0xfe: {  	_ =	swait.ge [sflag:s16], $0x4000  }
0xff: {  	[sflag:s16] =	ssyncset.done $0x0  }
0x100: {  	s20 =	sadd.s32 $0x60, s20;
	[sflag:s16] =	ssyncadd.s32 $0xFFFFC000  }
0x101: {  	s22 =	sadd.s32 $0x60, s22;
	s21 =	sadd.s32 $0x60, s21;
	_ =	swait.ge [sflag:s17], $0x80  }
0x102: {  	s25 =	sadd.s32 $0x300, s25;
	s11 =	simm.s32 $0xC00;
	[sflag:s17] =	ssyncset.done $0x0  }
0x103: {  	s23 =	sadd.s32 $0x60, s24;
	s24 =	sadd.s32 $0x60, s12;
	[sflag:s17] =	ssyncadd.s32 $0xFFFFFF80  }
0x104: {  	[spmem:s2] =	stream.indirect.scatter.add.f32 [tilespmem:s7], [sflag:$0x4], $0x80, s0, s13, $0xb8;
	[tilespmem:$0x1F800] =	vst v63  }
.LBB2_4:
0x105: {  	[spmem:s3] =	stream.indirect.scatter.add.f32 [tilespmem:s18], [sflag:$0x9], $0x1, s0, s13, $0xb8;
	[tilespmem:$0x1F800] =	vst v63  }
0x106: {  	s10 =	smov.u32 s11  }
0x107: {  	p0 =	sne.s32 s11, $0x8400;
	s11 =	sadd.s32 $0xC00, s11;
	_ =	swait.ge [sflag:s19], $0x4000  }
0x108: {  	[sflag:s19] =	ssyncset.done $0x0  }
0x109: {  	[sflag:s19] =	ssyncadd.s32 $0xFFFFC000  }
0x10a: {  	_ =	swait.ge [sflag:s26], $0x80  }
0x10b: {  	s10 =	sshra.s32 s10, $0x2;
	[sflag:s26] =	ssyncset.done $0x0  }
0x10c: {  	s12 =	sadd.s32 $0x100, s10;
	[sflag:s26] =	ssyncadd.s32 $0xFFFFFF80  }
0x10d: {  	[tilespmem:s7], [sflag:$0x2] =	stream.indirect.gather [hbm4b:s1+s13], $0x80, s12, s13, $0xb8;
	[tilespmem:$0x1F800] =	vst v63  }
0x10e: {  	_ = 	snop  }
0x10f: {  	[tilespmem:s0], [sflag:$0x6] =	stream.linear.gather [hbm4b:s20+s5], $0x80, $0x38;
	[tilespmem:$0x1F800] =	vst v63  }
0x110: {  	_ =	swait.ge [sflag:s28], $0x4000  }
0x111: {  	[sflag:s28] =	ssyncset.done $0x0  }
0x112: {  	[sflag:s28] =	ssyncadd.s32 $0xFFFFC000  }
0x113: {  	_ =	swait.ge [sflag:s29], $0x80  }
0x114: {  	[sflag:s29] =	ssyncset.done $0x0  }
0x115: {  	[sflag:s29] =	ssyncadd.s32 $0xFFFFFF80  }
0x116: {  	[spmem:s2] =	stream.indirect.scatter.add.f32 [tilespmem:s15], [sflag:$0x5], $0x80, s4, s13, $0xb8;
	[tilespmem:$0x1F800] =	vst v63  }
0x117: {  	_ = 	snop  }
0x118: {  	[spmem:s3] =	stream.indirect.scatter.add.f32 [tilespmem:s18], [sflag:$0xA], $0x1, s4, s13, $0xb8;
	[tilespmem:$0x1F800] =	vst v63  }
0x119: {  	_ =	swait.ge [sflag:s30], $0x4000  }
0x11a: {  	[sflag:s30] =	ssyncset.done $0x0  }
0x11b: {  	[sflag:s30] =	ssyncadd.s32 $0xFFFFC000  }
0x11c: {  	_ =	swait.ge [sflag:s31], $0x80  }
0x11d: {  	[sflag:s31] =	ssyncset.done $0x0  }
0x11e: {  	s12 =	sadd.s32 $0x180, s10;
	[sflag:s31] =	ssyncadd.s32 $0xFFFFFF80  }
0x11f: {  	[tilespmem:s15], [sflag:$0x3] =	stream.indirect.gather [hbm4b:s1+s13], $0x80, s12, s13, $0xb8;
	[tilespmem:$0x1F800] =	vst v63  }
0x120: {  	_ = 	snop  }
0x121: {  	[tilespmem:s4], [sflag:$0x7] =	stream.linear.gather [hbm4b:s22+s5], $0x80, $0x38;
	[tilespmem:$0x1F800] =	vst v63  }
0x122: {  	_ =	swait.ge [sflag:s16], $0x4000  }
0x123: {  	[sflag:s16] =	ssyncset.done $0x0  }
0x124: {  	[sflag:s16] =	ssyncadd.s32 $0xFFFFC000  }
0x125: {  	_ =	swait.ge [sflag:s8], $0x80  }
0x126: {  	[sflag:s8] =	ssyncset.done $0x0  }
0x127: {  	[sflag:s8] =	ssyncadd.s32 $0xFFFFFF80  }
0x128: {  	[spmem:s2] =	stream.indirect.scatter.add.f32 [tilespmem:s7], [sflag:$0x4], $0x80, s14, s13, $0xb8;
	[tilespmem:$0x1F800] =	vst v63  }
0x129: {  	_ = 	snop  }
0x12a: {  	[spmem:s3] =	stream.indirect.scatter.add.f32 [tilespmem:s18], [sflag:$0x9], $0x1, s14, s13, $0xb8;
	[tilespmem:$0x1F800] =	vst v63  }
0x12b: {  	_ =	swait.ge [sflag:s19], $0x4000  }
0x12c: {  	[sflag:s19] =	ssyncset.done $0x0  }
0x12d: {  	[sflag:s19] =	ssyncadd.s32 $0xFFFFC000  }
0x12e: {  	_ =	swait.ge [sflag:s26], $0x80  }
0x12f: {  	[sflag:s26] =	ssyncset.done $0x0  }
0x130: {  	s12 =	sadd.s32 $0x200, s10;
	[sflag:s26] =	ssyncadd.s32 $0xFFFFFF80  }
0x131: {  	[tilespmem:s7], [sflag:$0x2] =	stream.indirect.gather [hbm4b:s1+s13], $0x80, s12, s13, $0xb8;
	[tilespmem:$0x1F800] =	vst v63  }
0x132: {  	_ = 	snop  }
0x133: {  	[tilespmem:s14], [sflag:$0x8] =	stream.linear.gather [hbm4b:s21+s5], $0x80, $0x38;
	[tilespmem:$0x1F800] =	vst v63  }
0x134: {  	_ =	swait.ge [sflag:s28], $0x4000  }
0x135: {  	[sflag:s28] =	ssyncset.done $0x0  }
0x136: {  	[sflag:s28] =	ssyncadd.s32 $0xFFFFC000  }
0x137: {  	_ =	swait.ge [sflag:s17], $0x80  }
0x138: {  	[sflag:s17] =	ssyncset.done $0x0  }
0x139: {  	[sflag:s17] =	ssyncadd.s32 $0xFFFFFF80  }
0x13a: {  	[spmem:s2] =	stream.indirect.scatter.add.f32 [tilespmem:s15], [sflag:$0x5], $0x80, s0, s13, $0xb8;
	[tilespmem:$0x1F800] =	vst v63  }
0x13b: {  	_ = 	snop  }
0x13c: {  	[spmem:s3] =	stream.indirect.scatter.add.f32 [tilespmem:s18], [sflag:$0xA], $0x1, s0, s13, $0xb8;
	[tilespmem:$0x1F800] =	vst v63  }
0x13d: {  	_ =	swait.ge [sflag:s30], $0x4000  }
0x13e: {  	[sflag:s30] =	ssyncset.done $0x0  }
0x13f: {  	[sflag:s30] =	ssyncadd.s32 $0xFFFFC000  }
0x140: {  	_ =	swait.ge [sflag:s31], $0x80  }
0x141: {  	[sflag:s31] =	ssyncset.done $0x0  }
0x142: {  	s9 =	sshrl.u32 s25, $0x3;
	s12 =	sadd.s32 $0x280, s10;
	[sflag:s31] =	ssyncadd.s32 $0xFFFFFF80  }
0x143: {  	[tilespmem:s15], [sflag:$0x3] =	stream.indirect.gather [hbm4b:s1+s13], $0x80, s12, s13, $0xb8;
	[tilespmem:$0x1F800] =	vst v63  }
0x144: {  	s9 =	sadd.s32 s6, s9  }
0x145: {  	[tilespmem:s0], [sflag:$0x6] =	stream.linear.gather [hbm4b:s9+s5], $0x80, $0x38;
	[tilespmem:$0x1F800] =	vst v63  }
0x146: {  	_ =	swait.ge [sflag:s16], $0x4000  }
0x147: {  	[sflag:s16] =	ssyncset.done $0x0  }
0x148: {  	[sflag:s16] =	ssyncadd.s32 $0xFFFFC000  }
0x149: {  	_ =	swait.ge [sflag:s29], $0x80  }
0x14a: {  	[sflag:s29] =	ssyncset.done $0x0  }
0x14b: {  	[sflag:s29] =	ssyncadd.s32 $0xFFFFFF80  }
0x14c: {  	[spmem:s2] =	stream.indirect.scatter.add.f32 [tilespmem:s7], [sflag:$0x4], $0x80, s4, s13, $0xb8;
	[tilespmem:$0x1F800] =	vst v63  }
0x14d: {  	_ = 	snop  }
0x14e: {  	[spmem:s3] =	stream.indirect.scatter.add.f32 [tilespmem:s18], [sflag:$0x9], $0x1, s4, s13, $0xb8;
	[tilespmem:$0x1F800] =	vst v63  }
0x14f: {  	_ =	swait.ge [sflag:s19], $0x4000  }
0x150: {  	[sflag:s19] =	ssyncset.done $0x0  }
0x151: {  	[sflag:s19] =	ssyncadd.s32 $0xFFFFC000  }
0x152: {  	_ =	swait.ge [sflag:s26], $0x80  }
0x153: {  	[sflag:s26] =	ssyncset.done $0x0  }
0x154: {  	s9 =	sadd.s32 $0x300, s10;
	[sflag:s26] =	ssyncadd.s32 $0xFFFFFF80  }
0x155: {  	[tilespmem:s7], [sflag:$0x2] =	stream.indirect.gather [hbm4b:s1+s13], $0x80, s9, s13, $0xb8;
	[tilespmem:$0x1F800] =	vst v63  }
0x156: {  	_ = 	snop  }
0x157: {  	[tilespmem:s4], [sflag:$0x7] =	stream.linear.gather [hbm4b:s24+s5], $0x80, $0x38;
	[tilespmem:$0x1F800] =	vst v63  }
0x158: {  	_ =	swait.ge [sflag:s28], $0x4000  }
0x159: {  	[sflag:s28] =	ssyncset.done $0x0  }
0x15a: {  	[sflag:s28] =	ssyncadd.s32 $0xFFFFC000  }
0x15b: {  	_ =	swait.ge [sflag:s8], $0x80  }
0x15c: {  	[sflag:s8] =	ssyncset.done $0x0  }
0x15d: {  	[sflag:s8] =	ssyncadd.s32 $0xFFFFFF80  }
0x15e: {  	[spmem:s2] =	stream.indirect.scatter.add.f32 [tilespmem:s15], [sflag:$0x5], $0x80, s14, s13, $0xb8;
	[tilespmem:$0x1F800] =	vst v63  }
0x15f: {  	_ = 	snop  }
0x160: {  	[spmem:s3] =	stream.indirect.scatter.add.f32 [tilespmem:s18], [sflag:$0xA], $0x1, s14, s13, $0xb8;
	[tilespmem:$0x1F800] =	vst v63  }
0x161: {  	_ =	swait.ge [sflag:s30], $0x4000  }
0x162: {  	[sflag:s30] =	ssyncset.done $0x0  }
0x163: {  	[sflag:s30] =	ssyncadd.s32 $0xFFFFC000  }
0x164: {  	_ =	swait.ge [sflag:s31], $0x80  }
0x165: {  	[sflag:s31] =	ssyncset.done $0x0  }
0x166: {  	s9 =	sadd.s32 $0x380, s10;
	[sflag:s31] =	ssyncadd.s32 $0xFFFFFF80  }
0x167: {  	[tilespmem:s15], [sflag:$0x3] =	stream.indirect.gather [hbm4b:s1+s13], $0x80, s9, s13, $0xb8;
	[tilespmem:$0x1F800] =	vst v63  }
0x168: {  	_ = 	snop  }
0x169: {  	[tilespmem:s14], [sflag:$0x8] =	stream.linear.gather [hbm4b:s23+s5], $0x80, $0x38;
	[tilespmem:$0x1F800] =	vst v63  }
0x16a: {  	_ =	swait.ge [sflag:s16], $0x4000  }
0x16b: {  	[sflag:s16] =	ssyncset.done $0x0  }
0x16c: {  	[sflag:s16] =	ssyncadd.s32 $0xFFFFC000  }
.Ltmp1:
0x16d: {  	_ =	swait.ge [sflag:s17], $0x80;
	(pc) =	sbr.rel @p0 .LBB2_4-.Ltmp1, $4  }
0x16e: {  	s20 =	sadd.s32 $0x60, s20;
	[sflag:s17] =	ssyncset.done $0x0  }
0x16f: {  	s22 =	sadd.s32 $0x60, s22;
	s21 =	sadd.s32 $0x60, s21;
	[sflag:s17] =	ssyncadd.s32 $0xFFFFFF80  }
0x170: {  	[spmem:s2] =	stream.indirect.scatter.add.f32 [tilespmem:s7], [sflag:$0x4], $0x80, s0, s13, $0xb8;
	[tilespmem:$0x1F800] =	vst v63  }
0x171: {  	s25 =	sadd.s32 $0x300, s25;
	s24 =	sadd.s32 $0x60, s24;
	s23 =	sadd.s32 $0x60, s23  }
0x172: {  	[spmem:s3] =	stream.indirect.scatter.add.f32 [tilespmem:s18], [sflag:$0x9], $0x1, s0, s13, $0xb8;
	[tilespmem:$0x1F800] =	vst v63  }
0x173: {  	_ =	swait.ge [sflag:s19], $0x4000  }
0x174: {  	[sflag:s19] =	ssyncset.done $0x0  }
0x175: {  	[sflag:s19] =	ssyncadd.s32 $0xFFFFC000  }
0x176: {  	_ =	swait.ge [sflag:s26], $0x80  }
0x177: {  	[sflag:s26] =	ssyncset.done $0x0  }
0x178: {  	s9 =	simm.s32 $0x2500;
	[sflag:s26] =	ssyncadd.s32 $0xFFFFFF80  }
0x179: {  	[tilespmem:s7], [sflag:$0x2] =	stream.indirect.gather [hbm4b:s1+s13], $0x80, s9, s13, $0xb8;
	[tilespmem:$0x1F800] =	vst v63  }
0x17a: {  	s25 =	rddreg [dreg:$0xc]  }
0x17b: {  	[tilespmem:s0], [sflag:$0x6] =	stream.linear.gather [hbm4b:s25+s5], $0x80, $0x38;
	[tilespmem:$0x1F800] =	vst v63  }
0x17c: {  	_ =	swait.ge [sflag:s28], $0x4000  }
0x17d: {  	[sflag:s28] =	ssyncset.done $0x0  }
0x17e: {  	[sflag:s28] =	ssyncadd.s32 $0xFFFFC000  }
0x17f: {  	_ =	swait.ge [sflag:s29], $0x80  }
0x180: {  	[sflag:s29] =	ssyncset.done $0x0  }
0x181: {  	[sflag:s29] =	ssyncadd.s32 $0xFFFFFF80  }
0x182: {  	[spmem:s2] =	stream.indirect.scatter.add.f32 [tilespmem:s15], [sflag:$0x5], $0x80, s4, s13, $0xb8;
	[tilespmem:$0x1F800] =	vst v63  }
0x183: {  	_ = 	snop  }
0x184: {  	[spmem:s3] =	stream.indirect.scatter.add.f32 [tilespmem:s18], [sflag:$0xA], $0x1, s4, s13, $0xb8;
	[tilespmem:$0x1F800] =	vst v63  }
0x185: {  	_ =	swait.ge [sflag:s30], $0x4000  }
0x186: {  	[sflag:s30] =	ssyncset.done $0x0  }
0x187: {  	[sflag:s30] =	ssyncadd.s32 $0xFFFFC000  }
0x188: {  	_ =	swait.ge [sflag:s31], $0x80  }
0x189: {  	[sflag:s31] =	ssyncset.done $0x0  }
0x18a: {  	s10 =	simm.s32 $0x2580;
	[sflag:s31] =	ssyncadd.s32 $0xFFFFFF80  }
0x18b: {  	[tilespmem:s15], [sflag:$0x3] =	stream.indirect.gather [hbm4b:s1+s13], $0x80, s10, s13, $0xb8;
	[tilespmem:$0x1F800] =	vst v63  }
0x18c: {  	s11 =	rddreg [dreg:$0xd]  }
0x18d: {  	[tilespmem:s4], [sflag:$0x7] =	stream.linear.gather [hbm4b:s11+s5], $0x80, $0x38;
	[tilespmem:$0x1F800] =	vst v63  }
0x18e: {  	_ =	swait.ge [sflag:s16], $0x4000  }
0x18f: {  	[sflag:s16] =	ssyncset.done $0x0  }
0x190: {  	[sflag:s16] =	ssyncadd.s32 $0xFFFFC000  }
0x191: {  	_ =	swait.ge [sflag:s8], $0x80  }
0x192: {  	[sflag:s8] =	ssyncset.done $0x0  }
0x193: {  	[sflag:s8] =	ssyncadd.s32 $0xFFFFFF80  }
0x194: {  	[spmem:s2] =	stream.indirect.scatter.add.f32 [tilespmem:s7], [sflag:$0x4], $0x80, s14, s13, $0xb8;
	[tilespmem:$0x1F800] =	vst v63  }
0x195: {  	_ = 	snop  }
0x196: {  	[spmem:s3] =	stream.indirect.scatter.add.f32 [tilespmem:s18], [sflag:$0x9], $0x1, s14, s13, $0xb8;
	[tilespmem:$0x1F800] =	vst v63  }
0x197: {  	_ =	swait.ge [sflag:s19], $0x4000  }
0x198: {  	[sflag:s19] =	ssyncset.done $0x0  }
0x199: {  	[sflag:s19] =	ssyncadd.s32 $0xFFFFC000  }
0x19a: {  	_ =	swait.ge [sflag:s26], $0x80  }
0x19b: {  	[sflag:s26] =	ssyncset.done $0x0  }
0x19c: {  	s12 =	simm.s32 $0x2600;
	[sflag:s26] =	ssyncadd.s32 $0xFFFFFF80  }
0x19d: {  	[tilespmem:s7], [sflag:$0x2] =	stream.indirect.gather [hbm4b:s1+s13], $0x80, s12, s13, $0xb8;
	[tilespmem:$0x1F800] =	vst v63  }
0x19e: {  	s20 =	rddreg [dreg:$0x19]  }
0x19f: {  	[tilespmem:s14], [sflag:$0x8] =	stream.linear.gather [hbm4b:s20+s5], $0x80, $0x38;
	[tilespmem:$0x1F800] =	vst v63  }
0x1a0: {  	_ =	swait.ge [sflag:s28], $0x4000  }
0x1a1: {  	[sflag:s28] =	ssyncset.done $0x0  }
0x1a2: {  	[sflag:s28] =	ssyncadd.s32 $0xFFFFC000  }
0x1a3: {  	_ =	swait.ge [sflag:s17], $0x80  }
0x1a4: {  	[sflag:s17] =	ssyncset.done $0x0  }
0x1a5: {  	[sflag:s17] =	ssyncadd.s32 $0xFFFFFF80  }
0x1a6: {  	[spmem:s2] =	stream.indirect.scatter.add.f32 [tilespmem:s15], [sflag:$0x5], $0x80, s0, s13, $0xb8;
	[tilespmem:$0x1F800] =	vst v63  }
0x1a7: {  	_ = 	snop  }
0x1a8: {  	[spmem:s3] =	stream.indirect.scatter.add.f32 [tilespmem:s18], [sflag:$0xA], $0x1, s0, s13, $0xb8;
	[tilespmem:$0x1F800] =	vst v63  }
0x1a9: {  	_ =	swait.ge [sflag:s30], $0x4000  }
0x1aa: {  	[sflag:s30] =	ssyncset.done $0x0  }
0x1ab: {  	[sflag:s30] =	ssyncadd.s32 $0xFFFFC000  }
0x1ac: {  	_ =	swait.ge [sflag:s31], $0x80  }
0x1ad: {  	[sflag:s31] =	ssyncset.done $0x0  }
0x1ae: {  	s21 =	simm.s32 $0x2680;
	[sflag:s31] =	ssyncadd.s32 $0xFFFFFF80  }
0x1af: {  	[tilespmem:s15], [sflag:$0x3] =	stream.indirect.gather [hbm4b:s1+s13], $0x80, s21, s13, $0xb8;
	[tilespmem:$0x1F800] =	vst v63  }
0x1b0: {  	_ =	swait.ge [sflag:s16], $0x4000  }
0x1b1: {  	[sflag:s16] =	ssyncset.done $0x0  }
0x1b2: {  	[sflag:s16] =	ssyncadd.s32 $0xFFFFC000  }
0x1b3: {  	_ =	swait.ge [sflag:s29], $0x80  }
0x1b4: {  	[sflag:s29] =	ssyncset.done $0x0  }
0x1b5: {  	[sflag:s29] =	ssyncadd.s32 $0xFFFFFF80  }
0x1b6: {  	[spmem:s2] =	stream.indirect.scatter.add.f32 [tilespmem:s7], [sflag:$0x4], $0x80, s4, s13, $0xb8;
	[tilespmem:$0x1F800] =	vst v63  }
0x1b7: {  	_ = 	snop  }
0x1b8: {  	[spmem:s3] =	stream.indirect.scatter.add.f32 [tilespmem:s18], [sflag:$0x9], $0x1, s4, s13, $0xb8;
	[tilespmem:$0x1F800] =	vst v63  }
0x1b9: {  	_ =	swait.ge [sflag:s19], $0x4000  }
0x1ba: {  	[sflag:s19] =	ssyncset.done $0x0  }
0x1bb: {  	[sflag:s19] =	ssyncadd.s32 $0xFFFFC000  }
0x1bc: {  	_ =	swait.ge [sflag:s26], $0x80  }
0x1bd: {  	[sflag:s26] =	ssyncset.done $0x0  }
0x1be: {  	[sflag:s26] =	ssyncadd.s32 $0xFFFFFF80  }
0x1bf: {  	_ =	swait.ge [sflag:s28], $0x4000  }
0x1c0: {  	[sflag:s28] =	ssyncset.done $0x0  }
0x1c1: {  	[sflag:s28] =	ssyncadd.s32 $0xFFFFC000  }
0x1c2: {  	_ =	swait.ge [sflag:s8], $0x80  }
0x1c3: {  	[sflag:s8] =	ssyncset.done $0x0  }
0x1c4: {  	[sflag:s8] =	ssyncadd.s32 $0xFFFFFF80  }
0x1c5: {  	[spmem:s2] =	stream.indirect.scatter.add.f32 [tilespmem:s15], [sflag:$0x5], $0x80, s14, s13, $0xb8;
	[tilespmem:$0x1F800] =	vst v63  }
0x1c6: {  	_ = 	snop  }
0x1c7: {  	[spmem:s3] =	stream.indirect.scatter.add.f32 [tilespmem:s18], [sflag:$0xA], $0x1, s14, s13, $0xb8;
	[tilespmem:$0x1F800] =	vst v63  }
0x1c8: {  	s10 =	simm.s32 $0xA900;
	s12 =	simm.s32 $0xB;
	s22 =	rddreg [dreg:$0xe]  }
0x1c9: {  	[tilespmem:s10], [sflag:$0xB] =	stream.linear.gather [hbm4b:s22+s5], $0x10, $0x38;
	[tilespmem:$0x1F800] =	vst v63  }
0x1ca: {  	_ =	swait.ge [sflag:s12], $0x10  }
0x1cb: {  	[sflag:s12] =	ssyncset.done $0x0  }
0x1cc: {  	s11 =	simm.s32 $0xA980;
	s23 =	rddreg [dreg:$0xf];
	[sflag:s12] =	ssyncadd.s32 $0xFFFFFFF0  }
0x1cd: {  	[tilespmem:s11], [sflag:$0xB] =	stream.linear.gather [hbm4b:s23+s5], $0x10, $0x38;
	[tilespmem:$0x1F800] =	vst v63  }
0x1ce: {  	_ =	swait.ge [sflag:s12], $0x10  }
0x1cf: {  	[sflag:s12] =	ssyncset.done $0x0  }
0x1d0: {  	s24 =	simm.s32 $0x10;
	s20 =	simm.s32 $0xAA00;
	[sflag:s12] =	ssyncadd.s32 $0xFFFFFFF0  }
0x1d1: {  	[tilespmem:s20], [sflag:$0x2] =	stream.indirect.gather [hbm4b:s1+s24], $0x80, s10, s24, $0xb8;
	[tilespmem:$0x1F800] =	vst v63  }
0x1d2: {  	_ =	swait.ge [sflag:s16], $0x800  }
0x1d3: {  	[sflag:s16] =	ssyncset.done $0x0  }
0x1d4: {  	[sflag:s16] =	ssyncadd.s32 $0xFFFFF800  }
0x1d5: {  	[spmem:s2] =	stream.indirect.scatter.add.f32 [tilespmem:s20], [sflag:$0xB], $0x80, s11, s24, $0xb8;
	[tilespmem:$0x1F800] =	vst v63  }
0x1d6: {  	_ =	swait.ge [sflag:s12], $0x800  }
0x1d7: {  	[sflag:s12] =	ssyncset.done $0x0  }
0x1d8: {  	s25 =	simm.s32 $0x1F280;
	[sflag:s12] =	ssyncadd.s32 $0xFFFFF800  }
0x1d9: {  	[spmem:s3] =	stream.indirect.scatter.add.f32 [tilespmem:s25], [sflag:$0xB], $0x1, s11, s24, $0xb8;
	[tilespmem:$0x1F800] =	vst v63  }
0x1da: {  	_ =	swait.ge [sflag:s12], $0x10  }
0x1db: {  	[sflag:s12] =	ssyncset.done $0x0  }
0x1dc: {  	[sflag:s12] =	ssyncadd.s32 $0xFFFFFFF0  }
0x1dd: {  	_ =	swait.ge [sflag:s30], $0x4000  }
0x1de: {  	[sflag:s30] =	ssyncset.done $0x0  }
0x1df: {  	[sflag:s30] =	ssyncadd.s32 $0xFFFFC000  }
0x1e0: {  	_ =	swait.ge [sflag:s31], $0x80  }
0x1e1: {  	[sflag:s31] =	ssyncset.done $0x0  }
0x1e2: {  	[sflag:s31] =	ssyncadd.s32 $0xFFFFFF80  }
0x1e3: {  	s10 =	stileid.u32;
	[bflag:$0x0] =	sbarrier.arrive $0xFFFF  }
0x1e4: {  	s9 =	sshll.u32 s10, $0x6;
	s20 =	rddreg [dreg:$0x9]  }
0x1e5: {  	s9 =	sor.u32 $0x1C0B, s9;
	s21 =	rddreg [dreg:$0x10];
	s11 =	sshrl.u32 s20, $0x3  }
0x1e6: {  	[hbm:s21], [sflag:s9] =	dma.local [spmem:s11], $0x2800  }
0x1e7: {  	_ =	swait.ge [sflag:s12], $0x2800  }
0x1e8: {  	[sflag:s12] =	ssyncset.done $0x0;
	s21 =	rddreg [dreg:$0xa]  }
0x1e9: {  	s23 =	rddreg [dreg:$0x11];
	[sflag:s12] =	ssyncadd.s32 $0xFFFFD800;
	s22 =	sshrl.u32 s21, $0x3  }
0x1ea: {  	[hbm:s23], [sflag:s9] =	dma.local [spmem:s22], $0x50  }
0x1eb: {  	_ =	swait.ge [sflag:s12], $0x50  }
0x1ec: {  	s24 =	rddreg [dreg:$0x1e]  }
0x1ed: {  	s25 =	rddreg [dreg:$0x12];
	s10 =	sadd.s32 $0x1, s24  }
0x1ee: {  	p0 =	sne.s32 s10, s25  }
.Ltmp2:
0x1ef: {  	_ = 	snop;
	(pc) =	sbr.rel @p0 .LBB2_1-.Ltmp2, $3  }
0x1f0: {  	_ =	sdelay $0x1  }
0x1f1: {  	[sflag:s12] =	ssyncset.done $0x0  }
0x1f2: {  	[sflag:s12] =	ssyncadd.s32 $0xFFFFFFB0  }
0x1f3: {  	_ =	sfence.sel $0x180000  }
0x1f4: {  	[bflag:$0x0] =	sbarrier.arrive $0xFFFF  }
0x1f5: {  	_ =	strace $0x90000047  }
0x1f6: {  	s0 =	stileid.u32;
	[bflag:$0x2] =	sbarrier.arrive $0xFFFF  }
0x1f7: {  	p0 =	sne.s32 s0, $0x0;
	s0 =	rddreg [dreg:$0x5]  }
0x1f8: {  	s0 =	sadd.s32 @!p0 $0x100000, s0  }
0x1f9: {  	[sflag:s0] =	ssyncadd.tile.s32 @!p0 $0x1;
	_ =	shalt  }
.Lfunc_end2:
_tile_overlayer_lowered:
.L_overlay_start_2:
0x1fa: {  	(tag) =	ssettag $0x2  }
0x1fb: {  	s0 =	rddreg [dreg:$0x0];
	s2 =	stileid.u32  }
0x1fc: {  	s1 =	rddreg [dreg:$0x1];
	p0 =	sne.s32 s2, $0x0  }
0x1fd: {  	s3 =	rddreg [dreg:$0x2];
	[bflag:$0x3] =	sbarrier.arrive $0xFFFF;
	s2 =	simm.s32 @!p0 $0x1C0B  }
0x1fe: {  	[timem:s3], [sflag:s2] =	dma.local @!p0 [hbm:s0], s1  }
0x1ff: {  	s0 =	simm.s32 @!p0 $0xB  }
0x200: {  	_ =	swait.ge @!p0 [sflag:s0], s1  }
0x201: {  	s1 =	ssub.s32 @!p0 $0x0, s1;
	[sflag:s0] =	ssyncset.done @!p0 $0x0  }
0x202: {  	[sflag:s0] =	ssyncadd.s32 @!p0 s1  }
0x203: {  	[bflag:$0x3] =	sbarrier.arrive $0xFFFF  }
0x204: {  	_ =	shalt  }

// kernel: kernel.9.cloned.1.call-start
scs
__scs_entry_jumppad:
0x0: {  	(pc) =	sbr.rel $0x88, $3  }
0x1: {  	(tag) =	ssettag $0x0;
	lr =	simm.s32 $0x1  }
0x2: {  	[smem:$0x3F99] =	sst lr;
	_ =	strace $0xD0000000  }
0x3: {  	_ = 	snop  }
0x4: {  	_ = 	snop  }
0x5: {  	_ = 	snop  }
0x6: {  	_ = 	snop  }
0x7: {  	_ = 	snop  }
__scs_overlays_trampoline_lowered:
0x8: {  	[smem:$0x3FA8] =	sst s0  }
0x9: {  	[smem:$0x3FA9] =	sst s1  }
0xa: {  	[smem:$0x3FAA] =	sst s2  }
0xb: {  	[smem:$0x3FAB] =	sst s3  }
0xc: {  	[smem:$0x3FAC] =	sst s4  }
0xd: {  	[smem:$0x3FAD] =	sst s5  }
0xe: {  	[smem:$0x3FAE] =	sst s6  }
0xf: {  	[smem:$0x3FAF] =	sst s7  }
0x10: {  	[smem:$0x3FB0] =	sst s8  }
0x11: {  	[smem:$0x3FB1] =	sst s9;
	s0 =	simm.s32 @!p0 $0x0  }
0x12: {  	s1 =	sld [smem:$0x3F97];
	s0 =	simm.s32 @p0 $0x1  }
0x13: {  	[smem:$0x3FB2] =	sst s0;
	s0 =	simm.s32 @!p1 $0x0  }
0x14: {  	s2 =	sld [smem:$0x3F96];
	s0 =	simm.s32 @p1 $0x1  }
0x15: {  	[smem:$0x3FB3] =	sst s0;
	s0 =	simm.s32 @!p2 $0x0  }
0x16: {  	s3 =	sld [smem:$0x3FDB];
	s0 =	simm.s32 @p2 $0x1  }
0x17: {  	s4 =	simm.s32 $0x1BF5;
	[smem:$0x3FB5] =	sst s0  }
0x18: {  	s0 =	sld [smem:$0x3F98];
	_ =	swait.ge [sflag:s4], $0x0  }
0x19: {  	s7 =	sld [smem:$0x3F99]  }
0x1a: {  	s8 =	sadd.s32 $0xFFFFE003, lr  }
0x1b: {  	s9 =	sadd.s32 $0xFFFFFEF7, lr;
	s5 =	simm.s32 $0xFFFFFFFF;
	p2 =	slt.u32 s8, $0xFFFFF086  }
0x1c: {  	p1 =	slt.u32 s9, $0xF7A;
	s5 =	simm.s32 @!p2 $0x0  }
0x1d: {  	s5 =	simm.s32 @p1 $0x1;
	p0 =	seq.s32 s7, s2  }
0x1e: {  	s7 =	smul.u32 @!p0 $0xF7A, s2;
	p2 =	seq.s32 @!p0 s5, $0x0  }
0x1f: {  	s9 =	smul.u32 $0xF7A, s1;
	s8 =	simm.s32 @!p0 $0x1BF5;
	p2 =	por !p2, p0  }
0x20: {  	[sflag:s8] =	ssyncset.s32 @!p0 $0xFFFFF086;
	s6 =	sadd.s32 @!p0 s3, s7;
	s7 =	simm.s32 @!p0 $0x108  }
0x21: {  	s3 =	sadd.s32 s3, s9;
	s6 =	sadd.s32 @!p0 $0x88, s6;
	s7 =	simm.s32 @p2 $0x1082  }
0x22: {  	[simem:s7], [sflag:s8] =	dma.local @!p0 [hbm:s6], $0xF7A  }
0x23: {  	s9 =	sor.u32 $0xD0000000, s2;
	s6 =	simm.s32 $0x108;
	_ =	swait.ge @!p0 [sflag:s8], $0x0  }
0x24: {  	s3 =	sadd.s32 $0x88, s3;
	s6 =	simm.s32 @!p1 $0x1082;
	[sflag:s4] =	ssyncset.s32 $0xFFFFF086  }
0x25: {  	[simem:s6], [sflag:s4] =	dma.local [hbm:s3], $0xF7A  }
0x26: {  	[smem:$0x3F99] =	sst s1;
	(tag) =	ssettag s2;
	_ =	strace s9  }
0x27: {  	s1 =	sld [smem:$0x3FA9]  }
0x28: {  	s2 =	sld [smem:$0x3FAA]  }
0x29: {  	s4 =	sld [smem:$0x3FAC]  }
0x2a: {  	p0 =	seq.s32 s5, $0x0;
	s5 =	sld [smem:$0x3FAD]  }
0x2b: {  	s6 =	sld [smem:$0x3FAE]  }
0x2c: {  	s7 =	sld [smem:$0x3FAF]  }
0x2d: {  	s3 =	simm.s32 $0x108;
	s8 =	sld [smem:$0x3FB0]  }
0x2e: {  	s3 =	simm.s32 @!p0 $0x1082;
	s9 =	sld [smem:$0x3FB1]  }
0x2f: {  	lr =	sadd.s32 s0, s3;
	s0 =	sld [smem:$0x3FA8]  }
0x30: {  	s3 =	sld [smem:$0x3FAB]  }
0x31: {  	[smem:$0x3FB4] =	sst s10  }
0x32: {  	s10 =	sld [smem:$0x3FB2];
	_ =	sdelay $0x3  }
0x33: {  	p0 =	seq.s32 s10, $0x1;
	s10 =	sld [smem:$0x3FB4];
	_ =	sdelay $0x3  }
0x34: {  	[smem:$0x3FB4] =	sst s10  }
0x35: {  	s10 =	sld [smem:$0x3FB3];
	_ =	sdelay $0x3  }
0x36: {  	p1 =	seq.s32 s10, $0x1;
	s10 =	sld [smem:$0x3FB4];
	_ =	sdelay $0x3  }
0x37: {  	[smem:$0x3FB4] =	sst s10  }
0x38: {  	s10 =	sld [smem:$0x3FB5]  }
0x39: {  	_ = 	snop;
	(pc) =	sbr.ind lr, $3  }
0x3a: {  	_ = 	snop  }
0x3b: {  	_ = 	snop  }
0x3c: {  	p2 =	seq.s32 s10, $0x1;
	s10 =	sld [smem:$0x3FB4]  }
0x3d: {  	_ =	shalt  }
0x3e: {  	_ =	shalt  }
0x3f: {  	_ =	shalt  }
0x40: {  	_ =	shalt  }
0x41: {  	_ =	shalt  }
0x42: {  	_ =	shalt  }
0x43: {  	_ =	shalt  }
0x44: {  	_ =	shalt  }
0x45: {  	_ =	shalt  }
0x46: {  	_ =	shalt  }
0x47: {  	_ =	shalt  }
0x48: {  	_ =	shalt  }
0x49: {  	_ =	shalt  }
0x4a: {  	_ =	shalt  }
0x4b: {  	_ =	shalt  }
0x4c: {  	_ =	shalt  }
0x4d: {  	_ =	shalt  }
0x4e: {  	_ =	shalt  }
0x4f: {  	_ =	shalt  }
0x50: {  	_ =	shalt  }
0x51: {  	_ =	shalt  }
0x52: {  	_ =	shalt  }
0x53: {  	_ =	shalt  }
0x54: {  	_ =	shalt  }
0x55: {  	_ =	shalt  }
0x56: {  	_ =	shalt  }
0x57: {  	_ =	shalt  }
0x58: {  	_ =	shalt  }
0x59: {  	_ =	shalt  }
0x5a: {  	_ =	shalt  }
0x5b: {  	_ =	shalt  }
0x5c: {  	_ =	shalt  }
0x5d: {  	_ =	shalt  }
0x5e: {  	_ =	shalt  }
0x5f: {  	_ =	shalt  }
0x60: {  	_ =	shalt  }
0x61: {  	_ =	shalt  }
0x62: {  	_ =	shalt  }
0x63: {  	_ =	shalt  }
0x64: {  	_ =	shalt  }
0x65: {  	_ =	shalt  }
0x66: {  	_ =	shalt  }
0x67: {  	_ =	shalt  }
0x68: {  	_ =	shalt  }
0x69: {  	_ =	shalt  }
0x6a: {  	_ =	shalt  }
0x6b: {  	_ =	shalt  }
0x6c: {  	_ =	shalt  }
0x6d: {  	_ =	shalt  }
0x6e: {  	_ =	shalt  }
0x6f: {  	_ =	shalt  }
0x70: {  	_ =	shalt  }
0x71: {  	_ =	shalt  }
0x72: {  	_ =	shalt  }
0x73: {  	_ =	shalt  }
0x74: {  	_ =	shalt  }
0x75: {  	_ =	shalt  }
0x76: {  	_ =	shalt  }
0x77: {  	_ =	shalt  }
0x78: {  	_ =	shalt  }
0x79: {  	_ =	shalt  }
0x7a: {  	_ =	shalt  }
0x7b: {  	_ =	shalt  }
0x7c: {  	_ =	shalt  }
0x7d: {  	_ =	shalt  }
0x7e: {  	_ =	shalt  }
0x7f: {  	_ =	shalt  }
0x80: {  	_ =	shalt  }
0x81: {  	_ =	shalt  }
0x82: {  	_ =	shalt  }
0x83: {  	_ =	shalt  }
0x84: {  	_ =	shalt  }
0x85: {  	_ =	shalt  }
0x86: {  	_ =	shalt  }
0x87: {  	_ =	shalt  }
.Lfunc_end0:
.L_simem_size_0:
called_computation.1_lowered:
.L_overlay_start_0:
0x88: {  	s2 =	sld [smem:$0x3FD9]  }
0x89: {  	s3 =	sld [smem:$0x3FFE];
	_ =	sdelay $0x1  }
0x8a: {  	s1 =	srdreg.scid  }
0x8b: {  	s0 =	sand.u32 $0x1, s1  }
0x8c: {  	s17 =	sshll.u32 s0, $0xA;
	s2 =	sadd.s32 s3, s2  }
0x8d: {  	s2 =	sadd.s32 s2, s17  }
0x8e: {  	[smem:$0x3FC0] =	sst s2  }
0x8f: {  	_ = 	snop  }
0x90: {  	s2 =	sld [smem:$0x3FD0];
	(tm) =	ssettm $0x1  }
0x91: {  	s18 =	sld [smem:$0x3FFB];
	_ =	sdelay $0x3  }
0x92: {  	_ =	strace s18  }
0x93: {  	s3 =	sld [smem:$0x3FFC];
	_ =	sdelay $0x3  }
0x94: {  	_ =	strace s3  }
0x95: {  	s3 =	sld [smem:$0x3FFD];
	_ =	sdelay $0x3  }
0x96: {  	_ =	strace s3  }
0x97: {  	_ =	strace $0x8FFFFFFF  }
0x98: {  	s19 =	sld [smem:$0x3FDB];
	_ =	sdelay $0x1  }
0x99: {  	s4 =	simm.s32 $_scs_section_size  }
0x9a: {  	s5 =	simm.s32 $_size__tile_overlayer_lowered;
	s6 =	simm.s32 $_tile_overlayer_lowered  }
0x9b: {  	s22 =	simm.s32 $0x1BFF;
	s21 =	sshll.u32 s6, $0x1;
	s3 =	sadd.s32 s4, s19  }
0x9c: {  	s7 =	simm.s32 $0x0;
	s20 =	sshll.u32 s5, $0x1;
	s5 =	sadd.s32 s21, s3  }
0x9d: {  	[timem:s7], [sflag:s22] =	dma.local [hbm:s5], s20  }
0x9e: {  	_ =	swait.ge [sflag:s22], s20  }
0x9f: {  	s4 =	ssub.s32 $0x0, s20;
	[sflag:s22] =	ssyncset.done $0x0  }
0xa0: {  	[sflag:s22] =	ssyncadd.s32 s4;
	_ =	sdelay $0x1  }
0xa1: {  	s23 =	simm.s32 $0x1B8B  }
0xa2: {  	_ =	swait.ge [sflag:s23], $0x1  }
0xa3: {  	[sflag:s23] =	ssyncset.done $0x0  }
0xa4: {  	s25 =	simm.s32 $0x1B8E;
	s24 =	sld [smem:$0x3FFE];
	[sflag:s23] =	ssyncadd.s32 $0xFFFFFFFF  }
0xa5: {  	s26 =	simm.s32 $execute0_lowered;
	[smem:$0x3FD2] =	sst s25  }
0xa6: {  	s5 =	sshll.u32 s26, $0x1;
	_ =	strace $0x80000049;
	[dreg:$0x1] =	wrdreg $0xFFFFFFFF  }
0xa7: {  	s28 =	simm.s32 $_size_execute0_lowered;
	s3 =	sadd.s32 s3, s5;
	[dreg:$0x0] =	wrdreg $0x0  }
0xa8: {  	s5 =	sshll.u32 s28, $0x1;
	[dreg:$0x2] =	wrdreg s3  }
0xa9: {  	[dreg:$0x3] =	wrdreg s5  }
0xaa: {  	[dreg:$0x4] =	wrdreg $0xC0  }
0xab: {  	_ =	task [dreg:s7], $0x5FFFF  }
0xac: {  	[dreg:$0x1] =	wrdreg $0xFFFFFFFF  }
0xad: {  	[dreg:$0x0] =	wrdreg $0x60  }
0xae: {  	[dreg:$0x2] =	wrdreg s2  }
0xaf: {  	[dreg:$0x3] =	wrdreg s24  }
0xb0: {  	[dreg:$0x4] =	wrdreg $0xB2000  }
0xb1: {  	[dreg:$0x5] =	wrdreg $0x9  }
0xb2: {  	_ =	task.clear_ibuf [dreg:s7], $0x6FFFF;
	_ =	strace $0x90000049  }
0xb3: {  	s29 =	simm.s32 $0x9;
	_ =	strace $0x8000004B  }
0xb4: {  	_ =	swait.ge [sflag:s29], $0x1  }
0xb5: {  	[sflag:s29] =	ssyncadd.s32 $0xFFFFFFFF  }
0xb6: {  	_ =	strace $0x9000004B  }
0xb7: {  	_ =	sfence  }
0xb8: {  	s30 =	sld [smem:$0x0];
	_ =	sdelay $0x2  }
0xb9: {  	s31 =	sshll.u32 s1, $0xD;
	s1 =	sshrl.u32 s1, $0x2  }
0xba: {  	s3 =	sand.u32 $0x4000, s31;
	s1 =	sadd.s32 s1, s30  }
0xbb: {  	s0 =	sor.u32 s3, s0;
	s1 =	sshll.u32 s1, $0x11  }
0xbc: {  	s0 =	sor.u32 s1, s0  }
0xbd: {  	s0 =	sadd.s32 $0x8F2B, s0  }
0xbe: {  	[sflag:s0] =	ssyncadd.remote.s32 $0x1  }
0xbf: {  	_ =	sfence.sel $0xFFFF  }
0xc0: {  	[dreg:$0x0] =	wrdreg $0xFFFFFFFF;
	(pc) =	sbr.abs _section_cstart, $3  }
0xc1: {  	[dreg:$0x1] =	wrdreg $0xFFFFFFFF  }
0xc2: {  	_ =	task.clear_ibuf [dreg:s7], $0x2FFFF;
	_ =	strace $0x9FFFFFFF  }
0xc3: {  	(tm) =	ssettm $0x7FFFFFFF  }
tec
execute0_lowered:
.L_overlay_start_1:
0x0: {  	(tag) =	ssettag $0x1  }
0x1: {  	s1 =	rddreg [dreg:$0x0]  }
0x2: {  	s0 =	rddreg [dreg:$0x1]  }
0x3: {  	s2 =	rddreg [dreg:$0x2]  }
0x4: {  	s3 =	srdreg.scid;
	s4 =	simm.s32 $0x0;
	s12 =	stileid.u32  }
0x5: {  	s29 =	simm.s32 $0x2700;
	s30 =	simm.s32 $0x2780;
	s6 =	smul.u32 $0x14000, s12  }
0x6: {  	s31 =	simm.s32 $0x2900;
	s3 =	sand.u32 $0x1, s3;
	s11 =	smul.u32 $0x50000, s12  }
0x7: {  	[smem:$0x7FF] =	sst s4;
	s7 =	sshll.u32 s12, $0x1;
	s26 =	smul.u32 $0x4E20, s12  }
0x8: {  	s8 =	sadd.s32 $0x2800, s0;
	s5 =	smul.u32 $0x140000, s3;
	_ =	strace $0x8000004A  }
0x9: {  	s7 =	sor.u32 s3, s7;
	s21 =	ssub.s32 $0x2, s3;
	s3 =	smul.u32 $0x2710, s3  }
0xa: {  	s7 =	smul.u32 $0x2710, s7;
	s10 =	sshrl.u32 s21, $0x1;
	s24 =	sshrl.u32 s11, $0x2  }
0xb: {  	s11 =	simm.s32 $0x2;
	s5 =	sadd.s32 s6, s5;
	s6 =	ssub.s32 s21, s10  }
0xc: {  	s9 =	sshrl.u32 s5, $0x3;
	s7 =	sshrl.u32 s7, $0x3;
	s16 =	smax.u32 s6, $0x1  }
0xd: {  	s5 =	sadd.s32 $0xC440, s0;
	s22 =	sadd.s32 s8, s7;
	[dreg:$0xe] =	wrdreg s16  }
0xe: {  	s15 =	sadd.s32 s3, s26;
	s13 =	sadd.s32 s7, s5;
	[dreg:$0x5] =	wrdreg s22  }
0xf: {  	s10 =	simm.s32 $0x6900;
	s23 =	sadd.s32 $0x10, s13;
	[dreg:$0x4] =	wrdreg s13  }
0x10: {  	s17 =	sadd.s32 $0x400, s15;
	s25 =	sadd.s32 $0x20, s13;
	[dreg:$0x6] =	wrdreg s23  }
0x11: {  	s18 =	sadd.s32 $0x380, s15;
	s28 =	sadd.s32 $0x4B0, s13;
	[dreg:$0x7] =	wrdreg s25  }
0x12: {  	s0 =	sadd.s32 s9, s0;
	s12 =	sadd.s32 $0x4C0, s13;
	[dreg:$0x8] =	wrdreg s28  }
0x13: {  	s7 =	sadd.s32 $0x4E0, s7;
	s14 =	sadd.s32 $0x4D0, s13;
	[dreg:$0x9] =	wrdreg s12  }
0x14: {  	s9 =	sadd.s32 s24, s2;
	s8 =	sadd.s32 s8, s7;
	[dreg:$0xa] =	wrdreg s14  }
0x15: {  	s3 =	sshrl.u32 s17, $0x3;
	s7 =	sadd.s32 s7, s5;
	[dreg:$0xb] =	wrdreg s8  }
0x16: {  	s6 =	sshrl.u32 s18, $0x3;
	s0 =	sadd.s32 $0x16200, s0;
	[dreg:$0xc] =	wrdreg s7  }
0x17: {  	s24 =	sadd.s32 $0x200, s15;
	s19 =	sadd.s32 $0x4000, s9;
	[dreg:$0xd] =	wrdreg s0  }
0x18: {  	s16 =	simm.s32 $0x5;
	s20 =	sadd.s32 $0x8000, s9;
	[dreg:$0xf] =	wrdreg s19  }
0x19: {  	s17 =	simm.s32 $0x8;
	s3 =	sadd.s32 s3, s5;
	[dreg:$0x10] =	wrdreg s20  }
0x1a: {  	s18 =	simm.s32 $0x0;
	s21 =	sadd.s32 s6, s5;
	[dreg:$0x11] =	wrdreg s3  }
0x1b: {  	s22 =	sadd.s32 $0x300, s15;
	s6 =	sshrl.u32 s24, $0x3;
	[dreg:$0x12] =	wrdreg s21  }
0x1c: {  	s26 =	sadd.s32 $0xC000, s9;
	s13 =	simm.s32 $0x4;
	[dreg:$0x13] =	wrdreg s22  }
0x1d: {  	s23 =	sadd.s32 $0x280, s15;
	s0 =	sadd.s32 $0x180, s15;
	s25 =	sadd.s32 s6, s5  }
0x1e: {  	[dreg:$0x16] =	wrdreg s26;
	s28 =	sadd.s32 $0x10000, s9;
	s7 =	simm.s32 $0x80  }
0x1f: {  	s8 =	simm.s32 $0x2800;
	s12 =	simm.s32 $0x6;
	s14 =	simm.s32 $0x3  }
0x20: {  	s15 =	simm.s32 $0x7;
	s3 =	sshrl.u32 s23, $0x3;
	[dreg:$0x15] =	wrdreg s25  }
0x21: {  	s0 =	sshrl.u32 s0, $0x3;
	[dreg:$0x17] =	wrdreg s28;
	s3 =	sadd.s32 s3, s5  }
0x22: {  	v0 =	vimm.f32 $0.0e+00;
	s25 =	sadd.s32 s0, s5;
	s0 =	simm.s32 $0x9;
	[dreg:$0x14] =	wrdreg s3  }
.LBB2_1:
0x23: {  	s3 =	rddreg [dreg:$0x5]  }
0x24: {  	[tilespmem:s4], [sflag:$0x1] =	stream.linear.gather [hbm4b:s3+s4], $0x2700, $0x38;
	[tilespmem:$0x1F200] =	vst v63  }
0x25: {  	s26 =	rddreg [dreg:$0x4]  }
0x26: {  	[tilespmem:s29], [sflag:$0x6] =	stream.linear.gather [hbm4b:s26+s4], $0x80, $0x38;
	[tilespmem:$0x1F200] =	vst v63  }
0x27: {  	s28 =	rddreg [dreg:$0x6];
	s6 =	simm.s32 $0x200;
	s3 =	simm.s32 $0x0  }
0x28: {  	[tilespmem:s30], [sflag:$0x7] =	stream.linear.gather [hbm4b:s28+s4], $0x80, $0x38;
	[tilespmem:$0x1F200] =	vst v63  }
.LBB2_2:
0x29: {  	p0 =	sne.s32 s6, $0xFE00;
	[tilespmem:s3+$0x2970] =	vst v0  }
0x2a: {  	[tilespmem:s3+$0x2900] =	vst v0  }
0x2b: {  	[tilespmem:s3+$0x2910] =	vst v0  }
.Ltmp0:
0x2c: {  	[tilespmem:s3+$0x2920] =	vst v0;
	(pc) =	sbr.rel @p0 .LBB2_2-.Ltmp0, $4  }
0x2d: {  	[tilespmem:s3+$0x2930] =	vst v0  }
0x2e: {  	[tilespmem:s3+$0x2940] =	vst v0  }
0x2f: {  	[tilespmem:s3+$0x2950] =	vst v0  }
0x30: {  	[tilespmem:s3+$0x2960] =	vst v0;
	s3 =	sshra.s32 s6, $0x2;
	s6 =	sadd.s32 $0x200, s6  }
0x31: {  	[tilespmem:s3+$0x2970] =	vst v0  }
0x32: {  	[tilespmem:s3+$0x2900] =	vst v0  }
0x33: {  	[tilespmem:s3+$0x2910] =	vst v0  }
0x34: {  	[tilespmem:s3+$0x2920] =	vst v0  }
0x35: {  	[tilespmem:s3+$0x2930] =	vst v0  }
0x36: {  	[tilespmem:s3+$0x2940] =	vst v0  }
0x37: {  	[tilespmem:s3+$0x2950] =	vst v0  }
0x38: {  	[tilespmem:s3+$0x2960] =	vst v0  }
0x39: {  	[spmem:s9] =	stream.linear.scatter [tilespmem:s31], [sflag:$0x9], $0x4000, $0x38;
	[tilespmem:$0x1F200] =	vst v63  }
0x3a: {  	_ =	swait.ge [sflag:s0], $0x4000  }
0x3b: {  	[sflag:s0] =	ssyncset.done $0x0  }
0x3c: {  	s26 =	rddreg [dreg:$0xf];
	[sflag:s0] =	ssyncadd.s32 $0xFFFFC000  }
0x3d: {  	[spmem:s26] =	stream.linear.scatter [tilespmem:s31], [sflag:$0x9], $0x4000, $0x38;
	[tilespmem:$0x1F200] =	vst v63  }
0x3e: {  	_ =	swait.ge [sflag:s0], $0x4000  }
0x3f: {  	[sflag:s0] =	ssyncset.done $0x0  }
0x40: {  	s6 =	rddreg [dreg:$0x10];
	[sflag:s0] =	ssyncadd.s32 $0xFFFFC000  }
0x41: {  	[spmem:s6] =	stream.linear.scatter [tilespmem:s31], [sflag:$0x9], $0x4000, $0x38;
	[tilespmem:$0x1F200] =	vst v63  }
0x42: {  	_ =	swait.ge [sflag:s0], $0x4000  }
0x43: {  	[sflag:s0] =	ssyncset.done $0x0  }
0x44: {  	s19 =	rddreg [dreg:$0x16];
	[sflag:s0] =	ssyncadd.s32 $0xFFFFC000  }
0x45: {  	[spmem:s19] =	stream.linear.scatter [tilespmem:s31], [sflag:$0x9], $0x4000, $0x38;
	[tilespmem:$0x1F200] =	vst v63  }
0x46: {  	_ =	swait.ge [sflag:s0], $0x4000  }
0x47: {  	[sflag:s0] =	ssyncset.done $0x0  }
0x48: {  	s20 =	rddreg [dreg:$0x17];
	[sflag:s0] =	ssyncadd.s32 $0xFFFFC000  }
0x49: {  	[spmem:s20] =	stream.linear.scatter [tilespmem:s31], [sflag:$0x9], $0x4000, $0x38;
	[tilespmem:$0x1F200] =	vst v63  }
0x4a: {  	_ =	swait.ge [sflag:s0], $0x4000  }
0x4b: {  	[sflag:s0] =	ssyncset.done $0x0  }
0x4c: {  	s21 =	simm.s32 $0x1;
	[sflag:s0] =	ssyncadd.s32 $0xFFFFC000  }
0x4d: {  	_ =	swait.ge [sflag:s21], $0x2700  }
0x4e: {  	[sflag:s21] =	ssyncset.done $0x0  }
0x4f: {  	[sflag:s21] =	ssyncadd.s32 $0xFFFFD900  }
0x50: {  	s22 =	simm.s32 $0x0;
	[bflag:$0x0] =	sbarrier.arrive $0xFFFF  }
0x51: {  	[tilespmem:s31], [sflag:$0x2] =	stream.indirect.gather [hbm4b:s1+s7], $0x80, s22, s7, $0xb8;
	[tilespmem:$0x1F200] =	vst v63  }
0x52: {  	s6 =	rddreg [dreg:$0x7]  }
0x53: {  	[tilespmem:s8], [sflag:$0x8] =	stream.linear.gather [hbm4b:s6+s22], $0x80, $0x38;
	[tilespmem:$0x1F200] =	vst v63  }
0x54: {  	_ = 	snop  }
0x55: {  	[tilespmem:s10], [sflag:$0x3] =	stream.indirect.gather [hbm4b:s1+s7], $0x80, s7, s7, $0xb8;
	[tilespmem:$0x1F200] =	vst v63  }
0x56: {  	_ =	swait.ge [sflag:s11], $0x4000  }
0x57: {  	[sflag:s11] =	ssyncset.done $0x0  }
0x58: {  	[sflag:s11] =	ssyncadd.s32 $0xFFFFC000  }
0x59: {  	_ =	swait.ge [sflag:s12], $0x80  }
0x5a: {  	[sflag:s12] =	ssyncset.done $0x0  }
0x5b: {  	[sflag:s12] =	ssyncadd.s32 $0xFFFFFF80  }
0x5c: {  	[spmem:s2] =	stream.indirect.scatter.add.f32 [tilespmem:s31], [sflag:$0x4], $0x80, s29, s7, $0xb8;
	[tilespmem:$0x1F200] =	vst v63  }
0x5d: {  	_ =	swait.ge [sflag:s13], $0x4000  }
0x5e: {  	[sflag:s13] =	ssyncset.done $0x0  }
0x5f: {  	s23 =	simm.s32 $0x100;
	[sflag:s13] =	ssyncadd.s32 $0xFFFFC000  }
0x60: {  	[tilespmem:s31], [sflag:$0x2] =	stream.indirect.gather [hbm4b:s1+s7], $0x80, s23, s7, $0xb8;
	[tilespmem:$0x1F200] =	vst v63  }
0x61: {  	_ = 	snop  }
0x62: {  	[tilespmem:s29], [sflag:$0x6] =	stream.linear.gather [hbm4b:s25+s4], $0x80, $0x38;
	[tilespmem:$0x1F200] =	vst v63  }
0x63: {  	_ =	swait.ge [sflag:s14], $0x4000  }
0x64: {  	[sflag:s14] =	ssyncset.done $0x0  }
0x65: {  	[sflag:s14] =	ssyncadd.s32 $0xFFFFC000  }
0x66: {  	_ =	swait.ge [sflag:s15], $0x80  }
0x67: {  	[sflag:s15] =	ssyncset.done $0x0  }
0x68: {  	[sflag:s15] =	ssyncadd.s32 $0xFFFFFF80  }
0x69: {  	[spmem:s2] =	stream.indirect.scatter.add.f32 [tilespmem:s10], [sflag:$0x5], $0x80, s30, s7, $0xb8;
	[tilespmem:$0x1F200] =	vst v63  }
0x6a: {  	_ =	swait.ge [sflag:s16], $0x4000  }
0x6b: {  	[sflag:s16] =	ssyncset.done $0x0  }
0x6c: {  	s24 =	simm.s32 $0x180;
	[sflag:s16] =	ssyncadd.s32 $0xFFFFC000  }
0x6d: {  	[tilespmem:s10], [sflag:$0x3] =	stream.indirect.gather [hbm4b:s1+s7], $0x80, s24, s7, $0xb8;
	[tilespmem:$0x1F200] =	vst v63  }
0x6e: {  	s24 =	rddreg [dreg:$0x15]  }
0x6f: {  	[tilespmem:s30], [sflag:$0x7] =	stream.linear.gather [hbm4b:s24+s4], $0x80, $0x38;
	[tilespmem:$0x1F200] =	vst v63  }
0x70: {  	_ =	swait.ge [sflag:s11], $0x4000  }
0x71: {  	[sflag:s11] =	ssyncset.done $0x0  }
0x72: {  	[sflag:s11] =	ssyncadd.s32 $0xFFFFC000  }
0x73: {  	_ =	swait.ge [sflag:s17], $0x80  }
0x74: {  	[sflag:s17] =	ssyncset.done $0x0  }
0x75: {  	[sflag:s17] =	ssyncadd.s32 $0xFFFFFF80  }
0x76: {  	[spmem:s2] =	stream.indirect.scatter.add.f32 [tilespmem:s31], [sflag:$0x4], $0x80, s8, s7, $0xb8;
	[tilespmem:$0x1F200] =	vst v63  }
0x77: {  	_ =	swait.ge [sflag:s13], $0x4000  }
0x78: {  	[sflag:s13] =	ssyncset.done $0x0  }
0x79: {  	s26 =	simm.s32 $0x200;
	[sflag:s13] =	ssyncadd.s32 $0xFFFFC000  }
0x7a: {  	[tilespmem:s31], [sflag:$0x2] =	stream.indirect.gather [hbm4b:s1+s7], $0x80, s26, s7, $0xb8;
	[tilespmem:$0x1F200] =	vst v63  }
0x7b: {  	s23 =	rddreg [dreg:$0x14]  }
0x7c: {  	[tilespmem:s8], [sflag:$0x8] =	stream.linear.gather [hbm4b:s23+s4], $0x80, $0x38;
	[tilespmem:$0x1F200] =	vst v63  }
0x7d: {  	_ =	swait.ge [sflag:s14], $0x4000  }
0x7e: {  	[sflag:s14] =	ssyncset.done $0x0  }
0x7f: {  	[sflag:s14] =	ssyncadd.s32 $0xFFFFC000  }
0x80: {  	_ =	swait.ge [sflag:s12], $0x80  }
0x81: {  	[sflag:s12] =	ssyncset.done $0x0  }
0x82: {  	[sflag:s12] =	ssyncadd.s32 $0xFFFFFF80  }
0x83: {  	[spmem:s2] =	stream.indirect.scatter.add.f32 [tilespmem:s10], [sflag:$0x5], $0x80, s29, s7, $0xb8;
	[tilespmem:$0x1F200] =	vst v63  }
0x84: {  	_ =	swait.ge [sflag:s16], $0x4000  }
0x85: {  	[sflag:s16] =	ssyncset.done $0x0;
	s22 =	rddreg [dreg:$0x13]  }
0x86: {  	s6 =	simm.s32 $0x280;
	[sflag:s16] =	ssyncadd.s32 $0xFFFFC000;
	s19 =	sshrl.u32 s22, $0x3  }
0x87: {  	[tilespmem:s10], [sflag:$0x3] =	stream.indirect.gather [hbm4b:s1+s7], $0x80, s6, s7, $0xb8;
	[tilespmem:$0x1F200] =	vst v63  }
0x88: {  	s20 =	sadd.s32 s5, s19  }
0x89: {  	[tilespmem:s29], [sflag:$0x6] =	stream.linear.gather [hbm4b:s20+s4], $0x80, $0x38;
	[tilespmem:$0x1F200] =	vst v63  }
0x8a: {  	_ =	swait.ge [sflag:s11], $0x4000  }
0x8b: {  	[sflag:s11] =	ssyncset.done $0x0  }
0x8c: {  	[sflag:s11] =	ssyncadd.s32 $0xFFFFC000  }
0x8d: {  	_ =	swait.ge [sflag:s15], $0x80  }
0x8e: {  	[sflag:s15] =	ssyncset.done $0x0  }
0x8f: {  	[sflag:s15] =	ssyncadd.s32 $0xFFFFFF80  }
0x90: {  	[spmem:s2] =	stream.indirect.scatter.add.f32 [tilespmem:s31], [sflag:$0x4], $0x80, s30, s7, $0xb8;
	[tilespmem:$0x1F200] =	vst v63  }
0x91: {  	_ =	swait.ge [sflag:s13], $0x4000  }
0x92: {  	[sflag:s13] =	ssyncset.done $0x0  }
0x93: {  	s21 =	simm.s32 $0x300;
	[sflag:s13] =	ssyncadd.s32 $0xFFFFC000  }
0x94: {  	[tilespmem:s31], [sflag:$0x2] =	stream.indirect.gather [hbm4b:s1+s7], $0x80, s21, s7, $0xb8;
	[tilespmem:$0x1F200] =	vst v63  }
0x95: {  	s21 =	rddreg [dreg:$0x12]  }
0x96: {  	[tilespmem:s30], [sflag:$0x7] =	stream.linear.gather [hbm4b:s21+s4], $0x80, $0x38;
	[tilespmem:$0x1F200] =	vst v63  }
0x97: {  	_ =	swait.ge [sflag:s14], $0x4000  }
0x98: {  	[sflag:s14] =	ssyncset.done $0x0  }
0x99: {  	[sflag:s14] =	ssyncadd.s32 $0xFFFFC000  }
0x9a: {  	_ =	swait.ge [sflag:s17], $0x80  }
0x9b: {  	[sflag:s17] =	ssyncset.done $0x0  }
0x9c: {  	[sflag:s17] =	ssyncadd.s32 $0xFFFFFF80  }
0x9d: {  	[spmem:s2] =	stream.indirect.scatter.add.f32 [tilespmem:s10], [sflag:$0x5], $0x80, s8, s7, $0xb8;
	[tilespmem:$0x1F200] =	vst v63  }
0x9e: {  	_ =	swait.ge [sflag:s16], $0x4000  }
0x9f: {  	[sflag:s16] =	ssyncset.done $0x0  }
0xa0: {  	s26 =	simm.s32 $0x380;
	[sflag:s16] =	ssyncadd.s32 $0xFFFFC000  }
0xa1: {  	[tilespmem:s10], [sflag:$0x3] =	stream.indirect.gather [hbm4b:s1+s7], $0x80, s26, s7, $0xb8;
	[tilespmem:$0x1F200] =	vst v63  }
0xa2: {  	s20 =	rddreg [dreg:$0x11]  }
0xa3: {  	[tilespmem:s8], [sflag:$0x8] =	stream.linear.gather [hbm4b:s20+s4], $0x80, $0x38;
	[tilespmem:$0x1F200] =	vst v63  }
0xa4: {  	_ =	swait.ge [sflag:s11], $0x4000  }
0xa5: {  	[sflag:s11] =	ssyncset.done $0x0  }
0xa6: {  	s28 =	sadd.s32 $0x60, s25;
	[sflag:s11] =	ssyncadd.s32 $0xFFFFC000  }
0xa7: {  	s3 =	sadd.s32 $0x60, s23;
	s19 =	simm.s32 $0xC00;
	_ =	swait.ge [sflag:s12], $0x80  }
0xa8: {  	s6 =	sadd.s32 $0x300, s22;
	s21 =	sadd.s32 $0x60, s21;
	[sflag:s12] =	ssyncset.done $0x0  }
0xa9: {  	s26 =	sadd.s32 $0x60, s24;
	s20 =	sadd.s32 $0x60, s20;
	[sflag:s12] =	ssyncadd.s32 $0xFFFFFF80  }
.LBB2_4:
0xaa: {  	[spmem:s2] =	stream.indirect.scatter.add.f32 [tilespmem:s31], [sflag:$0x4], $0x80, s29, s7, $0xb8;
	[tilespmem:$0x1F200] =	vst v63  }
0xab: {  	s22 =	smov.u32 s19  }
0xac: {  	p0 =	sne.s32 s19, $0x8400;
	s19 =	sadd.s32 $0xC00, s19;
	_ =	swait.ge [sflag:s13], $0x4000  }
0xad: {  	s22 =	sshra.s32 s22, $0x2;
	[sflag:s13] =	ssyncset.done $0x0  }
0xae: {  	s23 =	sadd.s32 $0x100, s22;
	[sflag:s13] =	ssyncadd.s32 $0xFFFFC000  }
0xaf: {  	[tilespmem:s31], [sflag:$0x2] =	stream.indirect.gather [hbm4b:s1+s7], $0x80, s23, s7, $0xb8;
	[tilespmem:$0x1F200] =	vst v63  }
0xb0: {  	_ = 	snop  }
0xb1: {  	[tilespmem:s29], [sflag:$0x6] =	stream.linear.gather [hbm4b:s28+s4], $0x80, $0x38;
	[tilespmem:$0x1F200] =	vst v63  }
0xb2: {  	_ =	swait.ge [sflag:s14], $0x4000  }
0xb3: {  	[sflag:s14] =	ssyncset.done $0x0  }
0xb4: {  	[sflag:s14] =	ssyncadd.s32 $0xFFFFC000  }
0xb5: {  	_ =	swait.ge [sflag:s15], $0x80  }
0xb6: {  	[sflag:s15] =	ssyncset.done $0x0  }
0xb7: {  	[sflag:s15] =	ssyncadd.s32 $0xFFFFFF80  }
0xb8: {  	[spmem:s2] =	stream.indirect.scatter.add.f32 [tilespmem:s10], [sflag:$0x5], $0x80, s30, s7, $0xb8;
	[tilespmem:$0x1F200] =	vst v63  }
0xb9: {  	_ =	swait.ge [sflag:s16], $0x4000  }
0xba: {  	[sflag:s16] =	ssyncset.done $0x0  }
0xbb: {  	s23 =	sadd.s32 $0x180, s22;
	[sflag:s16] =	ssyncadd.s32 $0xFFFFC000  }
0xbc: {  	[tilespmem:s10], [sflag:$0x3] =	stream.indirect.gather [hbm4b:s1+s7], $0x80, s23, s7, $0xb8;
	[tilespmem:$0x1F200] =	vst v63  }
0xbd: {  	_ = 	snop  }
0xbe: {  	[tilespmem:s30], [sflag:$0x7] =	stream.linear.gather [hbm4b:s26+s4], $0x80, $0x38;
	[tilespmem:$0x1F200] =	vst v63  }
0xbf: {  	_ =	swait.ge [sflag:s11], $0x4000  }
0xc0: {  	[sflag:s11] =	ssyncset.done $0x0  }
0xc1: {  	[sflag:s11] =	ssyncadd.s32 $0xFFFFC000  }
0xc2: {  	_ =	swait.ge [sflag:s17], $0x80  }
0xc3: {  	[sflag:s17] =	ssyncset.done $0x0  }
0xc4: {  	[sflag:s17] =	ssyncadd.s32 $0xFFFFFF80  }
0xc5: {  	[spmem:s2] =	stream.indirect.scatter.add.f32 [tilespmem:s31], [sflag:$0x4], $0x80, s8, s7, $0xb8;
	[tilespmem:$0x1F200] =	vst v63  }
0xc6: {  	_ =	swait.ge [sflag:s13], $0x4000  }
0xc7: {  	[sflag:s13] =	ssyncset.done $0x0  }
0xc8: {  	s23 =	sadd.s32 $0x200, s22;
	[sflag:s13] =	ssyncadd.s32 $0xFFFFC000  }
0xc9: {  	[tilespmem:s31], [sflag:$0x2] =	stream.indirect.gather [hbm4b:s1+s7], $0x80, s23, s7, $0xb8;
	[tilespmem:$0x1F200] =	vst v63  }
0xca: {  	_ = 	snop  }
0xcb: {  	[tilespmem:s8], [sflag:$0x8] =	stream.linear.gather [hbm4b:s3+s4], $0x80, $0x38;
	[tilespmem:$0x1F200] =	vst v63  }
0xcc: {  	_ =	swait.ge [sflag:s14], $0x4000  }
0xcd: {  	[sflag:s14] =	ssyncset.done $0x0  }
0xce: {  	[sflag:s14] =	ssyncadd.s32 $0xFFFFC000  }
0xcf: {  	_ =	swait.ge [sflag:s12], $0x80  }
0xd0: {  	[sflag:s12] =	ssyncset.done $0x0  }
0xd1: {  	[sflag:s12] =	ssyncadd.s32 $0xFFFFFF80  }
0xd2: {  	[spmem:s2] =	stream.indirect.scatter.add.f32 [tilespmem:s10], [sflag:$0x5], $0x80, s29, s7, $0xb8;
	[tilespmem:$0x1F200] =	vst v63  }
0xd3: {  	_ =	swait.ge [sflag:s16], $0x4000  }
0xd4: {  	[sflag:s16] =	ssyncset.done $0x0  }
0xd5: {  	s24 =	sshrl.u32 s6, $0x3;
	s23 =	sadd.s32 $0x280, s22;
	[sflag:s16] =	ssyncadd.s32 $0xFFFFC000  }
0xd6: {  	[tilespmem:s10], [sflag:$0x3] =	stream.indirect.gather [hbm4b:s1+s7], $0x80, s23, s7, $0xb8;
	[tilespmem:$0x1F200] =	vst v63  }
0xd7: {  	s23 =	sadd.s32 s5, s24  }
0xd8: {  	[tilespmem:s29], [sflag:$0x6] =	stream.linear.gather [hbm4b:s23+s4], $0x80, $0x38;
	[tilespmem:$0x1F200] =	vst v63  }
0xd9: {  	_ =	swait.ge [sflag:s11], $0x4000  }
0xda: {  	[sflag:s11] =	ssyncset.done $0x0  }
0xdb: {  	[sflag:s11] =	ssyncadd.s32 $0xFFFFC000  }
0xdc: {  	_ =	swait.ge [sflag:s15], $0x80  }
0xdd: {  	[sflag:s15] =	ssyncset.done $0x0  }
0xde: {  	[sflag:s15] =	ssyncadd.s32 $0xFFFFFF80  }
0xdf: {  	[spmem:s2] =	stream.indirect.scatter.add.f32 [tilespmem:s31], [sflag:$0x4], $0x80, s30, s7, $0xb8;
	[tilespmem:$0x1F200] =	vst v63  }
0xe0: {  	_ =	swait.ge [sflag:s13], $0x4000  }
0xe1: {  	[sflag:s13] =	ssyncset.done $0x0  }
0xe2: {  	s23 =	sadd.s32 $0x300, s22;
	[sflag:s13] =	ssyncadd.s32 $0xFFFFC000  }
0xe3: {  	[tilespmem:s31], [sflag:$0x2] =	stream.indirect.gather [hbm4b:s1+s7], $0x80, s23, s7, $0xb8;
	[tilespmem:$0x1F200] =	vst v63  }
0xe4: {  	_ = 	snop  }
0xe5: {  	[tilespmem:s30], [sflag:$0x7] =	stream.linear.gather [hbm4b:s21+s4], $0x80, $0x38;
	[tilespmem:$0x1F200] =	vst v63  }
0xe6: {  	_ =	swait.ge [sflag:s14], $0x4000  }
0xe7: {  	[sflag:s14] =	ssyncset.done $0x0  }
0xe8: {  	[sflag:s14] =	ssyncadd.s32 $0xFFFFC000  }
0xe9: {  	_ =	swait.ge [sflag:s17], $0x80  }
0xea: {  	[sflag:s17] =	ssyncset.done $0x0  }
0xeb: {  	[sflag:s17] =	ssyncadd.s32 $0xFFFFFF80  }
0xec: {  	[spmem:s2] =	stream.indirect.scatter.add.f32 [tilespmem:s10], [sflag:$0x5], $0x80, s8, s7, $0xb8;
	[tilespmem:$0x1F200] =	vst v63  }
0xed: {  	_ =	swait.ge [sflag:s16], $0x4000  }
0xee: {  	[sflag:s16] =	ssyncset.done $0x0  }
0xef: {  	s22 =	sadd.s32 $0x380, s22;
	[sflag:s16] =	ssyncadd.s32 $0xFFFFC000  }
0xf0: {  	[tilespmem:s10], [sflag:$0x3] =	stream.indirect.gather [hbm4b:s1+s7], $0x80, s22, s7, $0xb8;
	[tilespmem:$0x1F200] =	vst v63  }
0xf1: {  	_ = 	snop  }
0xf2: {  	[tilespmem:s8], [sflag:$0x8] =	stream.linear.gather [hbm4b:s20+s4], $0x80, $0x38;
	[tilespmem:$0x1F200] =	vst v63  }
0xf3: {  	_ =	swait.ge [sflag:s11], $0x4000  }
.Ltmp1:
0xf4: {  	[sflag:s11] =	ssyncset.done $0x0;
	(pc) =	sbr.rel @p0 .LBB2_4-.Ltmp1, $4  }
0xf5: {  	[sflag:s11] =	ssyncadd.s32 $0xFFFFC000  }
0xf6: {  	s28 =	sadd.s32 $0x60, s28;
	s26 =	sadd.s32 $0x60, s26;
	_ =	swait.ge [sflag:s12], $0x80  }
0xf7: {  	s6 =	sadd.s32 $0x300, s6;
	s3 =	sadd.s32 $0x60, s3;
	[sflag:s12] =	ssyncset.done $0x0  }
0xf8: {  	s21 =	sadd.s32 $0x60, s21;
	s20 =	sadd.s32 $0x60, s20;
	[sflag:s12] =	ssyncadd.s32 $0xFFFFFF80  }
0xf9: {  	[spmem:s2] =	stream.indirect.scatter.add.f32 [tilespmem:s31], [sflag:$0x4], $0x80, s29, s7, $0xb8;
	[tilespmem:$0x1F200] =	vst v63  }
0xfa: {  	_ =	swait.ge [sflag:s13], $0x4000  }
0xfb: {  	[sflag:s13] =	ssyncset.done $0x0  }
0xfc: {  	s3 =	simm.s32 $0x2500;
	[sflag:s13] =	ssyncadd.s32 $0xFFFFC000  }
0xfd: {  	[tilespmem:s31], [sflag:$0x2] =	stream.indirect.gather [hbm4b:s1+s7], $0x80, s3, s7, $0xb8;
	[tilespmem:$0x1F200] =	vst v63  }
0xfe: {  	s23 =	rddreg [dreg:$0x8]  }
0xff: {  	[tilespmem:s29], [sflag:$0x6] =	stream.linear.gather [hbm4b:s23+s4], $0x80, $0x38;
	[tilespmem:$0x1F200] =	vst v63  }
0x100: {  	_ =	swait.ge [sflag:s14], $0x4000  }
0x101: {  	[sflag:s14] =	ssyncset.done $0x0  }
0x102: {  	[sflag:s14] =	ssyncadd.s32 $0xFFFFC000  }
0x103: {  	_ =	swait.ge [sflag:s15], $0x80  }
0x104: {  	[sflag:s15] =	ssyncset.done $0x0  }
0x105: {  	[sflag:s15] =	ssyncadd.s32 $0xFFFFFF80  }
0x106: {  	[spmem:s2] =	stream.indirect.scatter.add.f32 [tilespmem:s10], [sflag:$0x5], $0x80, s30, s7, $0xb8;
	[tilespmem:$0x1F200] =	vst v63  }
0x107: {  	_ =	swait.ge [sflag:s16], $0x4000  }
0x108: {  	[sflag:s16] =	ssyncset.done $0x0  }
0x109: {  	s24 =	simm.s32 $0x2580;
	[sflag:s16] =	ssyncadd.s32 $0xFFFFC000  }
0x10a: {  	[tilespmem:s10], [sflag:$0x3] =	stream.indirect.gather [hbm4b:s1+s7], $0x80, s24, s7, $0xb8;
	[tilespmem:$0x1F200] =	vst v63  }
0x10b: {  	s26 =	rddreg [dreg:$0x9]  }
0x10c: {  	[tilespmem:s30], [sflag:$0x7] =	stream.linear.gather [hbm4b:s26+s4], $0x80, $0x38;
	[tilespmem:$0x1F200] =	vst v63  }
0x10d: {  	_ =	swait.ge [sflag:s11], $0x4000  }
0x10e: {  	[sflag:s11] =	ssyncset.done $0x0  }
0x10f: {  	[sflag:s11] =	ssyncadd.s32 $0xFFFFC000  }
0x110: {  	_ =	swait.ge [sflag:s17], $0x80  }
0x111: {  	[sflag:s17] =	ssyncset.done $0x0  }
0x112: {  	[sflag:s17] =	ssyncadd.s32 $0xFFFFFF80  }
0x113: {  	[spmem:s2] =	stream.indirect.scatter.add.f32 [tilespmem:s31], [sflag:$0x4], $0x80, s8, s7, $0xb8;
	[tilespmem:$0x1F200] =	vst v63  }
0x114: {  	_ =	swait.ge [sflag:s13], $0x4000  }
0x115: {  	[sflag:s13] =	ssyncset.done $0x0  }
0x116: {  	s28 =	simm.s32 $0x2600;
	[sflag:s13] =	ssyncadd.s32 $0xFFFFC000  }
0x117: {  	[tilespmem:s31], [sflag:$0x2] =	stream.indirect.gather [hbm4b:s1+s7], $0x80, s28, s7, $0xb8;
	[tilespmem:$0x1F200] =	vst v63  }
0x118: {  	s6 =	rddreg [dreg:$0xa]  }
0x119: {  	[tilespmem:s8], [sflag:$0x8] =	stream.linear.gather [hbm4b:s6+s4], $0x80, $0x38;
	[tilespmem:$0x1F200] =	vst v63  }
0x11a: {  	_ =	swait.ge [sflag:s14], $0x4000  }
0x11b: {  	[sflag:s14] =	ssyncset.done $0x0  }
0x11c: {  	[sflag:s14] =	ssyncadd.s32 $0xFFFFC000  }
0x11d: {  	_ =	swait.ge [sflag:s12], $0x80  }
0x11e: {  	[sflag:s12] =	ssyncset.done $0x0  }
0x11f: {  	[sflag:s12] =	ssyncadd.s32 $0xFFFFFF80  }
0x120: {  	[spmem:s2] =	stream.indirect.scatter.add.f32 [tilespmem:s10], [sflag:$0x5], $0x80, s29, s7, $0xb8;
	[tilespmem:$0x1F200] =	vst v63  }
0x121: {  	_ =	swait.ge [sflag:s16], $0x4000  }
0x122: {  	[sflag:s16] =	ssyncset.done $0x0  }
0x123: {  	s19 =	simm.s32 $0x2680;
	[sflag:s16] =	ssyncadd.s32 $0xFFFFC000  }
0x124: {  	[tilespmem:s10], [sflag:$0x3] =	stream.indirect.gather [hbm4b:s1+s7], $0x80, s19, s7, $0xb8;
	[tilespmem:$0x1F200] =	vst v63  }
0x125: {  	_ =	swait.ge [sflag:s11], $0x4000  }
0x126: {  	[sflag:s11] =	ssyncset.done $0x0  }
0x127: {  	[sflag:s11] =	ssyncadd.s32 $0xFFFFC000  }
0x128: {  	_ =	swait.ge [sflag:s15], $0x80  }
0x129: {  	[sflag:s15] =	ssyncset.done $0x0  }
0x12a: {  	[sflag:s15] =	ssyncadd.s32 $0xFFFFFF80  }
0x12b: {  	[spmem:s2] =	stream.indirect.scatter.add.f32 [tilespmem:s31], [sflag:$0x4], $0x80, s30, s7, $0xb8;
	[tilespmem:$0x1F200] =	vst v63  }
0x12c: {  	_ =	swait.ge [sflag:s13], $0x4000  }
0x12d: {  	[sflag:s13] =	ssyncset.done $0x0  }
0x12e: {  	[sflag:s13] =	ssyncadd.s32 $0xFFFFC000  }
0x12f: {  	_ =	swait.ge [sflag:s14], $0x4000  }
0x130: {  	[sflag:s14] =	ssyncset.done $0x0  }
0x131: {  	[sflag:s14] =	ssyncadd.s32 $0xFFFFC000  }
0x132: {  	_ =	swait.ge [sflag:s17], $0x80  }
0x133: {  	[sflag:s17] =	ssyncset.done $0x0  }
0x134: {  	[sflag:s17] =	ssyncadd.s32 $0xFFFFFF80  }
0x135: {  	[spmem:s2] =	stream.indirect.scatter.add.f32 [tilespmem:s10], [sflag:$0x5], $0x80, s8, s7, $0xb8;
	[tilespmem:$0x1F200] =	vst v63  }
0x136: {  	s6 =	simm.s32 $0xA900;
	s20 =	rddreg [dreg:$0xb]  }
0x137: {  	[tilespmem:s6], [sflag:$0x9] =	stream.linear.gather [hbm4b:s20+s4], $0x10, $0x38;
	[tilespmem:$0x1F200] =	vst v63  }
0x138: {  	_ =	swait.ge [sflag:s0], $0x10  }
0x139: {  	[sflag:s0] =	ssyncset.done $0x0  }
0x13a: {  	s19 =	simm.s32 $0xA980;
	s21 =	rddreg [dreg:$0xc];
	[sflag:s0] =	ssyncadd.s32 $0xFFFFFFF0  }
0x13b: {  	[tilespmem:s19], [sflag:$0x9] =	stream.linear.gather [hbm4b:s21+s4], $0x10, $0x38;
	[tilespmem:$0x1F200] =	vst v63  }
0x13c: {  	_ =	swait.ge [sflag:s0], $0x10  }
0x13d: {  	[sflag:s0] =	ssyncset.done $0x0  }
0x13e: {  	s22 =	simm.s32 $0x10;
	s20 =	simm.s32 $0xAA00;
	[sflag:s0] =	ssyncadd.s32 $0xFFFFFFF0  }
0x13f: {  	[tilespmem:s20], [sflag:$0x2] =	stream.indirect.gather [hbm4b:s1+s22], $0x80, s6, s22, $0xb8;
	[tilespmem:$0x1F200] =	vst v63  }
0x140: {  	_ =	swait.ge [sflag:s11], $0x800  }
0x141: {  	[sflag:s11] =	ssyncset.done $0x0  }
0x142: {  	[sflag:s11] =	ssyncadd.s32 $0xFFFFF800  }
0x143: {  	[spmem:s2] =	stream.indirect.scatter.add.f32 [tilespmem:s20], [sflag:$0x9], $0x80, s19, s22, $0xb8;
	[tilespmem:$0x1F200] =	vst v63  }
0x144: {  	_ =	swait.ge [sflag:s0], $0x800  }
0x145: {  	[sflag:s0] =	ssyncset.done $0x0  }
0x146: {  	[sflag:s0] =	ssyncadd.s32 $0xFFFFF800  }
0x147: {  	_ =	swait.ge [sflag:s16], $0x4000  }
0x148: {  	[sflag:s16] =	ssyncset.done $0x0  }
0x149: {  	s23 =	stileid.u32;
	[sflag:s16] =	ssyncadd.s32 $0xFFFFC000  }
0x14a: {  	s3 =	sshll.u32 s23, $0x6;
	[bflag:$0x0] =	sbarrier.arrive $0xFFFF  }
0x14b: {  	s3 =	sor.u32 $0x1C09, s3;
	s24 =	sshrl.u32 s9, $0x3;
	s26 =	rddreg [dreg:$0xd]  }
0x14c: {  	[hbm:s26], [sflag:s3] =	dma.local [spmem:s24], $0x2800  }
0x14d: {  	_ =	swait.ge [sflag:s0], $0x2800  }
0x14e: {  	s18 =	sadd.s32 $0x1, s18;
	s28 =	rddreg [dreg:$0xe]  }
0x14f: {  	p0 =	sne.s32 s18, s28  }
.Ltmp2:
0x150: {  	_ = 	snop;
	(pc) =	sbr.rel @p0 .LBB2_1-.Ltmp2, $3  }
0x151: {  	_ =	sdelay $0x1  }
0x152: {  	[sflag:s0] =	ssyncset.done $0x0  }
0x153: {  	[sflag:s0] =	ssyncadd.s32 $0xFFFFD800  }
0x154: {  	_ =	sfence.sel $0x180000  }
0x155: {  	[bflag:$0x0] =	sbarrier.arrive $0xFFFF  }
0x156: {  	_ =	strace $0x9000004A  }
0x157: {  	s0 =	stileid.u32;
	[bflag:$0x2] =	sbarrier.arrive $0xFFFF  }
0x158: {  	p0 =	sne.s32 s0, $0x0;
	s0 =	rddreg [dreg:$0x3]  }
0x159: {  	s0 =	sadd.s32 @!p0 $0x100000, s0  }
0x15a: {  	[sflag:s0] =	ssyncadd.tile.s32 @!p0 $0x1;
	_ =	shalt  }
.Lfunc_end2:
_tile_overlayer_lowered:
.L_overlay_start_2:
0x15b: {  	(tag) =	ssettag $0x2  }
0x15c: {  	s0 =	rddreg [dreg:$0x0];
	s2 =	stileid.u32  }
0x15d: {  	s1 =	rddreg [dreg:$0x1];
	p0 =	sne.s32 s2, $0x0  }
0x15e: {  	s3 =	rddreg [dreg:$0x2];
	[bflag:$0x3] =	sbarrier.arrive $0xFFFF;
	s2 =	simm.s32 @!p0 $0x1C09  }
0x15f: {  	[timem:s3], [sflag:s2] =	dma.local @!p0 [hbm:s0], s1  }
0x160: {  	s0 =	simm.s32 @!p0 $0x9  }
0x161: {  	_ =	swait.ge @!p0 [sflag:s0], s1  }
0x162: {  	s1 =	ssub.s32 @!p0 $0x0, s1;
	[sflag:s0] =	ssyncset.done @!p0 $0x0  }
0x163: {  	[sflag:s0] =	ssyncadd.s32 @!p0 s1  }
0x164: {  	[bflag:$0x3] =	sbarrier.arrive $0xFFFF  }
0x165: {  	_ =	shalt  }

</sc_bundles>
